<compile_context>
chip_gen: v7x
topology: tpu7x:2x2x1
jax: 0.10.2.dev20260603
libtpu: 0.0.44.dev20260713+nightly
codegen_flags: <defaults>
</compile_context>

<pallas_src>
import functools

import jax
import jax.numpy as jnp
from jax import lax
from jax.experimental import pallas as pl
from jax.experimental.pallas import tpu as pltpu
from jax.experimental.pallas import tpu_sc as plsc

NC = 2
NS = 16
NW = NC * NS

IN_ROWS = 1000000
BATCH = 16384
N_FIELDS = 26
OUT_DIM = 64
TOTAL = BATCH * N_FIELDS

TBLK = 128
N_TBLK = IN_ROWS // TBLK
TAIL0 = N_TBLK * TBLK
TPW = (N_TBLK + NW - 1) // NW

CHUNK = 512
N_CHUNKS = TOTAL // CHUNK
CPW = N_CHUNKS // NW
NBUF = 2


def _transpose_body(tt_hbm, tail_hbm, out_hbm, in_bufs, out_bufs,
                    in_sems, out_sems, fence_sem):
    wid = lax.axis_index("s") * NC + lax.axis_index("c")

    def block(k):
        b = wid + NW * k
        return pl.multiple_of(b * TBLK, TBLK), b < N_TBLK

    def start_read(i0, s):
        pltpu.make_async_copy(
            tt_hbm.at[:, pl.ds(i0, TBLK)], in_bufs[s], in_sems[s]
        ).start()

    def wait_read(s):
        pltpu.make_async_copy(
            tt_hbm.at[:, pl.ds(0, TBLK)], in_bufs[s], in_sems[s]
        ).wait()

    def start_write(i0, s):
        row0 = pl.multiple_of(i0 // 2, OUT_DIM)
        pltpu.make_async_copy(
            out_bufs[s], out_hbm.at[pl.ds(row0, OUT_DIM)], out_sems[s]
        ).start()

    def wait_write(s):
        pltpu.make_async_copy(
            out_bufs[s], out_hbm.at[pl.ds(0, OUT_DIM)], out_sems[s]
        ).wait()

    iota16 = lax.iota(jnp.int32, 16)
    rows_q = [iota16 + (16 * q) for q in range(4)]
    cperm = [(iota16 + d) & 15 for d in range(16)]
    rbase = [cperm[d] >> 1 for d in range(16)]
    cbase = [(cperm[d] & 1) * OUT_DIM + iota16 for d in range(16)]

    def transpose(s):
        src = in_bufs[s]
        dst = out_bufs[s]

        def loads(g, d):
            cols = cperm[d] + 16 * g
            return [plsc.load_gather(src, [rows_q[q], cols]) for q in range(4)]

        def stores(g, d, vs):
            r = rbase[d] + 8 * g
            for q in range(4):
                plsc.store_scatter(dst, [r, cbase[d] + 16 * q], vs[q])

        def igroup(g, carry):
            vs = loads(g, 0)
            for d in range(1, 16):
                nvs = loads(g, d)
                stores(g, d - 1, vs)
                vs = nvs
            stores(g, 15, vs)
            return carry

        lax.fori_loop(0, 8, igroup, 0)

    @pl.when(wid == 0)
    def _():
        pltpu.sync_copy(tail_hbm, out_hbm.at[pl.ds(TAIL0 // 2, 32)])

    for s in range(4):
        i0, ok = block(s)

        @pl.when(ok)
        def _():
            start_read(i0, s)

    def fence():
        pltpu.semaphore_signal(fence_sem, 1)
        pltpu.semaphore_wait(fence_sem, 1)

    def quad(p, carry):
        for s in range(4):
            k = 4 * p + s
            i0, ok = block(k)
            i0n, okn = block(k + 4)

            @pl.when(ok)
            def _():
                wait_read(s)

                @pl.when(k >= 4)
                def _():
                    wait_write(s)

                fence()
                transpose(s)
                fence()
                start_write(i0, s)

            @pl.when(okn)
            def _():
                start_read(i0n, s)
        return carry

    lax.fori_loop(0, (TPW + 3) // 4, quad, 0)

    for s in range(4):
        wait_write(s)


def _gather_body(table_hbm, idx_hbm, out_hbm, idx_v, bufs, sems):
    wid = lax.axis_index("s") * NC + lax.axis_index("c")
    chunk0 = wid * CPW

    pltpu.sync_copy(idx_hbm.at[pl.ds(chunk0, CPW)], idx_v)

    def start_gather(j, b):
        pltpu.make_async_copy(
            table_hbm.at[idx_v.at[j]], bufs[b], sems[b]
        ).start()

    def wait_gather(j, b):
        pltpu.make_async_copy(
            table_hbm.at[idx_v.at[j]], bufs[b], sems[b]
        ).wait()

    def store(j, b):
        row0 = (chunk0 + j) * CHUNK
        pltpu.sync_copy(bufs[b], out_hbm.at[pl.ds(row0, CHUNK)])

    start_gather(0, 0)

    def pair(p, _):
        j = 2 * p
        start_gather(j + 1, 1)
        wait_gather(j, 0)
        store(j, 0)
        start_gather(j + 2, 0)
        wait_gather(j + 1, 1)
        store(j + 1, 1)
        return 0

    lax.fori_loop(0, CPW // 2 - 1, pair, 0)
    start_gather(CPW - 1, 1)
    wait_gather(CPW - 2, 0)
    store(CPW - 2, 0)
    wait_gather(CPW - 1, 1)
    store(CPW - 1, 1)


@jax.jit
def _embed_lookup(batch_flat, emb_t, tail):
    mesh = plsc.VectorSubcoreMesh(core_axis_name="c", subcore_axis_name="s")

    transpose_run = pl.kernel(
        _transpose_body,
        out_type=jax.ShapeDtypeStruct((IN_ROWS // 2, 2 * OUT_DIM), jnp.float32),
        mesh=mesh,
        scratch_types=[
            [pltpu.VMEM((OUT_DIM, TBLK), jnp.float32) for _ in range(4)],
            [pltpu.VMEM((OUT_DIM, TBLK), jnp.float32) for _ in range(4)],
            [pltpu.SemaphoreType.DMA for _ in range(4)],
            [pltpu.SemaphoreType.DMA for _ in range(4)],
            pltpu.SemaphoreType.REGULAR,
        ],
        compiler_params=pltpu.CompilerParams(
            use_tc_tiling_on_sc=True, needs_layout_passes=False
        ),
    )
    table2 = transpose_run(emb_t, tail)
    table = table2.reshape(IN_ROWS, OUT_DIM)

    gather_run = pl.kernel(
        _gather_body,
        out_type=jax.ShapeDtypeStruct((TOTAL, OUT_DIM), jnp.float32),
        mesh=mesh,
        scratch_types=[
            pltpu.VMEM((CPW, CHUNK), jnp.int32),
            [pltpu.VMEM((CHUNK, OUT_DIM), jnp.float32) for _ in range(NBUF)],
            [pltpu.SemaphoreType.DMA for _ in range(NBUF)],
        ],
        compiler_params=pltpu.CompilerParams(use_tc_tiling_on_sc=False),
    )
    return gather_run(table, batch_flat)


def kernel(batch, emb_weight):
    idx = batch.astype(jnp.int32).reshape(N_CHUNKS, CHUNK)
    tail = emb_weight[TAIL0:, :].reshape(32, 2 * OUT_DIM)
    out = _embed_lookup(idx, emb_weight.T, tail)
    return out.reshape(BATCH, N_FIELDS, OUT_DIM)

# --- scband reference (transcript-rebuilt; emitter-appended) ---
"""Pipeline reference for scband-embed-encoder-592705487552 (READ-ONLY COPY).

The authoritative reference and input builder live on the scoring server;
editing this copy changes nothing except your own understanding.
"""

import jax, jax.numpy as jnp
import numpy as np

IN_SIZE = 1000000
OUT_DIM = 64
BATCH = 16384
N_FIELDS = 26

def setup_inputs(seed: int = 0) -> dict:
    key = jax.random.key(seed)
    k1, k2 = jax.random.split(key)
    batch = jax.random.randint(k1, (BATCH, N_FIELDS), 0, IN_SIZE, dtype=jnp.int64 if jax.config.jax_enable_x64 else jnp.int32)
    # nn.Embedding default init: N(0, 1)
    emb_weight = jax.random.normal(k2, (IN_SIZE, OUT_DIM), dtype=jnp.float32)
    return {"batch": batch, "emb_weight": emb_weight}

def reference(batch, emb_weight):
    # EmbedEncoder.forward: self.emb_layer(batch)
    return jnp.take(emb_weight, batch, axis=0)

if __name__ == "__main__":
    import jax
    _d = setup_inputs()
    print(jax.jit(kernel)(*tuple(_d.values())))

</pallas_src>

<mosaic_0001>
#map = affine_map<(d0, d1) -> (0, 0)>
module attributes {stable_mosaic.version = 14 : i64} {
  func.func @_transpose_body(%arg0: i32, %arg1: i32, %arg2: memref<64x1000000xf32, #tpu.memory_space<hbm>>, %arg3: memref<32x128xf32, #tpu.memory_space<hbm>>, %arg4: memref<500000x128xf32, #tpu.memory_space<hbm>>, %arg5: memref<64x128xf32, #tpu.memory_space<vmem>>, %arg6: memref<64x128xf32, #tpu.memory_space<vmem>>, %arg7: memref<64x128xf32, #tpu.memory_space<vmem>>, %arg8: memref<64x128xf32, #tpu.memory_space<vmem>>, %arg9: memref<64x128xf32, #tpu.memory_space<vmem>>, %arg10: memref<64x128xf32, #tpu.memory_space<vmem>>, %arg11: memref<64x128xf32, #tpu.memory_space<vmem>>, %arg12: memref<64x128xf32, #tpu.memory_space<vmem>>, %arg13: memref<!tpu.dma_semaphore, #tpu.memory_space<semaphore_mem>>, %arg14: memref<!tpu.dma_semaphore, #tpu.memory_space<semaphore_mem>>, %arg15: memref<!tpu.dma_semaphore, #tpu.memory_space<semaphore_mem>>, %arg16: memref<!tpu.dma_semaphore, #tpu.memory_space<semaphore_mem>>, %arg17: memref<!tpu.dma_semaphore, #tpu.memory_space<semaphore_mem>>, %arg18: memref<!tpu.dma_semaphore, #tpu.memory_space<semaphore_mem>>, %arg19: memref<!tpu.dma_semaphore, #tpu.memory_space<semaphore_mem>>, %arg20: memref<!tpu.dma_semaphore, #tpu.memory_space<semaphore_mem>>, %arg21: memref<!tpu.semaphore, #tpu.memory_space<semaphore_mem>>) attributes {dimension_semantics = [#tpu.dimension_semantics<core_parallel>, #tpu.dimension_semantics<subcore_parallel>], iteration_bounds = array<i64: 2, 16>, scalar_prefetch = 0 : i64, scratch_operands = 17 : i64, tpu.core_type = #tpu.core_type<sc_vector_subcore>, window_params = [{transform_indices = #map}, {transform_indices = #map}, {transform_indices = #map}]} {
    %mul3A = arith.constant 2 : i32
    %mul3A_0 = arith.muli %arg1, %mul3A : i32
    %add3A = arith.addi %mul3A_0, %arg0 : i32
    %iota3A = tpu.iota {dimensions = array<i32: 0>} : vector<16xi32>
    %add3A_1 = arith.constant 0 : i32
    %add3A_2 = vector.broadcast %add3A_1 : i32 to vector<16xi32>
    %add3A_3 = arith.addi %iota3A, %add3A_2 : vector<16xi32>
    %add3A_4 = arith.constant 16 : i32
    %add3A_5 = vector.broadcast %add3A_4 : i32 to vector<16xi32>
    %add3A_6 = arith.addi %iota3A, %add3A_5 : vector<16xi32>
    %add3A_7 = arith.constant 32 : i32
    %add3A_8 = vector.broadcast %add3A_7 : i32 to vector<16xi32>
    %add3A_9 = arith.addi %iota3A, %add3A_8 : vector<16xi32>
    %add3A_10 = arith.constant 48 : i32
    %add3A_11 = vector.broadcast %add3A_10 : i32 to vector<16xi32>
    %add3A_12 = arith.addi %iota3A, %add3A_11 : vector<16xi32>
    %add3A_13 = arith.constant 0 : i32
    %add3A_14 = vector.broadcast %add3A_13 : i32 to vector<16xi32>
    %add3A_15 = arith.addi %iota3A, %add3A_14 : vector<16xi32>
    %and3A = arith.constant 15 : i32
    %and3A_16 = vector.broadcast %and3A : i32 to vector<16xi32>
    %and3A_17 = arith.andi %add3A_15, %and3A_16 : vector<16xi32>
    %add3A_18 = arith.constant 1 : i32
    %add3A_19 = vector.broadcast %add3A_18 : i32 to vector<16xi32>
    %add3A_20 = arith.addi %iota3A, %add3A_19 : vector<16xi32>
    %and3A_21 = arith.constant 15 : i32
    %and3A_22 = vector.broadcast %and3A_21 : i32 to vector<16xi32>
    %and3A_23 = arith.andi %add3A_20, %and3A_22 : vector<16xi32>
    %add3A_24 = arith.constant 2 : i32
    %add3A_25 = vector.broadcast %add3A_24 : i32 to vector<16xi32>
    %add3A_26 = arith.addi %iota3A, %add3A_25 : vector<16xi32>
    %and3A_27 = arith.constant 15 : i32
    %and3A_28 = vector.broadcast %and3A_27 : i32 to vector<16xi32>
    %and3A_29 = arith.andi %add3A_26, %and3A_28 : vector<16xi32>
    %add3A_30 = arith.constant 3 : i32
    %add3A_31 = vector.broadcast %add3A_30 : i32 to vector<16xi32>
    %add3A_32 = arith.addi %iota3A, %add3A_31 : vector<16xi32>
    %and3A_33 = arith.constant 15 : i32
    %and3A_34 = vector.broadcast %and3A_33 : i32 to vector<16xi32>
    %and3A_35 = arith.andi %add3A_32, %and3A_34 : vector<16xi32>
    %add3A_36 = arith.constant 4 : i32
    %add3A_37 = vector.broadcast %add3A_36 : i32 to vector<16xi32>
    %add3A_38 = arith.addi %iota3A, %add3A_37 : vector<16xi32>
    %and3A_39 = arith.constant 15 : i32
    %and3A_40 = vector.broadcast %and3A_39 : i32 to vector<16xi32>
    %and3A_41 = arith.andi %add3A_38, %and3A_40 : vector<16xi32>
    %add3A_42 = arith.constant 5 : i32
    %add3A_43 = vector.broadcast %add3A_42 : i32 to vector<16xi32>
    %add3A_44 = arith.addi %iota3A, %add3A_43 : vector<16xi32>
    %and3A_45 = arith.constant 15 : i32
    %and3A_46 = vector.broadcast %and3A_45 : i32 to vector<16xi32>
    %and3A_47 = arith.andi %add3A_44, %and3A_46 : vector<16xi32>
    %add3A_48 = arith.constant 6 : i32
    %add3A_49 = vector.broadcast %add3A_48 : i32 to vector<16xi32>
    %add3A_50 = arith.addi %iota3A, %add3A_49 : vector<16xi32>
    %and3A_51 = arith.constant 15 : i32
    %and3A_52 = vector.broadcast %and3A_51 : i32 to vector<16xi32>
    %and3A_53 = arith.andi %add3A_50, %and3A_52 : vector<16xi32>
    %add3A_54 = arith.constant 7 : i32
    %add3A_55 = vector.broadcast %add3A_54 : i32 to vector<16xi32>
    %add3A_56 = arith.addi %iota3A, %add3A_55 : vector<16xi32>
    %and3A_57 = arith.constant 15 : i32
    %and3A_58 = vector.broadcast %and3A_57 : i32 to vector<16xi32>
    %and3A_59 = arith.andi %add3A_56, %and3A_58 : vector<16xi32>
    %add3A_60 = arith.constant 8 : i32
    %add3A_61 = vector.broadcast %add3A_60 : i32 to vector<16xi32>
    %add3A_62 = arith.addi %iota3A, %add3A_61 : vector<16xi32>
    %and3A_63 = arith.constant 15 : i32
    %and3A_64 = vector.broadcast %and3A_63 : i32 to vector<16xi32>
    %and3A_65 = arith.andi %add3A_62, %and3A_64 : vector<16xi32>
    %add3A_66 = arith.constant 9 : i32
    %add3A_67 = vector.broadcast %add3A_66 : i32 to vector<16xi32>
    %add3A_68 = arith.addi %iota3A, %add3A_67 : vector<16xi32>
    %and3A_69 = arith.constant 15 : i32
    %and3A_70 = vector.broadcast %and3A_69 : i32 to vector<16xi32>
    %and3A_71 = arith.andi %add3A_68, %and3A_70 : vector<16xi32>
    %add3A_72 = arith.constant 10 : i32
    %add3A_73 = vector.broadcast %add3A_72 : i32 to vector<16xi32>
    %add3A_74 = arith.addi %iota3A, %add3A_73 : vector<16xi32>
    %and3A_75 = arith.constant 15 : i32
    %and3A_76 = vector.broadcast %and3A_75 : i32 to vector<16xi32>
    %and3A_77 = arith.andi %add3A_74, %and3A_76 : vector<16xi32>
    %add3A_78 = arith.constant 11 : i32
    %add3A_79 = vector.broadcast %add3A_78 : i32 to vector<16xi32>
    %add3A_80 = arith.addi %iota3A, %add3A_79 : vector<16xi32>
    %and3A_81 = arith.constant 15 : i32
    %and3A_82 = vector.broadcast %and3A_81 : i32 to vector<16xi32>
    %and3A_83 = arith.andi %add3A_80, %and3A_82 : vector<16xi32>
    %add3A_84 = arith.constant 12 : i32
    %add3A_85 = vector.broadcast %add3A_84 : i32 to vector<16xi32>
    %add3A_86 = arith.addi %iota3A, %add3A_85 : vector<16xi32>
    %and3A_87 = arith.constant 15 : i32
    %and3A_88 = vector.broadcast %and3A_87 : i32 to vector<16xi32>
    %and3A_89 = arith.andi %add3A_86, %and3A_88 : vector<16xi32>
    %add3A_90 = arith.constant 13 : i32
    %add3A_91 = vector.broadcast %add3A_90 : i32 to vector<16xi32>
    %add3A_92 = arith.addi %iota3A, %add3A_91 : vector<16xi32>
    %and3A_93 = arith.constant 15 : i32
    %and3A_94 = vector.broadcast %and3A_93 : i32 to vector<16xi32>
    %and3A_95 = arith.andi %add3A_92, %and3A_94 : vector<16xi32>
    %add3A_96 = arith.constant 14 : i32
    %add3A_97 = vector.broadcast %add3A_96 : i32 to vector<16xi32>
    %add3A_98 = arith.addi %iota3A, %add3A_97 : vector<16xi32>
    %and3A_99 = arith.constant 15 : i32
    %and3A_100 = vector.broadcast %and3A_99 : i32 to vector<16xi32>
    %and3A_101 = arith.andi %add3A_98, %and3A_100 : vector<16xi32>
    %add3A_102 = arith.constant 15 : i32
    %add3A_103 = vector.broadcast %add3A_102 : i32 to vector<16xi32>
    %add3A_104 = arith.addi %iota3A, %add3A_103 : vector<16xi32>
    %and3A_105 = arith.constant 15 : i32
    %and3A_106 = vector.broadcast %and3A_105 : i32 to vector<16xi32>
    %and3A_107 = arith.andi %add3A_104, %and3A_106 : vector<16xi32>
    %shift_right_arithmetic3A = arith.constant 1 : i32
    %shift_right_arithmetic3A_108 = vector.broadcast %shift_right_arithmetic3A : i32 to vector<16xi32>
    %shift_right_arithmetic3A_109 = arith.shrsi %and3A_17, %shift_right_arithmetic3A_108 : vector<16xi32>
    %shift_right_arithmetic3A_110 = arith.constant 1 : i32
    %shift_right_arithmetic3A_111 = vector.broadcast %shift_right_arithmetic3A_110 : i32 to vector<16xi32>
    %shift_right_arithmetic3A_112 = arith.shrsi %and3A_23, %shift_right_arithmetic3A_111 : vector<16xi32>
    %shift_right_arithmetic3A_113 = arith.constant 1 : i32
    %shift_right_arithmetic3A_114 = vector.broadcast %shift_right_arithmetic3A_113 : i32 to vector<16xi32>
    %shift_right_arithmetic3A_115 = arith.shrsi %and3A_29, %shift_right_arithmetic3A_114 : vector<16xi32>
    %shift_right_arithmetic3A_116 = arith.constant 1 : i32
    %shift_right_arithmetic3A_117 = vector.broadcast %shift_right_arithmetic3A_116 : i32 to vector<16xi32>
    %shift_right_arithmetic3A_118 = arith.shrsi %and3A_35, %shift_right_arithmetic3A_117 : vector<16xi32>
    %shift_right_arithmetic3A_119 = arith.constant 1 : i32
    %shift_right_arithmetic3A_120 = vector.broadcast %shift_right_arithmetic3A_119 : i32 to vector<16xi32>
    %shift_right_arithmetic3A_121 = arith.shrsi %and3A_41, %shift_right_arithmetic3A_120 : vector<16xi32>
    %shift_right_arithmetic3A_122 = arith.constant 1 : i32
    %shift_right_arithmetic3A_123 = vector.broadcast %shift_right_arithmetic3A_122 : i32 to vector<16xi32>
    %shift_right_arithmetic3A_124 = arith.shrsi %and3A_47, %shift_right_arithmetic3A_123 : vector<16xi32>
    %shift_right_arithmetic3A_125 = arith.constant 1 : i32
    %shift_right_arithmetic3A_126 = vector.broadcast %shift_right_arithmetic3A_125 : i32 to vector<16xi32>
    %shift_right_arithmetic3A_127 = arith.shrsi %and3A_53, %shift_right_arithmetic3A_126 : vector<16xi32>
    %shift_right_arithmetic3A_128 = arith.constant 1 : i32
    %shift_right_arithmetic3A_129 = vector.broadcast %shift_right_arithmetic3A_128 : i32 to vector<16xi32>
    %shift_right_arithmetic3A_130 = arith.shrsi %and3A_59, %shift_right_arithmetic3A_129 : vector<16xi32>
    %shift_right_arithmetic3A_131 = arith.constant 1 : i32
    %shift_right_arithmetic3A_132 = vector.broadcast %shift_right_arithmetic3A_131 : i32 to vector<16xi32>
    %shift_right_arithmetic3A_133 = arith.shrsi %and3A_65, %shift_right_arithmetic3A_132 : vector<16xi32>
    %shift_right_arithmetic3A_134 = arith.constant 1 : i32
    %shift_right_arithmetic3A_135 = vector.broadcast %shift_right_arithmetic3A_134 : i32 to vector<16xi32>
    %shift_right_arithmetic3A_136 = arith.shrsi %and3A_71, %shift_right_arithmetic3A_135 : vector<16xi32>
    %shift_right_arithmetic3A_137 = arith.constant 1 : i32
    %shift_right_arithmetic3A_138 = vector.broadcast %shift_right_arithmetic3A_137 : i32 to vector<16xi32>
    %shift_right_arithmetic3A_139 = arith.shrsi %and3A_77, %shift_right_arithmetic3A_138 : vector<16xi32>
    %shift_right_arithmetic3A_140 = arith.constant 1 : i32
    %shift_right_arithmetic3A_141 = vector.broadcast %shift_right_arithmetic3A_140 : i32 to vector<16xi32>
    %shift_right_arithmetic3A_142 = arith.shrsi %and3A_83, %shift_right_arithmetic3A_141 : vector<16xi32>
    %shift_right_arithmetic3A_143 = arith.constant 1 : i32
    %shift_right_arithmetic3A_144 = vector.broadcast %shift_right_arithmetic3A_143 : i32 to vector<16xi32>
    %shift_right_arithmetic3A_145 = arith.shrsi %and3A_89, %shift_right_arithmetic3A_144 : vector<16xi32>
    %shift_right_arithmetic3A_146 = arith.constant 1 : i32
    %shift_right_arithmetic3A_147 = vector.broadcast %shift_right_arithmetic3A_146 : i32 to vector<16xi32>
    %shift_right_arithmetic3A_148 = arith.shrsi %and3A_95, %shift_right_arithmetic3A_147 : vector<16xi32>
    %shift_right_arithmetic3A_149 = arith.constant 1 : i32
    %shift_right_arithmetic3A_150 = vector.broadcast %shift_right_arithmetic3A_149 : i32 to vector<16xi32>
    %shift_right_arithmetic3A_151 = arith.shrsi %and3A_101, %shift_right_arithmetic3A_150 : vector<16xi32>
    %shift_right_arithmetic3A_152 = arith.constant 1 : i32
    %shift_right_arithmetic3A_153 = vector.broadcast %shift_right_arithmetic3A_152 : i32 to vector<16xi32>
    %shift_right_arithmetic3A_154 = arith.shrsi %and3A_107, %shift_right_arithmetic3A_153 : vector<16xi32>
    %and3A_155 = arith.constant 1 : i32
    %and3A_156 = vector.broadcast %and3A_155 : i32 to vector<16xi32>
    %and3A_157 = arith.andi %and3A_17, %and3A_156 : vector<16xi32>
    %mul3A_158 = arith.constant 64 : i32
    %mul3A_159 = vector.broadcast %mul3A_158 : i32 to vector<16xi32>
    %mul3A_160 = arith.muli %and3A_157, %mul3A_159 : vector<16xi32>
    %add3A_161 = arith.addi %mul3A_160, %iota3A : vector<16xi32>
    %and3A_162 = arith.constant 1 : i32
    %and3A_163 = vector.broadcast %and3A_162 : i32 to vector<16xi32>
    %and3A_164 = arith.andi %and3A_23, %and3A_163 : vector<16xi32>
    %mul3A_165 = arith.constant 64 : i32
    %mul3A_166 = vector.broadcast %mul3A_165 : i32 to vector<16xi32>
    %mul3A_167 = arith.muli %and3A_164, %mul3A_166 : vector<16xi32>
    %add3A_168 = arith.addi %mul3A_167, %iota3A : vector<16xi32>
    %and3A_169 = arith.constant 1 : i32
    %and3A_170 = vector.broadcast %and3A_169 : i32 to vector<16xi32>
    %and3A_171 = arith.andi %and3A_29, %and3A_170 : vector<16xi32>
    %mul3A_172 = arith.constant 64 : i32
    %mul3A_173 = vector.broadcast %mul3A_172 : i32 to vector<16xi32>
    %mul3A_174 = arith.muli %and3A_171, %mul3A_173 : vector<16xi32>
    %add3A_175 = arith.addi %mul3A_174, %iota3A : vector<16xi32>
    %and3A_176 = arith.constant 1 : i32
    %and3A_177 = vector.broadcast %and3A_176 : i32 to vector<16xi32>
    %and3A_178 = arith.andi %and3A_35, %and3A_177 : vector<16xi32>
    %mul3A_179 = arith.constant 64 : i32
    %mul3A_180 = vector.broadcast %mul3A_179 : i32 to vector<16xi32>
    %mul3A_181 = arith.muli %and3A_178, %mul3A_180 : vector<16xi32>
    %add3A_182 = arith.addi %mul3A_181, %iota3A : vector<16xi32>
    %and3A_183 = arith.constant 1 : i32
    %and3A_184 = vector.broadcast %and3A_183 : i32 to vector<16xi32>
    %and3A_185 = arith.andi %and3A_41, %and3A_184 : vector<16xi32>
    %mul3A_186 = arith.constant 64 : i32
    %mul3A_187 = vector.broadcast %mul3A_186 : i32 to vector<16xi32>
    %mul3A_188 = arith.muli %and3A_185, %mul3A_187 : vector<16xi32>
    %add3A_189 = arith.addi %mul3A_188, %iota3A : vector<16xi32>
    %and3A_190 = arith.constant 1 : i32
    %and3A_191 = vector.broadcast %and3A_190 : i32 to vector<16xi32>
    %and3A_192 = arith.andi %and3A_47, %and3A_191 : vector<16xi32>
    %mul3A_193 = arith.constant 64 : i32
    %mul3A_194 = vector.broadcast %mul3A_193 : i32 to vector<16xi32>
    %mul3A_195 = arith.muli %and3A_192, %mul3A_194 : vector<16xi32>
    %add3A_196 = arith.addi %mul3A_195, %iota3A : vector<16xi32>
    %and3A_197 = arith.constant 1 : i32
    %and3A_198 = vector.broadcast %and3A_197 : i32 to vector<16xi32>
    %and3A_199 = arith.andi %and3A_53, %and3A_198 : vector<16xi32>
    %mul3A_200 = arith.constant 64 : i32
    %mul3A_201 = vector.broadcast %mul3A_200 : i32 to vector<16xi32>
    %mul3A_202 = arith.muli %and3A_199, %mul3A_201 : vector<16xi32>
    %add3A_203 = arith.addi %mul3A_202, %iota3A : vector<16xi32>
    %and3A_204 = arith.constant 1 : i32
    %and3A_205 = vector.broadcast %and3A_204 : i32 to vector<16xi32>
    %and3A_206 = arith.andi %and3A_59, %and3A_205 : vector<16xi32>
    %mul3A_207 = arith.constant 64 : i32
    %mul3A_208 = vector.broadcast %mul3A_207 : i32 to vector<16xi32>
    %mul3A_209 = arith.muli %and3A_206, %mul3A_208 : vector<16xi32>
    %add3A_210 = arith.addi %mul3A_209, %iota3A : vector<16xi32>
    %and3A_211 = arith.constant 1 : i32
    %and3A_212 = vector.broadcast %and3A_211 : i32 to vector<16xi32>
    %and3A_213 = arith.andi %and3A_65, %and3A_212 : vector<16xi32>
    %mul3A_214 = arith.constant 64 : i32
    %mul3A_215 = vector.broadcast %mul3A_214 : i32 to vector<16xi32>
    %mul3A_216 = arith.muli %and3A_213, %mul3A_215 : vector<16xi32>
    %add3A_217 = arith.addi %mul3A_216, %iota3A : vector<16xi32>
    %and3A_218 = arith.constant 1 : i32
    %and3A_219 = vector.broadcast %and3A_218 : i32 to vector<16xi32>
    %and3A_220 = arith.andi %and3A_71, %and3A_219 : vector<16xi32>
    %mul3A_221 = arith.constant 64 : i32
    %mul3A_222 = vector.broadcast %mul3A_221 : i32 to vector<16xi32>
    %mul3A_223 = arith.muli %and3A_220, %mul3A_222 : vector<16xi32>
    %add3A_224 = arith.addi %mul3A_223, %iota3A : vector<16xi32>
    %and3A_225 = arith.constant 1 : i32
    %and3A_226 = vector.broadcast %and3A_225 : i32 to vector<16xi32>
    %and3A_227 = arith.andi %and3A_77, %and3A_226 : vector<16xi32>
    %mul3A_228 = arith.constant 64 : i32
    %mul3A_229 = vector.broadcast %mul3A_228 : i32 to vector<16xi32>
    %mul3A_230 = arith.muli %and3A_227, %mul3A_229 : vector<16xi32>
    %add3A_231 = arith.addi %mul3A_230, %iota3A : vector<16xi32>
    %and3A_232 = arith.constant 1 : i32
    %and3A_233 = vector.broadcast %and3A_232 : i32 to vector<16xi32>
    %and3A_234 = arith.andi %and3A_83, %and3A_233 : vector<16xi32>
    %mul3A_235 = arith.constant 64 : i32
    %mul3A_236 = vector.broadcast %mul3A_235 : i32 to vector<16xi32>
    %mul3A_237 = arith.muli %and3A_234, %mul3A_236 : vector<16xi32>
    %add3A_238 = arith.addi %mul3A_237, %iota3A : vector<16xi32>
    %and3A_239 = arith.constant 1 : i32
    %and3A_240 = vector.broadcast %and3A_239 : i32 to vector<16xi32>
    %and3A_241 = arith.andi %and3A_89, %and3A_240 : vector<16xi32>
    %mul3A_242 = arith.constant 64 : i32
    %mul3A_243 = vector.broadcast %mul3A_242 : i32 to vector<16xi32>
    %mul3A_244 = arith.muli %and3A_241, %mul3A_243 : vector<16xi32>
    %add3A_245 = arith.addi %mul3A_244, %iota3A : vector<16xi32>
    %and3A_246 = arith.constant 1 : i32
    %and3A_247 = vector.broadcast %and3A_246 : i32 to vector<16xi32>
    %and3A_248 = arith.andi %and3A_95, %and3A_247 : vector<16xi32>
    %mul3A_249 = arith.constant 64 : i32
    %mul3A_250 = vector.broadcast %mul3A_249 : i32 to vector<16xi32>
    %mul3A_251 = arith.muli %and3A_248, %mul3A_250 : vector<16xi32>
    %add3A_252 = arith.addi %mul3A_251, %iota3A : vector<16xi32>
    %and3A_253 = arith.constant 1 : i32
    %and3A_254 = vector.broadcast %and3A_253 : i32 to vector<16xi32>
    %and3A_255 = arith.andi %and3A_101, %and3A_254 : vector<16xi32>
    %mul3A_256 = arith.constant 64 : i32
    %mul3A_257 = vector.broadcast %mul3A_256 : i32 to vector<16xi32>
    %mul3A_258 = arith.muli %and3A_255, %mul3A_257 : vector<16xi32>
    %add3A_259 = arith.addi %mul3A_258, %iota3A : vector<16xi32>
    %and3A_260 = arith.constant 1 : i32
    %and3A_261 = vector.broadcast %and3A_260 : i32 to vector<16xi32>
    %and3A_262 = arith.andi %and3A_107, %and3A_261 : vector<16xi32>
    %mul3A_263 = arith.constant 64 : i32
    %mul3A_264 = vector.broadcast %mul3A_263 : i32 to vector<16xi32>
    %mul3A_265 = arith.muli %and3A_262, %mul3A_264 : vector<16xi32>
    %add3A_266 = arith.addi %mul3A_265, %iota3A : vector<16xi32>
    %eq3A = arith.constant 0 : i32
    %eq3A_267 = arith.cmpi eq, %add3A, %eq3A : i32
    %convert_element_type3A = arith.extui %eq3A_267 : i1 to i32
    %cond3A = arith.constant 0 : i32
    %cond3A_268 = arith.cmpi ne, %convert_element_type3A, %cond3A : i32
    scf.if %cond3A_268 {
      "tpu.region"() ({
        %run_scoped3A = tpu.sem_alloc : memref<!tpu.dma_semaphore, #tpu.memory_space<semaphore_mem>>
        %dma_start3A = arith.constant 499968 : i32
        %dma_start3A_335 = arith.constant 0 : i32
        %dma_start3A_336 = tpu.memref_slice %arg4[%dma_start3A, %dma_start3A_335] : memref<500000x128xf32, #tpu.memory_space<hbm>> -> memref<32x128xf32, #tpu.memory_space<hbm>>
        tpu.enqueue_dma source(%arg3 : memref<32x128xf32, #tpu.memory_space<hbm>>) target(%dma_start3A_336 : memref<32x128xf32, #tpu.memory_space<hbm>>) target_semaphore(%run_scoped3A : memref<!tpu.dma_semaphore, #tpu.memory_space<semaphore_mem>>)
        %dma_wait3A_337 = arith.constant 499968 : i32
        %dma_wait3A_338 = arith.constant 0 : i32
        %dma_wait3A_339 = tpu.memref_slice %arg4[%dma_wait3A_337, %dma_wait3A_338] : memref<500000x128xf32, #tpu.memory_space<hbm>> -> memref<32x128xf32, #tpu.memory_space<hbm>>
        tpu.wait_dma2 semaphore(%run_scoped3A : memref<!tpu.dma_semaphore, #tpu.memory_space<semaphore_mem>>) src(%arg3 : memref<32x128xf32, #tpu.memory_space<hbm>>) dst(%dma_wait3A_339 : memref<32x128xf32, #tpu.memory_space<hbm>>)
        tpu.yield
      }) : () -> ()
    } else {
    }
    %add3A_269 = arith.constant 0 : i32
    %add3A_270 = arith.addi %add3A, %add3A_269 : i32
    %mul3A_271 = arith.constant 128 : i32
    %mul3A_272 = arith.muli %add3A_270, %mul3A_271 : i32
    %multiple_of3A = tpu.assume_multiple %mul3A_272, 128 : i32
    %lt3A = arith.constant 7812 : i32
    %lt3A_273 = arith.cmpi slt, %add3A_270, %lt3A : i32
    %convert_element_type3A_274 = arith.extui %lt3A_273 : i1 to i32
    %cond3A_275 = arith.constant 0 : i32
    %cond3A_276 = arith.cmpi ne, %convert_element_type3A_274, %cond3A_275 : i32
    scf.if %cond3A_276 {
      %dma_start3A = arith.constant 0 : i32
      %dma_start3A_335 = tpu.memref_slice %arg2[%dma_start3A, %multiple_of3A] : memref<64x1000000xf32, #tpu.memory_space<hbm>> -> memref<64x128xf32, #tpu.memory_space<hbm>>
      %dma_start3A_336 = arith.constant 0 : i32
      %dma_start3A_337 = tpu.memref_slice %arg2[%dma_start3A_336, %multiple_of3A] : memref<64x1000000xf32, #tpu.memory_space<hbm>> -> memref<64x128xf32, #tpu.memory_space<hbm>>
      tpu.enqueue_dma source(%dma_start3A_337 : memref<64x128xf32, #tpu.memory_space<hbm>>) target(%arg5 : memref<64x128xf32, #tpu.memory_space<vmem>>) target_semaphore(%arg13 : memref<!tpu.dma_semaphore, #tpu.memory_space<semaphore_mem>>)
    } else {
    }
    %add3A_277 = arith.constant 32 : i32
    %add3A_278 = arith.addi %add3A, %add3A_277 : i32
    %mul3A_279 = arith.constant 128 : i32
    %mul3A_280 = arith.muli %add3A_278, %mul3A_279 : i32
    %multiple_of3A_281 = tpu.assume_multiple %mul3A_280, 128 : i32
    %lt3A_282 = arith.constant 7812 : i32
    %lt3A_283 = arith.cmpi slt, %add3A_278, %lt3A_282 : i32
    %convert_element_type3A_284 = arith.extui %lt3A_283 : i1 to i32
    %cond3A_285 = arith.constant 0 : i32
    %cond3A_286 = arith.cmpi ne, %convert_element_type3A_284, %cond3A_285 : i32
    scf.if %cond3A_286 {
      %dma_start3A = arith.constant 0 : i32
      %dma_start3A_335 = tpu.memref_slice %arg2[%dma_start3A, %multiple_of3A_281] : memref<64x1000000xf32, #tpu.memory_space<hbm>> -> memref<64x128xf32, #tpu.memory_space<hbm>>
      %dma_start3A_336 = arith.constant 0 : i32
      %dma_start3A_337 = tpu.memref_slice %arg2[%dma_start3A_336, %multiple_of3A_281] : memref<64x1000000xf32, #tpu.memory_space<hbm>> -> memref<64x128xf32, #tpu.memory_space<hbm>>
      tpu.enqueue_dma source(%dma_start3A_337 : memref<64x128xf32, #tpu.memory_space<hbm>>) target(%arg6 : memref<64x128xf32, #tpu.memory_space<vmem>>) target_semaphore(%arg14 : memref<!tpu.dma_semaphore, #tpu.memory_space<semaphore_mem>>)
    } else {
    }
    %add3A_287 = arith.constant 64 : i32
    %add3A_288 = arith.addi %add3A, %add3A_287 : i32
    %mul3A_289 = arith.constant 128 : i32
    %mul3A_290 = arith.muli %add3A_288, %mul3A_289 : i32
    %multiple_of3A_291 = tpu.assume_multiple %mul3A_290, 128 : i32
    %lt3A_292 = arith.constant 7812 : i32
    %lt3A_293 = arith.cmpi slt, %add3A_288, %lt3A_292 : i32
    %convert_element_type3A_294 = arith.extui %lt3A_293 : i1 to i32
    %cond3A_295 = arith.constant 0 : i32
    %cond3A_296 = arith.cmpi ne, %convert_element_type3A_294, %cond3A_295 : i32
    scf.if %cond3A_296 {
      %dma_start3A = arith.constant 0 : i32
      %dma_start3A_335 = tpu.memref_slice %arg2[%dma_start3A, %multiple_of3A_291] : memref<64x1000000xf32, #tpu.memory_space<hbm>> -> memref<64x128xf32, #tpu.memory_space<hbm>>
      %dma_start3A_336 = arith.constant 0 : i32
      %dma_start3A_337 = tpu.memref_slice %arg2[%dma_start3A_336, %multiple_of3A_291] : memref<64x1000000xf32, #tpu.memory_space<hbm>> -> memref<64x128xf32, #tpu.memory_space<hbm>>
      tpu.enqueue_dma source(%dma_start3A_337 : memref<64x128xf32, #tpu.memory_space<hbm>>) target(%arg7 : memref<64x128xf32, #tpu.memory_space<vmem>>) target_semaphore(%arg15 : memref<!tpu.dma_semaphore, #tpu.memory_space<semaphore_mem>>)
    } else {
    }
    %add3A_297 = arith.constant 96 : i32
    %add3A_298 = arith.addi %add3A, %add3A_297 : i32
    %mul3A_299 = arith.constant 128 : i32
    %mul3A_300 = arith.muli %add3A_298, %mul3A_299 : i32
    %multiple_of3A_301 = tpu.assume_multiple %mul3A_300, 128 : i32
    %lt3A_302 = arith.constant 7812 : i32
    %lt3A_303 = arith.cmpi slt, %add3A_298, %lt3A_302 : i32
    %convert_element_type3A_304 = arith.extui %lt3A_303 : i1 to i32
    %cond3A_305 = arith.constant 0 : i32
    %cond3A_306 = arith.cmpi ne, %convert_element_type3A_304, %cond3A_305 : i32
    scf.if %cond3A_306 {
      %dma_start3A = arith.constant 0 : i32
      %dma_start3A_335 = tpu.memref_slice %arg2[%dma_start3A, %multiple_of3A_301] : memref<64x1000000xf32, #tpu.memory_space<hbm>> -> memref<64x128xf32, #tpu.memory_space<hbm>>
      %dma_start3A_336 = arith.constant 0 : i32
      %dma_start3A_337 = tpu.memref_slice %arg2[%dma_start3A_336, %multiple_of3A_301] : memref<64x1000000xf32, #tpu.memory_space<hbm>> -> memref<64x128xf32, #tpu.memory_space<hbm>>
      tpu.enqueue_dma source(%dma_start3A_337 : memref<64x128xf32, #tpu.memory_space<hbm>>) target(%arg8 : memref<64x128xf32, #tpu.memory_space<vmem>>) target_semaphore(%arg16 : memref<!tpu.dma_semaphore, #tpu.memory_space<semaphore_mem>>)
    } else {
    }
    %scan3A = arith.constant 0 : i32
    %scan3A_307 = arith.constant 0 : i32
    %scan3A_308 = arith.constant 62 : i32
    %scan3A_309 = arith.addi %scan3A_307, %scan3A_308 : i32
    %scan3A_310 = arith.constant 1 : i32
    scf.for %scan3A_335 = %scan3A_307 to %scan3A_309 step %scan3A_310  : i32 {
      %mul3A_336 = arith.constant 4 : i32
      %mul3A_337 = arith.muli %mul3A_336, %scan3A_335 : i32
      %add3A_338 = arith.constant 0 : i32
      %add3A_339 = arith.addi %mul3A_337, %add3A_338 : i32
      %mul3A_340 = arith.constant 32 : i32
      %mul3A_341 = arith.muli %mul3A_340, %add3A_339 : i32
      %add3A_342 = arith.addi %add3A, %mul3A_341 : i32
      %mul3A_343 = arith.constant 128 : i32
      %mul3A_344 = arith.muli %add3A_342, %mul3A_343 : i32
      %multiple_of3A_345 = tpu.assume_multiple %mul3A_344, 128 : i32
      %lt3A_346 = arith.constant 7812 : i32
      %lt3A_347 = arith.cmpi slt, %add3A_342, %lt3A_346 : i32
      %add3A_348 = arith.constant 4 : i32
      %add3A_349 = arith.addi %add3A_339, %add3A_348 : i32
      %mul3A_350 = arith.constant 32 : i32
      %mul3A_351 = arith.muli %mul3A_350, %add3A_349 : i32
      %add3A_352 = arith.addi %add3A, %mul3A_351 : i32
      %mul3A_353 = arith.constant 128 : i32
      %mul3A_354 = arith.muli %add3A_352, %mul3A_353 : i32
      %multiple_of3A_355 = tpu.assume_multiple %mul3A_354, 128 : i32
      %lt3A_356 = arith.constant 7812 : i32
      %lt3A_357 = arith.cmpi slt, %add3A_352, %lt3A_356 : i32
      %convert_element_type3A_358 = arith.extui %lt3A_347 : i1 to i32
      %cond3A_359 = arith.constant 0 : i32
      %cond3A_360 = arith.cmpi ne, %convert_element_type3A_358, %cond3A_359 : i32
      scf.if %cond3A_360 {
        %dma_wait3A_448 = arith.constant 0 : i32
        %dma_wait3A_449 = arith.constant 0 : i32
        %dma_wait3A_450 = tpu.memref_slice %arg2[%dma_wait3A_448, %dma_wait3A_449] : memref<64x1000000xf32, #tpu.memory_space<hbm>> -> memref<64x128xf32, #tpu.memory_space<hbm>>
        %dma_wait3A_451 = arith.constant 0 : i32
        %dma_wait3A_452 = arith.constant 0 : i32
        %dma_wait3A_453 = tpu.memref_slice %arg2[%dma_wait3A_451, %dma_wait3A_452] : memref<64x1000000xf32, #tpu.memory_space<hbm>> -> memref<64x128xf32, #tpu.memory_space<hbm>>
        tpu.wait_dma2 semaphore(%arg13 : memref<!tpu.dma_semaphore, #tpu.memory_space<semaphore_mem>>) src(%dma_wait3A_453 : memref<64x128xf32, #tpu.memory_space<hbm>>) dst(%arg5 : memref<64x128xf32, #tpu.memory_space<vmem>>)
        %ge3A = arith.constant 4 : i32
        %ge3A_454 = arith.cmpi sge, %add3A_339, %ge3A : i32
        %convert_element_type3A_455 = arith.extui %ge3A_454 : i1 to i32
        %cond3A_456 = arith.constant 0 : i32
        %cond3A_457 = arith.cmpi ne, %convert_element_type3A_455, %cond3A_456 : i32
        scf.if %cond3A_457 {
          %dma_wait3A_489 = arith.constant 0 : i32
          %dma_wait3A_490 = arith.constant 0 : i32
          %dma_wait3A_491 = tpu.memref_slice %arg4[%dma_wait3A_489, %dma_wait3A_490] : memref<500000x128xf32, #tpu.memory_space<hbm>> -> memref<64x128xf32, #tpu.memory_space<hbm>>
          %dma_wait3A_492 = arith.constant 0 : i32
          %dma_wait3A_493 = arith.constant 0 : i32
          %dma_wait3A_494 = tpu.memref_slice %arg4[%dma_wait3A_492, %dma_wait3A_493] : memref<500000x128xf32, #tpu.memory_space<hbm>> -> memref<64x128xf32, #tpu.memory_space<hbm>>
          tpu.wait_dma2 semaphore(%arg17 : memref<!tpu.dma_semaphore, #tpu.memory_space<semaphore_mem>>) src(%arg9 : memref<64x128xf32, #tpu.memory_space<vmem>>) dst(%dma_wait3A_494 : memref<64x128xf32, #tpu.memory_space<hbm>>)
        } else {
        }
        %semaphore_signal3A = arith.constant 1 : i32
        tpu.sem_signal %arg21, %semaphore_signal3A : memref<!tpu.semaphore, #tpu.memory_space<semaphore_mem>>
        %semaphore_wait3A = arith.constant 1 : i32
        %semaphore_wait3A_458 = arith.constant true
        tpu.sem_wait %arg21, %semaphore_wait3A : memref<!tpu.semaphore, #tpu.memory_space<semaphore_mem>>
        %scan3A_459 = arith.constant 0 : i32
        %scan3A_460 = arith.constant 0 : i32
        %scan3A_461 = arith.constant 8 : i32
        %scan3A_462 = arith.addi %scan3A_460, %scan3A_461 : i32
        %scan3A_463 = arith.constant 1 : i32
        scf.for %scan3A_489 = %scan3A_460 to %scan3A_462 step %scan3A_463  : i32 {
          %mul3A_490 = arith.constant 16 : i32
          %mul3A_491 = arith.muli %mul3A_490, %scan3A_489 : i32
          %add3A_492 = vector.broadcast %mul3A_491 : i32 to vector<16xi32>
          %add3A_493 = arith.addi %and3A_17, %add3A_492 : vector<16xi32>
          %gather3A = tpu.vector_load_idx %arg5[%add3A_3, %add3A_493] : memref<64x128xf32, #tpu.memory_space<vmem>>[vector<16xi32>, vector<16xi32>], vector<16xf32>,
          %gather3A_494 = tpu.vector_load_idx %arg5[%add3A_6, %add3A_493] : memref<64x128xf32, #tpu.memory_space<vmem>>[vector<16xi32>, vector<16xi32>], vector<16xf32>,
          %gather3A_495 = tpu.vector_load_idx %arg5[%add3A_9, %add3A_493] : memref<64x128xf32, #tpu.memory_space<vmem>>[vector<16xi32>, vector<16xi32>], vector<16xf32>,
          %gather3A_496 = tpu.vector_load_idx %arg5[%add3A_12, %add3A_493] : memref<64x128xf32, #tpu.memory_space<vmem>>[vector<16xi32>, vector<16xi32>], vector<16xf32>,
          %mul3A_497 = arith.constant 16 : i32
          %mul3A_498 = arith.muli %mul3A_497, %scan3A_489 : i32
          %add3A_499 = vector.broadcast %mul3A_498 : i32 to vector<16xi32>
          %add3A_500 = arith.addi %and3A_23, %add3A_499 : vector<16xi32>
          %gather3A_501 = tpu.vector_load_idx %arg5[%add3A_3, %add3A_500] : memref<64x128xf32, #tpu.memory_space<vmem>>[vector<16xi32>, vector<16xi32>], vector<16xf32>,
          %gather3A_502 = tpu.vector_load_idx %arg5[%add3A_6, %add3A_500] : memref<64x128xf32, #tpu.memory_space<vmem>>[vector<16xi32>, vector<16xi32>], vector<16xf32>,
          %gather3A_503 = tpu.vector_load_idx %arg5[%add3A_9, %add3A_500] : memref<64x128xf32, #tpu.memory_space<vmem>>[vector<16xi32>, vector<16xi32>], vector<16xf32>,
          %gather3A_504 = tpu.vector_load_idx %arg5[%add3A_12, %add3A_500] : memref<64x128xf32, #tpu.memory_space<vmem>>[vector<16xi32>, vector<16xi32>], vector<16xf32>,
          %mul3A_505 = arith.constant 8 : i32
          %mul3A_506 = arith.muli %mul3A_505, %scan3A_489 : i32
          %add3A_507 = vector.broadcast %mul3A_506 : i32 to vector<16xi32>
          %add3A_508 = arith.addi %shift_right_arithmetic3A_109, %add3A_507 : vector<16xi32>
          %add3A_509 = arith.constant 0 : i32
          %add3A_510 = vector.broadcast %add3A_509 : i32 to vector<16xi32>
          %add3A_511 = arith.addi %add3A_161, %add3A_510 : vector<16xi32>
          tpu.vector_store_idx %arg9[%add3A_508, %add3A_511], %gather3A : memref<64x128xf32, #tpu.memory_space<vmem>>[vector<16xi32>, vector<16xi32>], vector<16xf32>,
          %add3A_512 = arith.constant 16 : i32
          %add3A_513 = vector.broadcast %add3A_512 : i32 to vector<16xi32>
          %add3A_514 = arith.addi %add3A_161, %add3A_513 : vector<16xi32>
          tpu.vector_store_idx %arg9[%add3A_508, %add3A_514], %gather3A_494 : memref<64x128xf32, #tpu.memory_space<vmem>>[vector<16xi32>, vector<16xi32>], vector<16xf32>,
          %add3A_515 = arith.constant 32 : i32
          %add3A_516 = vector.broadcast %add3A_515 : i32 to vector<16xi32>
          %add3A_517 = arith.addi %add3A_161, %add3A_516 : vector<16xi32>
          tpu.vector_store_idx %arg9[%add3A_508, %add3A_517], %gather3A_495 : memref<64x128xf32, #tpu.memory_space<vmem>>[vector<16xi32>, vector<16xi32>], vector<16xf32>,
          %add3A_518 = arith.constant 48 : i32
          %add3A_519 = vector.broadcast %add3A_518 : i32 to vector<16xi32>
          %add3A_520 = arith.addi %add3A_161, %add3A_519 : vector<16xi32>
          tpu.vector_store_idx %arg9[%add3A_508, %add3A_520], %gather3A_496 : memref<64x128xf32, #tpu.memory_space<vmem>>[vector<16xi32>, vector<16xi32>], vector<16xf32>,
          %mul3A_521 = arith.constant 16 : i32
          %mul3A_522 = arith.muli %mul3A_521, %scan3A_489 : i32
          %add3A_523 = vector.broadcast %mul3A_522 : i32 to vector<16xi32>
          %add3A_524 = arith.addi %and3A_29, %add3A_523 : vector<16xi32>
          %gather3A_525 = tpu.vector_load_idx %arg5[%add3A_3, %add3A_524] : memref<64x128xf32, #tpu.memory_space<vmem>>[vector<16xi32>, vector<16xi32>], vector<16xf32>,
          %gather3A_526 = tpu.vector_load_idx %arg5[%add3A_6, %add3A_524] : memref<64x128xf32, #tpu.memory_space<vmem>>[vector<16xi32>, vector<16xi32>], vector<16xf32>,
          %gather3A_527 = tpu.vector_load_idx %arg5[%add3A_9, %add3A_524] : memref<64x128xf32, #tpu.memory_space<vmem>>[vector<16xi32>, vector<16xi32>], vector<16xf32>,
          %gather3A_528 = tpu.vector_load_idx %arg5[%add3A_12, %add3A_524] : memref<64x128xf32, #tpu.memory_space<vmem>>[vector<16xi32>, vector<16xi32>], vector<16xf32>,
          %mul3A_529 = arith.constant 8 : i32
          %mul3A_530 = arith.muli %mul3A_529, %scan3A_489 : i32
          %add3A_531 = vector.broadcast %mul3A_530 : i32 to vector<16xi32>
          %add3A_532 = arith.addi %shift_right_arithmetic3A_112, %add3A_531 : vector<16xi32>
          %add3A_533 = arith.constant 0 : i32
          %add3A_534 = vector.broadcast %add3A_533 : i32 to vector<16xi32>
          %add3A_535 = arith.addi %add3A_168, %add3A_534 : vector<16xi32>
          tpu.vector_store_idx %arg9[%add3A_532, %add3A_535], %gather3A_501 : memref<64x128xf32, #tpu.memory_space<vmem>>[vector<16xi32>, vector<16xi32>], vector<16xf32>,
          %add3A_536 = arith.constant 16 : i32
          %add3A_537 = vector.broadcast %add3A_536 : i32 to vector<16xi32>
          %add3A_538 = arith.addi %add3A_168, %add3A_537 : vector<16xi32>
          tpu.vector_store_idx %arg9[%add3A_532, %add3A_538], %gather3A_502 : memref<64x128xf32, #tpu.memory_space<vmem>>[vector<16xi32>, vector<16xi32>], vector<16xf32>,
          %add3A_539 = arith.constant 32 : i32
          %add3A_540 = vector.broadcast %add3A_539 : i32 to vector<16xi32>
          %add3A_541 = arith.addi %add3A_168, %add3A_540 : vector<16xi32>
          tpu.vector_store_idx %arg9[%add3A_532, %add3A_541], %gather3A_503 : memref<64x128xf32, #tpu.memory_space<vmem>>[vector<16xi32>, vector<16xi32>], vector<16xf32>,
          %add3A_542 = arith.constant 48 : i32
          %add3A_543 = vector.broadcast %add3A_542 : i32 to vector<16xi32>
          %add3A_544 = arith.addi %add3A_168, %add3A_543 : vector<16xi32>
          tpu.vector_store_idx %arg9[%add3A_532, %add3A_544], %gather3A_504 : memref<64x128xf32, #tpu.memory_space<vmem>>[vector<16xi32>, vector<16xi32>], vector<16xf32>,
          %mul3A_545 = arith.constant 16 : i32
          %mul3A_546 = arith.muli %mul3A_545, %scan3A_489 : i32
          %add3A_547 = vector.broadcast %mul3A_546 : i32 to vector<16xi32>
          %add3A_548 = arith.addi %and3A_35, %add3A_547 : vector<16xi32>
          %gather3A_549 = tpu.vector_load_idx %arg5[%add3A_3, %add3A_548] : memref<64x128xf32, #tpu.memory_space<vmem>>[vector<16xi32>, vector<16xi32>], vector<16xf32>,
          %gather3A_550 = tpu.vector_load_idx %arg5[%add3A_6, %add3A_548] : memref<64x128xf32, #tpu.memory_space<vmem>>[vector<16xi32>, vector<16xi32>], vector<16xf32>,
          %gather3A_551 = tpu.vector_load_idx %arg5[%add3A_9, %add3A_548] : memref<64x128xf32, #tpu.memory_space<vmem>>[vector<16xi32>, vector<16xi32>], vector<16xf32>,
          %gather3A_552 = tpu.vector_load_idx %arg5[%add3A_12, %add3A_548] : memref<64x128xf32, #tpu.memory_space<vmem>>[vector<16xi32>, vector<16xi32>], vector<16xf32>,
          %mul3A_553 = arith.constant 8 : i32
          %mul3A_554 = arith.muli %mul3A_553, %scan3A_489 : i32
          %add3A_555 = vector.broadcast %mul3A_554 : i32 to vector<16xi32>
          %add3A_556 = arith.addi %shift_right_arithmetic3A_115, %add3A_555 : vector<16xi32>
          %add3A_557 = arith.constant 0 : i32
          %add3A_558 = vector.broadcast %add3A_557 : i32 to vector<16xi32>
          %add3A_559 = arith.addi %add3A_175, %add3A_558 : vector<16xi32>
          tpu.vector_store_idx %arg9[%add3A_556, %add3A_559], %gather3A_525 : memref<64x128xf32, #tpu.memory_space<vmem>>[vector<16xi32>, vector<16xi32>], vector<16xf32>,
          %add3A_560 = arith.constant 16 : i32
          %add3A_561 = vector.broadcast %add3A_560 : i32 to vector<16xi32>
          %add3A_562 = arith.addi %add3A_175, %add3A_561 : vector<16xi32>
          tpu.vector_store_idx %arg9[%add3A_556, %add3A_562], %gather3A_526 : memref<64x128xf32, #tpu.memory_space<vmem>>[vector<16xi32>, vector<16xi32>], vector<16xf32>,
          %add3A_563 = arith.constant 32 : i32
          %add3A_564 = vector.broadcast %add3A_563 : i32 to vector<16xi32>
          %add3A_565 = arith.addi %add3A_175, %add3A_564 : vector<16xi32>
          tpu.vector_store_idx %arg9[%add3A_556, %add3A_565], %gather3A_527 : memref<64x128xf32, #tpu.memory_space<vmem>>[vector<16xi32>, vector<16xi32>], vector<16xf32>,
          %add3A_566 = arith.constant 48 : i32
          %add3A_567 = vector.broadcast %add3A_566 : i32 to vector<16xi32>
          %add3A_568 = arith.addi %add3A_175, %add3A_567 : vector<16xi32>
          tpu.vector_store_idx %arg9[%add3A_556, %add3A_568], %gather3A_528 : memref<64x128xf32, #tpu.memory_space<vmem>>[vector<16xi32>, vector<16xi32>], vector<16xf32>,
          %mul3A_569 = arith.constant 16 : i32
          %mul3A_570 = arith.muli %mul3A_569, %scan3A_489 : i32
          %add3A_571 = vector.broadcast %mul3A_570 : i32 to vector<16xi32>
          %add3A_572 = arith.addi %and3A_41, %add3A_571 : vector<16xi32>
          %gather3A_573 = tpu.vector_load_idx %arg5[%add3A_3, %add3A_572] : memref<64x128xf32, #tpu.memory_space<vmem>>[vector<16xi32>, vector<16xi32>], vector<16xf32>,
          %gather3A_574 = tpu.vector_load_idx %arg5[%add3A_6, %add3A_572] : memref<64x128xf32, #tpu.memory_space<vmem>>[vector<16xi32>, vector<16xi32>], vector<16xf32>,
          %gather3A_575 = tpu.vector_load_idx %arg5[%add3A_9, %add3A_572] : memref<64x128xf32, #tpu.memory_space<vmem>>[vector<16xi32>, vector<16xi32>], vector<16xf32>,
          %gather3A_576 = tpu.vector_load_idx %arg5[%add3A_12, %add3A_572] : memref<64x128xf32, #tpu.memory_space<vmem>>[vector<16xi32>, vector<16xi32>], vector<16xf32>,
          %mul3A_577 = arith.constant 8 : i32
          %mul3A_578 = arith.muli %mul3A_577, %scan3A_489 : i32
          %add3A_579 = vector.broadcast %mul3A_578 : i32 to vector<16xi32>
          %add3A_580 = arith.addi %shift_right_arithmetic3A_118, %add3A_579 : vector<16xi32>
          %add3A_581 = arith.constant 0 : i32
          %add3A_582 = vector.broadcast %add3A_581 : i32 to vector<16xi32>
          %add3A_583 = arith.addi %add3A_182, %add3A_582 : vector<16xi32>
          tpu.vector_store_idx %arg9[%add3A_580, %add3A_583], %gather3A_549 : memref<64x128xf32, #tpu.memory_space<vmem>>[vector<16xi32>, vector<16xi32>], vector<16xf32>,
          %add3A_584 = arith.constant 16 : i32
          %add3A_585 = vector.broadcast %add3A_584 : i32 to vector<16xi32>
          %add3A_586 = arith.addi %add3A_182, %add3A_585 : vector<16xi32>
          tpu.vector_store_idx %arg9[%add3A_580, %add3A_586], %gather3A_550 : memref<64x128xf32, #tpu.memory_space<vmem>>[vector<16xi32>, vector<16xi32>], vector<16xf32>,
          %add3A_587 = arith.constant 32 : i32
          %add3A_588 = vector.broadcast %add3A_587 : i32 to vector<16xi32>
          %add3A_589 = arith.addi %add3A_182, %add3A_588 : vector<16xi32>
          tpu.vector_store_idx %arg9[%add3A_580, %add3A_589], %gather3A_551 : memref<64x128xf32, #tpu.memory_space<vmem>>[vector<16xi32>, vector<16xi32>], vector<16xf32>,
          %add3A_590 = arith.constant 48 : i32
          %add3A_591 = vector.broadcast %add3A_590 : i32 to vector<16xi32>
          %add3A_592 = arith.addi %add3A_182, %add3A_591 : vector<16xi32>
          tpu.vector_store_idx %arg9[%add3A_580, %add3A_592], %gather3A_552 : memref<64x128xf32, #tpu.memory_space<vmem>>[vector<16xi32>, vector<16xi32>], vector<16xf32>,
          %mul3A_593 = arith.constant 16 : i32
          %mul3A_594 = arith.muli %mul3A_593, %scan3A_489 : i32
          %add3A_595 = vector.broadcast %mul3A_594 : i32 to vector<16xi32>
          %add3A_596 = arith.addi %and3A_47, %add3A_595 : vector<16xi32>
          %gather3A_597 = tpu.vector_load_idx %arg5[%add3A_3, %add3A_596] : memref<64x128xf32, #tpu.memory_space<vmem>>[vector<16xi32>, vector<16xi32>], vector<16xf32>,
          %gather3A_598 = tpu.vector_load_idx %arg5[%add3A_6, %add3A_596] : memref<64x128xf32, #tpu.memory_space<vmem>>[vector<16xi32>, vector<16xi32>], vector<16xf32>,
          %gather3A_599 = tpu.vector_load_idx %arg5[%add3A_9, %add3A_596] : memref<64x128xf32, #tpu.memory_space<vmem>>[vector<16xi32>, vector<16xi32>], vector<16xf32>,
          %gather3A_600 = tpu.vector_load_idx %arg5[%add3A_12, %add3A_596] : memref<64x128xf32, #tpu.memory_space<vmem>>[vector<16xi32>, vector<16xi32>], vector<16xf32>,
          %mul3A_601 = arith.constant 8 : i32
          %mul3A_602 = arith.muli %mul3A_601, %scan3A_489 : i32
          %add3A_603 = vector.broadcast %mul3A_602 : i32 to vector<16xi32>
          %add3A_604 = arith.addi %shift_right_arithmetic3A_121, %add3A_603 : vector<16xi32>
          %add3A_605 = arith.constant 0 : i32
          %add3A_606 = vector.broadcast %add3A_605 : i32 to vector<16xi32>
          %add3A_607 = arith.addi %add3A_189, %add3A_606 : vector<16xi32>
          tpu.vector_store_idx %arg9[%add3A_604, %add3A_607], %gather3A_573 : memref<64x128xf32, #tpu.memory_space<vmem>>[vector<16xi32>, vector<16xi32>], vector<16xf32>,
          %add3A_608 = arith.constant 16 : i32
          %add3A_609 = vector.broadcast %add3A_608 : i32 to vector<16xi32>
          %add3A_610 = arith.addi %add3A_189, %add3A_609 : vector<16xi32>
          tpu.vector_store_idx %arg9[%add3A_604, %add3A_610], %gather3A_574 : memref<64x128xf32, #tpu.memory_space<vmem>>[vector<16xi32>, vector<16xi32>], vector<16xf32>,
          %add3A_611 = arith.constant 32 : i32
          %add3A_612 = vector.broadcast %add3A_611 : i32 to vector<16xi32>
          %add3A_613 = arith.addi %add3A_189, %add3A_612 : vector<16xi32>
          tpu.vector_store_idx %arg9[%add3A_604, %add3A_613], %gather3A_575 : memref<64x128xf32, #tpu.memory_space<vmem>>[vector<16xi32>, vector<16xi32>], vector<16xf32>,
          %add3A_614 = arith.constant 48 : i32
          %add3A_615 = vector.broadcast %add3A_614 : i32 to vector<16xi32>
          %add3A_616 = arith.addi %add3A_189, %add3A_615 : vector<16xi32>
          tpu.vector_store_idx %arg9[%add3A_604, %add3A_616], %gather3A_576 : memref<64x128xf32, #tpu.memory_space<vmem>>[vector<16xi32>, vector<16xi32>], vector<16xf32>,
          %mul3A_617 = arith.constant 16 : i32
          %mul3A_618 = arith.muli %mul3A_617, %scan3A_489 : i32
          %add3A_619 = vector.broadcast %mul3A_618 : i32 to vector<16xi32>
          %add3A_620 = arith.addi %and3A_53, %add3A_619 : vector<16xi32>
          %gather3A_621 = tpu.vector_load_idx %arg5[%add3A_3, %add3A_620] : memref<64x128xf32, #tpu.memory_space<vmem>>[vector<16xi32>, vector<16xi32>], vector<16xf32>,
          %gather3A_622 = tpu.vector_load_idx %arg5[%add3A_6, %add3A_620] : memref<64x128xf32, #tpu.memory_space<vmem>>[vector<16xi32>, vector<16xi32>], vector<16xf32>,
          %gather3A_623 = tpu.vector_load_idx %arg5[%add3A_9, %add3A_620] : memref<64x128xf32, #tpu.memory_space<vmem>>[vector<16xi32>, vector<16xi32>], vector<16xf32>,
          %gather3A_624 = tpu.vector_load_idx %arg5[%add3A_12, %add3A_620] : memref<64x128xf32, #tpu.memory_space<vmem>>[vector<16xi32>, vector<16xi32>], vector<16xf32>,
          %mul3A_625 = arith.constant 8 : i32
          %mul3A_626 = arith.muli %mul3A_625, %scan3A_489 : i32
          %add3A_627 = vector.broadcast %mul3A_626 : i32 to vector<16xi32>
          %add3A_628 = arith.addi %shift_right_arithmetic3A_124, %add3A_627 : vector<16xi32>
          %add3A_629 = arith.constant 0 : i32
          %add3A_630 = vector.broadcast %add3A_629 : i32 to vector<16xi32>
          %add3A_631 = arith.addi %add3A_196, %add3A_630 : vector<16xi32>
          tpu.vector_store_idx %arg9[%add3A_628, %add3A_631], %gather3A_597 : memref<64x128xf32, #tpu.memory_space<vmem>>[vector<16xi32>, vector<16xi32>], vector<16xf32>,
          %add3A_632 = arith.constant 16 : i32
          %add3A_633 = vector.broadcast %add3A_632 : i32 to vector<16xi32>
          %add3A_634 = arith.addi %add3A_196, %add3A_633 : vector<16xi32>
          tpu.vector_store_idx %arg9[%add3A_628, %add3A_634], %gather3A_598 : memref<64x128xf32, #tpu.memory_space<vmem>>[vector<16xi32>, vector<16xi32>], vector<16xf32>,
          %add3A_635 = arith.constant 32 : i32
          %add3A_636 = vector.broadcast %add3A_635 : i32 to vector<16xi32>
          %add3A_637 = arith.addi %add3A_196, %add3A_636 : vector<16xi32>
          tpu.vector_store_idx %arg9[%add3A_628, %add3A_637], %gather3A_599 : memref<64x128xf32, #tpu.memory_space<vmem>>[vector<16xi32>, vector<16xi32>], vector<16xf32>,
          %add3A_638 = arith.constant 48 : i32
          %add3A_639 = vector.broadcast %add3A_638 : i32 to vector<16xi32>
          %add3A_640 = arith.addi %add3A_196, %add3A_639 : vector<16xi32>
          tpu.vector_store_idx %arg9[%add3A_628, %add3A_640], %gather3A_600 : memref<64x128xf32, #tpu.memory_space<vmem>>[vector<16xi32>, vector<16xi32>], vector<16xf32>,
          %mul3A_641 = arith.constant 16 : i32
          %mul3A_642 = arith.muli %mul3A_641, %scan3A_489 : i32
          %add3A_643 = vector.broadcast %mul3A_642 : i32 to vector<16xi32>
          %add3A_644 = arith.addi %and3A_59, %add3A_643 : vector<16xi32>
          %gather3A_645 = tpu.vector_load_idx %arg5[%add3A_3, %add3A_644] : memref<64x128xf32, #tpu.memory_space<vmem>>[vector<16xi32>, vector<16xi32>], vector<16xf32>,
          %gather3A_646 = tpu.vector_load_idx %arg5[%add3A_6, %add3A_644] : memref<64x128xf32, #tpu.memory_space<vmem>>[vector<16xi32>, vector<16xi32>], vector<16xf32>,
          %gather3A_647 = tpu.vector_load_idx %arg5[%add3A_9, %add3A_644] : memref<64x128xf32, #tpu.memory_space<vmem>>[vector<16xi32>, vector<16xi32>], vector<16xf32>,
          %gather3A_648 = tpu.vector_load_idx %arg5[%add3A_12, %add3A_644] : memref<64x128xf32, #tpu.memory_space<vmem>>[vector<16xi32>, vector<16xi32>], vector<16xf32>,
          %mul3A_649 = arith.constant 8 : i32
          %mul3A_650 = arith.muli %mul3A_649, %scan3A_489 : i32
          %add3A_651 = vector.broadcast %mul3A_650 : i32 to vector<16xi32>
          %add3A_652 = arith.addi %shift_right_arithmetic3A_127, %add3A_651 : vector<16xi32>
          %add3A_653 = arith.constant 0 : i32
          %add3A_654 = vector.broadcast %add3A_653 : i32 to vector<16xi32>
          %add3A_655 = arith.addi %add3A_203, %add3A_654 : vector<16xi32>
          tpu.vector_store_idx %arg9[%add3A_652, %add3A_655], %gather3A_621 : memref<64x128xf32, #tpu.memory_space<vmem>>[vector<16xi32>, vector<16xi32>], vector<16xf32>,
          %add3A_656 = arith.constant 16 : i32
          %add3A_657 = vector.broadcast %add3A_656 : i32 to vector<16xi32>
          %add3A_658 = arith.addi %add3A_203, %add3A_657 : vector<16xi32>
          tpu.vector_store_idx %arg9[%add3A_652, %add3A_658], %gather3A_622 : memref<64x128xf32, #tpu.memory_space<vmem>>[vector<16xi32>, vector<16xi32>], vector<16xf32>,
          %add3A_659 = arith.constant 32 : i32
          %add3A_660 = vector.broadcast %add3A_659 : i32 to vector<16xi32>
          %add3A_661 = arith.addi %add3A_203, %add3A_660 : vector<16xi32>
          tpu.vector_store_idx %arg9[%add3A_652, %add3A_661], %gather3A_623 : memref<64x128xf32, #tpu.memory_space<vmem>>[vector<16xi32>, vector<16xi32>], vector<16xf32>,
          %add3A_662 = arith.constant 48 : i32
          %add3A_663 = vector.broadcast %add3A_662 : i32 to vector<16xi32>
          %add3A_664 = arith.addi %add3A_203, %add3A_663 : vector<16xi32>
          tpu.vector_store_idx %arg9[%add3A_652, %add3A_664], %gather3A_624 : memref<64x128xf32, #tpu.memory_space<vmem>>[vector<16xi32>, vector<16xi32>], vector<16xf32>,
          %mul3A_665 = arith.constant 16 : i32
          %mul3A_666 = arith.muli %mul3A_665, %scan3A_489 : i32
          %add3A_667 = vector.broadcast %mul3A_666 : i32 to vector<16xi32>
          %add3A_668 = arith.addi %and3A_65, %add3A_667 : vector<16xi32>
          %gather3A_669 = tpu.vector_load_idx %arg5[%add3A_3, %add3A_668] : memref<64x128xf32, #tpu.memory_space<vmem>>[vector<16xi32>, vector<16xi32>], vector<16xf32>,
          %gather3A_670 = tpu.vector_load_idx %arg5[%add3A_6, %add3A_668] : memref<64x128xf32, #tpu.memory_space<vmem>>[vector<16xi32>, vector<16xi32>], vector<16xf32>,
          %gather3A_671 = tpu.vector_load_idx %arg5[%add3A_9, %add3A_668] : memref<64x128xf32, #tpu.memory_space<vmem>>[vector<16xi32>, vector<16xi32>], vector<16xf32>,
          %gather3A_672 = tpu.vector_load_idx %arg5[%add3A_12, %add3A_668] : memref<64x128xf32, #tpu.memory_space<vmem>>[vector<16xi32>, vector<16xi32>], vector<16xf32>,
          %mul3A_673 = arith.constant 8 : i32
          %mul3A_674 = arith.muli %mul3A_673, %scan3A_489 : i32
          %add3A_675 = vector.broadcast %mul3A_674 : i32 to vector<16xi32>
          %add3A_676 = arith.addi %shift_right_arithmetic3A_130, %add3A_675 : vector<16xi32>
          %add3A_677 = arith.constant 0 : i32
          %add3A_678 = vector.broadcast %add3A_677 : i32 to vector<16xi32>
          %add3A_679 = arith.addi %add3A_210, %add3A_678 : vector<16xi32>
          tpu.vector_store_idx %arg9[%add3A_676, %add3A_679], %gather3A_645 : memref<64x128xf32, #tpu.memory_space<vmem>>[vector<16xi32>, vector<16xi32>], vector<16xf32>,
          %add3A_680 = arith.constant 16 : i32
          %add3A_681 = vector.broadcast %add3A_680 : i32 to vector<16xi32>
          %add3A_682 = arith.addi %add3A_210, %add3A_681 : vector<16xi32>
          tpu.vector_store_idx %arg9[%add3A_676, %add3A_682], %gather3A_646 : memref<64x128xf32, #tpu.memory_space<vmem>>[vector<16xi32>, vector<16xi32>], vector<16xf32>,
          %add3A_683 = arith.constant 32 : i32
          %add3A_684 = vector.broadcast %add3A_683 : i32 to vector<16xi32>
          %add3A_685 = arith.addi %add3A_210, %add3A_684 : vector<16xi32>
          tpu.vector_store_idx %arg9[%add3A_676, %add3A_685], %gather3A_647 : memref<64x128xf32, #tpu.memory_space<vmem>>[vector<16xi32>, vector<16xi32>], vector<16xf32>,
          %add3A_686 = arith.constant 48 : i32
          %add3A_687 = vector.broadcast %add3A_686 : i32 to vector<16xi32>
          %add3A_688 = arith.addi %add3A_210, %add3A_687 : vector<16xi32>
          tpu.vector_store_idx %arg9[%add3A_676, %add3A_688], %gather3A_648 : memref<64x128xf32, #tpu.memory_space<vmem>>[vector<16xi32>, vector<16xi32>], vector<16xf32>,
          %mul3A_689 = arith.constant 16 : i32
          %mul3A_690 = arith.muli %mul3A_689, %scan3A_489 : i32
          %add3A_691 = vector.broadcast %mul3A_690 : i32 to vector<16xi32>
          %add3A_692 = arith.addi %and3A_71, %add3A_691 : vector<16xi32>
          %gather3A_693 = tpu.vector_load_idx %arg5[%add3A_3, %add3A_692] : memref<64x128xf32, #tpu.memory_space<vmem>>[vector<16xi32>, vector<16xi32>], vector<16xf32>,
          %gather3A_694 = tpu.vector_load_idx %arg5[%add3A_6, %add3A_692] : memref<64x128xf32, #tpu.memory_space<vmem>>[vector<16xi32>, vector<16xi32>], vector<16xf32>,
          %gather3A_695 = tpu.vector_load_idx %arg5[%add3A_9, %add3A_692] : memref<64x128xf32, #tpu.memory_space<vmem>>[vector<16xi32>, vector<16xi32>], vector<16xf32>,
          %gather3A_696 = tpu.vector_load_idx %arg5[%add3A_12, %add3A_692] : memref<64x128xf32, #tpu.memory_space<vmem>>[vector<16xi32>, vector<16xi32>], vector<16xf32>,
          %mul3A_697 = arith.constant 8 : i32
          %mul3A_698 = arith.muli %mul3A_697, %scan3A_489 : i32
          %add3A_699 = vector.broadcast %mul3A_698 : i32 to vector<16xi32>
          %add3A_700 = arith.addi %shift_right_arithmetic3A_133, %add3A_699 : vector<16xi32>
          %add3A_701 = arith.constant 0 : i32
          %add3A_702 = vector.broadcast %add3A_701 : i32 to vector<16xi32>
          %add3A_703 = arith.addi %add3A_217, %add3A_702 : vector<16xi32>
          tpu.vector_store_idx %arg9[%add3A_700, %add3A_703], %gather3A_669 : memref<64x128xf32, #tpu.memory_space<vmem>>[vector<16xi32>, vector<16xi32>], vector<16xf32>,
          %add3A_704 = arith.constant 16 : i32
          %add3A_705 = vector.broadcast %add3A_704 : i32 to vector<16xi32>
          %add3A_706 = arith.addi %add3A_217, %add3A_705 : vector<16xi32>
          tpu.vector_store_idx %arg9[%add3A_700, %add3A_706], %gather3A_670 : memref<64x128xf32, #tpu.memory_space<vmem>>[vector<16xi32>, vector<16xi32>], vector<16xf32>,
          %add3A_707 = arith.constant 32 : i32
          %add3A_708 = vector.broadcast %add3A_707 : i32 to vector<16xi32>
          %add3A_709 = arith.addi %add3A_217, %add3A_708 : vector<16xi32>
          tpu.vector_store_idx %arg9[%add3A_700, %add3A_709], %gather3A_671 : memref<64x128xf32, #tpu.memory_space<vmem>>[vector<16xi32>, vector<16xi32>], vector<16xf32>,
          %add3A_710 = arith.constant 48 : i32
          %add3A_711 = vector.broadcast %add3A_710 : i32 to vector<16xi32>
          %add3A_712 = arith.addi %add3A_217, %add3A_711 : vector<16xi32>
          tpu.vector_store_idx %arg9[%add3A_700, %add3A_712], %gather3A_672 : memref<64x128xf32, #tpu.memory_space<vmem>>[vector<16xi32>, vector<16xi32>], vector<16xf32>,
          %mul3A_713 = arith.constant 16 : i32
          %mul3A_714 = arith.muli %mul3A_713, %scan3A_489 : i32
          %add3A_715 = vector.broadcast %mul3A_714 : i32 to vector<16xi32>
          %add3A_716 = arith.addi %and3A_77, %add3A_715 : vector<16xi32>
          %gather3A_717 = tpu.vector_load_idx %arg5[%add3A_3, %add3A_716] : memref<64x128xf32, #tpu.memory_space<vmem>>[vector<16xi32>, vector<16xi32>], vector<16xf32>,
          %gather3A_718 = tpu.vector_load_idx %arg5[%add3A_6, %add3A_716] : memref<64x128xf32, #tpu.memory_space<vmem>>[vector<16xi32>, vector<16xi32>], vector<16xf32>,
          %gather3A_719 = tpu.vector_load_idx %arg5[%add3A_9, %add3A_716] : memref<64x128xf32, #tpu.memory_space<vmem>>[vector<16xi32>, vector<16xi32>], vector<16xf32>,
          %gather3A_720 = tpu.vector_load_idx %arg5[%add3A_12, %add3A_716] : memref<64x128xf32, #tpu.memory_space<vmem>>[vector<16xi32>, vector<16xi32>], vector<16xf32>,
          %mul3A_721 = arith.constant 8 : i32
          %mul3A_722 = arith.muli %mul3A_721, %scan3A_489 : i32
          %add3A_723 = vector.broadcast %mul3A_722 : i32 to vector<16xi32>
          %add3A_724 = arith.addi %shift_right_arithmetic3A_136, %add3A_723 : vector<16xi32>
          %add3A_725 = arith.constant 0 : i32
          %add3A_726 = vector.broadcast %add3A_725 : i32 to vector<16xi32>
          %add3A_727 = arith.addi %add3A_224, %add3A_726 : vector<16xi32>
          tpu.vector_store_idx %arg9[%add3A_724, %add3A_727], %gather3A_693 : memref<64x128xf32, #tpu.memory_space<vmem>>[vector<16xi32>, vector<16xi32>], vector<16xf32>,
          %add3A_728 = arith.constant 16 : i32
          %add3A_729 = vector.broadcast %add3A_728 : i32 to vector<16xi32>
          %add3A_730 = arith.addi %add3A_224, %add3A_729 : vector<16xi32>
          tpu.vector_store_idx %arg9[%add3A_724, %add3A_730], %gather3A_694 : memref<64x128xf32, #tpu.memory_space<vmem>>[vector<16xi32>, vector<16xi32>], vector<16xf32>,
          %add3A_731 = arith.constant 32 : i32
          %add3A_732 = vector.broadcast %add3A_731 : i32 to vector<16xi32>
          %add3A_733 = arith.addi %add3A_224, %add3A_732 : vector<16xi32>
          tpu.vector_store_idx %arg9[%add3A_724, %add3A_733], %gather3A_695 : memref<64x128xf32, #tpu.memory_space<vmem>>[vector<16xi32>, vector<16xi32>], vector<16xf32>,
          %add3A_734 = arith.constant 48 : i32
          %add3A_735 = vector.broadcast %add3A_734 : i32 to vector<16xi32>
          %add3A_736 = arith.addi %add3A_224, %add3A_735 : vector<16xi32>
          tpu.vector_store_idx %arg9[%add3A_724, %add3A_736], %gather3A_696 : memref<64x128xf32, #tpu.memory_space<vmem>>[vector<16xi32>, vector<16xi32>], vector<16xf32>,
          %mul3A_737 = arith.constant 16 : i32
          %mul3A_738 = arith.muli %mul3A_737, %scan3A_489 : i32
          %add3A_739 = vector.broadcast %mul3A_738 : i32 to vector<16xi32>
          %add3A_740 = arith.addi %and3A_83, %add3A_739 : vector<16xi32>
          %gather3A_741 = tpu.vector_load_idx %arg5[%add3A_3, %add3A_740] : memref<64x128xf32, #tpu.memory_space<vmem>>[vector<16xi32>, vector<16xi32>], vector<16xf32>,
          %gather3A_742 = tpu.vector_load_idx %arg5[%add3A_6, %add3A_740] : memref<64x128xf32, #tpu.memory_space<vmem>>[vector<16xi32>, vector<16xi32>], vector<16xf32>,
          %gather3A_743 = tpu.vector_load_idx %arg5[%add3A_9, %add3A_740] : memref<64x128xf32, #tpu.memory_space<vmem>>[vector<16xi32>, vector<16xi32>], vector<16xf32>,
          %gather3A_744 = tpu.vector_load_idx %arg5[%add3A_12, %add3A_740] : memref<64x128xf32, #tpu.memory_space<vmem>>[vector<16xi32>, vector<16xi32>], vector<16xf32>,
          %mul3A_745 = arith.constant 8 : i32
          %mul3A_746 = arith.muli %mul3A_745, %scan3A_489 : i32
          %add3A_747 = vector.broadcast %mul3A_746 : i32 to vector<16xi32>
          %add3A_748 = arith.addi %shift_right_arithmetic3A_139, %add3A_747 : vector<16xi32>
          %add3A_749 = arith.constant 0 : i32
          %add3A_750 = vector.broadcast %add3A_749 : i32 to vector<16xi32>
          %add3A_751 = arith.addi %add3A_231, %add3A_750 : vector<16xi32>
          tpu.vector_store_idx %arg9[%add3A_748, %add3A_751], %gather3A_717 : memref<64x128xf32, #tpu.memory_space<vmem>>[vector<16xi32>, vector<16xi32>], vector<16xf32>,
          %add3A_752 = arith.constant 16 : i32
          %add3A_753 = vector.broadcast %add3A_752 : i32 to vector<16xi32>
          %add3A_754 = arith.addi %add3A_231, %add3A_753 : vector<16xi32>
          tpu.vector_store_idx %arg9[%add3A_748, %add3A_754], %gather3A_718 : memref<64x128xf32, #tpu.memory_space<vmem>>[vector<16xi32>, vector<16xi32>], vector<16xf32>,
          %add3A_755 = arith.constant 32 : i32
          %add3A_756 = vector.broadcast %add3A_755 : i32 to vector<16xi32>
          %add3A_757 = arith.addi %add3A_231, %add3A_756 : vector<16xi32>
          tpu.vector_store_idx %arg9[%add3A_748, %add3A_757], %gather3A_719 : memref<64x128xf32, #tpu.memory_space<vmem>>[vector<16xi32>, vector<16xi32>], vector<16xf32>,
          %add3A_758 = arith.constant 48 : i32
          %add3A_759 = vector.broadcast %add3A_758 : i32 to vector<16xi32>
          %add3A_760 = arith.addi %add3A_231, %add3A_759 : vector<16xi32>
          tpu.vector_store_idx %arg9[%add3A_748, %add3A_760], %gather3A_720 : memref<64x128xf32, #tpu.memory_space<vmem>>[vector<16xi32>, vector<16xi32>], vector<16xf32>,
          %mul3A_761 = arith.constant 16 : i32
          %mul3A_762 = arith.muli %mul3A_761, %scan3A_489 : i32
          %add3A_763 = vector.broadcast %mul3A_762 : i32 to vector<16xi32>
          %add3A_764 = arith.addi %and3A_89, %add3A_763 : vector<16xi32>
          %gather3A_765 = tpu.vector_load_idx %arg5[%add3A_3, %add3A_764] : memref<64x128xf32, #tpu.memory_space<vmem>>[vector<16xi32>, vector<16xi32>], vector<16xf32>,
          %gather3A_766 = tpu.vector_load_idx %arg5[%add3A_6, %add3A_764] : memref<64x128xf32, #tpu.memory_space<vmem>>[vector<16xi32>, vector<16xi32>], vector<16xf32>,
          %gather3A_767 = tpu.vector_load_idx %arg5[%add3A_9, %add3A_764] : memref<64x128xf32, #tpu.memory_space<vmem>>[vector<16xi32>, vector<16xi32>], vector<16xf32>,
          %gather3A_768 = tpu.vector_load_idx %arg5[%add3A_12, %add3A_764] : memref<64x128xf32, #tpu.memory_space<vmem>>[vector<16xi32>, vector<16xi32>], vector<16xf32>,
          %mul3A_769 = arith.constant 8 : i32
          %mul3A_770 = arith.muli %mul3A_769, %scan3A_489 : i32
          %add3A_771 = vector.broadcast %mul3A_770 : i32 to vector<16xi32>
          %add3A_772 = arith.addi %shift_right_arithmetic3A_142, %add3A_771 : vector<16xi32>
          %add3A_773 = arith.constant 0 : i32
          %add3A_774 = vector.broadcast %add3A_773 : i32 to vector<16xi32>
          %add3A_775 = arith.addi %add3A_238, %add3A_774 : vector<16xi32>
          tpu.vector_store_idx %arg9[%add3A_772, %add3A_775], %gather3A_741 : memref<64x128xf32, #tpu.memory_space<vmem>>[vector<16xi32>, vector<16xi32>], vector<16xf32>,
          %add3A_776 = arith.constant 16 : i32
          %add3A_777 = vector.broadcast %add3A_776 : i32 to vector<16xi32>
          %add3A_778 = arith.addi %add3A_238, %add3A_777 : vector<16xi32>
          tpu.vector_store_idx %arg9[%add3A_772, %add3A_778], %gather3A_742 : memref<64x128xf32, #tpu.memory_space<vmem>>[vector<16xi32>, vector<16xi32>], vector<16xf32>,
          %add3A_779 = arith.constant 32 : i32
          %add3A_780 = vector.broadcast %add3A_779 : i32 to vector<16xi32>
          %add3A_781 = arith.addi %add3A_238, %add3A_780 : vector<16xi32>
          tpu.vector_store_idx %arg9[%add3A_772, %add3A_781], %gather3A_743 : memref<64x128xf32, #tpu.memory_space<vmem>>[vector<16xi32>, vector<16xi32>], vector<16xf32>,
          %add3A_782 = arith.constant 48 : i32
          %add3A_783 = vector.broadcast %add3A_782 : i32 to vector<16xi32>
          %add3A_784 = arith.addi %add3A_238, %add3A_783 : vector<16xi32>
          tpu.vector_store_idx %arg9[%add3A_772, %add3A_784], %gather3A_744 : memref<64x128xf32, #tpu.memory_space<vmem>>[vector<16xi32>, vector<16xi32>], vector<16xf32>,
          %mul3A_785 = arith.constant 16 : i32
          %mul3A_786 = arith.muli %mul3A_785, %scan3A_489 : i32
          %add3A_787 = vector.broadcast %mul3A_786 : i32 to vector<16xi32>
          %add3A_788 = arith.addi %and3A_95, %add3A_787 : vector<16xi32>
          %gather3A_789 = tpu.vector_load_idx %arg5[%add3A_3, %add3A_788] : memref<64x128xf32, #tpu.memory_space<vmem>>[vector<16xi32>, vector<16xi32>], vector<16xf32>,
          %gather3A_790 = tpu.vector_load_idx %arg5[%add3A_6, %add3A_788] : memref<64x128xf32, #tpu.memory_space<vmem>>[vector<16xi32>, vector<16xi32>], vector<16xf32>,
          %gather3A_791 = tpu.vector_load_idx %arg5[%add3A_9, %add3A_788] : memref<64x128xf32, #tpu.memory_space<vmem>>[vector<16xi32>, vector<16xi32>], vector<16xf32>,
          %gather3A_792 = tpu.vector_load_idx %arg5[%add3A_12, %add3A_788] : memref<64x128xf32, #tpu.memory_space<vmem>>[vector<16xi32>, vector<16xi32>], vector<16xf32>,
          %mul3A_793 = arith.constant 8 : i32
          %mul3A_794 = arith.muli %mul3A_793, %scan3A_489 : i32
          %add3A_795 = vector.broadcast %mul3A_794 : i32 to vector<16xi32>
          %add3A_796 = arith.addi %shift_right_arithmetic3A_145, %add3A_795 : vector<16xi32>
          %add3A_797 = arith.constant 0 : i32
          %add3A_798 = vector.broadcast %add3A_797 : i32 to vector<16xi32>
          %add3A_799 = arith.addi %add3A_245, %add3A_798 : vector<16xi32>
          tpu.vector_store_idx %arg9[%add3A_796, %add3A_799], %gather3A_765 : memref<64x128xf32, #tpu.memory_space<vmem>>[vector<16xi32>, vector<16xi32>], vector<16xf32>,
          %add3A_800 = arith.constant 16 : i32
          %add3A_801 = vector.broadcast %add3A_800 : i32 to vector<16xi32>
          %add3A_802 = arith.addi %add3A_245, %add3A_801 : vector<16xi32>
          tpu.vector_store_idx %arg9[%add3A_796, %add3A_802], %gather3A_766 : memref<64x128xf32, #tpu.memory_space<vmem>>[vector<16xi32>, vector<16xi32>], vector<16xf32>,
          %add3A_803 = arith.constant 32 : i32
          %add3A_804 = vector.broadcast %add3A_803 : i32 to vector<16xi32>
          %add3A_805 = arith.addi %add3A_245, %add3A_804 : vector<16xi32>
          tpu.vector_store_idx %arg9[%add3A_796, %add3A_805], %gather3A_767 : memref<64x128xf32, #tpu.memory_space<vmem>>[vector<16xi32>, vector<16xi32>], vector<16xf32>,
          %add3A_806 = arith.constant 48 : i32
          %add3A_807 = vector.broadcast %add3A_806 : i32 to vector<16xi32>
          %add3A_808 = arith.addi %add3A_245, %add3A_807 : vector<16xi32>
          tpu.vector_store_idx %arg9[%add3A_796, %add3A_808], %gather3A_768 : memref<64x128xf32, #tpu.memory_space<vmem>>[vector<16xi32>, vector<16xi32>], vector<16xf32>,
          %mul3A_809 = arith.constant 16 : i32
          %mul3A_810 = arith.muli %mul3A_809, %scan3A_489 : i32
          %add3A_811 = vector.broadcast %mul3A_810 : i32 to vector<16xi32>
          %add3A_812 = arith.addi %and3A_101, %add3A_811 : vector<16xi32>
          %gather3A_813 = tpu.vector_load_idx %arg5[%add3A_3, %add3A_812] : memref<64x128xf32, #tpu.memory_space<vmem>>[vector<16xi32>, vector<16xi32>], vector<16xf32>,
          %gather3A_814 = tpu.vector_load_idx %arg5[%add3A_6, %add3A_812] : memref<64x128xf32, #tpu.memory_space<vmem>>[vector<16xi32>, vector<16xi32>], vector<16xf32>,
          %gather3A_815 = tpu.vector_load_idx %arg5[%add3A_9, %add3A_812] : memref<64x128xf32, #tpu.memory_space<vmem>>[vector<16xi32>, vector<16xi32>], vector<16xf32>,
          %gather3A_816 = tpu.vector_load_idx %arg5[%add3A_12, %add3A_812] : memref<64x128xf32, #tpu.memory_space<vmem>>[vector<16xi32>, vector<16xi32>], vector<16xf32>,
          %mul3A_817 = arith.constant 8 : i32
          %mul3A_818 = arith.muli %mul3A_817, %scan3A_489 : i32
          %add3A_819 = vector.broadcast %mul3A_818 : i32 to vector<16xi32>
          %add3A_820 = arith.addi %shift_right_arithmetic3A_148, %add3A_819 : vector<16xi32>
          %add3A_821 = arith.constant 0 : i32
          %add3A_822 = vector.broadcast %add3A_821 : i32 to vector<16xi32>
          %add3A_823 = arith.addi %add3A_252, %add3A_822 : vector<16xi32>
          tpu.vector_store_idx %arg9[%add3A_820, %add3A_823], %gather3A_789 : memref<64x128xf32, #tpu.memory_space<vmem>>[vector<16xi32>, vector<16xi32>], vector<16xf32>,
          %add3A_824 = arith.constant 16 : i32
          %add3A_825 = vector.broadcast %add3A_824 : i32 to vector<16xi32>
          %add3A_826 = arith.addi %add3A_252, %add3A_825 : vector<16xi32>
          tpu.vector_store_idx %arg9[%add3A_820, %add3A_826], %gather3A_790 : memref<64x128xf32, #tpu.memory_space<vmem>>[vector<16xi32>, vector<16xi32>], vector<16xf32>,
          %add3A_827 = arith.constant 32 : i32
          %add3A_828 = vector.broadcast %add3A_827 : i32 to vector<16xi32>
          %add3A_829 = arith.addi %add3A_252, %add3A_828 : vector<16xi32>
          tpu.vector_store_idx %arg9[%add3A_820, %add3A_829], %gather3A_791 : memref<64x128xf32, #tpu.memory_space<vmem>>[vector<16xi32>, vector<16xi32>], vector<16xf32>,
          %add3A_830 = arith.constant 48 : i32
          %add3A_831 = vector.broadcast %add3A_830 : i32 to vector<16xi32>
          %add3A_832 = arith.addi %add3A_252, %add3A_831 : vector<16xi32>
          tpu.vector_store_idx %arg9[%add3A_820, %add3A_832], %gather3A_792 : memref<64x128xf32, #tpu.memory_space<vmem>>[vector<16xi32>, vector<16xi32>], vector<16xf32>,
          %mul3A_833 = arith.constant 16 : i32
          %mul3A_834 = arith.muli %mul3A_833, %scan3A_489 : i32
          %add3A_835 = vector.broadcast %mul3A_834 : i32 to vector<16xi32>
          %add3A_836 = arith.addi %and3A_107, %add3A_835 : vector<16xi32>
          %gather3A_837 = tpu.vector_load_idx %arg5[%add3A_3, %add3A_836] : memref<64x128xf32, #tpu.memory_space<vmem>>[vector<16xi32>, vector<16xi32>], vector<16xf32>,
          %gather3A_838 = tpu.vector_load_idx %arg5[%add3A_6, %add3A_836] : memref<64x128xf32, #tpu.memory_space<vmem>>[vector<16xi32>, vector<16xi32>], vector<16xf32>,
          %gather3A_839 = tpu.vector_load_idx %arg5[%add3A_9, %add3A_836] : memref<64x128xf32, #tpu.memory_space<vmem>>[vector<16xi32>, vector<16xi32>], vector<16xf32>,
          %gather3A_840 = tpu.vector_load_idx %arg5[%add3A_12, %add3A_836] : memref<64x128xf32, #tpu.memory_space<vmem>>[vector<16xi32>, vector<16xi32>], vector<16xf32>,
          %mul3A_841 = arith.constant 8 : i32
          %mul3A_842 = arith.muli %mul3A_841, %scan3A_489 : i32
          %add3A_843 = vector.broadcast %mul3A_842 : i32 to vector<16xi32>
          %add3A_844 = arith.addi %shift_right_arithmetic3A_151, %add3A_843 : vector<16xi32>
          %add3A_845 = arith.constant 0 : i32
          %add3A_846 = vector.broadcast %add3A_845 : i32 to vector<16xi32>
          %add3A_847 = arith.addi %add3A_259, %add3A_846 : vector<16xi32>
          tpu.vector_store_idx %arg9[%add3A_844, %add3A_847], %gather3A_813 : memref<64x128xf32, #tpu.memory_space<vmem>>[vector<16xi32>, vector<16xi32>], vector<16xf32>,
          %add3A_848 = arith.constant 16 : i32
          %add3A_849 = vector.broadcast %add3A_848 : i32 to vector<16xi32>
          %add3A_850 = arith.addi %add3A_259, %add3A_849 : vector<16xi32>
          tpu.vector_store_idx %arg9[%add3A_844, %add3A_850], %gather3A_814 : memref<64x128xf32, #tpu.memory_space<vmem>>[vector<16xi32>, vector<16xi32>], vector<16xf32>,
          %add3A_851 = arith.constant 32 : i32
          %add3A_852 = vector.broadcast %add3A_851 : i32 to vector<16xi32>
          %add3A_853 = arith.addi %add3A_259, %add3A_852 : vector<16xi32>
          tpu.vector_store_idx %arg9[%add3A_844, %add3A_853], %gather3A_815 : memref<64x128xf32, #tpu.memory_space<vmem>>[vector<16xi32>, vector<16xi32>], vector<16xf32>,
          %add3A_854 = arith.constant 48 : i32
          %add3A_855 = vector.broadcast %add3A_854 : i32 to vector<16xi32>
          %add3A_856 = arith.addi %add3A_259, %add3A_855 : vector<16xi32>
          tpu.vector_store_idx %arg9[%add3A_844, %add3A_856], %gather3A_816 : memref<64x128xf32, #tpu.memory_space<vmem>>[vector<16xi32>, vector<16xi32>], vector<16xf32>,
          %mul3A_857 = arith.constant 8 : i32
          %mul3A_858 = arith.muli %mul3A_857, %scan3A_489 : i32
          %add3A_859 = vector.broadcast %mul3A_858 : i32 to vector<16xi32>
          %add3A_860 = arith.addi %shift_right_arithmetic3A_154, %add3A_859 : vector<16xi32>
          %add3A_861 = arith.constant 0 : i32
          %add3A_862 = vector.broadcast %add3A_861 : i32 to vector<16xi32>
          %add3A_863 = arith.addi %add3A_266, %add3A_862 : vector<16xi32>
          tpu.vector_store_idx %arg9[%add3A_860, %add3A_863], %gather3A_837 : memref<64x128xf32, #tpu.memory_space<vmem>>[vector<16xi32>, vector<16xi32>], vector<16xf32>,
          %add3A_864 = arith.constant 16 : i32
          %add3A_865 = vector.broadcast %add3A_864 : i32 to vector<16xi32>
          %add3A_866 = arith.addi %add3A_266, %add3A_865 : vector<16xi32>
          tpu.vector_store_idx %arg9[%add3A_860, %add3A_866], %gather3A_838 : memref<64x128xf32, #tpu.memory_space<vmem>>[vector<16xi32>, vector<16xi32>], vector<16xf32>,
          %add3A_867 = arith.constant 32 : i32
          %add3A_868 = vector.broadcast %add3A_867 : i32 to vector<16xi32>
          %add3A_869 = arith.addi %add3A_266, %add3A_868 : vector<16xi32>
          tpu.vector_store_idx %arg9[%add3A_860, %add3A_869], %gather3A_839 : memref<64x128xf32, #tpu.memory_space<vmem>>[vector<16xi32>, vector<16xi32>], vector<16xf32>,
          %add3A_870 = arith.constant 48 : i32
          %add3A_871 = vector.broadcast %add3A_870 : i32 to vector<16xi32>
          %add3A_872 = arith.addi %add3A_266, %add3A_871 : vector<16xi32>
          tpu.vector_store_idx %arg9[%add3A_860, %add3A_872], %gather3A_840 : memref<64x128xf32, #tpu.memory_space<vmem>>[vector<16xi32>, vector<16xi32>], vector<16xf32>,
        }
        %scan3A_464 = arith.constant 8 : i32
        %semaphore_signal3A_465 = arith.constant 1 : i32
        tpu.sem_signal %arg21, %semaphore_signal3A_465 : memref<!tpu.semaphore, #tpu.memory_space<semaphore_mem>>
        %semaphore_wait3A_466 = arith.constant 1 : i32
        %semaphore_wait3A_467 = arith.constant true
        tpu.sem_wait %arg21, %semaphore_wait3A_466 : memref<!tpu.semaphore, #tpu.memory_space<semaphore_mem>>
        %jit3A = arith.constant 2 : i32
        %div3A = arith.divsi %multiple_of3A_345, %jit3A : i32
        %sign3A = arith.constant 0 : i32
        %sign3A_468 = arith.cmpi sgt, %multiple_of3A_345, %sign3A : i32
        %sign3A_469 = arith.extui %sign3A_468 : i1 to i32
        %sign3A_470 = arith.constant 0 : i32
        %sign3A_471 = arith.cmpi slt, %multiple_of3A_345, %sign3A_470 : i32
        %sign3A_472 = arith.extui %sign3A_471 : i1 to i32
        %sign3A_473 = arith.subi %sign3A_469, %sign3A_472 : i32
        %sign3A_474 = arith.constant 0 : i32
        %sign3A_475 = arith.cmpi sgt, %jit3A, %sign3A_474 : i32
        %sign3A_476 = arith.extui %sign3A_475 : i1 to i32
        %sign3A_477 = arith.constant 0 : i32
        %sign3A_478 = arith.cmpi slt, %jit3A, %sign3A_477 : i32
        %sign3A_479 = arith.extui %sign3A_478 : i1 to i32
        %sign3A_480 = arith.subi %sign3A_476, %sign3A_479 : i32
        %ne3A = arith.cmpi ne, %sign3A_473, %sign3A_480 : i32
        %rem3A = arith.remsi %multiple_of3A_345, %jit3A : i32
        %ne3A_481 = arith.constant 0 : i32
        %ne3A_482 = arith.cmpi ne, %rem3A, %ne3A_481 : i32
        %and3A_483 = arith.andi %ne3A, %ne3A_482 : i1
        %sub3A = arith.constant 1 : i32
        %sub3A_484 = arith.subi %div3A, %sub3A : i32
        %select_n3A = arith.select %and3A_483, %sub3A_484, %div3A : i32
        %multiple_of3A_485 = tpu.assume_multiple %select_n3A, 64 : i32
        %dma_start3A = arith.constant 0 : i32
        %dma_start3A_486 = tpu.memref_slice %arg4[%multiple_of3A_485, %dma_start3A] : memref<500000x128xf32, #tpu.memory_space<hbm>> -> memref<64x128xf32, #tpu.memory_space<hbm>>
        %dma_start3A_487 = arith.constant 0 : i32
        %dma_start3A_488 = tpu.memref_slice %arg4[%multiple_of3A_485, %dma_start3A_487] : memref<500000x128xf32, #tpu.memory_space<hbm>> -> memref<64x128xf32, #tpu.memory_space<hbm>>
        tpu.enqueue_dma source(%arg9 : memref<64x128xf32, #tpu.memory_space<vmem>>) target(%dma_start3A_488 : memref<64x128xf32, #tpu.memory_space<hbm>>) target_semaphore(%arg17 : memref<!tpu.dma_semaphore, #tpu.memory_space<semaphore_mem>>)
      } else {
      }
      %convert_element_type3A_361 = arith.extui %lt3A_357 : i1 to i32
      %cond3A_362 = arith.constant 0 : i32
      %cond3A_363 = arith.cmpi ne, %convert_element_type3A_361, %cond3A_362 : i32
      scf.if %cond3A_363 {
        %dma_start3A = arith.constant 0 : i32
        %dma_start3A_448 = tpu.memref_slice %arg2[%dma_start3A, %multiple_of3A_355] : memref<64x1000000xf32, #tpu.memory_space<hbm>> -> memref<64x128xf32, #tpu.memory_space<hbm>>
        %dma_start3A_449 = arith.constant 0 : i32
        %dma_start3A_450 = tpu.memref_slice %arg2[%dma_start3A_449, %multiple_of3A_355] : memref<64x1000000xf32, #tpu.memory_space<hbm>> -> memref<64x128xf32, #tpu.memory_space<hbm>>
        tpu.enqueue_dma source(%dma_start3A_450 : memref<64x128xf32, #tpu.memory_space<hbm>>) target(%arg5 : memref<64x128xf32, #tpu.memory_space<vmem>>) target_semaphore(%arg13 : memref<!tpu.dma_semaphore, #tpu.memory_space<semaphore_mem>>)
      } else {
      }
      %mul3A_364 = arith.constant 4 : i32
      %mul3A_365 = arith.muli %mul3A_364, %scan3A_335 : i32
      %add3A_366 = arith.constant 1 : i32
      %add3A_367 = arith.addi %mul3A_365, %add3A_366 : i32
      %mul3A_368 = arith.constant 32 : i32
      %mul3A_369 = arith.muli %mul3A_368, %add3A_367 : i32
      %add3A_370 = arith.addi %add3A, %mul3A_369 : i32
      %mul3A_371 = arith.constant 128 : i32
      %mul3A_372 = arith.muli %add3A_370, %mul3A_371 : i32
      %multiple_of3A_373 = tpu.assume_multiple %mul3A_372, 128 : i32
      %lt3A_374 = arith.constant 7812 : i32
      %lt3A_375 = arith.cmpi slt, %add3A_370, %lt3A_374 : i32
      %add3A_376 = arith.constant 4 : i32
      %add3A_377 = arith.addi %add3A_367, %add3A_376 : i32
      %mul3A_378 = arith.constant 32 : i32
      %mul3A_379 = arith.muli %mul3A_378, %add3A_377 : i32
      %add3A_380 = arith.addi %add3A, %mul3A_379 : i32
      %mul3A_381 = arith.constant 128 : i32
      %mul3A_382 = arith.muli %add3A_380, %mul3A_381 : i32
      %multiple_of3A_383 = tpu.assume_multiple %mul3A_382, 128 : i32
      %lt3A_384 = arith.constant 7812 : i32
      %lt3A_385 = arith.cmpi slt, %add3A_380, %lt3A_384 : i32
      %convert_element_type3A_386 = arith.extui %lt3A_375 : i1 to i32
      %cond3A_387 = arith.constant 0 : i32
      %cond3A_388 = arith.cmpi ne, %convert_element_type3A_386, %cond3A_387 : i32
      scf.if %cond3A_388 {
        %dma_wait3A_448 = arith.constant 0 : i32
        %dma_wait3A_449 = arith.constant 0 : i32
        %dma_wait3A_450 = tpu.memref_slice %arg2[%dma_wait3A_448, %dma_wait3A_449] : memref<64x1000000xf32, #tpu.memory_space<hbm>> -> memref<64x128xf32, #tpu.memory_space<hbm>>
        %dma_wait3A_451 = arith.constant 0 : i32
        %dma_wait3A_452 = arith.constant 0 : i32
        %dma_wait3A_453 = tpu.memref_slice %arg2[%dma_wait3A_451, %dma_wait3A_452] : memref<64x1000000xf32, #tpu.memory_space<hbm>> -> memref<64x128xf32, #tpu.memory_space<hbm>>
        tpu.wait_dma2 semaphore(%arg14 : memref<!tpu.dma_semaphore, #tpu.memory_space<semaphore_mem>>) src(%dma_wait3A_453 : memref<64x128xf32, #tpu.memory_space<hbm>>) dst(%arg6 : memref<64x128xf32, #tpu.memory_space<vmem>>)
        %ge3A = arith.constant 4 : i32
        %ge3A_454 = arith.cmpi sge, %add3A_367, %ge3A : i32
        %convert_element_type3A_455 = arith.extui %ge3A_454 : i1 to i32
        %cond3A_456 = arith.constant 0 : i32
        %cond3A_457 = arith.cmpi ne, %convert_element_type3A_455, %cond3A_456 : i32
        scf.if %cond3A_457 {
          %dma_wait3A_489 = arith.constant 0 : i32
          %dma_wait3A_490 = arith.constant 0 : i32
          %dma_wait3A_491 = tpu.memref_slice %arg4[%dma_wait3A_489, %dma_wait3A_490] : memref<500000x128xf32, #tpu.memory_space<hbm>> -> memref<64x128xf32, #tpu.memory_space<hbm>>
          %dma_wait3A_492 = arith.constant 0 : i32
          %dma_wait3A_493 = arith.constant 0 : i32
          %dma_wait3A_494 = tpu.memref_slice %arg4[%dma_wait3A_492, %dma_wait3A_493] : memref<500000x128xf32, #tpu.memory_space<hbm>> -> memref<64x128xf32, #tpu.memory_space<hbm>>
          tpu.wait_dma2 semaphore(%arg18 : memref<!tpu.dma_semaphore, #tpu.memory_space<semaphore_mem>>) src(%arg10 : memref<64x128xf32, #tpu.memory_space<vmem>>) dst(%dma_wait3A_494 : memref<64x128xf32, #tpu.memory_space<hbm>>)
        } else {
        }
        %semaphore_signal3A = arith.constant 1 : i32
        tpu.sem_signal %arg21, %semaphore_signal3A : memref<!tpu.semaphore, #tpu.memory_space<semaphore_mem>>
        %semaphore_wait3A = arith.constant 1 : i32
        %semaphore_wait3A_458 = arith.constant true
        tpu.sem_wait %arg21, %semaphore_wait3A : memref<!tpu.semaphore, #tpu.memory_space<semaphore_mem>>
        %scan3A_459 = arith.constant 0 : i32
        %scan3A_460 = arith.constant 0 : i32
        %scan3A_461 = arith.constant 8 : i32
        %scan3A_462 = arith.addi %scan3A_460, %scan3A_461 : i32
        %scan3A_463 = arith.constant 1 : i32
        scf.for %scan3A_489 = %scan3A_460 to %scan3A_462 step %scan3A_463  : i32 {
          %mul3A_490 = arith.constant 16 : i32
          %mul3A_491 = arith.muli %mul3A_490, %scan3A_489 : i32
          %add3A_492 = vector.broadcast %mul3A_491 : i32 to vector<16xi32>
          %add3A_493 = arith.addi %and3A_17, %add3A_492 : vector<16xi32>
          %gather3A = tpu.vector_load_idx %arg6[%add3A_3, %add3A_493] : memref<64x128xf32, #tpu.memory_space<vmem>>[vector<16xi32>, vector<16xi32>], vector<16xf32>,
          %gather3A_494 = tpu.vector_load_idx %arg6[%add3A_6, %add3A_493] : memref<64x128xf32, #tpu.memory_space<vmem>>[vector<16xi32>, vector<16xi32>], vector<16xf32>,
          %gather3A_495 = tpu.vector_load_idx %arg6[%add3A_9, %add3A_493] : memref<64x128xf32, #tpu.memory_space<vmem>>[vector<16xi32>, vector<16xi32>], vector<16xf32>,
          %gather3A_496 = tpu.vector_load_idx %arg6[%add3A_12, %add3A_493] : memref<64x128xf32, #tpu.memory_space<vmem>>[vector<16xi32>, vector<16xi32>], vector<16xf32>,
          %mul3A_497 = arith.constant 16 : i32
          %mul3A_498 = arith.muli %mul3A_497, %scan3A_489 : i32
          %add3A_499 = vector.broadcast %mul3A_498 : i32 to vector<16xi32>
          %add3A_500 = arith.addi %and3A_23, %add3A_499 : vector<16xi32>
          %gather3A_501 = tpu.vector_load_idx %arg6[%add3A_3, %add3A_500] : memref<64x128xf32, #tpu.memory_space<vmem>>[vector<16xi32>, vector<16xi32>], vector<16xf32>,
          %gather3A_502 = tpu.vector_load_idx %arg6[%add3A_6, %add3A_500] : memref<64x128xf32, #tpu.memory_space<vmem>>[vector<16xi32>, vector<16xi32>], vector<16xf32>,
          %gather3A_503 = tpu.vector_load_idx %arg6[%add3A_9, %add3A_500] : memref<64x128xf32, #tpu.memory_space<vmem>>[vector<16xi32>, vector<16xi32>], vector<16xf32>,
          %gather3A_504 = tpu.vector_load_idx %arg6[%add3A_12, %add3A_500] : memref<64x128xf32, #tpu.memory_space<vmem>>[vector<16xi32>, vector<16xi32>], vector<16xf32>,
          %mul3A_505 = arith.constant 8 : i32
          %mul3A_506 = arith.muli %mul3A_505, %scan3A_489 : i32
          %add3A_507 = vector.broadcast %mul3A_506 : i32 to vector<16xi32>
          %add3A_508 = arith.addi %shift_right_arithmetic3A_109, %add3A_507 : vector<16xi32>
          %add3A_509 = arith.constant 0 : i32
          %add3A_510 = vector.broadcast %add3A_509 : i32 to vector<16xi32>
          %add3A_511 = arith.addi %add3A_161, %add3A_510 : vector<16xi32>
          tpu.vector_store_idx %arg10[%add3A_508, %add3A_511], %gather3A : memref<64x128xf32, #tpu.memory_space<vmem>>[vector<16xi32>, vector<16xi32>], vector<16xf32>,
          %add3A_512 = arith.constant 16 : i32
          %add3A_513 = vector.broadcast %add3A_512 : i32 to vector<16xi32>
          %add3A_514 = arith.addi %add3A_161, %add3A_513 : vector<16xi32>
          tpu.vector_store_idx %arg10[%add3A_508, %add3A_514], %gather3A_494 : memref<64x128xf32, #tpu.memory_space<vmem>>[vector<16xi32>, vector<16xi32>], vector<16xf32>,
          %add3A_515 = arith.constant 32 : i32
          %add3A_516 = vector.broadcast %add3A_515 : i32 to vector<16xi32>
          %add3A_517 = arith.addi %add3A_161, %add3A_516 : vector<16xi32>
          tpu.vector_store_idx %arg10[%add3A_508, %add3A_517], %gather3A_495 : memref<64x128xf32, #tpu.memory_space<vmem>>[vector<16xi32>, vector<16xi32>], vector<16xf32>,
          %add3A_518 = arith.constant 48 : i32
          %add3A_519 = vector.broadcast %add3A_518 : i32 to vector<16xi32>
          %add3A_520 = arith.addi %add3A_161, %add3A_519 : vector<16xi32>
          tpu.vector_store_idx %arg10[%add3A_508, %add3A_520], %gather3A_496 : memref<64x128xf32, #tpu.memory_space<vmem>>[vector<16xi32>, vector<16xi32>], vector<16xf32>,
          %mul3A_521 = arith.constant 16 : i32
          %mul3A_522 = arith.muli %mul3A_521, %scan3A_489 : i32
          %add3A_523 = vector.broadcast %mul3A_522 : i32 to vector<16xi32>
          %add3A_524 = arith.addi %and3A_29, %add3A_523 : vector<16xi32>
          %gather3A_525 = tpu.vector_load_idx %arg6[%add3A_3, %add3A_524] : memref<64x128xf32, #tpu.memory_space<vmem>>[vector<16xi32>, vector<16xi32>], vector<16xf32>,
          %gather3A_526 = tpu.vector_load_idx %arg6[%add3A_6, %add3A_524] : memref<64x128xf32, #tpu.memory_space<vmem>>[vector<16xi32>, vector<16xi32>], vector<16xf32>,
          %gather3A_527 = tpu.vector_load_idx %arg6[%add3A_9, %add3A_524] : memref<64x128xf32, #tpu.memory_space<vmem>>[vector<16xi32>, vector<16xi32>], vector<16xf32>,
          %gather3A_528 = tpu.vector_load_idx %arg6[%add3A_12, %add3A_524] : memref<64x128xf32, #tpu.memory_space<vmem>>[vector<16xi32>, vector<16xi32>], vector<16xf32>,
          %mul3A_529 = arith.constant 8 : i32
          %mul3A_530 = arith.muli %mul3A_529, %scan3A_489 : i32
          %add3A_531 = vector.broadcast %mul3A_530 : i32 to vector<16xi32>
          %add3A_532 = arith.addi %shift_right_arithmetic3A_112, %add3A_531 : vector<16xi32>
          %add3A_533 = arith.constant 0 : i32
          %add3A_534 = vector.broadcast %add3A_533 : i32 to vector<16xi32>
          %add3A_535 = arith.addi %add3A_168, %add3A_534 : vector<16xi32>
          tpu.vector_store_idx %arg10[%add3A_532, %add3A_535], %gather3A_501 : memref<64x128xf32, #tpu.memory_space<vmem>>[vector<16xi32>, vector<16xi32>], vector<16xf32>,
          %add3A_536 = arith.constant 16 : i32
          %add3A_537 = vector.broadcast %add3A_536 : i32 to vector<16xi32>
          %add3A_538 = arith.addi %add3A_168, %add3A_537 : vector<16xi32>
          tpu.vector_store_idx %arg10[%add3A_532, %add3A_538], %gather3A_502 : memref<64x128xf32, #tpu.memory_space<vmem>>[vector<16xi32>, vector<16xi32>], vector<16xf32>,
          %add3A_539 = arith.constant 32 : i32
          %add3A_540 = vector.broadcast %add3A_539 : i32 to vector<16xi32>
          %add3A_541 = arith.addi %add3A_168, %add3A_540 : vector<16xi32>
          tpu.vector_store_idx %arg10[%add3A_532, %add3A_541], %gather3A_503 : memref<64x128xf32, #tpu.memory_space<vmem>>[vector<16xi32>, vector<16xi32>], vector<16xf32>,
          %add3A_542 = arith.constant 48 : i32
          %add3A_543 = vector.broadcast %add3A_542 : i32 to vector<16xi32>
          %add3A_544 = arith.addi %add3A_168, %add3A_543 : vector<16xi32>
          tpu.vector_store_idx %arg10[%add3A_532, %add3A_544], %gather3A_504 : memref<64x128xf32, #tpu.memory_space<vmem>>[vector<16xi32>, vector<16xi32>], vector<16xf32>,
          %mul3A_545 = arith.constant 16 : i32
          %mul3A_546 = arith.muli %mul3A_545, %scan3A_489 : i32
          %add3A_547 = vector.broadcast %mul3A_546 : i32 to vector<16xi32>
          %add3A_548 = arith.addi %and3A_35, %add3A_547 : vector<16xi32>
          %gather3A_549 = tpu.vector_load_idx %arg6[%add3A_3, %add3A_548] : memref<64x128xf32, #tpu.memory_space<vmem>>[vector<16xi32>, vector<16xi32>], vector<16xf32>,
          %gather3A_550 = tpu.vector_load_idx %arg6[%add3A_6, %add3A_548] : memref<64x128xf32, #tpu.memory_space<vmem>>[vector<16xi32>, vector<16xi32>], vector<16xf32>,
          %gather3A_551 = tpu.vector_load_idx %arg6[%add3A_9, %add3A_548] : memref<64x128xf32, #tpu.memory_space<vmem>>[vector<16xi32>, vector<16xi32>], vector<16xf32>,
          %gather3A_552 = tpu.vector_load_idx %arg6[%add3A_12, %add3A_548] : memref<64x128xf32, #tpu.memory_space<vmem>>[vector<16xi32>, vector<16xi32>], vector<16xf32>,
          %mul3A_553 = arith.constant 8 : i32
          %mul3A_554 = arith.muli %mul3A_553, %scan3A_489 : i32
          %add3A_555 = vector.broadcast %mul3A_554 : i32 to vector<16xi32>
          %add3A_556 = arith.addi %shift_right_arithmetic3A_115, %add3A_555 : vector<16xi32>
          %add3A_557 = arith.constant 0 : i32
          %add3A_558 = vector.broadcast %add3A_557 : i32 to vector<16xi32>
          %add3A_559 = arith.addi %add3A_175, %add3A_558 : vector<16xi32>
          tpu.vector_store_idx %arg10[%add3A_556, %add3A_559], %gather3A_525 : memref<64x128xf32, #tpu.memory_space<vmem>>[vector<16xi32>, vector<16xi32>], vector<16xf32>,
          %add3A_560 = arith.constant 16 : i32
          %add3A_561 = vector.broadcast %add3A_560 : i32 to vector<16xi32>
          %add3A_562 = arith.addi %add3A_175, %add3A_561 : vector<16xi32>
          tpu.vector_store_idx %arg10[%add3A_556, %add3A_562], %gather3A_526 : memref<64x128xf32, #tpu.memory_space<vmem>>[vector<16xi32>, vector<16xi32>], vector<16xf32>,
          %add3A_563 = arith.constant 32 : i32
          %add3A_564 = vector.broadcast %add3A_563 : i32 to vector<16xi32>
          %add3A_565 = arith.addi %add3A_175, %add3A_564 : vector<16xi32>
          tpu.vector_store_idx %arg10[%add3A_556, %add3A_565], %gather3A_527 : memref<64x128xf32, #tpu.memory_space<vmem>>[vector<16xi32>, vector<16xi32>], vector<16xf32>,
          %add3A_566 = arith.constant 48 : i32
          %add3A_567 = vector.broadcast %add3A_566 : i32 to vector<16xi32>
          %add3A_568 = arith.addi %add3A_175, %add3A_567 : vector<16xi32>
          tpu.vector_store_idx %arg10[%add3A_556, %add3A_568], %gather3A_528 : memref<64x128xf32, #tpu.memory_space<vmem>>[vector<16xi32>, vector<16xi32>], vector<16xf32>,
          %mul3A_569 = arith.constant 16 : i32
          %mul3A_570 = arith.muli %mul3A_569, %scan3A_489 : i32
          %add3A_571 = vector.broadcast %mul3A_570 : i32 to vector<16xi32>
          %add3A_572 = arith.addi %and3A_41, %add3A_571 : vector<16xi32>
          %gather3A_573 = tpu.vector_load_idx %arg6[%add3A_3, %add3A_572] : memref<64x128xf32, #tpu.memory_space<vmem>>[vector<16xi32>, vector<16xi32>], vector<16xf32>,
          %gather3A_574 = tpu.vector_load_idx %arg6[%add3A_6, %add3A_572] : memref<64x128xf32, #tpu.memory_space<vmem>>[vector<16xi32>, vector<16xi32>], vector<16xf32>,
          %gather3A_575 = tpu.vector_load_idx %arg6[%add3A_9, %add3A_572] : memref<64x128xf32, #tpu.memory_space<vmem>>[vector<16xi32>, vector<16xi32>], vector<16xf32>,
          %gather3A_576 = tpu.vector_load_idx %arg6[%add3A_12, %add3A_572] : memref<64x128xf32, #tpu.memory_space<vmem>>[vector<16xi32>, vector<16xi32>], vector<16xf32>,
          %mul3A_577 = arith.constant 8 : i32
          %mul3A_578 = arith.muli %mul3A_577, %scan3A_489 : i32
          %add3A_579 = vector.broadcast %mul3A_578 : i32 to vector<16xi32>
          %add3A_580 = arith.addi %shift_right_arithmetic3A_118, %add3A_579 : vector<16xi32>
          %add3A_581 = arith.constant 0 : i32
          %add3A_582 = vector.broadcast %add3A_581 : i32 to vector<16xi32>
          %add3A_583 = arith.addi %add3A_182, %add3A_582 : vector<16xi32>
          tpu.vector_store_idx %arg10[%add3A_580, %add3A_583], %gather3A_549 : memref<64x128xf32, #tpu.memory_space<vmem>>[vector<16xi32>, vector<16xi32>], vector<16xf32>,
          %add3A_584 = arith.constant 16 : i32
          %add3A_585 = vector.broadcast %add3A_584 : i32 to vector<16xi32>
          %add3A_586 = arith.addi %add3A_182, %add3A_585 : vector<16xi32>
          tpu.vector_store_idx %arg10[%add3A_580, %add3A_586], %gather3A_550 : memref<64x128xf32, #tpu.memory_space<vmem>>[vector<16xi32>, vector<16xi32>], vector<16xf32>,
          %add3A_587 = arith.constant 32 : i32
          %add3A_588 = vector.broadcast %add3A_587 : i32 to vector<16xi32>
          %add3A_589 = arith.addi %add3A_182, %add3A_588 : vector<16xi32>
          tpu.vector_store_idx %arg10[%add3A_580, %add3A_589], %gather3A_551 : memref<64x128xf32, #tpu.memory_space<vmem>>[vector<16xi32>, vector<16xi32>], vector<16xf32>,
          %add3A_590 = arith.constant 48 : i32
          %add3A_591 = vector.broadcast %add3A_590 : i32 to vector<16xi32>
          %add3A_592 = arith.addi %add3A_182, %add3A_591 : vector<16xi32>
          tpu.vector_store_idx %arg10[%add3A_580, %add3A_592], %gather3A_552 : memref<64x128xf32, #tpu.memory_space<vmem>>[vector<16xi32>, vector<16xi32>], vector<16xf32>,
          %mul3A_593 = arith.constant 16 : i32
          %mul3A_594 = arith.muli %mul3A_593, %scan3A_489 : i32
          %add3A_595 = vector.broadcast %mul3A_594 : i32 to vector<16xi32>
          %add3A_596 = arith.addi %and3A_47, %add3A_595 : vector<16xi32>
          %gather3A_597 = tpu.vector_load_idx %arg6[%add3A_3, %add3A_596] : memref<64x128xf32, #tpu.memory_space<vmem>>[vector<16xi32>, vector<16xi32>], vector<16xf32>,
          %gather3A_598 = tpu.vector_load_idx %arg6[%add3A_6, %add3A_596] : memref<64x128xf32, #tpu.memory_space<vmem>>[vector<16xi32>, vector<16xi32>], vector<16xf32>,
          %gather3A_599 = tpu.vector_load_idx %arg6[%add3A_9, %add3A_596] : memref<64x128xf32, #tpu.memory_space<vmem>>[vector<16xi32>, vector<16xi32>], vector<16xf32>,
          %gather3A_600 = tpu.vector_load_idx %arg6[%add3A_12, %add3A_596] : memref<64x128xf32, #tpu.memory_space<vmem>>[vector<16xi32>, vector<16xi32>], vector<16xf32>,
          %mul3A_601 = arith.constant 8 : i32
          %mul3A_602 = arith.muli %mul3A_601, %scan3A_489 : i32
          %add3A_603 = vector.broadcast %mul3A_602 : i32 to vector<16xi32>
          %add3A_604 = arith.addi %shift_right_arithmetic3A_121, %add3A_603 : vector<16xi32>
          %add3A_605 = arith.constant 0 : i32
          %add3A_606 = vector.broadcast %add3A_605 : i32 to vector<16xi32>
          %add3A_607 = arith.addi %add3A_189, %add3A_606 : vector<16xi32>
          tpu.vector_store_idx %arg10[%add3A_604, %add3A_607], %gather3A_573 : memref<64x128xf32, #tpu.memory_space<vmem>>[vector<16xi32>, vector<16xi32>], vector<16xf32>,
          %add3A_608 = arith.constant 16 : i32
          %add3A_609 = vector.broadcast %add3A_608 : i32 to vector<16xi32>
          %add3A_610 = arith.addi %add3A_189, %add3A_609 : vector<16xi32>
          tpu.vector_store_idx %arg10[%add3A_604, %add3A_610], %gather3A_574 : memref<64x128xf32, #tpu.memory_space<vmem>>[vector<16xi32>, vector<16xi32>], vector<16xf32>,
          %add3A_611 = arith.constant 32 : i32
          %add3A_612 = vector.broadcast %add3A_611 : i32 to vector<16xi32>
          %add3A_613 = arith.addi %add3A_189, %add3A_612 : vector<16xi32>
          tpu.vector_store_idx %arg10[%add3A_604, %add3A_613], %gather3A_575 : memref<64x128xf32, #tpu.memory_space<vmem>>[vector<16xi32>, vector<16xi32>], vector<16xf32>,
          %add3A_614 = arith.constant 48 : i32
          %add3A_615 = vector.broadcast %add3A_614 : i32 to vector<16xi32>
          %add3A_616 = arith.addi %add3A_189, %add3A_615 : vector<16xi32>
          tpu.vector_store_idx %arg10[%add3A_604, %add3A_616], %gather3A_576 : memref<64x128xf32, #tpu.memory_space<vmem>>[vector<16xi32>, vector<16xi32>], vector<16xf32>,
          %mul3A_617 = arith.constant 16 : i32
          %mul3A_618 = arith.muli %mul3A_617, %scan3A_489 : i32
          %add3A_619 = vector.broadcast %mul3A_618 : i32 to vector<16xi32>
          %add3A_620 = arith.addi %and3A_53, %add3A_619 : vector<16xi32>
          %gather3A_621 = tpu.vector_load_idx %arg6[%add3A_3, %add3A_620] : memref<64x128xf32, #tpu.memory_space<vmem>>[vector<16xi32>, vector<16xi32>], vector<16xf32>,
          %gather3A_622 = tpu.vector_load_idx %arg6[%add3A_6, %add3A_620] : memref<64x128xf32, #tpu.memory_space<vmem>>[vector<16xi32>, vector<16xi32>], vector<16xf32>,
          %gather3A_623 = tpu.vector_load_idx %arg6[%add3A_9, %add3A_620] : memref<64x128xf32, #tpu.memory_space<vmem>>[vector<16xi32>, vector<16xi32>], vector<16xf32>,
          %gather3A_624 = tpu.vector_load_idx %arg6[%add3A_12, %add3A_620] : memref<64x128xf32, #tpu.memory_space<vmem>>[vector<16xi32>, vector<16xi32>], vector<16xf32>,
          %mul3A_625 = arith.constant 8 : i32
          %mul3A_626 = arith.muli %mul3A_625, %scan3A_489 : i32
          %add3A_627 = vector.broadcast %mul3A_626 : i32 to vector<16xi32>
          %add3A_628 = arith.addi %shift_right_arithmetic3A_124, %add3A_627 : vector<16xi32>
          %add3A_629 = arith.constant 0 : i32
          %add3A_630 = vector.broadcast %add3A_629 : i32 to vector<16xi32>
          %add3A_631 = arith.addi %add3A_196, %add3A_630 : vector<16xi32>
          tpu.vector_store_idx %arg10[%add3A_628, %add3A_631], %gather3A_597 : memref<64x128xf32, #tpu.memory_space<vmem>>[vector<16xi32>, vector<16xi32>], vector<16xf32>,
          %add3A_632 = arith.constant 16 : i32
          %add3A_633 = vector.broadcast %add3A_632 : i32 to vector<16xi32>
          %add3A_634 = arith.addi %add3A_196, %add3A_633 : vector<16xi32>
          tpu.vector_store_idx %arg10[%add3A_628, %add3A_634], %gather3A_598 : memref<64x128xf32, #tpu.memory_space<vmem>>[vector<16xi32>, vector<16xi32>], vector<16xf32>,
          %add3A_635 = arith.constant 32 : i32
          %add3A_636 = vector.broadcast %add3A_635 : i32 to vector<16xi32>
          %add3A_637 = arith.addi %add3A_196, %add3A_636 : vector<16xi32>
          tpu.vector_store_idx %arg10[%add3A_628, %add3A_637], %gather3A_599 : memref<64x128xf32, #tpu.memory_space<vmem>>[vector<16xi32>, vector<16xi32>], vector<16xf32>,
          %add3A_638 = arith.constant 48 : i32
          %add3A_639 = vector.broadcast %add3A_638 : i32 to vector<16xi32>
          %add3A_640 = arith.addi %add3A_196, %add3A_639 : vector<16xi32>
          tpu.vector_store_idx %arg10[%add3A_628, %add3A_640], %gather3A_600 : memref<64x128xf32, #tpu.memory_space<vmem>>[vector<16xi32>, vector<16xi32>], vector<16xf32>,
          %mul3A_641 = arith.constant 16 : i32
          %mul3A_642 = arith.muli %mul3A_641, %scan3A_489 : i32
          %add3A_643 = vector.broadcast %mul3A_642 : i32 to vector<16xi32>
          %add3A_644 = arith.addi %and3A_59, %add3A_643 : vector<16xi32>
          %gather3A_645 = tpu.vector_load_idx %arg6[%add3A_3, %add3A_644] : memref<64x128xf32, #tpu.memory_space<vmem>>[vector<16xi32>, vector<16xi32>], vector<16xf32>,
          %gather3A_646 = tpu.vector_load_idx %arg6[%add3A_6, %add3A_644] : memref<64x128xf32, #tpu.memory_space<vmem>>[vector<16xi32>, vector<16xi32>], vector<16xf32>,
          %gather3A_647 = tpu.vector_load_idx %arg6[%add3A_9, %add3A_644] : memref<64x128xf32, #tpu.memory_space<vmem>>[vector<16xi32>, vector<16xi32>], vector<16xf32>,
          %gather3A_648 = tpu.vector_load_idx %arg6[%add3A_12, %add3A_644] : memref<64x128xf32, #tpu.memory_space<vmem>>[vector<16xi32>, vector<16xi32>], vector<16xf32>,
          %mul3A_649 = arith.constant 8 : i32
          %mul3A_650 = arith.muli %mul3A_649, %scan3A_489 : i32
          %add3A_651 = vector.broadcast %mul3A_650 : i32 to vector<16xi32>
          %add3A_652 = arith.addi %shift_right_arithmetic3A_127, %add3A_651 : vector<16xi32>
          %add3A_653 = arith.constant 0 : i32
          %add3A_654 = vector.broadcast %add3A_653 : i32 to vector<16xi32>
          %add3A_655 = arith.addi %add3A_203, %add3A_654 : vector<16xi32>
          tpu.vector_store_idx %arg10[%add3A_652, %add3A_655], %gather3A_621 : memref<64x128xf32, #tpu.memory_space<vmem>>[vector<16xi32>, vector<16xi32>], vector<16xf32>,
          %add3A_656 = arith.constant 16 : i32
          %add3A_657 = vector.broadcast %add3A_656 : i32 to vector<16xi32>
          %add3A_658 = arith.addi %add3A_203, %add3A_657 : vector<16xi32>
          tpu.vector_store_idx %arg10[%add3A_652, %add3A_658], %gather3A_622 : memref<64x128xf32, #tpu.memory_space<vmem>>[vector<16xi32>, vector<16xi32>], vector<16xf32>,
          %add3A_659 = arith.constant 32 : i32
          %add3A_660 = vector.broadcast %add3A_659 : i32 to vector<16xi32>
          %add3A_661 = arith.addi %add3A_203, %add3A_660 : vector<16xi32>
          tpu.vector_store_idx %arg10[%add3A_652, %add3A_661], %gather3A_623 : memref<64x128xf32, #tpu.memory_space<vmem>>[vector<16xi32>, vector<16xi32>], vector<16xf32>,
          %add3A_662 = arith.constant 48 : i32
          %add3A_663 = vector.broadcast %add3A_662 : i32 to vector<16xi32>
          %add3A_664 = arith.addi %add3A_203, %add3A_663 : vector<16xi32>
          tpu.vector_store_idx %arg10[%add3A_652, %add3A_664], %gather3A_624 : memref<64x128xf32, #tpu.memory_space<vmem>>[vector<16xi32>, vector<16xi32>], vector<16xf32>,
          %mul3A_665 = arith.constant 16 : i32
          %mul3A_666 = arith.muli %mul3A_665, %scan3A_489 : i32
          %add3A_667 = vector.broadcast %mul3A_666 : i32 to vector<16xi32>
          %add3A_668 = arith.addi %and3A_65, %add3A_667 : vector<16xi32>
          %gather3A_669 = tpu.vector_load_idx %arg6[%add3A_3, %add3A_668] : memref<64x128xf32, #tpu.memory_space<vmem>>[vector<16xi32>, vector<16xi32>], vector<16xf32>,
          %gather3A_670 = tpu.vector_load_idx %arg6[%add3A_6, %add3A_668] : memref<64x128xf32, #tpu.memory_space<vmem>>[vector<16xi32>, vector<16xi32>], vector<16xf32>,
          %gather3A_671 = tpu.vector_load_idx %arg6[%add3A_9, %add3A_668] : memref<64x128xf32, #tpu.memory_space<vmem>>[vector<16xi32>, vector<16xi32>], vector<16xf32>,
          %gather3A_672 = tpu.vector_load_idx %arg6[%add3A_12, %add3A_668] : memref<64x128xf32, #tpu.memory_space<vmem>>[vector<16xi32>, vector<16xi32>], vector<16xf32>,
          %mul3A_673 = arith.constant 8 : i32
          %mul3A_674 = arith.muli %mul3A_673, %scan3A_489 : i32
          %add3A_675 = vector.broadcast %mul3A_674 : i32 to vector<16xi32>
          %add3A_676 = arith.addi %shift_right_arithmetic3A_130, %add3A_675 : vector<16xi32>
          %add3A_677 = arith.constant 0 : i32
          %add3A_678 = vector.broadcast %add3A_677 : i32 to vector<16xi32>
          %add3A_679 = arith.addi %add3A_210, %add3A_678 : vector<16xi32>
          tpu.vector_store_idx %arg10[%add3A_676, %add3A_679], %gather3A_645 : memref<64x128xf32, #tpu.memory_space<vmem>>[vector<16xi32>, vector<16xi32>], vector<16xf32>,
          %add3A_680 = arith.constant 16 : i32
          %add3A_681 = vector.broadcast %add3A_680 : i32 to vector<16xi32>
          %add3A_682 = arith.addi %add3A_210, %add3A_681 : vector<16xi32>
          tpu.vector_store_idx %arg10[%add3A_676, %add3A_682], %gather3A_646 : memref<64x128xf32, #tpu.memory_space<vmem>>[vector<16xi32>, vector<16xi32>], vector<16xf32>,
          %add3A_683 = arith.constant 32 : i32
          %add3A_684 = vector.broadcast %add3A_683 : i32 to vector<16xi32>
          %add3A_685 = arith.addi %add3A_210, %add3A_684 : vector<16xi32>
          tpu.vector_store_idx %arg10[%add3A_676, %add3A_685], %gather3A_647 : memref<64x128xf32, #tpu.memory_space<vmem>>[vector<16xi32>, vector<16xi32>], vector<16xf32>,
          %add3A_686 = arith.constant 48 : i32
          %add3A_687 = vector.broadcast %add3A_686 : i32 to vector<16xi32>
          %add3A_688 = arith.addi %add3A_210, %add3A_687 : vector<16xi32>
          tpu.vector_store_idx %arg10[%add3A_676, %add3A_688], %gather3A_648 : memref<64x128xf32, #tpu.memory_space<vmem>>[vector<16xi32>, vector<16xi32>], vector<16xf32>,
          %mul3A_689 = arith.constant 16 : i32
          %mul3A_690 = arith.muli %mul3A_689, %scan3A_489 : i32
          %add3A_691 = vector.broadcast %mul3A_690 : i32 to vector<16xi32>
          %add3A_692 = arith.addi %and3A_71, %add3A_691 : vector<16xi32>
          %gather3A_693 = tpu.vector_load_idx %arg6[%add3A_3, %add3A_692] : memref<64x128xf32, #tpu.memory_space<vmem>>[vector<16xi32>, vector<16xi32>], vector<16xf32>,
          %gather3A_694 = tpu.vector_load_idx %arg6[%add3A_6, %add3A_692] : memref<64x128xf32, #tpu.memory_space<vmem>>[vector<16xi32>, vector<16xi32>], vector<16xf32>,
          %gather3A_695 = tpu.vector_load_idx %arg6[%add3A_9, %add3A_692] : memref<64x128xf32, #tpu.memory_space<vmem>>[vector<16xi32>, vector<16xi32>], vector<16xf32>,
          %gather3A_696 = tpu.vector_load_idx %arg6[%add3A_12, %add3A_692] : memref<64x128xf32, #tpu.memory_space<vmem>>[vector<16xi32>, vector<16xi32>], vector<16xf32>,
          %mul3A_697 = arith.constant 8 : i32
          %mul3A_698 = arith.muli %mul3A_697, %scan3A_489 : i32
          %add3A_699 = vector.broadcast %mul3A_698 : i32 to vector<16xi32>
          %add3A_700 = arith.addi %shift_right_arithmetic3A_133, %add3A_699 : vector<16xi32>
          %add3A_701 = arith.constant 0 : i32
          %add3A_702 = vector.broadcast %add3A_701 : i32 to vector<16xi32>
          %add3A_703 = arith.addi %add3A_217, %add3A_702 : vector<16xi32>
          tpu.vector_store_idx %arg10[%add3A_700, %add3A_703], %gather3A_669 : memref<64x128xf32, #tpu.memory_space<vmem>>[vector<16xi32>, vector<16xi32>], vector<16xf32>,
          %add3A_704 = arith.constant 16 : i32
          %add3A_705 = vector.broadcast %add3A_704 : i32 to vector<16xi32>
          %add3A_706 = arith.addi %add3A_217, %add3A_705 : vector<16xi32>
          tpu.vector_store_idx %arg10[%add3A_700, %add3A_706], %gather3A_670 : memref<64x128xf32, #tpu.memory_space<vmem>>[vector<16xi32>, vector<16xi32>], vector<16xf32>,
          %add3A_707 = arith.constant 32 : i32
          %add3A_708 = vector.broadcast %add3A_707 : i32 to vector<16xi32>
          %add3A_709 = arith.addi %add3A_217, %add3A_708 : vector<16xi32>
          tpu.vector_store_idx %arg10[%add3A_700, %add3A_709], %gather3A_671 : memref<64x128xf32, #tpu.memory_space<vmem>>[vector<16xi32>, vector<16xi32>], vector<16xf32>,
          %add3A_710 = arith.constant 48 : i32
          %add3A_711 = vector.broadcast %add3A_710 : i32 to vector<16xi32>
          %add3A_712 = arith.addi %add3A_217, %add3A_711 : vector<16xi32>
          tpu.vector_store_idx %arg10[%add3A_700, %add3A_712], %gather3A_672 : memref<64x128xf32, #tpu.memory_space<vmem>>[vector<16xi32>, vector<16xi32>], vector<16xf32>,
          %mul3A_713 = arith.constant 16 : i32
          %mul3A_714 = arith.muli %mul3A_713, %scan3A_489 : i32
          %add3A_715 = vector.broadcast %mul3A_714 : i32 to vector<16xi32>
          %add3A_716 = arith.addi %and3A_77, %add3A_715 : vector<16xi32>
          %gather3A_717 = tpu.vector_load_idx %arg6[%add3A_3, %add3A_716] : memref<64x128xf32, #tpu.memory_space<vmem>>[vector<16xi32>, vector<16xi32>], vector<16xf32>,
          %gather3A_718 = tpu.vector_load_idx %arg6[%add3A_6, %add3A_716] : memref<64x128xf32, #tpu.memory_space<vmem>>[vector<16xi32>, vector<16xi32>], vector<16xf32>,
          %gather3A_719 = tpu.vector_load_idx %arg6[%add3A_9, %add3A_716] : memref<64x128xf32, #tpu.memory_space<vmem>>[vector<16xi32>, vector<16xi32>], vector<16xf32>,
          %gather3A_720 = tpu.vector_load_idx %arg6[%add3A_12, %add3A_716] : memref<64x128xf32, #tpu.memory_space<vmem>>[vector<16xi32>, vector<16xi32>], vector<16xf32>,
          %mul3A_721 = arith.constant 8 : i32
          %mul3A_722 = arith.muli %mul3A_721, %scan3A_489 : i32
          %add3A_723 = vector.broadcast %mul3A_722 : i32 to vector<16xi32>
          %add3A_724 = arith.addi %shift_right_arithmetic3A_136, %add3A_723 : vector<16xi32>
          %add3A_725 = arith.constant 0 : i32
          %add3A_726 = vector.broadcast %add3A_725 : i32 to vector<16xi32>
          %add3A_727 = arith.addi %add3A_224, %add3A_726 : vector<16xi32>
          tpu.vector_store_idx %arg10[%add3A_724, %add3A_727], %gather3A_693 : memref<64x128xf32, #tpu.memory_space<vmem>>[vector<16xi32>, vector<16xi32>], vector<16xf32>,
          %add3A_728 = arith.constant 16 : i32
          %add3A_729 = vector.broadcast %add3A_728 : i32 to vector<16xi32>
          %add3A_730 = arith.addi %add3A_224, %add3A_729 : vector<16xi32>
          tpu.vector_store_idx %arg10[%add3A_724, %add3A_730], %gather3A_694 : memref<64x128xf32, #tpu.memory_space<vmem>>[vector<16xi32>, vector<16xi32>], vector<16xf32>,
          %add3A_731 = arith.constant 32 : i32
          %add3A_732 = vector.broadcast %add3A_731 : i32 to vector<16xi32>
          %add3A_733 = arith.addi %add3A_224, %add3A_732 : vector<16xi32>
          tpu.vector_store_idx %arg10[%add3A_724, %add3A_733], %gather3A_695 : memref<64x128xf32, #tpu.memory_space<vmem>>[vector<16xi32>, vector<16xi32>], vector<16xf32>,
          %add3A_734 = arith.constant 48 : i32
          %add3A_735 = vector.broadcast %add3A_734 : i32 to vector<16xi32>
          %add3A_736 = arith.addi %add3A_224, %add3A_735 : vector<16xi32>
          tpu.vector_store_idx %arg10[%add3A_724, %add3A_736], %gather3A_696 : memref<64x128xf32, #tpu.memory_space<vmem>>[vector<16xi32>, vector<16xi32>], vector<16xf32>,
          %mul3A_737 = arith.constant 16 : i32
          %mul3A_738 = arith.muli %mul3A_737, %scan3A_489 : i32
          %add3A_739 = vector.broadcast %mul3A_738 : i32 to vector<16xi32>
          %add3A_740 = arith.addi %and3A_83, %add3A_739 : vector<16xi32>
          %gather3A_741 = tpu.vector_load_idx %arg6[%add3A_3, %add3A_740] : memref<64x128xf32, #tpu.memory_space<vmem>>[vector<16xi32>, vector<16xi32>], vector<16xf32>,
          %gather3A_742 = tpu.vector_load_idx %arg6[%add3A_6, %add3A_740] : memref<64x128xf32, #tpu.memory_space<vmem>>[vector<16xi32>, vector<16xi32>], vector<16xf32>,
          %gather3A_743 = tpu.vector_load_idx %arg6[%add3A_9, %add3A_740] : memref<64x128xf32, #tpu.memory_space<vmem>>[vector<16xi32>, vector<16xi32>], vector<16xf32>,
          %gather3A_744 = tpu.vector_load_idx %arg6[%add3A_12, %add3A_740] : memref<64x128xf32, #tpu.memory_space<vmem>>[vector<16xi32>, vector<16xi32>], vector<16xf32>,
          %mul3A_745 = arith.constant 8 : i32
          %mul3A_746 = arith.muli %mul3A_745, %scan3A_489 : i32
          %add3A_747 = vector.broadcast %mul3A_746 : i32 to vector<16xi32>
          %add3A_748 = arith.addi %shift_right_arithmetic3A_139, %add3A_747 : vector<16xi32>
          %add3A_749 = arith.constant 0 : i32
          %add3A_750 = vector.broadcast %add3A_749 : i32 to vector<16xi32>
          %add3A_751 = arith.addi %add3A_231, %add3A_750 : vector<16xi32>
          tpu.vector_store_idx %arg10[%add3A_748, %add3A_751], %gather3A_717 : memref<64x128xf32, #tpu.memory_space<vmem>>[vector<16xi32>, vector<16xi32>], vector<16xf32>,
          %add3A_752 = arith.constant 16 : i32
          %add3A_753 = vector.broadcast %add3A_752 : i32 to vector<16xi32>
          %add3A_754 = arith.addi %add3A_231, %add3A_753 : vector<16xi32>
          tpu.vector_store_idx %arg10[%add3A_748, %add3A_754], %gather3A_718 : memref<64x128xf32, #tpu.memory_space<vmem>>[vector<16xi32>, vector<16xi32>], vector<16xf32>,
          %add3A_755 = arith.constant 32 : i32
          %add3A_756 = vector.broadcast %add3A_755 : i32 to vector<16xi32>
          %add3A_757 = arith.addi %add3A_231, %add3A_756 : vector<16xi32>
          tpu.vector_store_idx %arg10[%add3A_748, %add3A_757], %gather3A_719 : memref<64x128xf32, #tpu.memory_space<vmem>>[vector<16xi32>, vector<16xi32>], vector<16xf32>,
          %add3A_758 = arith.constant 48 : i32
          %add3A_759 = vector.broadcast %add3A_758 : i32 to vector<16xi32>
          %add3A_760 = arith.addi %add3A_231, %add3A_759 : vector<16xi32>
          tpu.vector_store_idx %arg10[%add3A_748, %add3A_760], %gather3A_720 : memref<64x128xf32, #tpu.memory_space<vmem>>[vector<16xi32>, vector<16xi32>], vector<16xf32>,
          %mul3A_761 = arith.constant 16 : i32
          %mul3A_762 = arith.muli %mul3A_761, %scan3A_489 : i32
          %add3A_763 = vector.broadcast %mul3A_762 : i32 to vector<16xi32>
          %add3A_764 = arith.addi %and3A_89, %add3A_763 : vector<16xi32>
          %gather3A_765 = tpu.vector_load_idx %arg6[%add3A_3, %add3A_764] : memref<64x128xf32, #tpu.memory_space<vmem>>[vector<16xi32>, vector<16xi32>], vector<16xf32>,
          %gather3A_766 = tpu.vector_load_idx %arg6[%add3A_6, %add3A_764] : memref<64x128xf32, #tpu.memory_space<vmem>>[vector<16xi32>, vector<16xi32>], vector<16xf32>,
          %gather3A_767 = tpu.vector_load_idx %arg6[%add3A_9, %add3A_764] : memref<64x128xf32, #tpu.memory_space<vmem>>[vector<16xi32>, vector<16xi32>], vector<16xf32>,
          %gather3A_768 = tpu.vector_load_idx %arg6[%add3A_12, %add3A_764] : memref<64x128xf32, #tpu.memory_space<vmem>>[vector<16xi32>, vector<16xi32>], vector<16xf32>,
          %mul3A_769 = arith.constant 8 : i32
          %mul3A_770 = arith.muli %mul3A_769, %scan3A_489 : i32
          %add3A_771 = vector.broadcast %mul3A_770 : i32 to vector<16xi32>
          %add3A_772 = arith.addi %shift_right_arithmetic3A_142, %add3A_771 : vector<16xi32>
          %add3A_773 = arith.constant 0 : i32
          %add3A_774 = vector.broadcast %add3A_773 : i32 to vector<16xi32>
          %add3A_775 = arith.addi %add3A_238, %add3A_774 : vector<16xi32>
          tpu.vector_store_idx %arg10[%add3A_772, %add3A_775], %gather3A_741 : memref<64x128xf32, #tpu.memory_space<vmem>>[vector<16xi32>, vector<16xi32>], vector<16xf32>,
          %add3A_776 = arith.constant 16 : i32
          %add3A_777 = vector.broadcast %add3A_776 : i32 to vector<16xi32>
          %add3A_778 = arith.addi %add3A_238, %add3A_777 : vector<16xi32>
          tpu.vector_store_idx %arg10[%add3A_772, %add3A_778], %gather3A_742 : memref<64x128xf32, #tpu.memory_space<vmem>>[vector<16xi32>, vector<16xi32>], vector<16xf32>,
          %add3A_779 = arith.constant 32 : i32
          %add3A_780 = vector.broadcast %add3A_779 : i32 to vector<16xi32>
          %add3A_781 = arith.addi %add3A_238, %add3A_780 : vector<16xi32>
          tpu.vector_store_idx %arg10[%add3A_772, %add3A_781], %gather3A_743 : memref<64x128xf32, #tpu.memory_space<vmem>>[vector<16xi32>, vector<16xi32>], vector<16xf32>,
          %add3A_782 = arith.constant 48 : i32
          %add3A_783 = vector.broadcast %add3A_782 : i32 to vector<16xi32>
          %add3A_784 = arith.addi %add3A_238, %add3A_783 : vector<16xi32>
          tpu.vector_store_idx %arg10[%add3A_772, %add3A_784], %gather3A_744 : memref<64x128xf32, #tpu.memory_space<vmem>>[vector<16xi32>, vector<16xi32>], vector<16xf32>,
          %mul3A_785 = arith.constant 16 : i32
          %mul3A_786 = arith.muli %mul3A_785, %scan3A_489 : i32
          %add3A_787 = vector.broadcast %mul3A_786 : i32 to vector<16xi32>
          %add3A_788 = arith.addi %and3A_95, %add3A_787 : vector<16xi32>
          %gather3A_789 = tpu.vector_load_idx %arg6[%add3A_3, %add3A_788] : memref<64x128xf32, #tpu.memory_space<vmem>>[vector<16xi32>, vector<16xi32>], vector<16xf32>,
          %gather3A_790 = tpu.vector_load_idx %arg6[%add3A_6, %add3A_788] : memref<64x128xf32, #tpu.memory_space<vmem>>[vector<16xi32>, vector<16xi32>], vector<16xf32>,
          %gather3A_791 = tpu.vector_load_idx %arg6[%add3A_9, %add3A_788] : memref<64x128xf32, #tpu.memory_space<vmem>>[vector<16xi32>, vector<16xi32>], vector<16xf32>,
          %gather3A_792 = tpu.vector_load_idx %arg6[%add3A_12, %add3A_788] : memref<64x128xf32, #tpu.memory_space<vmem>>[vector<16xi32>, vector<16xi32>], vector<16xf32>,
          %mul3A_793 = arith.constant 8 : i32
          %mul3A_794 = arith.muli %mul3A_793, %scan3A_489 : i32
          %add3A_795 = vector.broadcast %mul3A_794 : i32 to vector<16xi32>
          %add3A_796 = arith.addi %shift_right_arithmetic3A_145, %add3A_795 : vector<16xi32>
          %add3A_797 = arith.constant 0 : i32
          %add3A_798 = vector.broadcast %add3A_797 : i32 to vector<16xi32>
          %add3A_799 = arith.addi %add3A_245, %add3A_798 : vector<16xi32>
          tpu.vector_store_idx %arg10[%add3A_796, %add3A_799], %gather3A_765 : memref<64x128xf32, #tpu.memory_space<vmem>>[vector<16xi32>, vector<16xi32>], vector<16xf32>,
          %add3A_800 = arith.constant 16 : i32
          %add3A_801 = vector.broadcast %add3A_800 : i32 to vector<16xi32>
          %add3A_802 = arith.addi %add3A_245, %add3A_801 : vector<16xi32>
          tpu.vector_store_idx %arg10[%add3A_796, %add3A_802], %gather3A_766 : memref<64x128xf32, #tpu.memory_space<vmem>>[vector<16xi32>, vector<16xi32>], vector<16xf32>,
          %add3A_803 = arith.constant 32 : i32
          %add3A_804 = vector.broadcast %add3A_803 : i32 to vector<16xi32>
          %add3A_805 = arith.addi %add3A_245, %add3A_804 : vector<16xi32>
          tpu.vector_store_idx %arg10[%add3A_796, %add3A_805], %gather3A_767 : memref<64x128xf32, #tpu.memory_space<vmem>>[vector<16xi32>, vector<16xi32>], vector<16xf32>,
          %add3A_806 = arith.constant 48 : i32
          %add3A_807 = vector.broadcast %add3A_806 : i32 to vector<16xi32>
          %add3A_808 = arith.addi %add3A_245, %add3A_807 : vector<16xi32>
          tpu.vector_store_idx %arg10[%add3A_796, %add3A_808], %gather3A_768 : memref<64x128xf32, #tpu.memory_space<vmem>>[vector<16xi32>, vector<16xi32>], vector<16xf32>,
          %mul3A_809 = arith.constant 16 : i32
          %mul3A_810 = arith.muli %mul3A_809, %scan3A_489 : i32
          %add3A_811 = vector.broadcast %mul3A_810 : i32 to vector<16xi32>
          %add3A_812 = arith.addi %and3A_101, %add3A_811 : vector<16xi32>
          %gather3A_813 = tpu.vector_load_idx %arg6[%add3A_3, %add3A_812] : memref<64x128xf32, #tpu.memory_space<vmem>>[vector<16xi32>, vector<16xi32>], vector<16xf32>,
          %gather3A_814 = tpu.vector_load_idx %arg6[%add3A_6, %add3A_812] : memref<64x128xf32, #tpu.memory_space<vmem>>[vector<16xi32>, vector<16xi32>], vector<16xf32>,
          %gather3A_815 = tpu.vector_load_idx %arg6[%add3A_9, %add3A_812] : memref<64x128xf32, #tpu.memory_space<vmem>>[vector<16xi32>, vector<16xi32>], vector<16xf32>,
          %gather3A_816 = tpu.vector_load_idx %arg6[%add3A_12, %add3A_812] : memref<64x128xf32, #tpu.memory_space<vmem>>[vector<16xi32>, vector<16xi32>], vector<16xf32>,
          %mul3A_817 = arith.constant 8 : i32
          %mul3A_818 = arith.muli %mul3A_817, %scan3A_489 : i32
          %add3A_819 = vector.broadcast %mul3A_818 : i32 to vector<16xi32>
          %add3A_820 = arith.addi %shift_right_arithmetic3A_148, %add3A_819 : vector<16xi32>
          %add3A_821 = arith.constant 0 : i32
          %add3A_822 = vector.broadcast %add3A_821 : i32 to vector<16xi32>
          %add3A_823 = arith.addi %add3A_252, %add3A_822 : vector<16xi32>
          tpu.vector_store_idx %arg10[%add3A_820, %add3A_823], %gather3A_789 : memref<64x128xf32, #tpu.memory_space<vmem>>[vector<16xi32>, vector<16xi32>], vector<16xf32>,
          %add3A_824 = arith.constant 16 : i32
          %add3A_825 = vector.broadcast %add3A_824 : i32 to vector<16xi32>
          %add3A_826 = arith.addi %add3A_252, %add3A_825 : vector<16xi32>
          tpu.vector_store_idx %arg10[%add3A_820, %add3A_826], %gather3A_790 : memref<64x128xf32, #tpu.memory_space<vmem>>[vector<16xi32>, vector<16xi32>], vector<16xf32>,
          %add3A_827 = arith.constant 32 : i32
          %add3A_828 = vector.broadcast %add3A_827 : i32 to vector<16xi32>
          %add3A_829 = arith.addi %add3A_252, %add3A_828 : vector<16xi32>
          tpu.vector_store_idx %arg10[%add3A_820, %add3A_829], %gather3A_791 : memref<64x128xf32, #tpu.memory_space<vmem>>[vector<16xi32>, vector<16xi32>], vector<16xf32>,
          %add3A_830 = arith.constant 48 : i32
          %add3A_831 = vector.broadcast %add3A_830 : i32 to vector<16xi32>
          %add3A_832 = arith.addi %add3A_252, %add3A_831 : vector<16xi32>
          tpu.vector_store_idx %arg10[%add3A_820, %add3A_832], %gather3A_792 : memref<64x128xf32, #tpu.memory_space<vmem>>[vector<16xi32>, vector<16xi32>], vector<16xf32>,
          %mul3A_833 = arith.constant 16 : i32
          %mul3A_834 = arith.muli %mul3A_833, %scan3A_489 : i32
          %add3A_835 = vector.broadcast %mul3A_834 : i32 to vector<16xi32>
          %add3A_836 = arith.addi %and3A_107, %add3A_835 : vector<16xi32>
          %gather3A_837 = tpu.vector_load_idx %arg6[%add3A_3, %add3A_836] : memref<64x128xf32, #tpu.memory_space<vmem>>[vector<16xi32>, vector<16xi32>], vector<16xf32>,
          %gather3A_838 = tpu.vector_load_idx %arg6[%add3A_6, %add3A_836] : memref<64x128xf32, #tpu.memory_space<vmem>>[vector<16xi32>, vector<16xi32>], vector<16xf32>,
          %gather3A_839 = tpu.vector_load_idx %arg6[%add3A_9, %add3A_836] : memref<64x128xf32, #tpu.memory_space<vmem>>[vector<16xi32>, vector<16xi32>], vector<16xf32>,
          %gather3A_840 = tpu.vector_load_idx %arg6[%add3A_12, %add3A_836] : memref<64x128xf32, #tpu.memory_space<vmem>>[vector<16xi32>, vector<16xi32>], vector<16xf32>,
          %mul3A_841 = arith.constant 8 : i32
          %mul3A_842 = arith.muli %mul3A_841, %scan3A_489 : i32
          %add3A_843 = vector.broadcast %mul3A_842 : i32 to vector<16xi32>
          %add3A_844 = arith.addi %shift_right_arithmetic3A_151, %add3A_843 : vector<16xi32>
          %add3A_845 = arith.constant 0 : i32
          %add3A_846 = vector.broadcast %add3A_845 : i32 to vector<16xi32>
          %add3A_847 = arith.addi %add3A_259, %add3A_846 : vector<16xi32>
          tpu.vector_store_idx %arg10[%add3A_844, %add3A_847], %gather3A_813 : memref<64x128xf32, #tpu.memory_space<vmem>>[vector<16xi32>, vector<16xi32>], vector<16xf32>,
          %add3A_848 = arith.constant 16 : i32
          %add3A_849 = vector.broadcast %add3A_848 : i32 to vector<16xi32>
          %add3A_850 = arith.addi %add3A_259, %add3A_849 : vector<16xi32>
          tpu.vector_store_idx %arg10[%add3A_844, %add3A_850], %gather3A_814 : memref<64x128xf32, #tpu.memory_space<vmem>>[vector<16xi32>, vector<16xi32>], vector<16xf32>,
          %add3A_851 = arith.constant 32 : i32
          %add3A_852 = vector.broadcast %add3A_851 : i32 to vector<16xi32>
          %add3A_853 = arith.addi %add3A_259, %add3A_852 : vector<16xi32>
          tpu.vector_store_idx %arg10[%add3A_844, %add3A_853], %gather3A_815 : memref<64x128xf32, #tpu.memory_space<vmem>>[vector<16xi32>, vector<16xi32>], vector<16xf32>,
          %add3A_854 = arith.constant 48 : i32
          %add3A_855 = vector.broadcast %add3A_854 : i32 to vector<16xi32>
          %add3A_856 = arith.addi %add3A_259, %add3A_855 : vector<16xi32>
          tpu.vector_store_idx %arg10[%add3A_844, %add3A_856], %gather3A_816 : memref<64x128xf32, #tpu.memory_space<vmem>>[vector<16xi32>, vector<16xi32>], vector<16xf32>,
          %mul3A_857 = arith.constant 8 : i32
          %mul3A_858 = arith.muli %mul3A_857, %scan3A_489 : i32
          %add3A_859 = vector.broadcast %mul3A_858 : i32 to vector<16xi32>
          %add3A_860 = arith.addi %shift_right_arithmetic3A_154, %add3A_859 : vector<16xi32>
          %add3A_861 = arith.constant 0 : i32
          %add3A_862 = vector.broadcast %add3A_861 : i32 to vector<16xi32>
          %add3A_863 = arith.addi %add3A_266, %add3A_862 : vector<16xi32>
          tpu.vector_store_idx %arg10[%add3A_860, %add3A_863], %gather3A_837 : memref<64x128xf32, #tpu.memory_space<vmem>>[vector<16xi32>, vector<16xi32>], vector<16xf32>,
          %add3A_864 = arith.constant 16 : i32
          %add3A_865 = vector.broadcast %add3A_864 : i32 to vector<16xi32>
          %add3A_866 = arith.addi %add3A_266, %add3A_865 : vector<16xi32>
          tpu.vector_store_idx %arg10[%add3A_860, %add3A_866], %gather3A_838 : memref<64x128xf32, #tpu.memory_space<vmem>>[vector<16xi32>, vector<16xi32>], vector<16xf32>,
          %add3A_867 = arith.constant 32 : i32
          %add3A_868 = vector.broadcast %add3A_867 : i32 to vector<16xi32>
          %add3A_869 = arith.addi %add3A_266, %add3A_868 : vector<16xi32>
          tpu.vector_store_idx %arg10[%add3A_860, %add3A_869], %gather3A_839 : memref<64x128xf32, #tpu.memory_space<vmem>>[vector<16xi32>, vector<16xi32>], vector<16xf32>,
          %add3A_870 = arith.constant 48 : i32
          %add3A_871 = vector.broadcast %add3A_870 : i32 to vector<16xi32>
          %add3A_872 = arith.addi %add3A_266, %add3A_871 : vector<16xi32>
          tpu.vector_store_idx %arg10[%add3A_860, %add3A_872], %gather3A_840 : memref<64x128xf32, #tpu.memory_space<vmem>>[vector<16xi32>, vector<16xi32>], vector<16xf32>,
        }
        %scan3A_464 = arith.constant 8 : i32
        %semaphore_signal3A_465 = arith.constant 1 : i32
        tpu.sem_signal %arg21, %semaphore_signal3A_465 : memref<!tpu.semaphore, #tpu.memory_space<semaphore_mem>>
        %semaphore_wait3A_466 = arith.constant 1 : i32
        %semaphore_wait3A_467 = arith.constant true
        tpu.sem_wait %arg21, %semaphore_wait3A_466 : memref<!tpu.semaphore, #tpu.memory_space<semaphore_mem>>
        %jit3A = arith.constant 2 : i32
        %div3A = arith.divsi %multiple_of3A_373, %jit3A : i32
        %sign3A = arith.constant 0 : i32
        %sign3A_468 = arith.cmpi sgt, %multiple_of3A_373, %sign3A : i32
        %sign3A_469 = arith.extui %sign3A_468 : i1 to i32
        %sign3A_470 = arith.constant 0 : i32
        %sign3A_471 = arith.cmpi slt, %multiple_of3A_373, %sign3A_470 : i32
        %sign3A_472 = arith.extui %sign3A_471 : i1 to i32
        %sign3A_473 = arith.subi %sign3A_469, %sign3A_472 : i32
        %sign3A_474 = arith.constant 0 : i32
        %sign3A_475 = arith.cmpi sgt, %jit3A, %sign3A_474 : i32
        %sign3A_476 = arith.extui %sign3A_475 : i1 to i32
        %sign3A_477 = arith.constant 0 : i32
        %sign3A_478 = arith.cmpi slt, %jit3A, %sign3A_477 : i32
        %sign3A_479 = arith.extui %sign3A_478 : i1 to i32
        %sign3A_480 = arith.subi %sign3A_476, %sign3A_479 : i32
        %ne3A = arith.cmpi ne, %sign3A_473, %sign3A_480 : i32
        %rem3A = arith.remsi %multiple_of3A_373, %jit3A : i32
        %ne3A_481 = arith.constant 0 : i32
        %ne3A_482 = arith.cmpi ne, %rem3A, %ne3A_481 : i32
        %and3A_483 = arith.andi %ne3A, %ne3A_482 : i1
        %sub3A = arith.constant 1 : i32
        %sub3A_484 = arith.subi %div3A, %sub3A : i32
        %select_n3A = arith.select %and3A_483, %sub3A_484, %div3A : i32
        %multiple_of3A_485 = tpu.assume_multiple %select_n3A, 64 : i32
        %dma_start3A = arith.constant 0 : i32
        %dma_start3A_486 = tpu.memref_slice %arg4[%multiple_of3A_485, %dma_start3A] : memref<500000x128xf32, #tpu.memory_space<hbm>> -> memref<64x128xf32, #tpu.memory_space<hbm>>
        %dma_start3A_487 = arith.constant 0 : i32
        %dma_start3A_488 = tpu.memref_slice %arg4[%multiple_of3A_485, %dma_start3A_487] : memref<500000x128xf32, #tpu.memory_space<hbm>> -> memref<64x128xf32, #tpu.memory_space<hbm>>
        tpu.enqueue_dma source(%arg10 : memref<64x128xf32, #tpu.memory_space<vmem>>) target(%dma_start3A_488 : memref<64x128xf32, #tpu.memory_space<hbm>>) target_semaphore(%arg18 : memref<!tpu.dma_semaphore, #tpu.memory_space<semaphore_mem>>)
      } else {
      }
      %convert_element_type3A_389 = arith.extui %lt3A_385 : i1 to i32
      %cond3A_390 = arith.constant 0 : i32
      %cond3A_391 = arith.cmpi ne, %convert_element_type3A_389, %cond3A_390 : i32
      scf.if %cond3A_391 {
        %dma_start3A = arith.constant 0 : i32
        %dma_start3A_448 = tpu.memref_slice %arg2[%dma_start3A, %multiple_of3A_383] : memref<64x1000000xf32, #tpu.memory_space<hbm>> -> memref<64x128xf32, #tpu.memory_space<hbm>>
        %dma_start3A_449 = arith.constant 0 : i32
        %dma_start3A_450 = tpu.memref_slice %arg2[%dma_start3A_449, %multiple_of3A_383] : memref<64x1000000xf32, #tpu.memory_space<hbm>> -> memref<64x128xf32, #tpu.memory_space<hbm>>
        tpu.enqueue_dma source(%dma_start3A_450 : memref<64x128xf32, #tpu.memory_space<hbm>>) target(%arg6 : memref<64x128xf32, #tpu.memory_space<vmem>>) target_semaphore(%arg14 : memref<!tpu.dma_semaphore, #tpu.memory_space<semaphore_mem>>)
      } else {
      }
      %mul3A_392 = arith.constant 4 : i32
      %mul3A_393 = arith.muli %mul3A_392, %scan3A_335 : i32
      %add3A_394 = arith.constant 2 : i32
      %add3A_395 = arith.addi %mul3A_393, %add3A_394 : i32
      %mul3A_396 = arith.constant 32 : i32
      %mul3A_397 = arith.muli %mul3A_396, %add3A_395 : i32
      %add3A_398 = arith.addi %add3A, %mul3A_397 : i32
      %mul3A_399 = arith.constant 128 : i32
      %mul3A_400 = arith.muli %add3A_398, %mul3A_399 : i32
      %multiple_of3A_401 = tpu.assume_multiple %mul3A_400, 128 : i32
      %lt3A_402 = arith.constant 7812 : i32
      %lt3A_403 = arith.cmpi slt, %add3A_398, %lt3A_402 : i32
      %add3A_404 = arith.constant 4 : i32
      %add3A_405 = arith.addi %add3A_395, %add3A_404 : i32
      %mul3A_406 = arith.constant 32 : i32
      %mul3A_407 = arith.muli %mul3A_406, %add3A_405 : i32
      %add3A_408 = arith.addi %add3A, %mul3A_407 : i32
      %mul3A_409 = arith.constant 128 : i32
      %mul3A_410 = arith.muli %add3A_408, %mul3A_409 : i32
      %multiple_of3A_411 = tpu.assume_multiple %mul3A_410, 128 : i32
      %lt3A_412 = arith.constant 7812 : i32
      %lt3A_413 = arith.cmpi slt, %add3A_408, %lt3A_412 : i32
      %convert_element_type3A_414 = arith.extui %lt3A_403 : i1 to i32
      %cond3A_415 = arith.constant 0 : i32
      %cond3A_416 = arith.cmpi ne, %convert_element_type3A_414, %cond3A_415 : i32
      scf.if %cond3A_416 {
        %dma_wait3A_448 = arith.constant 0 : i32
        %dma_wait3A_449 = arith.constant 0 : i32
        %dma_wait3A_450 = tpu.memref_slice %arg2[%dma_wait3A_448, %dma_wait3A_449] : memref<64x1000000xf32, #tpu.memory_space<hbm>> -> memref<64x128xf32, #tpu.memory_space<hbm>>
        %dma_wait3A_451 = arith.constant 0 : i32
        %dma_wait3A_452 = arith.constant 0 : i32
        %dma_wait3A_453 = tpu.memref_slice %arg2[%dma_wait3A_451, %dma_wait3A_452] : memref<64x1000000xf32, #tpu.memory_space<hbm>> -> memref<64x128xf32, #tpu.memory_space<hbm>>
        tpu.wait_dma2 semaphore(%arg15 : memref<!tpu.dma_semaphore, #tpu.memory_space<semaphore_mem>>) src(%dma_wait3A_453 : memref<64x128xf32, #tpu.memory_space<hbm>>) dst(%arg7 : memref<64x128xf32, #tpu.memory_space<vmem>>)
        %ge3A = arith.constant 4 : i32
        %ge3A_454 = arith.cmpi sge, %add3A_395, %ge3A : i32
        %convert_element_type3A_455 = arith.extui %ge3A_454 : i1 to i32
        %cond3A_456 = arith.constant 0 : i32
        %cond3A_457 = arith.cmpi ne, %convert_element_type3A_455, %cond3A_456 : i32
        scf.if %cond3A_457 {
          %dma_wait3A_489 = arith.constant 0 : i32
          %dma_wait3A_490 = arith.constant 0 : i32
          %dma_wait3A_491 = tpu.memref_slice %arg4[%dma_wait3A_489, %dma_wait3A_490] : memref<500000x128xf32, #tpu.memory_space<hbm>> -> memref<64x128xf32, #tpu.memory_space<hbm>>
          %dma_wait3A_492 = arith.constant 0 : i32
          %dma_wait3A_493 = arith.constant 0 : i32
          %dma_wait3A_494 = tpu.memref_slice %arg4[%dma_wait3A_492, %dma_wait3A_493] : memref<500000x128xf32, #tpu.memory_space<hbm>> -> memref<64x128xf32, #tpu.memory_space<hbm>>
          tpu.wait_dma2 semaphore(%arg19 : memref<!tpu.dma_semaphore, #tpu.memory_space<semaphore_mem>>) src(%arg11 : memref<64x128xf32, #tpu.memory_space<vmem>>) dst(%dma_wait3A_494 : memref<64x128xf32, #tpu.memory_space<hbm>>)
        } else {
        }
        %semaphore_signal3A = arith.constant 1 : i32
        tpu.sem_signal %arg21, %semaphore_signal3A : memref<!tpu.semaphore, #tpu.memory_space<semaphore_mem>>
        %semaphore_wait3A = arith.constant 1 : i32
        %semaphore_wait3A_458 = arith.constant true
        tpu.sem_wait %arg21, %semaphore_wait3A : memref<!tpu.semaphore, #tpu.memory_space<semaphore_mem>>
        %scan3A_459 = arith.constant 0 : i32
        %scan3A_460 = arith.constant 0 : i32
        %scan3A_461 = arith.constant 8 : i32
        %scan3A_462 = arith.addi %scan3A_460, %scan3A_461 : i32
        %scan3A_463 = arith.constant 1 : i32
        scf.for %scan3A_489 = %scan3A_460 to %scan3A_462 step %scan3A_463  : i32 {
          %mul3A_490 = arith.constant 16 : i32
          %mul3A_491 = arith.muli %mul3A_490, %scan3A_489 : i32
          %add3A_492 = vector.broadcast %mul3A_491 : i32 to vector<16xi32>
          %add3A_493 = arith.addi %and3A_17, %add3A_492 : vector<16xi32>
          %gather3A = tpu.vector_load_idx %arg7[%add3A_3, %add3A_493] : memref<64x128xf32, #tpu.memory_space<vmem>>[vector<16xi32>, vector<16xi32>], vector<16xf32>,
          %gather3A_494 = tpu.vector_load_idx %arg7[%add3A_6, %add3A_493] : memref<64x128xf32, #tpu.memory_space<vmem>>[vector<16xi32>, vector<16xi32>], vector<16xf32>,
          %gather3A_495 = tpu.vector_load_idx %arg7[%add3A_9, %add3A_493] : memref<64x128xf32, #tpu.memory_space<vmem>>[vector<16xi32>, vector<16xi32>], vector<16xf32>,
          %gather3A_496 = tpu.vector_load_idx %arg7[%add3A_12, %add3A_493] : memref<64x128xf32, #tpu.memory_space<vmem>>[vector<16xi32>, vector<16xi32>], vector<16xf32>,
          %mul3A_497 = arith.constant 16 : i32
          %mul3A_498 = arith.muli %mul3A_497, %scan3A_489 : i32
          %add3A_499 = vector.broadcast %mul3A_498 : i32 to vector<16xi32>
          %add3A_500 = arith.addi %and3A_23, %add3A_499 : vector<16xi32>
          %gather3A_501 = tpu.vector_load_idx %arg7[%add3A_3, %add3A_500] : memref<64x128xf32, #tpu.memory_space<vmem>>[vector<16xi32>, vector<16xi32>], vector<16xf32>,
          %gather3A_502 = tpu.vector_load_idx %arg7[%add3A_6, %add3A_500] : memref<64x128xf32, #tpu.memory_space<vmem>>[vector<16xi32>, vector<16xi32>], vector<16xf32>,
          %gather3A_503 = tpu.vector_load_idx %arg7[%add3A_9, %add3A_500] : memref<64x128xf32, #tpu.memory_space<vmem>>[vector<16xi32>, vector<16xi32>], vector<16xf32>,
          %gather3A_504 = tpu.vector_load_idx %arg7[%add3A_12, %add3A_500] : memref<64x128xf32, #tpu.memory_space<vmem>>[vector<16xi32>, vector<16xi32>], vector<16xf32>,
          %mul3A_505 = arith.constant 8 : i32
          %mul3A_506 = arith.muli %mul3A_505, %scan3A_489 : i32
          %add3A_507 = vector.broadcast %mul3A_506 : i32 to vector<16xi32>
          %add3A_508 = arith.addi %shift_right_arithmetic3A_109, %add3A_507 : vector<16xi32>
          %add3A_509 = arith.constant 0 : i32
          %add3A_510 = vector.broadcast %add3A_509 : i32 to vector<16xi32>
          %add3A_511 = arith.addi %add3A_161, %add3A_510 : vector<16xi32>
          tpu.vector_store_idx %arg11[%add3A_508, %add3A_511], %gather3A : memref<64x128xf32, #tpu.memory_space<vmem>>[vector<16xi32>, vector<16xi32>], vector<16xf32>,
          %add3A_512 = arith.constant 16 : i32
          %add3A_513 = vector.broadcast %add3A_512 : i32 to vector<16xi32>
          %add3A_514 = arith.addi %add3A_161, %add3A_513 : vector<16xi32>
          tpu.vector_store_idx %arg11[%add3A_508, %add3A_514], %gather3A_494 : memref<64x128xf32, #tpu.memory_space<vmem>>[vector<16xi32>, vector<16xi32>], vector<16xf32>,
          %add3A_515 = arith.constant 32 : i32
          %add3A_516 = vector.broadcast %add3A_515 : i32 to vector<16xi32>
          %add3A_517 = arith.addi %add3A_161, %add3A_516 : vector<16xi32>
          tpu.vector_store_idx %arg11[%add3A_508, %add3A_517], %gather3A_495 : memref<64x128xf32, #tpu.memory_space<vmem>>[vector<16xi32>, vector<16xi32>], vector<16xf32>,
          %add3A_518 = arith.constant 48 : i32
          %add3A_519 = vector.broadcast %add3A_518 : i32 to vector<16xi32>
          %add3A_520 = arith.addi %add3A_161, %add3A_519 : vector<16xi32>
          tpu.vector_store_idx %arg11[%add3A_508, %add3A_520], %gather3A_496 : memref<64x128xf32, #tpu.memory_space<vmem>>[vector<16xi32>, vector<16xi32>], vector<16xf32>,
          %mul3A_521 = arith.constant 16 : i32
          %mul3A_522 = arith.muli %mul3A_521, %scan3A_489 : i32
          %add3A_523 = vector.broadcast %mul3A_522 : i32 to vector<16xi32>
          %add3A_524 = arith.addi %and3A_29, %add3A_523 : vector<16xi32>
          %gather3A_525 = tpu.vector_load_idx %arg7[%add3A_3, %add3A_524] : memref<64x128xf32, #tpu.memory_space<vmem>>[vector<16xi32>, vector<16xi32>], vector<16xf32>,
          %gather3A_526 = tpu.vector_load_idx %arg7[%add3A_6, %add3A_524] : memref<64x128xf32, #tpu.memory_space<vmem>>[vector<16xi32>, vector<16xi32>], vector<16xf32>,
          %gather3A_527 = tpu.vector_load_idx %arg7[%add3A_9, %add3A_524] : memref<64x128xf32, #tpu.memory_space<vmem>>[vector<16xi32>, vector<16xi32>], vector<16xf32>,
          %gather3A_528 = tpu.vector_load_idx %arg7[%add3A_12, %add3A_524] : memref<64x128xf32, #tpu.memory_space<vmem>>[vector<16xi32>, vector<16xi32>], vector<16xf32>,
          %mul3A_529 = arith.constant 8 : i32
          %mul3A_530 = arith.muli %mul3A_529, %scan3A_489 : i32
          %add3A_531 = vector.broadcast %mul3A_530 : i32 to vector<16xi32>
          %add3A_532 = arith.addi %shift_right_arithmetic3A_112, %add3A_531 : vector<16xi32>
          %add3A_533 = arith.constant 0 : i32
          %add3A_534 = vector.broadcast %add3A_533 : i32 to vector<16xi32>
          %add3A_535 = arith.addi %add3A_168, %add3A_534 : vector<16xi32>
          tpu.vector_store_idx %arg11[%add3A_532, %add3A_535], %gather3A_501 : memref<64x128xf32, #tpu.memory_space<vmem>>[vector<16xi32>, vector<16xi32>], vector<16xf32>,
          %add3A_536 = arith.constant 16 : i32
          %add3A_537 = vector.broadcast %add3A_536 : i32 to vector<16xi32>
          %add3A_538 = arith.addi %add3A_168, %add3A_537 : vector<16xi32>
          tpu.vector_store_idx %arg11[%add3A_532, %add3A_538], %gather3A_502 : memref<64x128xf32, #tpu.memory_space<vmem>>[vector<16xi32>, vector<16xi32>], vector<16xf32>,
          %add3A_539 = arith.constant 32 : i32
          %add3A_540 = vector.broadcast %add3A_539 : i32 to vector<16xi32>
          %add3A_541 = arith.addi %add3A_168, %add3A_540 : vector<16xi32>
          tpu.vector_store_idx %arg11[%add3A_532, %add3A_541], %gather3A_503 : memref<64x128xf32, #tpu.memory_space<vmem>>[vector<16xi32>, vector<16xi32>], vector<16xf32>,
          %add3A_542 = arith.constant 48 : i32
          %add3A_543 = vector.broadcast %add3A_542 : i32 to vector<16xi32>
          %add3A_544 = arith.addi %add3A_168, %add3A_543 : vector<16xi32>
          tpu.vector_store_idx %arg11[%add3A_532, %add3A_544], %gather3A_504 : memref<64x128xf32, #tpu.memory_space<vmem>>[vector<16xi32>, vector<16xi32>], vector<16xf32>,
          %mul3A_545 = arith.constant 16 : i32
          %mul3A_546 = arith.muli %mul3A_545, %scan3A_489 : i32
          %add3A_547 = vector.broadcast %mul3A_546 : i32 to vector<16xi32>
          %add3A_548 = arith.addi %and3A_35, %add3A_547 : vector<16xi32>
          %gather3A_549 = tpu.vector_load_idx %arg7[%add3A_3, %add3A_548] : memref<64x128xf32, #tpu.memory_space<vmem>>[vector<16xi32>, vector<16xi32>], vector<16xf32>,
          %gather3A_550 = tpu.vector_load_idx %arg7[%add3A_6, %add3A_548] : memref<64x128xf32, #tpu.memory_space<vmem>>[vector<16xi32>, vector<16xi32>], vector<16xf32>,
          %gather3A_551 = tpu.vector_load_idx %arg7[%add3A_9, %add3A_548] : memref<64x128xf32, #tpu.memory_space<vmem>>[vector<16xi32>, vector<16xi32>], vector<16xf32>,
          %gather3A_552 = tpu.vector_load_idx %arg7[%add3A_12, %add3A_548] : memref<64x128xf32, #tpu.memory_space<vmem>>[vector<16xi32>, vector<16xi32>], vector<16xf32>,
          %mul3A_553 = arith.constant 8 : i32
          %mul3A_554 = arith.muli %mul3A_553, %scan3A_489 : i32
          %add3A_555 = vector.broadcast %mul3A_554 : i32 to vector<16xi32>
          %add3A_556 = arith.addi %shift_right_arithmetic3A_115, %add3A_555 : vector<16xi32>
          %add3A_557 = arith.constant 0 : i32
          %add3A_558 = vector.broadcast %add3A_557 : i32 to vector<16xi32>
          %add3A_559 = arith.addi %add3A_175, %add3A_558 : vector<16xi32>
          tpu.vector_store_idx %arg11[%add3A_556, %add3A_559], %gather3A_525 : memref<64x128xf32, #tpu.memory_space<vmem>>[vector<16xi32>, vector<16xi32>], vector<16xf32>,
          %add3A_560 = arith.constant 16 : i32
          %add3A_561 = vector.broadcast %add3A_560 : i32 to vector<16xi32>
          %add3A_562 = arith.addi %add3A_175, %add3A_561 : vector<16xi32>
          tpu.vector_store_idx %arg11[%add3A_556, %add3A_562], %gather3A_526 : memref<64x128xf32, #tpu.memory_space<vmem>>[vector<16xi32>, vector<16xi32>], vector<16xf32>,
          %add3A_563 = arith.constant 32 : i32
          %add3A_564 = vector.broadcast %add3A_563 : i32 to vector<16xi32>
          %add3A_565 = arith.addi %add3A_175, %add3A_564 : vector<16xi32>
          tpu.vector_store_idx %arg11[%add3A_556, %add3A_565], %gather3A_527 : memref<64x128xf32, #tpu.memory_space<vmem>>[vector<16xi32>, vector<16xi32>], vector<16xf32>,
          %add3A_566 = arith.constant 48 : i32
          %add3A_567 = vector.broadcast %add3A_566 : i32 to vector<16xi32>
          %add3A_568 = arith.addi %add3A_175, %add3A_567 : vector<16xi32>
          tpu.vector_store_idx %arg11[%add3A_556, %add3A_568], %gather3A_528 : memref<64x128xf32, #tpu.memory_space<vmem>>[vector<16xi32>, vector<16xi32>], vector<16xf32>,
          %mul3A_569 = arith.constant 16 : i32
          %mul3A_570 = arith.muli %mul3A_569, %scan3A_489 : i32
          %add3A_571 = vector.broadcast %mul3A_570 : i32 to vector<16xi32>
          %add3A_572 = arith.addi %and3A_41, %add3A_571 : vector<16xi32>
          %gather3A_573 = tpu.vector_load_idx %arg7[%add3A_3, %add3A_572] : memref<64x128xf32, #tpu.memory_space<vmem>>[vector<16xi32>, vector<16xi32>], vector<16xf32>,
          %gather3A_574 = tpu.vector_load_idx %arg7[%add3A_6, %add3A_572] : memref<64x128xf32, #tpu.memory_space<vmem>>[vector<16xi32>, vector<16xi32>], vector<16xf32>,
          %gather3A_575 = tpu.vector_load_idx %arg7[%add3A_9, %add3A_572] : memref<64x128xf32, #tpu.memory_space<vmem>>[vector<16xi32>, vector<16xi32>], vector<16xf32>,
          %gather3A_576 = tpu.vector_load_idx %arg7[%add3A_12, %add3A_572] : memref<64x128xf32, #tpu.memory_space<vmem>>[vector<16xi32>, vector<16xi32>], vector<16xf32>,
          %mul3A_577 = arith.constant 8 : i32
          %mul3A_578 = arith.muli %mul3A_577, %scan3A_489 : i32
          %add3A_579 = vector.broadcast %mul3A_578 : i32 to vector<16xi32>
          %add3A_580 = arith.addi %shift_right_arithmetic3A_118, %add3A_579 : vector<16xi32>
          %add3A_581 = arith.constant 0 : i32
          %add3A_582 = vector.broadcast %add3A_581 : i32 to vector<16xi32>
          %add3A_583 = arith.addi %add3A_182, %add3A_582 : vector<16xi32>
          tpu.vector_store_idx %arg11[%add3A_580, %add3A_583], %gather3A_549 : memref<64x128xf32, #tpu.memory_space<vmem>>[vector<16xi32>, vector<16xi32>], vector<16xf32>,
          %add3A_584 = arith.constant 16 : i32
          %add3A_585 = vector.broadcast %add3A_584 : i32 to vector<16xi32>
          %add3A_586 = arith.addi %add3A_182, %add3A_585 : vector<16xi32>
          tpu.vector_store_idx %arg11[%add3A_580, %add3A_586], %gather3A_550 : memref<64x128xf32, #tpu.memory_space<vmem>>[vector<16xi32>, vector<16xi32>], vector<16xf32>,
          %add3A_587 = arith.constant 32 : i32
          %add3A_588 = vector.broadcast %add3A_587 : i32 to vector<16xi32>
          %add3A_589 = arith.addi %add3A_182, %add3A_588 : vector<16xi32>
          tpu.vector_store_idx %arg11[%add3A_580, %add3A_589], %gather3A_551 : memref<64x128xf32, #tpu.memory_space<vmem>>[vector<16xi32>, vector<16xi32>], vector<16xf32>,
          %add3A_590 = arith.constant 48 : i32
          %add3A_591 = vector.broadcast %add3A_590 : i32 to vector<16xi32>
          %add3A_592 = arith.addi %add3A_182, %add3A_591 : vector<16xi32>
          tpu.vector_store_idx %arg11[%add3A_580, %add3A_592], %gather3A_552 : memref<64x128xf32, #tpu.memory_space<vmem>>[vector<16xi32>, vector<16xi32>], vector<16xf32>,
          %mul3A_593 = arith.constant 16 : i32
          %mul3A_594 = arith.muli %mul3A_593, %scan3A_489 : i32
          %add3A_595 = vector.broadcast %mul3A_594 : i32 to vector<16xi32>
          %add3A_596 = arith.addi %and3A_47, %add3A_595 : vector<16xi32>
          %gather3A_597 = tpu.vector_load_idx %arg7[%add3A_3, %add3A_596] : memref<64x128xf32, #tpu.memory_space<vmem>>[vector<16xi32>, vector<16xi32>], vector<16xf32>,
          %gather3A_598 = tpu.vector_load_idx %arg7[%add3A_6, %add3A_596] : memref<64x128xf32, #tpu.memory_space<vmem>>[vector<16xi32>, vector<16xi32>], vector<16xf32>,
          %gather3A_599 = tpu.vector_load_idx %arg7[%add3A_9, %add3A_596] : memref<64x128xf32, #tpu.memory_space<vmem>>[vector<16xi32>, vector<16xi32>], vector<16xf32>,
          %gather3A_600 = tpu.vector_load_idx %arg7[%add3A_12, %add3A_596] : memref<64x128xf32, #tpu.memory_space<vmem>>[vector<16xi32>, vector<16xi32>], vector<16xf32>,
          %mul3A_601 = arith.constant 8 : i32
          %mul3A_602 = arith.muli %mul3A_601, %scan3A_489 : i32
          %add3A_603 = vector.broadcast %mul3A_602 : i32 to vector<16xi32>
          %add3A_604 = arith.addi %shift_right_arithmetic3A_121, %add3A_603 : vector<16xi32>
          %add3A_605 = arith.constant 0 : i32
          %add3A_606 = vector.broadcast %add3A_605 : i32 to vector<16xi32>
          %add3A_607 = arith.addi %add3A_189, %add3A_606 : vector<16xi32>
          tpu.vector_store_idx %arg11[%add3A_604, %add3A_607], %gather3A_573 : memref<64x128xf32, #tpu.memory_space<vmem>>[vector<16xi32>, vector<16xi32>], vector<16xf32>,
          %add3A_608 = arith.constant 16 : i32
          %add3A_609 = vector.broadcast %add3A_608 : i32 to vector<16xi32>
          %add3A_610 = arith.addi %add3A_189, %add3A_609 : vector<16xi32>
          tpu.vector_store_idx %arg11[%add3A_604, %add3A_610], %gather3A_574 : memref<64x128xf32, #tpu.memory_space<vmem>>[vector<16xi32>, vector<16xi32>], vector<16xf32>,
          %add3A_611 = arith.constant 32 : i32
          %add3A_612 = vector.broadcast %add3A_611 : i32 to vector<16xi32>
          %add3A_613 = arith.addi %add3A_189, %add3A_612 : vector<16xi32>
          tpu.vector_store_idx %arg11[%add3A_604, %add3A_613], %gather3A_575 : memref<64x128xf32, #tpu.memory_space<vmem>>[vector<16xi32>, vector<16xi32>], vector<16xf32>,
          %add3A_614 = arith.constant 48 : i32
          %add3A_615 = vector.broadcast %add3A_614 : i32 to vector<16xi32>
          %add3A_616 = arith.addi %add3A_189, %add3A_615 : vector<16xi32>
          tpu.vector_store_idx %arg11[%add3A_604, %add3A_616], %gather3A_576 : memref<64x128xf32, #tpu.memory_space<vmem>>[vector<16xi32>, vector<16xi32>], vector<16xf32>,
          %mul3A_617 = arith.constant 16 : i32
          %mul3A_618 = arith.muli %mul3A_617, %scan3A_489 : i32
          %add3A_619 = vector.broadcast %mul3A_618 : i32 to vector<16xi32>
          %add3A_620 = arith.addi %and3A_53, %add3A_619 : vector<16xi32>
          %gather3A_621 = tpu.vector_load_idx %arg7[%add3A_3, %add3A_620] : memref<64x128xf32, #tpu.memory_space<vmem>>[vector<16xi32>, vector<16xi32>], vector<16xf32>,
          %gather3A_622 = tpu.vector_load_idx %arg7[%add3A_6, %add3A_620] : memref<64x128xf32, #tpu.memory_space<vmem>>[vector<16xi32>, vector<16xi32>], vector<16xf32>,
          %gather3A_623 = tpu.vector_load_idx %arg7[%add3A_9, %add3A_620] : memref<64x128xf32, #tpu.memory_space<vmem>>[vector<16xi32>, vector<16xi32>], vector<16xf32>,
          %gather3A_624 = tpu.vector_load_idx %arg7[%add3A_12, %add3A_620] : memref<64x128xf32, #tpu.memory_space<vmem>>[vector<16xi32>, vector<16xi32>], vector<16xf32>,
          %mul3A_625 = arith.constant 8 : i32
          %mul3A_626 = arith.muli %mul3A_625, %scan3A_489 : i32
          %add3A_627 = vector.broadcast %mul3A_626 : i32 to vector<16xi32>
          %add3A_628 = arith.addi %shift_right_arithmetic3A_124, %add3A_627 : vector<16xi32>
          %add3A_629 = arith.constant 0 : i32
          %add3A_630 = vector.broadcast %add3A_629 : i32 to vector<16xi32>
          %add3A_631 = arith.addi %add3A_196, %add3A_630 : vector<16xi32>
          tpu.vector_store_idx %arg11[%add3A_628, %add3A_631], %gather3A_597 : memref<64x128xf32, #tpu.memory_space<vmem>>[vector<16xi32>, vector<16xi32>], vector<16xf32>,
          %add3A_632 = arith.constant 16 : i32
          %add3A_633 = vector.broadcast %add3A_632 : i32 to vector<16xi32>
          %add3A_634 = arith.addi %add3A_196, %add3A_633 : vector<16xi32>
          tpu.vector_store_idx %arg11[%add3A_628, %add3A_634], %gather3A_598 : memref<64x128xf32, #tpu.memory_space<vmem>>[vector<16xi32>, vector<16xi32>], vector<16xf32>,
          %add3A_635 = arith.constant 32 : i32
          %add3A_636 = vector.broadcast %add3A_635 : i32 to vector<16xi32>
          %add3A_637 = arith.addi %add3A_196, %add3A_636 : vector<16xi32>
          tpu.vector_store_idx %arg11[%add3A_628, %add3A_637], %gather3A_599 : memref<64x128xf32, #tpu.memory_space<vmem>>[vector<16xi32>, vector<16xi32>], vector<16xf32>,
          %add3A_638 = arith.constant 48 : i32
          %add3A_639 = vector.broadcast %add3A_638 : i32 to vector<16xi32>
          %add3A_640 = arith.addi %add3A_196, %add3A_639 : vector<16xi32>
          tpu.vector_store_idx %arg11[%add3A_628, %add3A_640], %gather3A_600 : memref<64x128xf32, #tpu.memory_space<vmem>>[vector<16xi32>, vector<16xi32>], vector<16xf32>,
          %mul3A_641 = arith.constant 16 : i32
          %mul3A_642 = arith.muli %mul3A_641, %scan3A_489 : i32
          %add3A_643 = vector.broadcast %mul3A_642 : i32 to vector<16xi32>
          %add3A_644 = arith.addi %and3A_59, %add3A_643 : vector<16xi32>
          %gather3A_645 = tpu.vector_load_idx %arg7[%add3A_3, %add3A_644] : memref<64x128xf32, #tpu.memory_space<vmem>>[vector<16xi32>, vector<16xi32>], vector<16xf32>,
          %gather3A_646 = tpu.vector_load_idx %arg7[%add3A_6, %add3A_644] : memref<64x128xf32, #tpu.memory_space<vmem>>[vector<16xi32>, vector<16xi32>], vector<16xf32>,
          %gather3A_647 = tpu.vector_load_idx %arg7[%add3A_9, %add3A_644] : memref<64x128xf32, #tpu.memory_space<vmem>>[vector<16xi32>, vector<16xi32>], vector<16xf32>,
          %gather3A_648 = tpu.vector_load_idx %arg7[%add3A_12, %add3A_644] : memref<64x128xf32, #tpu.memory_space<vmem>>[vector<16xi32>, vector<16xi32>], vector<16xf32>,
          %mul3A_649 = arith.constant 8 : i32
          %mul3A_650 = arith.muli %mul3A_649, %scan3A_489 : i32
          %add3A_651 = vector.broadcast %mul3A_650 : i32 to vector<16xi32>
          %add3A_652 = arith.addi %shift_right_arithmetic3A_127, %add3A_651 : vector<16xi32>
          %add3A_653 = arith.constant 0 : i32
          %add3A_654 = vector.broadcast %add3A_653 : i32 to vector<16xi32>
          %add3A_655 = arith.addi %add3A_203, %add3A_654 : vector<16xi32>
          tpu.vector_store_idx %arg11[%add3A_652, %add3A_655], %gather3A_621 : memref<64x128xf32, #tpu.memory_space<vmem>>[vector<16xi32>, vector<16xi32>], vector<16xf32>,
          %add3A_656 = arith.constant 16 : i32
          %add3A_657 = vector.broadcast %add3A_656 : i32 to vector<16xi32>
          %add3A_658 = arith.addi %add3A_203, %add3A_657 : vector<16xi32>
          tpu.vector_store_idx %arg11[%add3A_652, %add3A_658], %gather3A_622 : memref<64x128xf32, #tpu.memory_space<vmem>>[vector<16xi32>, vector<16xi32>], vector<16xf32>,
          %add3A_659 = arith.constant 32 : i32
          %add3A_660 = vector.broadcast %add3A_659 : i32 to vector<16xi32>
          %add3A_661 = arith.addi %add3A_203, %add3A_660 : vector<16xi32>
          tpu.vector_store_idx %arg11[%add3A_652, %add3A_661], %gather3A_623 : memref<64x128xf32, #tpu.memory_space<vmem>>[vector<16xi32>, vector<16xi32>], vector<16xf32>,
          %add3A_662 = arith.constant 48 : i32
          %add3A_663 = vector.broadcast %add3A_662 : i32 to vector<16xi32>
          %add3A_664 = arith.addi %add3A_203, %add3A_663 : vector<16xi32>
          tpu.vector_store_idx %arg11[%add3A_652, %add3A_664], %gather3A_624 : memref<64x128xf32, #tpu.memory_space<vmem>>[vector<16xi32>, vector<16xi32>], vector<16xf32>,
          %mul3A_665 = arith.constant 16 : i32
          %mul3A_666 = arith.muli %mul3A_665, %scan3A_489 : i32
          %add3A_667 = vector.broadcast %mul3A_666 : i32 to vector<16xi32>
          %add3A_668 = arith.addi %and3A_65, %add3A_667 : vector<16xi32>
          %gather3A_669 = tpu.vector_load_idx %arg7[%add3A_3, %add3A_668] : memref<64x128xf32, #tpu.memory_space<vmem>>[vector<16xi32>, vector<16xi32>], vector<16xf32>,
          %gather3A_670 = tpu.vector_load_idx %arg7[%add3A_6, %add3A_668] : memref<64x128xf32, #tpu.memory_space<vmem>>[vector<16xi32>, vector<16xi32>], vector<16xf32>,
          %gather3A_671 = tpu.vector_load_idx %arg7[%add3A_9, %add3A_668] : memref<64x128xf32, #tpu.memory_space<vmem>>[vector<16xi32>, vector<16xi32>], vector<16xf32>,
          %gather3A_672 = tpu.vector_load_idx %arg7[%add3A_12, %add3A_668] : memref<64x128xf32, #tpu.memory_space<vmem>>[vector<16xi32>, vector<16xi32>], vector<16xf32>,
          %mul3A_673 = arith.constant 8 : i32
          %mul3A_674 = arith.muli %mul3A_673, %scan3A_489 : i32
          %add3A_675 = vector.broadcast %mul3A_674 : i32 to vector<16xi32>
          %add3A_676 = arith.addi %shift_right_arithmetic3A_130, %add3A_675 : vector<16xi32>
          %add3A_677 = arith.constant 0 : i32
          %add3A_678 = vector.broadcast %add3A_677 : i32 to vector<16xi32>
          %add3A_679 = arith.addi %add3A_210, %add3A_678 : vector<16xi32>
          tpu.vector_store_idx %arg11[%add3A_676, %add3A_679], %gather3A_645 : memref<64x128xf32, #tpu.memory_space<vmem>>[vector<16xi32>, vector<16xi32>], vector<16xf32>,
          %add3A_680 = arith.constant 16 : i32
          %add3A_681 = vector.broadcast %add3A_680 : i32 to vector<16xi32>
          %add3A_682 = arith.addi %add3A_210, %add3A_681 : vector<16xi32>
          tpu.vector_store_idx %arg11[%add3A_676, %add3A_682], %gather3A_646 : memref<64x128xf32, #tpu.memory_space<vmem>>[vector<16xi32>, vector<16xi32>], vector<16xf32>,
          %add3A_683 = arith.constant 32 : i32
          %add3A_684 = vector.broadcast %add3A_683 : i32 to vector<16xi32>
          %add3A_685 = arith.addi %add3A_210, %add3A_684 : vector<16xi32>
          tpu.vector_store_idx %arg11[%add3A_676, %add3A_685], %gather3A_647 : memref<64x128xf32, #tpu.memory_space<vmem>>[vector<16xi32>, vector<16xi32>], vector<16xf32>,
          %add3A_686 = arith.constant 48 : i32
          %add3A_687 = vector.broadcast %add3A_686 : i32 to vector<16xi32>
          %add3A_688 = arith.addi %add3A_210, %add3A_687 : vector<16xi32>
          tpu.vector_store_idx %arg11[%add3A_676, %add3A_688], %gather3A_648 : memref<64x128xf32, #tpu.memory_space<vmem>>[vector<16xi32>, vector<16xi32>], vector<16xf32>,
          %mul3A_689 = arith.constant 16 : i32
          %mul3A_690 = arith.muli %mul3A_689, %scan3A_489 : i32
          %add3A_691 = vector.broadcast %mul3A_690 : i32 to vector<16xi32>
          %add3A_692 = arith.addi %and3A_71, %add3A_691 : vector<16xi32>
          %gather3A_693 = tpu.vector_load_idx %arg7[%add3A_3, %add3A_692] : memref<64x128xf32, #tpu.memory_space<vmem>>[vector<16xi32>, vector<16xi32>], vector<16xf32>,
          %gather3A_694 = tpu.vector_load_idx %arg7[%add3A_6, %add3A_692] : memref<64x128xf32, #tpu.memory_space<vmem>>[vector<16xi32>, vector<16xi32>], vector<16xf32>,
          %gather3A_695 = tpu.vector_load_idx %arg7[%add3A_9, %add3A_692] : memref<64x128xf32, #tpu.memory_space<vmem>>[vector<16xi32>, vector<16xi32>], vector<16xf32>,
          %gather3A_696 = tpu.vector_load_idx %arg7[%add3A_12, %add3A_692] : memref<64x128xf32, #tpu.memory_space<vmem>>[vector<16xi32>, vector<16xi32>], vector<16xf32>,
          %mul3A_697 = arith.constant 8 : i32
          %mul3A_698 = arith.muli %mul3A_697, %scan3A_489 : i32
          %add3A_699 = vector.broadcast %mul3A_698 : i32 to vector<16xi32>
          %add3A_700 = arith.addi %shift_right_arithmetic3A_133, %add3A_699 : vector<16xi32>
          %add3A_701 = arith.constant 0 : i32
          %add3A_702 = vector.broadcast %add3A_701 : i32 to vector<16xi32>
          %add3A_703 = arith.addi %add3A_217, %add3A_702 : vector<16xi32>
          tpu.vector_store_idx %arg11[%add3A_700, %add3A_703], %gather3A_669 : memref<64x128xf32, #tpu.memory_space<vmem>>[vector<16xi32>, vector<16xi32>], vector<16xf32>,
          %add3A_704 = arith.constant 16 : i32
          %add3A_705 = vector.broadcast %add3A_704 : i32 to vector<16xi32>
          %add3A_706 = arith.addi %add3A_217, %add3A_705 : vector<16xi32>
          tpu.vector_store_idx %arg11[%add3A_700, %add3A_706], %gather3A_670 : memref<64x128xf32, #tpu.memory_space<vmem>>[vector<16xi32>, vector<16xi32>], vector<16xf32>,
          %add3A_707 = arith.constant 32 : i32
          %add3A_708 = vector.broadcast %add3A_707 : i32 to vector<16xi32>
          %add3A_709 = arith.addi %add3A_217, %add3A_708 : vector<16xi32>
          tpu.vector_store_idx %arg11[%add3A_700, %add3A_709], %gather3A_671 : memref<64x128xf32, #tpu.memory_space<vmem>>[vector<16xi32>, vector<16xi32>], vector<16xf32>,
          %add3A_710 = arith.constant 48 : i32
          %add3A_711 = vector.broadcast %add3A_710 : i32 to vector<16xi32>
          %add3A_712 = arith.addi %add3A_217, %add3A_711 : vector<16xi32>
          tpu.vector_store_idx %arg11[%add3A_700, %add3A_712], %gather3A_672 : memref<64x128xf32, #tpu.memory_space<vmem>>[vector<16xi32>, vector<16xi32>], vector<16xf32>,
          %mul3A_713 = arith.constant 16 : i32
          %mul3A_714 = arith.muli %mul3A_713, %scan3A_489 : i32
          %add3A_715 = vector.broadcast %mul3A_714 : i32 to vector<16xi32>
          %add3A_716 = arith.addi %and3A_77, %add3A_715 : vector<16xi32>
          %gather3A_717 = tpu.vector_load_idx %arg7[%add3A_3, %add3A_716] : memref<64x128xf32, #tpu.memory_space<vmem>>[vector<16xi32>, vector<16xi32>], vector<16xf32>,
          %gather3A_718 = tpu.vector_load_idx %arg7[%add3A_6, %add3A_716] : memref<64x128xf32, #tpu.memory_space<vmem>>[vector<16xi32>, vector<16xi32>], vector<16xf32>,
          %gather3A_719 = tpu.vector_load_idx %arg7[%add3A_9, %add3A_716] : memref<64x128xf32, #tpu.memory_space<vmem>>[vector<16xi32>, vector<16xi32>], vector<16xf32>,
          %gather3A_720 = tpu.vector_load_idx %arg7[%add3A_12, %add3A_716] : memref<64x128xf32, #tpu.memory_space<vmem>>[vector<16xi32>, vector<16xi32>], vector<16xf32>,
          %mul3A_721 = arith.constant 8 : i32
          %mul3A_722 = arith.muli %mul3A_721, %scan3A_489 : i32
          %add3A_723 = vector.broadcast %mul3A_722 : i32 to vector<16xi32>
          %add3A_724 = arith.addi %shift_right_arithmetic3A_136, %add3A_723 : vector<16xi32>
          %add3A_725 = arith.constant 0 : i32
          %add3A_726 = vector.broadcast %add3A_725 : i32 to vector<16xi32>
          %add3A_727 = arith.addi %add3A_224, %add3A_726 : vector<16xi32>
          tpu.vector_store_idx %arg11[%add3A_724, %add3A_727], %gather3A_693 : memref<64x128xf32, #tpu.memory_space<vmem>>[vector<16xi32>, vector<16xi32>], vector<16xf32>,
          %add3A_728 = arith.constant 16 : i32
          %add3A_729 = vector.broadcast %add3A_728 : i32 to vector<16xi32>
          %add3A_730 = arith.addi %add3A_224, %add3A_729 : vector<16xi32>
          tpu.vector_store_idx %arg11[%add3A_724, %add3A_730], %gather3A_694 : memref<64x128xf32, #tpu.memory_space<vmem>>[vector<16xi32>, vector<16xi32>], vector<16xf32>,
          %add3A_731 = arith.constant 32 : i32
          %add3A_732 = vector.broadcast %add3A_731 : i32 to vector<16xi32>
          %add3A_733 = arith.addi %add3A_224, %add3A_732 : vector<16xi32>
          tpu.vector_store_idx %arg11[%add3A_724, %add3A_733], %gather3A_695 : memref<64x128xf32, #tpu.memory_space<vmem>>[vector<16xi32>, vector<16xi32>], vector<16xf32>,
          %add3A_734 = arith.constant 48 : i32
          %add3A_735 = vector.broadcast %add3A_734 : i32 to vector<16xi32>
          %add3A_736 = arith.addi %add3A_224, %add3A_735 : vector<16xi32>
          tpu.vector_store_idx %arg11[%add3A_724, %add3A_736], %gather3A_696 : memref<64x128xf32, #tpu.memory_space<vmem>>[vector<16xi32>, vector<16xi32>], vector<16xf32>,
          %mul3A_737 = arith.constant 16 : i32
          %mul3A_738 = arith.muli %mul3A_737, %scan3A_489 : i32
          %add3A_739 = vector.broadcast %mul3A_738 : i32 to vector<16xi32>
          %add3A_740 = arith.addi %and3A_83, %add3A_739 : vector<16xi32>
          %gather3A_741 = tpu.vector_load_idx %arg7[%add3A_3, %add3A_740] : memref<64x128xf32, #tpu.memory_space<vmem>>[vector<16xi32>, vector<16xi32>], vector<16xf32>,
          %gather3A_742 = tpu.vector_load_idx %arg7[%add3A_6, %add3A_740] : memref<64x128xf32, #tpu.memory_space<vmem>>[vector<16xi32>, vector<16xi32>], vector<16xf32>,
          %gather3A_743 = tpu.vector_load_idx %arg7[%add3A_9, %add3A_740] : memref<64x128xf32, #tpu.memory_space<vmem>>[vector<16xi32>, vector<16xi32>], vector<16xf32>,
          %gather3A_744 = tpu.vector_load_idx %arg7[%add3A_12, %add3A_740] : memref<64x128xf32, #tpu.memory_space<vmem>>[vector<16xi32>, vector<16xi32>], vector<16xf32>,
          %mul3A_745 = arith.constant 8 : i32
          %mul3A_746 = arith.muli %mul3A_745, %scan3A_489 : i32
          %add3A_747 = vector.broadcast %mul3A_746 : i32 to vector<16xi32>
          %add3A_748 = arith.addi %shift_right_arithmetic3A_139, %add3A_747 : vector<16xi32>
          %add3A_749 = arith.constant 0 : i32
          %add3A_750 = vector.broadcast %add3A_749 : i32 to vector<16xi32>
          %add3A_751 = arith.addi %add3A_231, %add3A_750 : vector<16xi32>
          tpu.vector_store_idx %arg11[%add3A_748, %add3A_751], %gather3A_717 : memref<64x128xf32, #tpu.memory_space<vmem>>[vector<16xi32>, vector<16xi32>], vector<16xf32>,
          %add3A_752 = arith.constant 16 : i32
          %add3A_753 = vector.broadcast %add3A_752 : i32 to vector<16xi32>
          %add3A_754 = arith.addi %add3A_231, %add3A_753 : vector<16xi32>
          tpu.vector_store_idx %arg11[%add3A_748, %add3A_754], %gather3A_718 : memref<64x128xf32, #tpu.memory_space<vmem>>[vector<16xi32>, vector<16xi32>], vector<16xf32>,
          %add3A_755 = arith.constant 32 : i32
          %add3A_756 = vector.broadcast %add3A_755 : i32 to vector<16xi32>
          %add3A_757 = arith.addi %add3A_231, %add3A_756 : vector<16xi32>
          tpu.vector_store_idx %arg11[%add3A_748, %add3A_757], %gather3A_719 : memref<64x128xf32, #tpu.memory_space<vmem>>[vector<16xi32>, vector<16xi32>], vector<16xf32>,
          %add3A_758 = arith.constant 48 : i32
          %add3A_759 = vector.broadcast %add3A_758 : i32 to vector<16xi32>
          %add3A_760 = arith.addi %add3A_231, %add3A_759 : vector<16xi32>
          tpu.vector_store_idx %arg11[%add3A_748, %add3A_760], %gather3A_720 : memref<64x128xf32, #tpu.memory_space<vmem>>[vector<16xi32>, vector<16xi32>], vector<16xf32>,
          %mul3A_761 = arith.constant 16 : i32
          %mul3A_762 = arith.muli %mul3A_761, %scan3A_489 : i32
          %add3A_763 = vector.broadcast %mul3A_762 : i32 to vector<16xi32>
          %add3A_764 = arith.addi %and3A_89, %add3A_763 : vector<16xi32>
          %gather3A_765 = tpu.vector_load_idx %arg7[%add3A_3, %add3A_764] : memref<64x128xf32, #tpu.memory_space<vmem>>[vector<16xi32>, vector<16xi32>], vector<16xf32>,
          %gather3A_766 = tpu.vector_load_idx %arg7[%add3A_6, %add3A_764] : memref<64x128xf32, #tpu.memory_space<vmem>>[vector<16xi32>, vector<16xi32>], vector<16xf32>,
          %gather3A_767 = tpu.vector_load_idx %arg7[%add3A_9, %add3A_764] : memref<64x128xf32, #tpu.memory_space<vmem>>[vector<16xi32>, vector<16xi32>], vector<16xf32>,
          %gather3A_768 = tpu.vector_load_idx %arg7[%add3A_12, %add3A_764] : memref<64x128xf32, #tpu.memory_space<vmem>>[vector<16xi32>, vector<16xi32>], vector<16xf32>,
          %mul3A_769 = arith.constant 8 : i32
          %mul3A_770 = arith.muli %mul3A_769, %scan3A_489 : i32
          %add3A_771 = vector.broadcast %mul3A_770 : i32 to vector<16xi32>
          %add3A_772 = arith.addi %shift_right_arithmetic3A_142, %add3A_771 : vector<16xi32>
          %add3A_773 = arith.constant 0 : i32
          %add3A_774 = vector.broadcast %add3A_773 : i32 to vector<16xi32>
          %add3A_775 = arith.addi %add3A_238, %add3A_774 : vector<16xi32>
          tpu.vector_store_idx %arg11[%add3A_772, %add3A_775], %gather3A_741 : memref<64x128xf32, #tpu.memory_space<vmem>>[vector<16xi32>, vector<16xi32>], vector<16xf32>,
          %add3A_776 = arith.constant 16 : i32
          %add3A_777 = vector.broadcast %add3A_776 : i32 to vector<16xi32>
          %add3A_778 = arith.addi %add3A_238, %add3A_777 : vector<16xi32>
          tpu.vector_store_idx %arg11[%add3A_772, %add3A_778], %gather3A_742 : memref<64x128xf32, #tpu.memory_space<vmem>>[vector<16xi32>, vector<16xi32>], vector<16xf32>,
          %add3A_779 = arith.constant 32 : i32
          %add3A_780 = vector.broadcast %add3A_779 : i32 to vector<16xi32>
          %add3A_781 = arith.addi %add3A_238, %add3A_780 : vector<16xi32>
          tpu.vector_store_idx %arg11[%add3A_772, %add3A_781], %gather3A_743 : memref<64x128xf32, #tpu.memory_space<vmem>>[vector<16xi32>, vector<16xi32>], vector<16xf32>,
          %add3A_782 = arith.constant 48 : i32
          %add3A_783 = vector.broadcast %add3A_782 : i32 to vector<16xi32>
          %add3A_784 = arith.addi %add3A_238, %add3A_783 : vector<16xi32>
          tpu.vector_store_idx %arg11[%add3A_772, %add3A_784], %gather3A_744 : memref<64x128xf32, #tpu.memory_space<vmem>>[vector<16xi32>, vector<16xi32>], vector<16xf32>,
          %mul3A_785 = arith.constant 16 : i32
          %mul3A_786 = arith.muli %mul3A_785, %scan3A_489 : i32
          %add3A_787 = vector.broadcast %mul3A_786 : i32 to vector<16xi32>
          %add3A_788 = arith.addi %and3A_95, %add3A_787 : vector<16xi32>
          %gather3A_789 = tpu.vector_load_idx %arg7[%add3A_3, %add3A_788] : memref<64x128xf32, #tpu.memory_space<vmem>>[vector<16xi32>, vector<16xi32>], vector<16xf32>,
          %gather3A_790 = tpu.vector_load_idx %arg7[%add3A_6, %add3A_788] : memref<64x128xf32, #tpu.memory_space<vmem>>[vector<16xi32>, vector<16xi32>], vector<16xf32>,
          %gather3A_791 = tpu.vector_load_idx %arg7[%add3A_9, %add3A_788] : memref<64x128xf32, #tpu.memory_space<vmem>>[vector<16xi32>, vector<16xi32>], vector<16xf32>,
          %gather3A_792 = tpu.vector_load_idx %arg7[%add3A_12, %add3A_788] : memref<64x128xf32, #tpu.memory_space<vmem>>[vector<16xi32>, vector<16xi32>], vector<16xf32>,
          %mul3A_793 = arith.constant 8 : i32
          %mul3A_794 = arith.muli %mul3A_793, %scan3A_489 : i32
          %add3A_795 = vector.broadcast %mul3A_794 : i32 to vector<16xi32>
          %add3A_796 = arith.addi %shift_right_arithmetic3A_145, %add3A_795 : vector<16xi32>
          %add3A_797 = arith.constant 0 : i32
          %add3A_798 = vector.broadcast %add3A_797 : i32 to vector<16xi32>
          %add3A_799 = arith.addi %add3A_245, %add3A_798 : vector<16xi32>
          tpu.vector_store_idx %arg11[%add3A_796, %add3A_799], %gather3A_765 : memref<64x128xf32, #tpu.memory_space<vmem>>[vector<16xi32>, vector<16xi32>], vector<16xf32>,
          %add3A_800 = arith.constant 16 : i32
          %add3A_801 = vector.broadcast %add3A_800 : i32 to vector<16xi32>
          %add3A_802 = arith.addi %add3A_245, %add3A_801 : vector<16xi32>
          tpu.vector_store_idx %arg11[%add3A_796, %add3A_802], %gather3A_766 : memref<64x128xf32, #tpu.memory_space<vmem>>[vector<16xi32>, vector<16xi32>], vector<16xf32>,
          %add3A_803 = arith.constant 32 : i32
          %add3A_804 = vector.broadcast %add3A_803 : i32 to vector<16xi32>
          %add3A_805 = arith.addi %add3A_245, %add3A_804 : vector<16xi32>
          tpu.vector_store_idx %arg11[%add3A_796, %add3A_805], %gather3A_767 : memref<64x128xf32, #tpu.memory_space<vmem>>[vector<16xi32>, vector<16xi32>], vector<16xf32>,
          %add3A_806 = arith.constant 48 : i32
          %add3A_807 = vector.broadcast %add3A_806 : i32 to vector<16xi32>
          %add3A_808 = arith.addi %add3A_245, %add3A_807 : vector<16xi32>
          tpu.vector_store_idx %arg11[%add3A_796, %add3A_808], %gather3A_768 : memref<64x128xf32, #tpu.memory_space<vmem>>[vector<16xi32>, vector<16xi32>], vector<16xf32>,
          %mul3A_809 = arith.constant 16 : i32
          %mul3A_810 = arith.muli %mul3A_809, %scan3A_489 : i32
          %add3A_811 = vector.broadcast %mul3A_810 : i32 to vector<16xi32>
          %add3A_812 = arith.addi %and3A_101, %add3A_811 : vector<16xi32>
          %gather3A_813 = tpu.vector_load_idx %arg7[%add3A_3, %add3A_812] : memref<64x128xf32, #tpu.memory_space<vmem>>[vector<16xi32>, vector<16xi32>], vector<16xf32>,
          %gather3A_814 = tpu.vector_load_idx %arg7[%add3A_6, %add3A_812] : memref<64x128xf32, #tpu.memory_space<vmem>>[vector<16xi32>, vector<16xi32>], vector<16xf32>,
          %gather3A_815 = tpu.vector_load_idx %arg7[%add3A_9, %add3A_812] : memref<64x128xf32, #tpu.memory_space<vmem>>[vector<16xi32>, vector<16xi32>], vector<16xf32>,
          %gather3A_816 = tpu.vector_load_idx %arg7[%add3A_12, %add3A_812] : memref<64x128xf32, #tpu.memory_space<vmem>>[vector<16xi32>, vector<16xi32>], vector<16xf32>,
          %mul3A_817 = arith.constant 8 : i32
          %mul3A_818 = arith.muli %mul3A_817, %scan3A_489 : i32
          %add3A_819 = vector.broadcast %mul3A_818 : i32 to vector<16xi32>
          %add3A_820 = arith.addi %shift_right_arithmetic3A_148, %add3A_819 : vector<16xi32>
          %add3A_821 = arith.constant 0 : i32
          %add3A_822 = vector.broadcast %add3A_821 : i32 to vector<16xi32>
          %add3A_823 = arith.addi %add3A_252, %add3A_822 : vector<16xi32>
          tpu.vector_store_idx %arg11[%add3A_820, %add3A_823], %gather3A_789 : memref<64x128xf32, #tpu.memory_space<vmem>>[vector<16xi32>, vector<16xi32>], vector<16xf32>,
          %add3A_824 = arith.constant 16 : i32
          %add3A_825 = vector.broadcast %add3A_824 : i32 to vector<16xi32>
          %add3A_826 = arith.addi %add3A_252, %add3A_825 : vector<16xi32>
          tpu.vector_store_idx %arg11[%add3A_820, %add3A_826], %gather3A_790 : memref<64x128xf32, #tpu.memory_space<vmem>>[vector<16xi32>, vector<16xi32>], vector<16xf32>,
          %add3A_827 = arith.constant 32 : i32
          %add3A_828 = vector.broadcast %add3A_827 : i32 to vector<16xi32>
          %add3A_829 = arith.addi %add3A_252, %add3A_828 : vector<16xi32>
          tpu.vector_store_idx %arg11[%add3A_820, %add3A_829], %gather3A_791 : memref<64x128xf32, #tpu.memory_space<vmem>>[vector<16xi32>, vector<16xi32>], vector<16xf32>,
          %add3A_830 = arith.constant 48 : i32
          %add3A_831 = vector.broadcast %add3A_830 : i32 to vector<16xi32>
          %add3A_832 = arith.addi %add3A_252, %add3A_831 : vector<16xi32>
          tpu.vector_store_idx %arg11[%add3A_820, %add3A_832], %gather3A_792 : memref<64x128xf32, #tpu.memory_space<vmem>>[vector<16xi32>, vector<16xi32>], vector<16xf32>,
          %mul3A_833 = arith.constant 16 : i32
          %mul3A_834 = arith.muli %mul3A_833, %scan3A_489 : i32
          %add3A_835 = vector.broadcast %mul3A_834 : i32 to vector<16xi32>
          %add3A_836 = arith.addi %and3A_107, %add3A_835 : vector<16xi32>
          %gather3A_837 = tpu.vector_load_idx %arg7[%add3A_3, %add3A_836] : memref<64x128xf32, #tpu.memory_space<vmem>>[vector<16xi32>, vector<16xi32>], vector<16xf32>,
          %gather3A_838 = tpu.vector_load_idx %arg7[%add3A_6, %add3A_836] : memref<64x128xf32, #tpu.memory_space<vmem>>[vector<16xi32>, vector<16xi32>], vector<16xf32>,
          %gather3A_839 = tpu.vector_load_idx %arg7[%add3A_9, %add3A_836] : memref<64x128xf32, #tpu.memory_space<vmem>>[vector<16xi32>, vector<16xi32>], vector<16xf32>,
          %gather3A_840 = tpu.vector_load_idx %arg7[%add3A_12, %add3A_836] : memref<64x128xf32, #tpu.memory_space<vmem>>[vector<16xi32>, vector<16xi32>], vector<16xf32>,
          %mul3A_841 = arith.constant 8 : i32
          %mul3A_842 = arith.muli %mul3A_841, %scan3A_489 : i32
          %add3A_843 = vector.broadcast %mul3A_842 : i32 to vector<16xi32>
          %add3A_844 = arith.addi %shift_right_arithmetic3A_151, %add3A_843 : vector<16xi32>
          %add3A_845 = arith.constant 0 : i32
          %add3A_846 = vector.broadcast %add3A_845 : i32 to vector<16xi32>
          %add3A_847 = arith.addi %add3A_259, %add3A_846 : vector<16xi32>
          tpu.vector_store_idx %arg11[%add3A_844, %add3A_847], %gather3A_813 : memref<64x128xf32, #tpu.memory_space<vmem>>[vector<16xi32>, vector<16xi32>], vector<16xf32>,
          %add3A_848 = arith.constant 16 : i32
          %add3A_849 = vector.broadcast %add3A_848 : i32 to vector<16xi32>
          %add3A_850 = arith.addi %add3A_259, %add3A_849 : vector<16xi32>
          tpu.vector_store_idx %arg11[%add3A_844, %add3A_850], %gather3A_814 : memref<64x128xf32, #tpu.memory_space<vmem>>[vector<16xi32>, vector<16xi32>], vector<16xf32>,
          %add3A_851 = arith.constant 32 : i32
          %add3A_852 = vector.broadcast %add3A_851 : i32 to vector<16xi32>
          %add3A_853 = arith.addi %add3A_259, %add3A_852 : vector<16xi32>
          tpu.vector_store_idx %arg11[%add3A_844, %add3A_853], %gather3A_815 : memref<64x128xf32, #tpu.memory_space<vmem>>[vector<16xi32>, vector<16xi32>], vector<16xf32>,
          %add3A_854 = arith.constant 48 : i32
          %add3A_855 = vector.broadcast %add3A_854 : i32 to vector<16xi32>
          %add3A_856 = arith.addi %add3A_259, %add3A_855 : vector<16xi32>
          tpu.vector_store_idx %arg11[%add3A_844, %add3A_856], %gather3A_816 : memref<64x128xf32, #tpu.memory_space<vmem>>[vector<16xi32>, vector<16xi32>], vector<16xf32>,
          %mul3A_857 = arith.constant 8 : i32
          %mul3A_858 = arith.muli %mul3A_857, %scan3A_489 : i32
          %add3A_859 = vector.broadcast %mul3A_858 : i32 to vector<16xi32>
          %add3A_860 = arith.addi %shift_right_arithmetic3A_154, %add3A_859 : vector<16xi32>
          %add3A_861 = arith.constant 0 : i32
          %add3A_862 = vector.broadcast %add3A_861 : i32 to vector<16xi32>
          %add3A_863 = arith.addi %add3A_266, %add3A_862 : vector<16xi32>
          tpu.vector_store_idx %arg11[%add3A_860, %add3A_863], %gather3A_837 : memref<64x128xf32, #tpu.memory_space<vmem>>[vector<16xi32>, vector<16xi32>], vector<16xf32>,
          %add3A_864 = arith.constant 16 : i32
          %add3A_865 = vector.broadcast %add3A_864 : i32 to vector<16xi32>
          %add3A_866 = arith.addi %add3A_266, %add3A_865 : vector<16xi32>
          tpu.vector_store_idx %arg11[%add3A_860, %add3A_866], %gather3A_838 : memref<64x128xf32, #tpu.memory_space<vmem>>[vector<16xi32>, vector<16xi32>], vector<16xf32>,
          %add3A_867 = arith.constant 32 : i32
          %add3A_868 = vector.broadcast %add3A_867 : i32 to vector<16xi32>
          %add3A_869 = arith.addi %add3A_266, %add3A_868 : vector<16xi32>
          tpu.vector_store_idx %arg11[%add3A_860, %add3A_869], %gather3A_839 : memref<64x128xf32, #tpu.memory_space<vmem>>[vector<16xi32>, vector<16xi32>], vector<16xf32>,
          %add3A_870 = arith.constant 48 : i32
          %add3A_871 = vector.broadcast %add3A_870 : i32 to vector<16xi32>
          %add3A_872 = arith.addi %add3A_266, %add3A_871 : vector<16xi32>
          tpu.vector_store_idx %arg11[%add3A_860, %add3A_872], %gather3A_840 : memref<64x128xf32, #tpu.memory_space<vmem>>[vector<16xi32>, vector<16xi32>], vector<16xf32>,
        }
        %scan3A_464 = arith.constant 8 : i32
        %semaphore_signal3A_465 = arith.constant 1 : i32
        tpu.sem_signal %arg21, %semaphore_signal3A_465 : memref<!tpu.semaphore, #tpu.memory_space<semaphore_mem>>
        %semaphore_wait3A_466 = arith.constant 1 : i32
        %semaphore_wait3A_467 = arith.constant true
        tpu.sem_wait %arg21, %semaphore_wait3A_466 : memref<!tpu.semaphore, #tpu.memory_space<semaphore_mem>>
        %jit3A = arith.constant 2 : i32
        %div3A = arith.divsi %multiple_of3A_401, %jit3A : i32
        %sign3A = arith.constant 0 : i32
        %sign3A_468 = arith.cmpi sgt, %multiple_of3A_401, %sign3A : i32
        %sign3A_469 = arith.extui %sign3A_468 : i1 to i32
        %sign3A_470 = arith.constant 0 : i32
        %sign3A_471 = arith.cmpi slt, %multiple_of3A_401, %sign3A_470 : i32
        %sign3A_472 = arith.extui %sign3A_471 : i1 to i32
        %sign3A_473 = arith.subi %sign3A_469, %sign3A_472 : i32
        %sign3A_474 = arith.constant 0 : i32
        %sign3A_475 = arith.cmpi sgt, %jit3A, %sign3A_474 : i32
        %sign3A_476 = arith.extui %sign3A_475 : i1 to i32
        %sign3A_477 = arith.constant 0 : i32
        %sign3A_478 = arith.cmpi slt, %jit3A, %sign3A_477 : i32
        %sign3A_479 = arith.extui %sign3A_478 : i1 to i32
        %sign3A_480 = arith.subi %sign3A_476, %sign3A_479 : i32
        %ne3A = arith.cmpi ne, %sign3A_473, %sign3A_480 : i32
        %rem3A = arith.remsi %multiple_of3A_401, %jit3A : i32
        %ne3A_481 = arith.constant 0 : i32
        %ne3A_482 = arith.cmpi ne, %rem3A, %ne3A_481 : i32
        %and3A_483 = arith.andi %ne3A, %ne3A_482 : i1
        %sub3A = arith.constant 1 : i32
        %sub3A_484 = arith.subi %div3A, %sub3A : i32
        %select_n3A = arith.select %and3A_483, %sub3A_484, %div3A : i32
        %multiple_of3A_485 = tpu.assume_multiple %select_n3A, 64 : i32
        %dma_start3A = arith.constant 0 : i32
        %dma_start3A_486 = tpu.memref_slice %arg4[%multiple_of3A_485, %dma_start3A] : memref<500000x128xf32, #tpu.memory_space<hbm>> -> memref<64x128xf32, #tpu.memory_space<hbm>>
        %dma_start3A_487 = arith.constant 0 : i32
        %dma_start3A_488 = tpu.memref_slice %arg4[%multiple_of3A_485, %dma_start3A_487] : memref<500000x128xf32, #tpu.memory_space<hbm>> -> memref<64x128xf32, #tpu.memory_space<hbm>>
        tpu.enqueue_dma source(%arg11 : memref<64x128xf32, #tpu.memory_space<vmem>>) target(%dma_start3A_488 : memref<64x128xf32, #tpu.memory_space<hbm>>) target_semaphore(%arg19 : memref<!tpu.dma_semaphore, #tpu.memory_space<semaphore_mem>>)
      } else {
      }
      %convert_element_type3A_417 = arith.extui %lt3A_413 : i1 to i32
      %cond3A_418 = arith.constant 0 : i32
      %cond3A_419 = arith.cmpi ne, %convert_element_type3A_417, %cond3A_418 : i32
      scf.if %cond3A_419 {
        %dma_start3A = arith.constant 0 : i32
        %dma_start3A_448 = tpu.memref_slice %arg2[%dma_start3A, %multiple_of3A_411] : memref<64x1000000xf32, #tpu.memory_space<hbm>> -> memref<64x128xf32, #tpu.memory_space<hbm>>
        %dma_start3A_449 = arith.constant 0 : i32
        %dma_start3A_450 = tpu.memref_slice %arg2[%dma_start3A_449, %multiple_of3A_411] : memref<64x1000000xf32, #tpu.memory_space<hbm>> -> memref<64x128xf32, #tpu.memory_space<hbm>>
        tpu.enqueue_dma source(%dma_start3A_450 : memref<64x128xf32, #tpu.memory_space<hbm>>) target(%arg7 : memref<64x128xf32, #tpu.memory_space<vmem>>) target_semaphore(%arg15 : memref<!tpu.dma_semaphore, #tpu.memory_space<semaphore_mem>>)
      } else {
      }
      %mul3A_420 = arith.constant 4 : i32
      %mul3A_421 = arith.muli %mul3A_420, %scan3A_335 : i32
      %add3A_422 = arith.constant 3 : i32
      %add3A_423 = arith.addi %mul3A_421, %add3A_422 : i32
      %mul3A_424 = arith.constant 32 : i32
      %mul3A_425 = arith.muli %mul3A_424, %add3A_423 : i32
      %add3A_426 = arith.addi %add3A, %mul3A_425 : i32
      %mul3A_427 = arith.constant 128 : i32
      %mul3A_428 = arith.muli %add3A_426, %mul3A_427 : i32
      %multiple_of3A_429 = tpu.assume_multiple %mul3A_428, 128 : i32
      %lt3A_430 = arith.constant 7812 : i32
      %lt3A_431 = arith.cmpi slt, %add3A_426, %lt3A_430 : i32
      %add3A_432 = arith.constant 4 : i32
      %add3A_433 = arith.addi %add3A_423, %add3A_432 : i32
      %mul3A_434 = arith.constant 32 : i32
      %mul3A_435 = arith.muli %mul3A_434, %add3A_433 : i32
      %add3A_436 = arith.addi %add3A, %mul3A_435 : i32
      %mul3A_437 = arith.constant 128 : i32
      %mul3A_438 = arith.muli %add3A_436, %mul3A_437 : i32
      %multiple_of3A_439 = tpu.assume_multiple %mul3A_438, 128 : i32
      %lt3A_440 = arith.constant 7812 : i32
      %lt3A_441 = arith.cmpi slt, %add3A_436, %lt3A_440 : i32
      %convert_element_type3A_442 = arith.extui %lt3A_431 : i1 to i32
      %cond3A_443 = arith.constant 0 : i32
      %cond3A_444 = arith.cmpi ne, %convert_element_type3A_442, %cond3A_443 : i32
      scf.if %cond3A_444 {
        %dma_wait3A_448 = arith.constant 0 : i32
        %dma_wait3A_449 = arith.constant 0 : i32
        %dma_wait3A_450 = tpu.memref_slice %arg2[%dma_wait3A_448, %dma_wait3A_449] : memref<64x1000000xf32, #tpu.memory_space<hbm>> -> memref<64x128xf32, #tpu.memory_space<hbm>>
        %dma_wait3A_451 = arith.constant 0 : i32
        %dma_wait3A_452 = arith.constant 0 : i32
        %dma_wait3A_453 = tpu.memref_slice %arg2[%dma_wait3A_451, %dma_wait3A_452] : memref<64x1000000xf32, #tpu.memory_space<hbm>> -> memref<64x128xf32, #tpu.memory_space<hbm>>
        tpu.wait_dma2 semaphore(%arg16 : memref<!tpu.dma_semaphore, #tpu.memory_space<semaphore_mem>>) src(%dma_wait3A_453 : memref<64x128xf32, #tpu.memory_space<hbm>>) dst(%arg8 : memref<64x128xf32, #tpu.memory_space<vmem>>)
        %ge3A = arith.constant 4 : i32
        %ge3A_454 = arith.cmpi sge, %add3A_423, %ge3A : i32
        %convert_element_type3A_455 = arith.extui %ge3A_454 : i1 to i32
        %cond3A_456 = arith.constant 0 : i32
        %cond3A_457 = arith.cmpi ne, %convert_element_type3A_455, %cond3A_456 : i32
        scf.if %cond3A_457 {
          %dma_wait3A_489 = arith.constant 0 : i32
          %dma_wait3A_490 = arith.constant 0 : i32
          %dma_wait3A_491 = tpu.memref_slice %arg4[%dma_wait3A_489, %dma_wait3A_490] : memref<500000x128xf32, #tpu.memory_space<hbm>> -> memref<64x128xf32, #tpu.memory_space<hbm>>
          %dma_wait3A_492 = arith.constant 0 : i32
          %dma_wait3A_493 = arith.constant 0 : i32
          %dma_wait3A_494 = tpu.memref_slice %arg4[%dma_wait3A_492, %dma_wait3A_493] : memref<500000x128xf32, #tpu.memory_space<hbm>> -> memref<64x128xf32, #tpu.memory_space<hbm>>
          tpu.wait_dma2 semaphore(%arg20 : memref<!tpu.dma_semaphore, #tpu.memory_space<semaphore_mem>>) src(%arg12 : memref<64x128xf32, #tpu.memory_space<vmem>>) dst(%dma_wait3A_494 : memref<64x128xf32, #tpu.memory_space<hbm>>)
        } else {
        }
        %semaphore_signal3A = arith.constant 1 : i32
        tpu.sem_signal %arg21, %semaphore_signal3A : memref<!tpu.semaphore, #tpu.memory_space<semaphore_mem>>
        %semaphore_wait3A = arith.constant 1 : i32
        %semaphore_wait3A_458 = arith.constant true
        tpu.sem_wait %arg21, %semaphore_wait3A : memref<!tpu.semaphore, #tpu.memory_space<semaphore_mem>>
        %scan3A_459 = arith.constant 0 : i32
        %scan3A_460 = arith.constant 0 : i32
        %scan3A_461 = arith.constant 8 : i32
        %scan3A_462 = arith.addi %scan3A_460, %scan3A_461 : i32
        %scan3A_463 = arith.constant 1 : i32
        scf.for %scan3A_489 = %scan3A_460 to %scan3A_462 step %scan3A_463  : i32 {
          %mul3A_490 = arith.constant 16 : i32
          %mul3A_491 = arith.muli %mul3A_490, %scan3A_489 : i32
          %add3A_492 = vector.broadcast %mul3A_491 : i32 to vector<16xi32>
          %add3A_493 = arith.addi %and3A_17, %add3A_492 : vector<16xi32>
          %gather3A = tpu.vector_load_idx %arg8[%add3A_3, %add3A_493] : memref<64x128xf32, #tpu.memory_space<vmem>>[vector<16xi32>, vector<16xi32>], vector<16xf32>,
          %gather3A_494 = tpu.vector_load_idx %arg8[%add3A_6, %add3A_493] : memref<64x128xf32, #tpu.memory_space<vmem>>[vector<16xi32>, vector<16xi32>], vector<16xf32>,
          %gather3A_495 = tpu.vector_load_idx %arg8[%add3A_9, %add3A_493] : memref<64x128xf32, #tpu.memory_space<vmem>>[vector<16xi32>, vector<16xi32>], vector<16xf32>,
          %gather3A_496 = tpu.vector_load_idx %arg8[%add3A_12, %add3A_493] : memref<64x128xf32, #tpu.memory_space<vmem>>[vector<16xi32>, vector<16xi32>], vector<16xf32>,
          %mul3A_497 = arith.constant 16 : i32
          %mul3A_498 = arith.muli %mul3A_497, %scan3A_489 : i32
          %add3A_499 = vector.broadcast %mul3A_498 : i32 to vector<16xi32>
          %add3A_500 = arith.addi %and3A_23, %add3A_499 : vector<16xi32>
          %gather3A_501 = tpu.vector_load_idx %arg8[%add3A_3, %add3A_500] : memref<64x128xf32, #tpu.memory_space<vmem>>[vector<16xi32>, vector<16xi32>], vector<16xf32>,
          %gather3A_502 = tpu.vector_load_idx %arg8[%add3A_6, %add3A_500] : memref<64x128xf32, #tpu.memory_space<vmem>>[vector<16xi32>, vector<16xi32>], vector<16xf32>,
          %gather3A_503 = tpu.vector_load_idx %arg8[%add3A_9, %add3A_500] : memref<64x128xf32, #tpu.memory_space<vmem>>[vector<16xi32>, vector<16xi32>], vector<16xf32>,
          %gather3A_504 = tpu.vector_load_idx %arg8[%add3A_12, %add3A_500] : memref<64x128xf32, #tpu.memory_space<vmem>>[vector<16xi32>, vector<16xi32>], vector<16xf32>,
          %mul3A_505 = arith.constant 8 : i32
          %mul3A_506 = arith.muli %mul3A_505, %scan3A_489 : i32
          %add3A_507 = vector.broadcast %mul3A_506 : i32 to vector<16xi32>
          %add3A_508 = arith.addi %shift_right_arithmetic3A_109, %add3A_507 : vector<16xi32>
          %add3A_509 = arith.constant 0 : i32
          %add3A_510 = vector.broadcast %add3A_509 : i32 to vector<16xi32>
          %add3A_511 = arith.addi %add3A_161, %add3A_510 : vector<16xi32>
          tpu.vector_store_idx %arg12[%add3A_508, %add3A_511], %gather3A : memref<64x128xf32, #tpu.memory_space<vmem>>[vector<16xi32>, vector<16xi32>], vector<16xf32>,
          %add3A_512 = arith.constant 16 : i32
          %add3A_513 = vector.broadcast %add3A_512 : i32 to vector<16xi32>
          %add3A_514 = arith.addi %add3A_161, %add3A_513 : vector<16xi32>
          tpu.vector_store_idx %arg12[%add3A_508, %add3A_514], %gather3A_494 : memref<64x128xf32, #tpu.memory_space<vmem>>[vector<16xi32>, vector<16xi32>], vector<16xf32>,
          %add3A_515 = arith.constant 32 : i32
          %add3A_516 = vector.broadcast %add3A_515 : i32 to vector<16xi32>
          %add3A_517 = arith.addi %add3A_161, %add3A_516 : vector<16xi32>
          tpu.vector_store_idx %arg12[%add3A_508, %add3A_517], %gather3A_495 : memref<64x128xf32, #tpu.memory_space<vmem>>[vector<16xi32>, vector<16xi32>], vector<16xf32>,
          %add3A_518 = arith.constant 48 : i32
          %add3A_519 = vector.broadcast %add3A_518 : i32 to vector<16xi32>
          %add3A_520 = arith.addi %add3A_161, %add3A_519 : vector<16xi32>
          tpu.vector_store_idx %arg12[%add3A_508, %add3A_520], %gather3A_496 : memref<64x128xf32, #tpu.memory_space<vmem>>[vector<16xi32>, vector<16xi32>], vector<16xf32>,
          %mul3A_521 = arith.constant 16 : i32
          %mul3A_522 = arith.muli %mul3A_521, %scan3A_489 : i32
          %add3A_523 = vector.broadcast %mul3A_522 : i32 to vector<16xi32>
          %add3A_524 = arith.addi %and3A_29, %add3A_523 : vector<16xi32>
          %gather3A_525 = tpu.vector_load_idx %arg8[%add3A_3, %add3A_524] : memref<64x128xf32, #tpu.memory_space<vmem>>[vector<16xi32>, vector<16xi32>], vector<16xf32>,
          %gather3A_526 = tpu.vector_load_idx %arg8[%add3A_6, %add3A_524] : memref<64x128xf32, #tpu.memory_space<vmem>>[vector<16xi32>, vector<16xi32>], vector<16xf32>,
          %gather3A_527 = tpu.vector_load_idx %arg8[%add3A_9, %add3A_524] : memref<64x128xf32, #tpu.memory_space<vmem>>[vector<16xi32>, vector<16xi32>], vector<16xf32>,
          %gather3A_528 = tpu.vector_load_idx %arg8[%add3A_12, %add3A_524] : memref<64x128xf32, #tpu.memory_space<vmem>>[vector<16xi32>, vector<16xi32>], vector<16xf32>,
          %mul3A_529 = arith.constant 8 : i32
          %mul3A_530 = arith.muli %mul3A_529, %scan3A_489 : i32
          %add3A_531 = vector.broadcast %mul3A_530 : i32 to vector<16xi32>
          %add3A_532 = arith.addi %shift_right_arithmetic3A_112, %add3A_531 : vector<16xi32>
          %add3A_533 = arith.constant 0 : i32
          %add3A_534 = vector.broadcast %add3A_533 : i32 to vector<16xi32>
          %add3A_535 = arith.addi %add3A_168, %add3A_534 : vector<16xi32>
          tpu.vector_store_idx %arg12[%add3A_532, %add3A_535], %gather3A_501 : memref<64x128xf32, #tpu.memory_space<vmem>>[vector<16xi32>, vector<16xi32>], vector<16xf32>,
          %add3A_536 = arith.constant 16 : i32
          %add3A_537 = vector.broadcast %add3A_536 : i32 to vector<16xi32>
          %add3A_538 = arith.addi %add3A_168, %add3A_537 : vector<16xi32>
          tpu.vector_store_idx %arg12[%add3A_532, %add3A_538], %gather3A_502 : memref<64x128xf32, #tpu.memory_space<vmem>>[vector<16xi32>, vector<16xi32>], vector<16xf32>,
          %add3A_539 = arith.constant 32 : i32
          %add3A_540 = vector.broadcast %add3A_539 : i32 to vector<16xi32>
          %add3A_541 = arith.addi %add3A_168, %add3A_540 : vector<16xi32>
          tpu.vector_store_idx %arg12[%add3A_532, %add3A_541], %gather3A_503 : memref<64x128xf32, #tpu.memory_space<vmem>>[vector<16xi32>, vector<16xi32>], vector<16xf32>,
          %add3A_542 = arith.constant 48 : i32
          %add3A_543 = vector.broadcast %add3A_542 : i32 to vector<16xi32>
          %add3A_544 = arith.addi %add3A_168, %add3A_543 : vector<16xi32>
          tpu.vector_store_idx %arg12[%add3A_532, %add3A_544], %gather3A_504 : memref<64x128xf32, #tpu.memory_space<vmem>>[vector<16xi32>, vector<16xi32>], vector<16xf32>,
          %mul3A_545 = arith.constant 16 : i32
          %mul3A_546 = arith.muli %mul3A_545, %scan3A_489 : i32
          %add3A_547 = vector.broadcast %mul3A_546 : i32 to vector<16xi32>
          %add3A_548 = arith.addi %and3A_35, %add3A_547 : vector<16xi32>
          %gather3A_549 = tpu.vector_load_idx %arg8[%add3A_3, %add3A_548] : memref<64x128xf32, #tpu.memory_space<vmem>>[vector<16xi32>, vector<16xi32>], vector<16xf32>,
          %gather3A_550 = tpu.vector_load_idx %arg8[%add3A_6, %add3A_548] : memref<64x128xf32, #tpu.memory_space<vmem>>[vector<16xi32>, vector<16xi32>], vector<16xf32>,
          %gather3A_551 = tpu.vector_load_idx %arg8[%add3A_9, %add3A_548] : memref<64x128xf32, #tpu.memory_space<vmem>>[vector<16xi32>, vector<16xi32>], vector<16xf32>,
          %gather3A_552 = tpu.vector_load_idx %arg8[%add3A_12, %add3A_548] : memref<64x128xf32, #tpu.memory_space<vmem>>[vector<16xi32>, vector<16xi32>], vector<16xf32>,
          %mul3A_553 = arith.constant 8 : i32
          %mul3A_554 = arith.muli %mul3A_553, %scan3A_489 : i32
          %add3A_555 = vector.broadcast %mul3A_554 : i32 to vector<16xi32>
          %add3A_556 = arith.addi %shift_right_arithmetic3A_115, %add3A_555 : vector<16xi32>
          %add3A_557 = arith.constant 0 : i32
          %add3A_558 = vector.broadcast %add3A_557 : i32 to vector<16xi32>
          %add3A_559 = arith.addi %add3A_175, %add3A_558 : vector<16xi32>
          tpu.vector_store_idx %arg12[%add3A_556, %add3A_559], %gather3A_525 : memref<64x128xf32, #tpu.memory_space<vmem>>[vector<16xi32>, vector<16xi32>], vector<16xf32>,
          %add3A_560 = arith.constant 16 : i32
          %add3A_561 = vector.broadcast %add3A_560 : i32 to vector<16xi32>
          %add3A_562 = arith.addi %add3A_175, %add3A_561 : vector<16xi32>
          tpu.vector_store_idx %arg12[%add3A_556, %add3A_562], %gather3A_526 : memref<64x128xf32, #tpu.memory_space<vmem>>[vector<16xi32>, vector<16xi32>], vector<16xf32>,
          %add3A_563 = arith.constant 32 : i32
          %add3A_564 = vector.broadcast %add3A_563 : i32 to vector<16xi32>
          %add3A_565 = arith.addi %add3A_175, %add3A_564 : vector<16xi32>
          tpu.vector_store_idx %arg12[%add3A_556, %add3A_565], %gather3A_527 : memref<64x128xf32, #tpu.memory_space<vmem>>[vector<16xi32>, vector<16xi32>], vector<16xf32>,
          %add3A_566 = arith.constant 48 : i32
          %add3A_567 = vector.broadcast %add3A_566 : i32 to vector<16xi32>
          %add3A_568 = arith.addi %add3A_175, %add3A_567 : vector<16xi32>
          tpu.vector_store_idx %arg12[%add3A_556, %add3A_568], %gather3A_528 : memref<64x128xf32, #tpu.memory_space<vmem>>[vector<16xi32>, vector<16xi32>], vector<16xf32>,
          %mul3A_569 = arith.constant 16 : i32
          %mul3A_570 = arith.muli %mul3A_569, %scan3A_489 : i32
          %add3A_571 = vector.broadcast %mul3A_570 : i32 to vector<16xi32>
          %add3A_572 = arith.addi %and3A_41, %add3A_571 : vector<16xi32>
          %gather3A_573 = tpu.vector_load_idx %arg8[%add3A_3, %add3A_572] : memref<64x128xf32, #tpu.memory_space<vmem>>[vector<16xi32>, vector<16xi32>], vector<16xf32>,
          %gather3A_574 = tpu.vector_load_idx %arg8[%add3A_6, %add3A_572] : memref<64x128xf32, #tpu.memory_space<vmem>>[vector<16xi32>, vector<16xi32>], vector<16xf32>,
          %gather3A_575 = tpu.vector_load_idx %arg8[%add3A_9, %add3A_572] : memref<64x128xf32, #tpu.memory_space<vmem>>[vector<16xi32>, vector<16xi32>], vector<16xf32>,
          %gather3A_576 = tpu.vector_load_idx %arg8[%add3A_12, %add3A_572] : memref<64x128xf32, #tpu.memory_space<vmem>>[vector<16xi32>, vector<16xi32>], vector<16xf32>,
          %mul3A_577 = arith.constant 8 : i32
          %mul3A_578 = arith.muli %mul3A_577, %scan3A_489 : i32
          %add3A_579 = vector.broadcast %mul3A_578 : i32 to vector<16xi32>
          %add3A_580 = arith.addi %shift_right_arithmetic3A_118, %add3A_579 : vector<16xi32>
          %add3A_581 = arith.constant 0 : i32
          %add3A_582 = vector.broadcast %add3A_581 : i32 to vector<16xi32>
          %add3A_583 = arith.addi %add3A_182, %add3A_582 : vector<16xi32>
          tpu.vector_store_idx %arg12[%add3A_580, %add3A_583], %gather3A_549 : memref<64x128xf32, #tpu.memory_space<vmem>>[vector<16xi32>, vector<16xi32>], vector<16xf32>,
          %add3A_584 = arith.constant 16 : i32
          %add3A_585 = vector.broadcast %add3A_584 : i32 to vector<16xi32>
          %add3A_586 = arith.addi %add3A_182, %add3A_585 : vector<16xi32>
          tpu.vector_store_idx %arg12[%add3A_580, %add3A_586], %gather3A_550 : memref<64x128xf32, #tpu.memory_space<vmem>>[vector<16xi32>, vector<16xi32>], vector<16xf32>,
          %add3A_587 = arith.constant 32 : i32
          %add3A_588 = vector.broadcast %add3A_587 : i32 to vector<16xi32>
          %add3A_589 = arith.addi %add3A_182, %add3A_588 : vector<16xi32>
          tpu.vector_store_idx %arg12[%add3A_580, %add3A_589], %gather3A_551 : memref<64x128xf32, #tpu.memory_space<vmem>>[vector<16xi32>, vector<16xi32>], vector<16xf32>,
          %add3A_590 = arith.constant 48 : i32
          %add3A_591 = vector.broadcast %add3A_590 : i32 to vector<16xi32>
          %add3A_592 = arith.addi %add3A_182, %add3A_591 : vector<16xi32>
          tpu.vector_store_idx %arg12[%add3A_580, %add3A_592], %gather3A_552 : memref<64x128xf32, #tpu.memory_space<vmem>>[vector<16xi32>, vector<16xi32>], vector<16xf32>,
          %mul3A_593 = arith.constant 16 : i32
          %mul3A_594 = arith.muli %mul3A_593, %scan3A_489 : i32
          %add3A_595 = vector.broadcast %mul3A_594 : i32 to vector<16xi32>
          %add3A_596 = arith.addi %and3A_47, %add3A_595 : vector<16xi32>
          %gather3A_597 = tpu.vector_load_idx %arg8[%add3A_3, %add3A_596] : memref<64x128xf32, #tpu.memory_space<vmem>>[vector<16xi32>, vector<16xi32>], vector<16xf32>,
          %gather3A_598 = tpu.vector_load_idx %arg8[%add3A_6, %add3A_596] : memref<64x128xf32, #tpu.memory_space<vmem>>[vector<16xi32>, vector<16xi32>], vector<16xf32>,
          %gather3A_599 = tpu.vector_load_idx %arg8[%add3A_9, %add3A_596] : memref<64x128xf32, #tpu.memory_space<vmem>>[vector<16xi32>, vector<16xi32>], vector<16xf32>,
          %gather3A_600 = tpu.vector_load_idx %arg8[%add3A_12, %add3A_596] : memref<64x128xf32, #tpu.memory_space<vmem>>[vector<16xi32>, vector<16xi32>], vector<16xf32>,
          %mul3A_601 = arith.constant 8 : i32
          %mul3A_602 = arith.muli %mul3A_601, %scan3A_489 : i32
          %add3A_603 = vector.broadcast %mul3A_602 : i32 to vector<16xi32>
          %add3A_604 = arith.addi %shift_right_arithmetic3A_121, %add3A_603 : vector<16xi32>
          %add3A_605 = arith.constant 0 : i32
          %add3A_606 = vector.broadcast %add3A_605 : i32 to vector<16xi32>
          %add3A_607 = arith.addi %add3A_189, %add3A_606 : vector<16xi32>
          tpu.vector_store_idx %arg12[%add3A_604, %add3A_607], %gather3A_573 : memref<64x128xf32, #tpu.memory_space<vmem>>[vector<16xi32>, vector<16xi32>], vector<16xf32>,
          %add3A_608 = arith.constant 16 : i32
          %add3A_609 = vector.broadcast %add3A_608 : i32 to vector<16xi32>
          %add3A_610 = arith.addi %add3A_189, %add3A_609 : vector<16xi32>
          tpu.vector_store_idx %arg12[%add3A_604, %add3A_610], %gather3A_574 : memref<64x128xf32, #tpu.memory_space<vmem>>[vector<16xi32>, vector<16xi32>], vector<16xf32>,
          %add3A_611 = arith.constant 32 : i32
          %add3A_612 = vector.broadcast %add3A_611 : i32 to vector<16xi32>
          %add3A_613 = arith.addi %add3A_189, %add3A_612 : vector<16xi32>
          tpu.vector_store_idx %arg12[%add3A_604, %add3A_613], %gather3A_575 : memref<64x128xf32, #tpu.memory_space<vmem>>[vector<16xi32>, vector<16xi32>], vector<16xf32>,
          %add3A_614 = arith.constant 48 : i32
          %add3A_615 = vector.broadcast %add3A_614 : i32 to vector<16xi32>
          %add3A_616 = arith.addi %add3A_189, %add3A_615 : vector<16xi32>
          tpu.vector_store_idx %arg12[%add3A_604, %add3A_616], %gather3A_576 : memref<64x128xf32, #tpu.memory_space<vmem>>[vector<16xi32>, vector<16xi32>], vector<16xf32>,
          %mul3A_617 = arith.constant 16 : i32
          %mul3A_618 = arith.muli %mul3A_617, %scan3A_489 : i32
          %add3A_619 = vector.broadcast %mul3A_618 : i32 to vector<16xi32>
          %add3A_620 = arith.addi %and3A_53, %add3A_619 : vector<16xi32>
          %gather3A_621 = tpu.vector_load_idx %arg8[%add3A_3, %add3A_620] : memref<64x128xf32, #tpu.memory_space<vmem>>[vector<16xi32>, vector<16xi32>], vector<16xf32>,
          %gather3A_622 = tpu.vector_load_idx %arg8[%add3A_6, %add3A_620] : memref<64x128xf32, #tpu.memory_space<vmem>>[vector<16xi32>, vector<16xi32>], vector<16xf32>,
          %gather3A_623 = tpu.vector_load_idx %arg8[%add3A_9, %add3A_620] : memref<64x128xf32, #tpu.memory_space<vmem>>[vector<16xi32>, vector<16xi32>], vector<16xf32>,
          %gather3A_624 = tpu.vector_load_idx %arg8[%add3A_12, %add3A_620] : memref<64x128xf32, #tpu.memory_space<vmem>>[vector<16xi32>, vector<16xi32>], vector<16xf32>,
          %mul3A_625 = arith.constant 8 : i32
          %mul3A_626 = arith.muli %mul3A_625, %scan3A_489 : i32
          %add3A_627 = vector.broadcast %mul3A_626 : i32 to vector<16xi32>
          %add3A_628 = arith.addi %shift_right_arithmetic3A_124, %add3A_627 : vector<16xi32>
          %add3A_629 = arith.constant 0 : i32
          %add3A_630 = vector.broadcast %add3A_629 : i32 to vector<16xi32>
          %add3A_631 = arith.addi %add3A_196, %add3A_630 : vector<16xi32>
          tpu.vector_store_idx %arg12[%add3A_628, %add3A_631], %gather3A_597 : memref<64x128xf32, #tpu.memory_space<vmem>>[vector<16xi32>, vector<16xi32>], vector<16xf32>,
          %add3A_632 = arith.constant 16 : i32
          %add3A_633 = vector.broadcast %add3A_632 : i32 to vector<16xi32>
          %add3A_634 = arith.addi %add3A_196, %add3A_633 : vector<16xi32>
          tpu.vector_store_idx %arg12[%add3A_628, %add3A_634], %gather3A_598 : memref<64x128xf32, #tpu.memory_space<vmem>>[vector<16xi32>, vector<16xi32>], vector<16xf32>,
          %add3A_635 = arith.constant 32 : i32
          %add3A_636 = vector.broadcast %add3A_635 : i32 to vector<16xi32>
          %add3A_637 = arith.addi %add3A_196, %add3A_636 : vector<16xi32>
          tpu.vector_store_idx %arg12[%add3A_628, %add3A_637], %gather3A_599 : memref<64x128xf32, #tpu.memory_space<vmem>>[vector<16xi32>, vector<16xi32>], vector<16xf32>,
          %add3A_638 = arith.constant 48 : i32
          %add3A_639 = vector.broadcast %add3A_638 : i32 to vector<16xi32>
          %add3A_640 = arith.addi %add3A_196, %add3A_639 : vector<16xi32>
          tpu.vector_store_idx %arg12[%add3A_628, %add3A_640], %gather3A_600 : memref<64x128xf32, #tpu.memory_space<vmem>>[vector<16xi32>, vector<16xi32>], vector<16xf32>,
          %mul3A_641 = arith.constant 16 : i32
          %mul3A_642 = arith.muli %mul3A_641, %scan3A_489 : i32
          %add3A_643 = vector.broadcast %mul3A_642 : i32 to vector<16xi32>
          %add3A_644 = arith.addi %and3A_59, %add3A_643 : vector<16xi32>
          %gather3A_645 = tpu.vector_load_idx %arg8[%add3A_3, %add3A_644] : memref<64x128xf32, #tpu.memory_space<vmem>>[vector<16xi32>, vector<16xi32>], vector<16xf32>,
          %gather3A_646 = tpu.vector_load_idx %arg8[%add3A_6, %add3A_644] : memref<64x128xf32, #tpu.memory_space<vmem>>[vector<16xi32>, vector<16xi32>], vector<16xf32>,
          %gather3A_647 = tpu.vector_load_idx %arg8[%add3A_9, %add3A_644] : memref<64x128xf32, #tpu.memory_space<vmem>>[vector<16xi32>, vector<16xi32>], vector<16xf32>,
          %gather3A_648 = tpu.vector_load_idx %arg8[%add3A_12, %add3A_644] : memref<64x128xf32, #tpu.memory_space<vmem>>[vector<16xi32>, vector<16xi32>], vector<16xf32>,
          %mul3A_649 = arith.constant 8 : i32
          %mul3A_650 = arith.muli %mul3A_649, %scan3A_489 : i32
          %add3A_651 = vector.broadcast %mul3A_650 : i32 to vector<16xi32>
          %add3A_652 = arith.addi %shift_right_arithmetic3A_127, %add3A_651 : vector<16xi32>
          %add3A_653 = arith.constant 0 : i32
          %add3A_654 = vector.broadcast %add3A_653 : i32 to vector<16xi32>
          %add3A_655 = arith.addi %add3A_203, %add3A_654 : vector<16xi32>
          tpu.vector_store_idx %arg12[%add3A_652, %add3A_655], %gather3A_621 : memref<64x128xf32, #tpu.memory_space<vmem>>[vector<16xi32>, vector<16xi32>], vector<16xf32>,
          %add3A_656 = arith.constant 16 : i32
          %add3A_657 = vector.broadcast %add3A_656 : i32 to vector<16xi32>
          %add3A_658 = arith.addi %add3A_203, %add3A_657 : vector<16xi32>
          tpu.vector_store_idx %arg12[%add3A_652, %add3A_658], %gather3A_622 : memref<64x128xf32, #tpu.memory_space<vmem>>[vector<16xi32>, vector<16xi32>], vector<16xf32>,
          %add3A_659 = arith.constant 32 : i32
          %add3A_660 = vector.broadcast %add3A_659 : i32 to vector<16xi32>
          %add3A_661 = arith.addi %add3A_203, %add3A_660 : vector<16xi32>
          tpu.vector_store_idx %arg12[%add3A_652, %add3A_661], %gather3A_623 : memref<64x128xf32, #tpu.memory_space<vmem>>[vector<16xi32>, vector<16xi32>], vector<16xf32>,
          %add3A_662 = arith.constant 48 : i32
          %add3A_663 = vector.broadcast %add3A_662 : i32 to vector<16xi32>
          %add3A_664 = arith.addi %add3A_203, %add3A_663 : vector<16xi32>
          tpu.vector_store_idx %arg12[%add3A_652, %add3A_664], %gather3A_624 : memref<64x128xf32, #tpu.memory_space<vmem>>[vector<16xi32>, vector<16xi32>], vector<16xf32>,
          %mul3A_665 = arith.constant 16 : i32
          %mul3A_666 = arith.muli %mul3A_665, %scan3A_489 : i32
          %add3A_667 = vector.broadcast %mul3A_666 : i32 to vector<16xi32>
          %add3A_668 = arith.addi %and3A_65, %add3A_667 : vector<16xi32>
          %gather3A_669 = tpu.vector_load_idx %arg8[%add3A_3, %add3A_668] : memref<64x128xf32, #tpu.memory_space<vmem>>[vector<16xi32>, vector<16xi32>], vector<16xf32>,
          %gather3A_670 = tpu.vector_load_idx %arg8[%add3A_6, %add3A_668] : memref<64x128xf32, #tpu.memory_space<vmem>>[vector<16xi32>, vector<16xi32>], vector<16xf32>,
          %gather3A_671 = tpu.vector_load_idx %arg8[%add3A_9, %add3A_668] : memref<64x128xf32, #tpu.memory_space<vmem>>[vector<16xi32>, vector<16xi32>], vector<16xf32>,
          %gather3A_672 = tpu.vector_load_idx %arg8[%add3A_12, %add3A_668] : memref<64x128xf32, #tpu.memory_space<vmem>>[vector<16xi32>, vector<16xi32>], vector<16xf32>,
          %mul3A_673 = arith.constant 8 : i32
          %mul3A_674 = arith.muli %mul3A_673, %scan3A_489 : i32
          %add3A_675 = vector.broadcast %mul3A_674 : i32 to vector<16xi32>
          %add3A_676 = arith.addi %shift_right_arithmetic3A_130, %add3A_675 : vector<16xi32>
          %add3A_677 = arith.constant 0 : i32
          %add3A_678 = vector.broadcast %add3A_677 : i32 to vector<16xi32>
          %add3A_679 = arith.addi %add3A_210, %add3A_678 : vector<16xi32>
          tpu.vector_store_idx %arg12[%add3A_676, %add3A_679], %gather3A_645 : memref<64x128xf32, #tpu.memory_space<vmem>>[vector<16xi32>, vector<16xi32>], vector<16xf32>,
          %add3A_680 = arith.constant 16 : i32
          %add3A_681 = vector.broadcast %add3A_680 : i32 to vector<16xi32>
          %add3A_682 = arith.addi %add3A_210, %add3A_681 : vector<16xi32>
          tpu.vector_store_idx %arg12[%add3A_676, %add3A_682], %gather3A_646 : memref<64x128xf32, #tpu.memory_space<vmem>>[vector<16xi32>, vector<16xi32>], vector<16xf32>,
          %add3A_683 = arith.constant 32 : i32
          %add3A_684 = vector.broadcast %add3A_683 : i32 to vector<16xi32>
          %add3A_685 = arith.addi %add3A_210, %add3A_684 : vector<16xi32>
          tpu.vector_store_idx %arg12[%add3A_676, %add3A_685], %gather3A_647 : memref<64x128xf32, #tpu.memory_space<vmem>>[vector<16xi32>, vector<16xi32>], vector<16xf32>,
          %add3A_686 = arith.constant 48 : i32
          %add3A_687 = vector.broadcast %add3A_686 : i32 to vector<16xi32>
          %add3A_688 = arith.addi %add3A_210, %add3A_687 : vector<16xi32>
          tpu.vector_store_idx %arg12[%add3A_676, %add3A_688], %gather3A_648 : memref<64x128xf32, #tpu.memory_space<vmem>>[vector<16xi32>, vector<16xi32>], vector<16xf32>,
          %mul3A_689 = arith.constant 16 : i32
          %mul3A_690 = arith.muli %mul3A_689, %scan3A_489 : i32
          %add3A_691 = vector.broadcast %mul3A_690 : i32 to vector<16xi32>
          %add3A_692 = arith.addi %and3A_71, %add3A_691 : vector<16xi32>
          %gather3A_693 = tpu.vector_load_idx %arg8[%add3A_3, %add3A_692] : memref<64x128xf32, #tpu.memory_space<vmem>>[vector<16xi32>, vector<16xi32>], vector<16xf32>,
          %gather3A_694 = tpu.vector_load_idx %arg8[%add3A_6, %add3A_692] : memref<64x128xf32, #tpu.memory_space<vmem>>[vector<16xi32>, vector<16xi32>], vector<16xf32>,
          %gather3A_695 = tpu.vector_load_idx %arg8[%add3A_9, %add3A_692] : memref<64x128xf32, #tpu.memory_space<vmem>>[vector<16xi32>, vector<16xi32>], vector<16xf32>,
          %gather3A_696 = tpu.vector_load_idx %arg8[%add3A_12, %add3A_692] : memref<64x128xf32, #tpu.memory_space<vmem>>[vector<16xi32>, vector<16xi32>], vector<16xf32>,
          %mul3A_697 = arith.constant 8 : i32
          %mul3A_698 = arith.muli %mul3A_697, %scan3A_489 : i32
          %add3A_699 = vector.broadcast %mul3A_698 : i32 to vector<16xi32>
          %add3A_700 = arith.addi %shift_right_arithmetic3A_133, %add3A_699 : vector<16xi32>
          %add3A_701 = arith.constant 0 : i32
          %add3A_702 = vector.broadcast %add3A_701 : i32 to vector<16xi32>
          %add3A_703 = arith.addi %add3A_217, %add3A_702 : vector<16xi32>
          tpu.vector_store_idx %arg12[%add3A_700, %add3A_703], %gather3A_669 : memref<64x128xf32, #tpu.memory_space<vmem>>[vector<16xi32>, vector<16xi32>], vector<16xf32>,
          %add3A_704 = arith.constant 16 : i32
          %add3A_705 = vector.broadcast %add3A_704 : i32 to vector<16xi32>
          %add3A_706 = arith.addi %add3A_217, %add3A_705 : vector<16xi32>
          tpu.vector_store_idx %arg12[%add3A_700, %add3A_706], %gather3A_670 : memref<64x128xf32, #tpu.memory_space<vmem>>[vector<16xi32>, vector<16xi32>], vector<16xf32>,
          %add3A_707 = arith.constant 32 : i32
          %add3A_708 = vector.broadcast %add3A_707 : i32 to vector<16xi32>
          %add3A_709 = arith.addi %add3A_217, %add3A_708 : vector<16xi32>
          tpu.vector_store_idx %arg12[%add3A_700, %add3A_709], %gather3A_671 : memref<64x128xf32, #tpu.memory_space<vmem>>[vector<16xi32>, vector<16xi32>], vector<16xf32>,
          %add3A_710 = arith.constant 48 : i32
          %add3A_711 = vector.broadcast %add3A_710 : i32 to vector<16xi32>
          %add3A_712 = arith.addi %add3A_217, %add3A_711 : vector<16xi32>
          tpu.vector_store_idx %arg12[%add3A_700, %add3A_712], %gather3A_672 : memref<64x128xf32, #tpu.memory_space<vmem>>[vector<16xi32>, vector<16xi32>], vector<16xf32>,
          %mul3A_713 = arith.constant 16 : i32
          %mul3A_714 = arith.muli %mul3A_713, %scan3A_489 : i32
          %add3A_715 = vector.broadcast %mul3A_714 : i32 to vector<16xi32>
          %add3A_716 = arith.addi %and3A_77, %add3A_715 : vector<16xi32>
          %gather3A_717 = tpu.vector_load_idx %arg8[%add3A_3, %add3A_716] : memref<64x128xf32, #tpu.memory_space<vmem>>[vector<16xi32>, vector<16xi32>], vector<16xf32>,
          %gather3A_718 = tpu.vector_load_idx %arg8[%add3A_6, %add3A_716] : memref<64x128xf32, #tpu.memory_space<vmem>>[vector<16xi32>, vector<16xi32>], vector<16xf32>,
          %gather3A_719 = tpu.vector_load_idx %arg8[%add3A_9, %add3A_716] : memref<64x128xf32, #tpu.memory_space<vmem>>[vector<16xi32>, vector<16xi32>], vector<16xf32>,
          %gather3A_720 = tpu.vector_load_idx %arg8[%add3A_12, %add3A_716] : memref<64x128xf32, #tpu.memory_space<vmem>>[vector<16xi32>, vector<16xi32>], vector<16xf32>,
          %mul3A_721 = arith.constant 8 : i32
          %mul3A_722 = arith.muli %mul3A_721, %scan3A_489 : i32
          %add3A_723 = vector.broadcast %mul3A_722 : i32 to vector<16xi32>
          %add3A_724 = arith.addi %shift_right_arithmetic3A_136, %add3A_723 : vector<16xi32>
          %add3A_725 = arith.constant 0 : i32
          %add3A_726 = vector.broadcast %add3A_725 : i32 to vector<16xi32>
          %add3A_727 = arith.addi %add3A_224, %add3A_726 : vector<16xi32>
          tpu.vector_store_idx %arg12[%add3A_724, %add3A_727], %gather3A_693 : memref<64x128xf32, #tpu.memory_space<vmem>>[vector<16xi32>, vector<16xi32>], vector<16xf32>,
          %add3A_728 = arith.constant 16 : i32
          %add3A_729 = vector.broadcast %add3A_728 : i32 to vector<16xi32>
          %add3A_730 = arith.addi %add3A_224, %add3A_729 : vector<16xi32>
          tpu.vector_store_idx %arg12[%add3A_724, %add3A_730], %gather3A_694 : memref<64x128xf32, #tpu.memory_space<vmem>>[vector<16xi32>, vector<16xi32>], vector<16xf32>,
          %add3A_731 = arith.constant 32 : i32
          %add3A_732 = vector.broadcast %add3A_731 : i32 to vector<16xi32>
          %add3A_733 = arith.addi %add3A_224, %add3A_732 : vector<16xi32>
          tpu.vector_store_idx %arg12[%add3A_724, %add3A_733], %gather3A_695 : memref<64x128xf32, #tpu.memory_space<vmem>>[vector<16xi32>, vector<16xi32>], vector<16xf32>,
          %add3A_734 = arith.constant 48 : i32
          %add3A_735 = vector.broadcast %add3A_734 : i32 to vector<16xi32>
          %add3A_736 = arith.addi %add3A_224, %add3A_735 : vector<16xi32>
          tpu.vector_store_idx %arg12[%add3A_724, %add3A_736], %gather3A_696 : memref<64x128xf32, #tpu.memory_space<vmem>>[vector<16xi32>, vector<16xi32>], vector<16xf32>,
          %mul3A_737 = arith.constant 16 : i32
          %mul3A_738 = arith.muli %mul3A_737, %scan3A_489 : i32
          %add3A_739 = vector.broadcast %mul3A_738 : i32 to vector<16xi32>
          %add3A_740 = arith.addi %and3A_83, %add3A_739 : vector<16xi32>
          %gather3A_741 = tpu.vector_load_idx %arg8[%add3A_3, %add3A_740] : memref<64x128xf32, #tpu.memory_space<vmem>>[vector<16xi32>, vector<16xi32>], vector<16xf32>,
          %gather3A_742 = tpu.vector_load_idx %arg8[%add3A_6, %add3A_740] : memref<64x128xf32, #tpu.memory_space<vmem>>[vector<16xi32>, vector<16xi32>], vector<16xf32>,
          %gather3A_743 = tpu.vector_load_idx %arg8[%add3A_9, %add3A_740] : memref<64x128xf32, #tpu.memory_space<vmem>>[vector<16xi32>, vector<16xi32>], vector<16xf32>,
          %gather3A_744 = tpu.vector_load_idx %arg8[%add3A_12, %add3A_740] : memref<64x128xf32, #tpu.memory_space<vmem>>[vector<16xi32>, vector<16xi32>], vector<16xf32>,
          %mul3A_745 = arith.constant 8 : i32
          %mul3A_746 = arith.muli %mul3A_745, %scan3A_489 : i32
          %add3A_747 = vector.broadcast %mul3A_746 : i32 to vector<16xi32>
          %add3A_748 = arith.addi %shift_right_arithmetic3A_139, %add3A_747 : vector<16xi32>
          %add3A_749 = arith.constant 0 : i32
          %add3A_750 = vector.broadcast %add3A_749 : i32 to vector<16xi32>
          %add3A_751 = arith.addi %add3A_231, %add3A_750 : vector<16xi32>
          tpu.vector_store_idx %arg12[%add3A_748, %add3A_751], %gather3A_717 : memref<64x128xf32, #tpu.memory_space<vmem>>[vector<16xi32>, vector<16xi32>], vector<16xf32>,
          %add3A_752 = arith.constant 16 : i32
          %add3A_753 = vector.broadcast %add3A_752 : i32 to vector<16xi32>
          %add3A_754 = arith.addi %add3A_231, %add3A_753 : vector<16xi32>
          tpu.vector_store_idx %arg12[%add3A_748, %add3A_754], %gather3A_718 : memref<64x128xf32, #tpu.memory_space<vmem>>[vector<16xi32>, vector<16xi32>], vector<16xf32>,
          %add3A_755 = arith.constant 32 : i32
          %add3A_756 = vector.broadcast %add3A_755 : i32 to vector<16xi32>
          %add3A_757 = arith.addi %add3A_231, %add3A_756 : vector<16xi32>
          tpu.vector_store_idx %arg12[%add3A_748, %add3A_757], %gather3A_719 : memref<64x128xf32, #tpu.memory_space<vmem>>[vector<16xi32>, vector<16xi32>], vector<16xf32>,
          %add3A_758 = arith.constant 48 : i32
          %add3A_759 = vector.broadcast %add3A_758 : i32 to vector<16xi32>
          %add3A_760 = arith.addi %add3A_231, %add3A_759 : vector<16xi32>
          tpu.vector_store_idx %arg12[%add3A_748, %add3A_760], %gather3A_720 : memref<64x128xf32, #tpu.memory_space<vmem>>[vector<16xi32>, vector<16xi32>], vector<16xf32>,
          %mul3A_761 = arith.constant 16 : i32
          %mul3A_762 = arith.muli %mul3A_761, %scan3A_489 : i32
          %add3A_763 = vector.broadcast %mul3A_762 : i32 to vector<16xi32>
          %add3A_764 = arith.addi %and3A_89, %add3A_763 : vector<16xi32>
          %gather3A_765 = tpu.vector_load_idx %arg8[%add3A_3, %add3A_764] : memref<64x128xf32, #tpu.memory_space<vmem>>[vector<16xi32>, vector<16xi32>], vector<16xf32>,
          %gather3A_766 = tpu.vector_load_idx %arg8[%add3A_6, %add3A_764] : memref<64x128xf32, #tpu.memory_space<vmem>>[vector<16xi32>, vector<16xi32>], vector<16xf32>,
          %gather3A_767 = tpu.vector_load_idx %arg8[%add3A_9, %add3A_764] : memref<64x128xf32, #tpu.memory_space<vmem>>[vector<16xi32>, vector<16xi32>], vector<16xf32>,
          %gather3A_768 = tpu.vector_load_idx %arg8[%add3A_12, %add3A_764] : memref<64x128xf32, #tpu.memory_space<vmem>>[vector<16xi32>, vector<16xi32>], vector<16xf32>,
          %mul3A_769 = arith.constant 8 : i32
          %mul3A_770 = arith.muli %mul3A_769, %scan3A_489 : i32
          %add3A_771 = vector.broadcast %mul3A_770 : i32 to vector<16xi32>
          %add3A_772 = arith.addi %shift_right_arithmetic3A_142, %add3A_771 : vector<16xi32>
          %add3A_773 = arith.constant 0 : i32
          %add3A_774 = vector.broadcast %add3A_773 : i32 to vector<16xi32>
          %add3A_775 = arith.addi %add3A_238, %add3A_774 : vector<16xi32>
          tpu.vector_store_idx %arg12[%add3A_772, %add3A_775], %gather3A_741 : memref<64x128xf32, #tpu.memory_space<vmem>>[vector<16xi32>, vector<16xi32>], vector<16xf32>,
          %add3A_776 = arith.constant 16 : i32
          %add3A_777 = vector.broadcast %add3A_776 : i32 to vector<16xi32>
          %add3A_778 = arith.addi %add3A_238, %add3A_777 : vector<16xi32>
          tpu.vector_store_idx %arg12[%add3A_772, %add3A_778], %gather3A_742 : memref<64x128xf32, #tpu.memory_space<vmem>>[vector<16xi32>, vector<16xi32>], vector<16xf32>,
          %add3A_779 = arith.constant 32 : i32
          %add3A_780 = vector.broadcast %add3A_779 : i32 to vector<16xi32>
          %add3A_781 = arith.addi %add3A_238, %add3A_780 : vector<16xi32>
          tpu.vector_store_idx %arg12[%add3A_772, %add3A_781], %gather3A_743 : memref<64x128xf32, #tpu.memory_space<vmem>>[vector<16xi32>, vector<16xi32>], vector<16xf32>,
          %add3A_782 = arith.constant 48 : i32
          %add3A_783 = vector.broadcast %add3A_782 : i32 to vector<16xi32>
          %add3A_784 = arith.addi %add3A_238, %add3A_783 : vector<16xi32>
          tpu.vector_store_idx %arg12[%add3A_772, %add3A_784], %gather3A_744 : memref<64x128xf32, #tpu.memory_space<vmem>>[vector<16xi32>, vector<16xi32>], vector<16xf32>,
          %mul3A_785 = arith.constant 16 : i32
          %mul3A_786 = arith.muli %mul3A_785, %scan3A_489 : i32
          %add3A_787 = vector.broadcast %mul3A_786 : i32 to vector<16xi32>
          %add3A_788 = arith.addi %and3A_95, %add3A_787 : vector<16xi32>
          %gather3A_789 = tpu.vector_load_idx %arg8[%add3A_3, %add3A_788] : memref<64x128xf32, #tpu.memory_space<vmem>>[vector<16xi32>, vector<16xi32>], vector<16xf32>,
          %gather3A_790 = tpu.vector_load_idx %arg8[%add3A_6, %add3A_788] : memref<64x128xf32, #tpu.memory_space<vmem>>[vector<16xi32>, vector<16xi32>], vector<16xf32>,
          %gather3A_791 = tpu.vector_load_idx %arg8[%add3A_9, %add3A_788] : memref<64x128xf32, #tpu.memory_space<vmem>>[vector<16xi32>, vector<16xi32>], vector<16xf32>,
          %gather3A_792 = tpu.vector_load_idx %arg8[%add3A_12, %add3A_788] : memref<64x128xf32, #tpu.memory_space<vmem>>[vector<16xi32>, vector<16xi32>], vector<16xf32>,
          %mul3A_793 = arith.constant 8 : i32
          %mul3A_794 = arith.muli %mul3A_793, %scan3A_489 : i32
          %add3A_795 = vector.broadcast %mul3A_794 : i32 to vector<16xi32>
          %add3A_796 = arith.addi %shift_right_arithmetic3A_145, %add3A_795 : vector<16xi32>
          %add3A_797 = arith.constant 0 : i32
          %add3A_798 = vector.broadcast %add3A_797 : i32 to vector<16xi32>
          %add3A_799 = arith.addi %add3A_245, %add3A_798 : vector<16xi32>
          tpu.vector_store_idx %arg12[%add3A_796, %add3A_799], %gather3A_765 : memref<64x128xf32, #tpu.memory_space<vmem>>[vector<16xi32>, vector<16xi32>], vector<16xf32>,
          %add3A_800 = arith.constant 16 : i32
          %add3A_801 = vector.broadcast %add3A_800 : i32 to vector<16xi32>
          %add3A_802 = arith.addi %add3A_245, %add3A_801 : vector<16xi32>
          tpu.vector_store_idx %arg12[%add3A_796, %add3A_802], %gather3A_766 : memref<64x128xf32, #tpu.memory_space<vmem>>[vector<16xi32>, vector<16xi32>], vector<16xf32>,
          %add3A_803 = arith.constant 32 : i32
          %add3A_804 = vector.broadcast %add3A_803 : i32 to vector<16xi32>
          %add3A_805 = arith.addi %add3A_245, %add3A_804 : vector<16xi32>
          tpu.vector_store_idx %arg12[%add3A_796, %add3A_805], %gather3A_767 : memref<64x128xf32, #tpu.memory_space<vmem>>[vector<16xi32>, vector<16xi32>], vector<16xf32>,
          %add3A_806 = arith.constant 48 : i32
          %add3A_807 = vector.broadcast %add3A_806 : i32 to vector<16xi32>
          %add3A_808 = arith.addi %add3A_245, %add3A_807 : vector<16xi32>
          tpu.vector_store_idx %arg12[%add3A_796, %add3A_808], %gather3A_768 : memref<64x128xf32, #tpu.memory_space<vmem>>[vector<16xi32>, vector<16xi32>], vector<16xf32>,
          %mul3A_809 = arith.constant 16 : i32
          %mul3A_810 = arith.muli %mul3A_809, %scan3A_489 : i32
          %add3A_811 = vector.broadcast %mul3A_810 : i32 to vector<16xi32>
          %add3A_812 = arith.addi %and3A_101, %add3A_811 : vector<16xi32>
          %gather3A_813 = tpu.vector_load_idx %arg8[%add3A_3, %add3A_812] : memref<64x128xf32, #tpu.memory_space<vmem>>[vector<16xi32>, vector<16xi32>], vector<16xf32>,
          %gather3A_814 = tpu.vector_load_idx %arg8[%add3A_6, %add3A_812] : memref<64x128xf32, #tpu.memory_space<vmem>>[vector<16xi32>, vector<16xi32>], vector<16xf32>,
          %gather3A_815 = tpu.vector_load_idx %arg8[%add3A_9, %add3A_812] : memref<64x128xf32, #tpu.memory_space<vmem>>[vector<16xi32>, vector<16xi32>], vector<16xf32>,
          %gather3A_816 = tpu.vector_load_idx %arg8[%add3A_12, %add3A_812] : memref<64x128xf32, #tpu.memory_space<vmem>>[vector<16xi32>, vector<16xi32>], vector<16xf32>,
          %mul3A_817 = arith.constant 8 : i32
          %mul3A_818 = arith.muli %mul3A_817, %scan3A_489 : i32
          %add3A_819 = vector.broadcast %mul3A_818 : i32 to vector<16xi32>
          %add3A_820 = arith.addi %shift_right_arithmetic3A_148, %add3A_819 : vector<16xi32>
          %add3A_821 = arith.constant 0 : i32
          %add3A_822 = vector.broadcast %add3A_821 : i32 to vector<16xi32>
          %add3A_823 = arith.addi %add3A_252, %add3A_822 : vector<16xi32>
          tpu.vector_store_idx %arg12[%add3A_820, %add3A_823], %gather3A_789 : memref<64x128xf32, #tpu.memory_space<vmem>>[vector<16xi32>, vector<16xi32>], vector<16xf32>,
          %add3A_824 = arith.constant 16 : i32
          %add3A_825 = vector.broadcast %add3A_824 : i32 to vector<16xi32>
          %add3A_826 = arith.addi %add3A_252, %add3A_825 : vector<16xi32>
          tpu.vector_store_idx %arg12[%add3A_820, %add3A_826], %gather3A_790 : memref<64x128xf32, #tpu.memory_space<vmem>>[vector<16xi32>, vector<16xi32>], vector<16xf32>,
          %add3A_827 = arith.constant 32 : i32
          %add3A_828 = vector.broadcast %add3A_827 : i32 to vector<16xi32>
          %add3A_829 = arith.addi %add3A_252, %add3A_828 : vector<16xi32>
          tpu.vector_store_idx %arg12[%add3A_820, %add3A_829], %gather3A_791 : memref<64x128xf32, #tpu.memory_space<vmem>>[vector<16xi32>, vector<16xi32>], vector<16xf32>,
          %add3A_830 = arith.constant 48 : i32
          %add3A_831 = vector.broadcast %add3A_830 : i32 to vector<16xi32>
          %add3A_832 = arith.addi %add3A_252, %add3A_831 : vector<16xi32>
          tpu.vector_store_idx %arg12[%add3A_820, %add3A_832], %gather3A_792 : memref<64x128xf32, #tpu.memory_space<vmem>>[vector<16xi32>, vector<16xi32>], vector<16xf32>,
          %mul3A_833 = arith.constant 16 : i32
          %mul3A_834 = arith.muli %mul3A_833, %scan3A_489 : i32
          %add3A_835 = vector.broadcast %mul3A_834 : i32 to vector<16xi32>
          %add3A_836 = arith.addi %and3A_107, %add3A_835 : vector<16xi32>
          %gather3A_837 = tpu.vector_load_idx %arg8[%add3A_3, %add3A_836] : memref<64x128xf32, #tpu.memory_space<vmem>>[vector<16xi32>, vector<16xi32>], vector<16xf32>,
          %gather3A_838 = tpu.vector_load_idx %arg8[%add3A_6, %add3A_836] : memref<64x128xf32, #tpu.memory_space<vmem>>[vector<16xi32>, vector<16xi32>], vector<16xf32>,
          %gather3A_839 = tpu.vector_load_idx %arg8[%add3A_9, %add3A_836] : memref<64x128xf32, #tpu.memory_space<vmem>>[vector<16xi32>, vector<16xi32>], vector<16xf32>,
          %gather3A_840 = tpu.vector_load_idx %arg8[%add3A_12, %add3A_836] : memref<64x128xf32, #tpu.memory_space<vmem>>[vector<16xi32>, vector<16xi32>], vector<16xf32>,
          %mul3A_841 = arith.constant 8 : i32
          %mul3A_842 = arith.muli %mul3A_841, %scan3A_489 : i32
          %add3A_843 = vector.broadcast %mul3A_842 : i32 to vector<16xi32>
          %add3A_844 = arith.addi %shift_right_arithmetic3A_151, %add3A_843 : vector<16xi32>
          %add3A_845 = arith.constant 0 : i32
          %add3A_846 = vector.broadcast %add3A_845 : i32 to vector<16xi32>
          %add3A_847 = arith.addi %add3A_259, %add3A_846 : vector<16xi32>
          tpu.vector_store_idx %arg12[%add3A_844, %add3A_847], %gather3A_813 : memref<64x128xf32, #tpu.memory_space<vmem>>[vector<16xi32>, vector<16xi32>], vector<16xf32>,
          %add3A_848 = arith.constant 16 : i32
          %add3A_849 = vector.broadcast %add3A_848 : i32 to vector<16xi32>
          %add3A_850 = arith.addi %add3A_259, %add3A_849 : vector<16xi32>
          tpu.vector_store_idx %arg12[%add3A_844, %add3A_850], %gather3A_814 : memref<64x128xf32, #tpu.memory_space<vmem>>[vector<16xi32>, vector<16xi32>], vector<16xf32>,
          %add3A_851 = arith.constant 32 : i32
          %add3A_852 = vector.broadcast %add3A_851 : i32 to vector<16xi32>
          %add3A_853 = arith.addi %add3A_259, %add3A_852 : vector<16xi32>
          tpu.vector_store_idx %arg12[%add3A_844, %add3A_853], %gather3A_815 : memref<64x128xf32, #tpu.memory_space<vmem>>[vector<16xi32>, vector<16xi32>], vector<16xf32>,
          %add3A_854 = arith.constant 48 : i32
          %add3A_855 = vector.broadcast %add3A_854 : i32 to vector<16xi32>
          %add3A_856 = arith.addi %add3A_259, %add3A_855 : vector<16xi32>
          tpu.vector_store_idx %arg12[%add3A_844, %add3A_856], %gather3A_816 : memref<64x128xf32, #tpu.memory_space<vmem>>[vector<16xi32>, vector<16xi32>], vector<16xf32>,
          %mul3A_857 = arith.constant 8 : i32
          %mul3A_858 = arith.muli %mul3A_857, %scan3A_489 : i32
          %add3A_859 = vector.broadcast %mul3A_858 : i32 to vector<16xi32>
          %add3A_860 = arith.addi %shift_right_arithmetic3A_154, %add3A_859 : vector<16xi32>
          %add3A_861 = arith.constant 0 : i32
          %add3A_862 = vector.broadcast %add3A_861 : i32 to vector<16xi32>
          %add3A_863 = arith.addi %add3A_266, %add3A_862 : vector<16xi32>
          tpu.vector_store_idx %arg12[%add3A_860, %add3A_863], %gather3A_837 : memref<64x128xf32, #tpu.memory_space<vmem>>[vector<16xi32>, vector<16xi32>], vector<16xf32>,
          %add3A_864 = arith.constant 16 : i32
          %add3A_865 = vector.broadcast %add3A_864 : i32 to vector<16xi32>
          %add3A_866 = arith.addi %add3A_266, %add3A_865 : vector<16xi32>
          tpu.vector_store_idx %arg12[%add3A_860, %add3A_866], %gather3A_838 : memref<64x128xf32, #tpu.memory_space<vmem>>[vector<16xi32>, vector<16xi32>], vector<16xf32>,
          %add3A_867 = arith.constant 32 : i32
          %add3A_868 = vector.broadcast %add3A_867 : i32 to vector<16xi32>
          %add3A_869 = arith.addi %add3A_266, %add3A_868 : vector<16xi32>
          tpu.vector_store_idx %arg12[%add3A_860, %add3A_869], %gather3A_839 : memref<64x128xf32, #tpu.memory_space<vmem>>[vector<16xi32>, vector<16xi32>], vector<16xf32>,
          %add3A_870 = arith.constant 48 : i32
          %add3A_871 = vector.broadcast %add3A_870 : i32 to vector<16xi32>
          %add3A_872 = arith.addi %add3A_266, %add3A_871 : vector<16xi32>
          tpu.vector_store_idx %arg12[%add3A_860, %add3A_872], %gather3A_840 : memref<64x128xf32, #tpu.memory_space<vmem>>[vector<16xi32>, vector<16xi32>], vector<16xf32>,
        }
        %scan3A_464 = arith.constant 8 : i32
        %semaphore_signal3A_465 = arith.constant 1 : i32
        tpu.sem_signal %arg21, %semaphore_signal3A_465 : memref<!tpu.semaphore, #tpu.memory_space<semaphore_mem>>
        %semaphore_wait3A_466 = arith.constant 1 : i32
        %semaphore_wait3A_467 = arith.constant true
        tpu.sem_wait %arg21, %semaphore_wait3A_466 : memref<!tpu.semaphore, #tpu.memory_space<semaphore_mem>>
        %jit3A = arith.constant 2 : i32
        %div3A = arith.divsi %multiple_of3A_429, %jit3A : i32
        %sign3A = arith.constant 0 : i32
        %sign3A_468 = arith.cmpi sgt, %multiple_of3A_429, %sign3A : i32
        %sign3A_469 = arith.extui %sign3A_468 : i1 to i32
        %sign3A_470 = arith.constant 0 : i32
        %sign3A_471 = arith.cmpi slt, %multiple_of3A_429, %sign3A_470 : i32
        %sign3A_472 = arith.extui %sign3A_471 : i1 to i32
        %sign3A_473 = arith.subi %sign3A_469, %sign3A_472 : i32
        %sign3A_474 = arith.constant 0 : i32
        %sign3A_475 = arith.cmpi sgt, %jit3A, %sign3A_474 : i32
        %sign3A_476 = arith.extui %sign3A_475 : i1 to i32
        %sign3A_477 = arith.constant 0 : i32
        %sign3A_478 = arith.cmpi slt, %jit3A, %sign3A_477 : i32
        %sign3A_479 = arith.extui %sign3A_478 : i1 to i32
        %sign3A_480 = arith.subi %sign3A_476, %sign3A_479 : i32
        %ne3A = arith.cmpi ne, %sign3A_473, %sign3A_480 : i32
        %rem3A = arith.remsi %multiple_of3A_429, %jit3A : i32
        %ne3A_481 = arith.constant 0 : i32
        %ne3A_482 = arith.cmpi ne, %rem3A, %ne3A_481 : i32
        %and3A_483 = arith.andi %ne3A, %ne3A_482 : i1
        %sub3A = arith.constant 1 : i32
        %sub3A_484 = arith.subi %div3A, %sub3A : i32
        %select_n3A = arith.select %and3A_483, %sub3A_484, %div3A : i32
        %multiple_of3A_485 = tpu.assume_multiple %select_n3A, 64 : i32
        %dma_start3A = arith.constant 0 : i32
        %dma_start3A_486 = tpu.memref_slice %arg4[%multiple_of3A_485, %dma_start3A] : memref<500000x128xf32, #tpu.memory_space<hbm>> -> memref<64x128xf32, #tpu.memory_space<hbm>>
        %dma_start3A_487 = arith.constant 0 : i32
        %dma_start3A_488 = tpu.memref_slice %arg4[%multiple_of3A_485, %dma_start3A_487] : memref<500000x128xf32, #tpu.memory_space<hbm>> -> memref<64x128xf32, #tpu.memory_space<hbm>>
        tpu.enqueue_dma source(%arg12 : memref<64x128xf32, #tpu.memory_space<vmem>>) target(%dma_start3A_488 : memref<64x128xf32, #tpu.memory_space<hbm>>) target_semaphore(%arg20 : memref<!tpu.dma_semaphore, #tpu.memory_space<semaphore_mem>>)
      } else {
      }
      %convert_element_type3A_445 = arith.extui %lt3A_441 : i1 to i32
      %cond3A_446 = arith.constant 0 : i32
      %cond3A_447 = arith.cmpi ne, %convert_element_type3A_445, %cond3A_446 : i32
      scf.if %cond3A_447 {
        %dma_start3A = arith.constant 0 : i32
        %dma_start3A_448 = tpu.memref_slice %arg2[%dma_start3A, %multiple_of3A_439] : memref<64x1000000xf32, #tpu.memory_space<hbm>> -> memref<64x128xf32, #tpu.memory_space<hbm>>
        %dma_start3A_449 = arith.constant 0 : i32
        %dma_start3A_450 = tpu.memref_slice %arg2[%dma_start3A_449, %multiple_of3A_439] : memref<64x1000000xf32, #tpu.memory_space<hbm>> -> memref<64x128xf32, #tpu.memory_space<hbm>>
        tpu.enqueue_dma source(%dma_start3A_450 : memref<64x128xf32, #tpu.memory_space<hbm>>) target(%arg8 : memref<64x128xf32, #tpu.memory_space<vmem>>) target_semaphore(%arg16 : memref<!tpu.dma_semaphore, #tpu.memory_space<semaphore_mem>>)
      } else {
      }
    }
    %scan3A_311 = arith.constant 62 : i32
    %dma_wait3A = arith.constant 0 : i32
    %dma_wait3A_312 = arith.constant 0 : i32
    %dma_wait3A_313 = tpu.memref_slice %arg4[%dma_wait3A, %dma_wait3A_312] : memref<500000x128xf32, #tpu.memory_space<hbm>> -> memref<64x128xf32, #tpu.memory_space<hbm>>
    %dma_wait3A_314 = arith.constant 0 : i32
    %dma_wait3A_315 = arith.constant 0 : i32
    %dma_wait3A_316 = tpu.memref_slice %arg4[%dma_wait3A_314, %dma_wait3A_315] : memref<500000x128xf32, #tpu.memory_space<hbm>> -> memref<64x128xf32, #tpu.memory_space<hbm>>
    tpu.wait_dma2 semaphore(%arg17 : memref<!tpu.dma_semaphore, #tpu.memory_space<semaphore_mem>>) src(%arg9 : memref<64x128xf32, #tpu.memory_space<vmem>>) dst(%dma_wait3A_316 : memref<64x128xf32, #tpu.memory_space<hbm>>)
    %dma_wait3A_317 = arith.constant 0 : i32
    %dma_wait3A_318 = arith.constant 0 : i32
    %dma_wait3A_319 = tpu.memref_slice %arg4[%dma_wait3A_317, %dma_wait3A_318] : memref<500000x128xf32, #tpu.memory_space<hbm>> -> memref<64x128xf32, #tpu.memory_space<hbm>>
    %dma_wait3A_320 = arith.constant 0 : i32
    %dma_wait3A_321 = arith.constant 0 : i32
    %dma_wait3A_322 = tpu.memref_slice %arg4[%dma_wait3A_320, %dma_wait3A_321] : memref<500000x128xf32, #tpu.memory_space<hbm>> -> memref<64x128xf32, #tpu.memory_space<hbm>>
    tpu.wait_dma2 semaphore(%arg18 : memref<!tpu.dma_semaphore, #tpu.memory_space<semaphore_mem>>) src(%arg10 : memref<64x128xf32, #tpu.memory_space<vmem>>) dst(%dma_wait3A_322 : memref<64x128xf32, #tpu.memory_space<hbm>>)
    %dma_wait3A_323 = arith.constant 0 : i32
    %dma_wait3A_324 = arith.constant 0 : i32
    %dma_wait3A_325 = tpu.memref_slice %arg4[%dma_wait3A_323, %dma_wait3A_324] : memref<500000x128xf32, #tpu.memory_space<hbm>> -> memref<64x128xf32, #tpu.memory_space<hbm>>
    %dma_wait3A_326 = arith.constant 0 : i32
    %dma_wait3A_327 = arith.constant 0 : i32
    %dma_wait3A_328 = tpu.memref_slice %arg4[%dma_wait3A_326, %dma_wait3A_327] : memref<500000x128xf32, #tpu.memory_space<hbm>> -> memref<64x128xf32, #tpu.memory_space<hbm>>
    tpu.wait_dma2 semaphore(%arg19 : memref<!tpu.dma_semaphore, #tpu.memory_space<semaphore_mem>>) src(%arg11 : memref<64x128xf32, #tpu.memory_space<vmem>>) dst(%dma_wait3A_328 : memref<64x128xf32, #tpu.memory_space<hbm>>)
    %dma_wait3A_329 = arith.constant 0 : i32
    %dma_wait3A_330 = arith.constant 0 : i32
    %dma_wait3A_331 = tpu.memref_slice %arg4[%dma_wait3A_329, %dma_wait3A_330] : memref<500000x128xf32, #tpu.memory_space<hbm>> -> memref<64x128xf32, #tpu.memory_space<hbm>>
    %dma_wait3A_332 = arith.constant 0 : i32
    %dma_wait3A_333 = arith.constant 0 : i32
    %dma_wait3A_334 = tpu.memref_slice %arg4[%dma_wait3A_332, %dma_wait3A_333] : memref<500000x128xf32, #tpu.memory_space<hbm>> -> memref<64x128xf32, #tpu.memory_space<hbm>>
    tpu.wait_dma2 semaphore(%arg20 : memref<!tpu.dma_semaphore, #tpu.memory_space<semaphore_mem>>) src(%arg12 : memref<64x128xf32, #tpu.memory_space<vmem>>) dst(%dma_wait3A_334 : memref<64x128xf32, #tpu.memory_space<hbm>>)
    return
  }
}

#map = affine_map<(d0, d1) -> (0, 0)>
module attributes {stable_mosaic.version = 14 : i64} {
  func.func @_gather_body(%arg0: i32, %arg1: i32, %arg2: memref<1000000x64xf32, #tpu.memory_space<hbm>>, %arg3: memref<832x512xi32, #tpu.memory_space<hbm>>, %arg4: memref<425984x64xf32, #tpu.memory_space<hbm>>, %arg5: memref<26x512xi32, #tpu.memory_space<vmem>>, %arg6: memref<512x64xf32, #tpu.memory_space<vmem>>, %arg7: memref<512x64xf32, #tpu.memory_space<vmem>>, %arg8: memref<!tpu.dma_semaphore, #tpu.memory_space<semaphore_mem>>, %arg9: memref<!tpu.dma_semaphore, #tpu.memory_space<semaphore_mem>>) attributes {dimension_semantics = [#tpu.dimension_semantics<core_parallel>, #tpu.dimension_semantics<subcore_parallel>], iteration_bounds = array<i64: 2, 16>, scalar_prefetch = 0 : i64, scratch_operands = 5 : i64, tpu.core_type = #tpu.core_type<sc_vector_subcore>, window_params = [{transform_indices = #map}, {transform_indices = #map}, {transform_indices = #map}]} {
    %mul3A = arith.constant 2 : i32
    %mul3A_0 = arith.muli %arg1, %mul3A : i32
    %add3A = arith.addi %mul3A_0, %arg0 : i32
    %mul3A_1 = arith.constant 26 : i32
    %mul3A_2 = arith.muli %add3A, %mul3A_1 : i32
    "tpu.region"() ({
      %run_scoped3A = tpu.sem_alloc : memref<!tpu.dma_semaphore, #tpu.memory_space<semaphore_mem>>
      %dma_start3A_43 = arith.constant 0 : i32
      %dma_start3A_44 = tpu.memref_slice %arg3[%mul3A_2, %dma_start3A_43] : memref<832x512xi32, #tpu.memory_space<hbm>> -> memref<26x512xi32, #tpu.memory_space<hbm>>
      %dma_start3A_45 = arith.constant 0 : i32
      %dma_start3A_46 = tpu.memref_slice %arg3[%mul3A_2, %dma_start3A_45] : memref<832x512xi32, #tpu.memory_space<hbm>> -> memref<26x512xi32, #tpu.memory_space<hbm>>
      tpu.enqueue_dma source(%dma_start3A_46 : memref<26x512xi32, #tpu.memory_space<hbm>>) target(%arg5 : memref<26x512xi32, #tpu.memory_space<vmem>>) target_semaphore(%run_scoped3A : memref<!tpu.dma_semaphore, #tpu.memory_space<semaphore_mem>>)
      %dma_wait3A_47 = arith.constant 0 : i32
      %dma_wait3A_48 = tpu.memref_slice %arg3[%mul3A_2, %dma_wait3A_47] : memref<832x512xi32, #tpu.memory_space<hbm>> -> memref<26x512xi32, #tpu.memory_space<hbm>>
      %dma_wait3A_49 = arith.constant 0 : i32
      %dma_wait3A_50 = tpu.memref_slice %arg3[%mul3A_2, %dma_wait3A_49] : memref<832x512xi32, #tpu.memory_space<hbm>> -> memref<26x512xi32, #tpu.memory_space<hbm>>
      tpu.wait_dma2 semaphore(%run_scoped3A : memref<!tpu.dma_semaphore, #tpu.memory_space<semaphore_mem>>) src(%dma_wait3A_50 : memref<26x512xi32, #tpu.memory_space<hbm>>) dst(%arg5 : memref<26x512xi32, #tpu.memory_space<vmem>>)
      tpu.yield
    }) : () -> ()
    %dma_start3A = arith.constant 0 : i32
    %dma_start3A_3 = arith.constant 0 : i32
    %dma_start3A_4 = tpu.memref_slice %arg5[%dma_start3A, %dma_start3A_3] : memref<26x512xi32, #tpu.memory_space<vmem>> -> memref<1x512xi32, #tpu.memory_space<vmem>>
    %dma_start3A_5 = tpu.memref_squeeze %dma_start3A_4 : memref<1x512xi32, #tpu.memory_space<vmem>> -> memref<512xi32, #tpu.memory_space<vmem>>
    %dma_start3A_6 = arith.constant 0 : i32
    %dma_start3A_7 = arith.constant 0 : i32
    %dma_start3A_8 = tpu.memref_slice %arg2[%dma_start3A_6, %dma_start3A_7] : memref<1000000x64xf32, #tpu.memory_space<hbm>> -> memref<1000000x64xf32, #tpu.memory_space<hbm>>
    tpu.enqueue_indirect_dma source(%dma_start3A_8 : memref<1000000x64xf32, #tpu.memory_space<hbm>>) target(%arg6 : memref<512x64xf32, #tpu.memory_space<vmem>>) offsets(%dma_start3A_5 : memref<512xi32, #tpu.memory_space<vmem>>) semaphore(%arg8 : memref<!tpu.dma_semaphore, #tpu.memory_space<semaphore_mem>>)
    %scan3A = arith.constant 0 : i32
    %scan3A_9 = arith.constant 0 : i32
    %scan3A_10 = arith.constant 12 : i32
    %scan3A_11 = arith.addi %scan3A_9, %scan3A_10 : i32
    %scan3A_12 = arith.constant 1 : i32
    %scan3A_13 = scf.for %scan3A_43 = %scan3A_9 to %scan3A_11 step %scan3A_12 iter_args(%scan3A_44 = %scan3A) -> (i32)  : i32 {
      %mul3A_45 = arith.constant 2 : i32
      %mul3A_46 = arith.muli %mul3A_45, %scan3A_43 : i32
      %add3A_47 = arith.constant 1 : i32
      %add3A_48 = arith.addi %mul3A_46, %add3A_47 : i32
      %dma_start3A_49 = arith.constant 0 : i32
      %dma_start3A_50 = tpu.memref_slice %arg5[%add3A_48, %dma_start3A_49] : memref<26x512xi32, #tpu.memory_space<vmem>> -> memref<1x512xi32, #tpu.memory_space<vmem>>
      %dma_start3A_51 = tpu.memref_squeeze %dma_start3A_50 : memref<1x512xi32, #tpu.memory_space<vmem>> -> memref<512xi32, #tpu.memory_space<vmem>>
      %dma_start3A_52 = arith.constant 0 : i32
      %dma_start3A_53 = arith.constant 0 : i32
      %dma_start3A_54 = tpu.memref_slice %arg2[%dma_start3A_52, %dma_start3A_53] : memref<1000000x64xf32, #tpu.memory_space<hbm>> -> memref<1000000x64xf32, #tpu.memory_space<hbm>>
      tpu.enqueue_indirect_dma source(%dma_start3A_54 : memref<1000000x64xf32, #tpu.memory_space<hbm>>) target(%arg7 : memref<512x64xf32, #tpu.memory_space<vmem>>) offsets(%dma_start3A_51 : memref<512xi32, #tpu.memory_space<vmem>>) semaphore(%arg9 : memref<!tpu.dma_semaphore, #tpu.memory_space<semaphore_mem>>)
      %dma_wait3A_55 = arith.constant 0 : i32
      %dma_wait3A_56 = tpu.memref_slice %arg5[%mul3A_46, %dma_wait3A_55] : memref<26x512xi32, #tpu.memory_space<vmem>> -> memref<1x512xi32, #tpu.memory_space<vmem>>
      %dma_wait3A_57 = tpu.memref_squeeze %dma_wait3A_56 : memref<1x512xi32, #tpu.memory_space<vmem>> -> memref<512xi32, #tpu.memory_space<vmem>>
      %dma_wait3A_58 = arith.constant 0 : i32
      %dma_wait3A_59 = arith.constant 0 : i32
      %dma_wait3A_60 = tpu.memref_slice %arg2[%dma_wait3A_58, %dma_wait3A_59] : memref<1000000x64xf32, #tpu.memory_space<hbm>> -> memref<1000000x64xf32, #tpu.memory_space<hbm>>
      tpu.wait_indirect_dma semaphore(%arg8 : memref<!tpu.dma_semaphore, #tpu.memory_space<semaphore_mem>>) src(%dma_wait3A_60 : memref<1000000x64xf32, #tpu.memory_space<hbm>>) dst(%arg6 : memref<512x64xf32, #tpu.memory_space<vmem>>)
      %add3A_61 = arith.addi %mul3A_2, %mul3A_46 : i32
      %mul3A_62 = arith.constant 512 : i32
      %mul3A_63 = arith.muli %add3A_61, %mul3A_62 : i32
      "tpu.region"() ({
        %run_scoped3A = tpu.sem_alloc : memref<!tpu.dma_semaphore, #tpu.memory_space<semaphore_mem>>
        %dma_start3A_86 = arith.constant 0 : i32
        %dma_start3A_87 = tpu.memref_slice %arg4[%mul3A_63, %dma_start3A_86] : memref<425984x64xf32, #tpu.memory_space<hbm>> -> memref<512x64xf32, #tpu.memory_space<hbm>>
        %dma_start3A_88 = arith.constant 0 : i32
        %dma_start3A_89 = tpu.memref_slice %arg4[%mul3A_63, %dma_start3A_88] : memref<425984x64xf32, #tpu.memory_space<hbm>> -> memref<512x64xf32, #tpu.memory_space<hbm>>
        tpu.enqueue_dma source(%arg6 : memref<512x64xf32, #tpu.memory_space<vmem>>) target(%dma_start3A_89 : memref<512x64xf32, #tpu.memory_space<hbm>>) target_semaphore(%run_scoped3A : memref<!tpu.dma_semaphore, #tpu.memory_space<semaphore_mem>>)
        %dma_wait3A_90 = arith.constant 0 : i32
        %dma_wait3A_91 = tpu.memref_slice %arg4[%mul3A_63, %dma_wait3A_90] : memref<425984x64xf32, #tpu.memory_space<hbm>> -> memref<512x64xf32, #tpu.memory_space<hbm>>
        %dma_wait3A_92 = arith.constant 0 : i32
        %dma_wait3A_93 = tpu.memref_slice %arg4[%mul3A_63, %dma_wait3A_92] : memref<425984x64xf32, #tpu.memory_space<hbm>> -> memref<512x64xf32, #tpu.memory_space<hbm>>
        tpu.wait_dma2 semaphore(%run_scoped3A : memref<!tpu.dma_semaphore, #tpu.memory_space<semaphore_mem>>) src(%arg6 : memref<512x64xf32, #tpu.memory_space<vmem>>) dst(%dma_wait3A_93 : memref<512x64xf32, #tpu.memory_space<hbm>>)
        tpu.yield
      }) : () -> ()
      %add3A_64 = arith.constant 2 : i32
      %add3A_65 = arith.addi %mul3A_46, %add3A_64 : i32
      %dma_start3A_66 = arith.constant 0 : i32
      %dma_start3A_67 = tpu.memref_slice %arg5[%add3A_65, %dma_start3A_66] : memref<26x512xi32, #tpu.memory_space<vmem>> -> memref<1x512xi32, #tpu.memory_space<vmem>>
      %dma_start3A_68 = tpu.memref_squeeze %dma_start3A_67 : memref<1x512xi32, #tpu.memory_space<vmem>> -> memref<512xi32, #tpu.memory_space<vmem>>
      %dma_start3A_69 = arith.constant 0 : i32
      %dma_start3A_70 = arith.constant 0 : i32
      %dma_start3A_71 = tpu.memref_slice %arg2[%dma_start3A_69, %dma_start3A_70] : memref<1000000x64xf32, #tpu.memory_space<hbm>> -> memref<1000000x64xf32, #tpu.memory_space<hbm>>
      tpu.enqueue_indirect_dma source(%dma_start3A_71 : memref<1000000x64xf32, #tpu.memory_space<hbm>>) target(%arg6 : memref<512x64xf32, #tpu.memory_space<vmem>>) offsets(%dma_start3A_68 : memref<512xi32, #tpu.memory_space<vmem>>) semaphore(%arg8 : memref<!tpu.dma_semaphore, #tpu.memory_space<semaphore_mem>>)
      %add3A_72 = arith.constant 1 : i32
      %add3A_73 = arith.addi %mul3A_46, %add3A_72 : i32
      %dma_wait3A_74 = arith.constant 0 : i32
      %dma_wait3A_75 = tpu.memref_slice %arg5[%add3A_73, %dma_wait3A_74] : memref<26x512xi32, #tpu.memory_space<vmem>> -> memref<1x512xi32, #tpu.memory_space<vmem>>
      %dma_wait3A_76 = tpu.memref_squeeze %dma_wait3A_75 : memref<1x512xi32, #tpu.memory_space<vmem>> -> memref<512xi32, #tpu.memory_space<vmem>>
      %dma_wait3A_77 = arith.constant 0 : i32
      %dma_wait3A_78 = arith.constant 0 : i32
      %dma_wait3A_79 = tpu.memref_slice %arg2[%dma_wait3A_77, %dma_wait3A_78] : memref<1000000x64xf32, #tpu.memory_space<hbm>> -> memref<1000000x64xf32, #tpu.memory_space<hbm>>
      tpu.wait_indirect_dma semaphore(%arg9 : memref<!tpu.dma_semaphore, #tpu.memory_space<semaphore_mem>>) src(%dma_wait3A_79 : memref<1000000x64xf32, #tpu.memory_space<hbm>>) dst(%arg7 : memref<512x64xf32, #tpu.memory_space<vmem>>)
      %add3A_80 = arith.constant 1 : i32
      %add3A_81 = arith.addi %mul3A_46, %add3A_80 : i32
      %add3A_82 = arith.addi %mul3A_2, %add3A_81 : i32
      %mul3A_83 = arith.constant 512 : i32
      %mul3A_84 = arith.muli %add3A_82, %mul3A_83 : i32
      "tpu.region"() ({
        %run_scoped3A = tpu.sem_alloc : memref<!tpu.dma_semaphore, #tpu.memory_space<semaphore_mem>>
        %dma_start3A_86 = arith.constant 0 : i32
        %dma_start3A_87 = tpu.memref_slice %arg4[%mul3A_84, %dma_start3A_86] : memref<425984x64xf32, #tpu.memory_space<hbm>> -> memref<512x64xf32, #tpu.memory_space<hbm>>
        %dma_start3A_88 = arith.constant 0 : i32
        %dma_start3A_89 = tpu.memref_slice %arg4[%mul3A_84, %dma_start3A_88] : memref<425984x64xf32, #tpu.memory_space<hbm>> -> memref<512x64xf32, #tpu.memory_space<hbm>>
        tpu.enqueue_dma source(%arg7 : memref<512x64xf32, #tpu.memory_space<vmem>>) target(%dma_start3A_89 : memref<512x64xf32, #tpu.memory_space<hbm>>) target_semaphore(%run_scoped3A : memref<!tpu.dma_semaphore, #tpu.memory_space<semaphore_mem>>)
        %dma_wait3A_90 = arith.constant 0 : i32
        %dma_wait3A_91 = tpu.memref_slice %arg4[%mul3A_84, %dma_wait3A_90] : memref<425984x64xf32, #tpu.memory_space<hbm>> -> memref<512x64xf32, #tpu.memory_space<hbm>>
        %dma_wait3A_92 = arith.constant 0 : i32
        %dma_wait3A_93 = tpu.memref_slice %arg4[%mul3A_84, %dma_wait3A_92] : memref<425984x64xf32, #tpu.memory_space<hbm>> -> memref<512x64xf32, #tpu.memory_space<hbm>>
        tpu.wait_dma2 semaphore(%run_scoped3A : memref<!tpu.dma_semaphore, #tpu.memory_space<semaphore_mem>>) src(%arg7 : memref<512x64xf32, #tpu.memory_space<vmem>>) dst(%dma_wait3A_93 : memref<512x64xf32, #tpu.memory_space<hbm>>)
        tpu.yield
      }) : () -> ()
      %scan3A_85 = arith.constant 0 : i32
      scf.yield %scan3A_85 : i32
    }
    %scan3A_14 = arith.constant 12 : i32
    %dma_start3A_15 = arith.constant 25 : i32
    %dma_start3A_16 = arith.constant 0 : i32
    %dma_start3A_17 = tpu.memref_slice %arg5[%dma_start3A_15, %dma_start3A_16] : memref<26x512xi32, #tpu.memory_space<vmem>> -> memref<1x512xi32, #tpu.memory_space<vmem>>
    %dma_start3A_18 = tpu.memref_squeeze %dma_start3A_17 : memref<1x512xi32, #tpu.memory_space<vmem>> -> memref<512xi32, #tpu.memory_space<vmem>>
    %dma_start3A_19 = arith.constant 0 : i32
    %dma_start3A_20 = arith.constant 0 : i32
    %dma_start3A_21 = tpu.memref_slice %arg2[%dma_start3A_19, %dma_start3A_20] : memref<1000000x64xf32, #tpu.memory_space<hbm>> -> memref<1000000x64xf32, #tpu.memory_space<hbm>>
    tpu.enqueue_indirect_dma source(%dma_start3A_21 : memref<1000000x64xf32, #tpu.memory_space<hbm>>) target(%arg7 : memref<512x64xf32, #tpu.memory_space<vmem>>) offsets(%dma_start3A_18 : memref<512xi32, #tpu.memory_space<vmem>>) semaphore(%arg9 : memref<!tpu.dma_semaphore, #tpu.memory_space<semaphore_mem>>)
    %dma_wait3A = arith.constant 24 : i32
    %dma_wait3A_22 = arith.constant 0 : i32
    %dma_wait3A_23 = tpu.memref_slice %arg5[%dma_wait3A, %dma_wait3A_22] : memref<26x512xi32, #tpu.memory_space<vmem>> -> memref<1x512xi32, #tpu.memory_space<vmem>>
    %dma_wait3A_24 = tpu.memref_squeeze %dma_wait3A_23 : memref<1x512xi32, #tpu.memory_space<vmem>> -> memref<512xi32, #tpu.memory_space<vmem>>
    %dma_wait3A_25 = arith.constant 0 : i32
    %dma_wait3A_26 = arith.constant 0 : i32
    %dma_wait3A_27 = tpu.memref_slice %arg2[%dma_wait3A_25, %dma_wait3A_26] : memref<1000000x64xf32, #tpu.memory_space<hbm>> -> memref<1000000x64xf32, #tpu.memory_space<hbm>>
    tpu.wait_indirect_dma semaphore(%arg8 : memref<!tpu.dma_semaphore, #tpu.memory_space<semaphore_mem>>) src(%dma_wait3A_27 : memref<1000000x64xf32, #tpu.memory_space<hbm>>) dst(%arg6 : memref<512x64xf32, #tpu.memory_space<vmem>>)
    %add3A_28 = arith.constant 24 : i32
    %add3A_29 = arith.addi %mul3A_2, %add3A_28 : i32
    %mul3A_30 = arith.constant 512 : i32
    %mul3A_31 = arith.muli %add3A_29, %mul3A_30 : i32
    "tpu.region"() ({
      %run_scoped3A = tpu.sem_alloc : memref<!tpu.dma_semaphore, #tpu.memory_space<semaphore_mem>>
      %dma_start3A_43 = arith.constant 0 : i32
      %dma_start3A_44 = tpu.memref_slice %arg4[%mul3A_31, %dma_start3A_43] : memref<425984x64xf32, #tpu.memory_space<hbm>> -> memref<512x64xf32, #tpu.memory_space<hbm>>
      %dma_start3A_45 = arith.constant 0 : i32
      %dma_start3A_46 = tpu.memref_slice %arg4[%mul3A_31, %dma_start3A_45] : memref<425984x64xf32, #tpu.memory_space<hbm>> -> memref<512x64xf32, #tpu.memory_space<hbm>>
      tpu.enqueue_dma source(%arg6 : memref<512x64xf32, #tpu.memory_space<vmem>>) target(%dma_start3A_46 : memref<512x64xf32, #tpu.memory_space<hbm>>) target_semaphore(%run_scoped3A : memref<!tpu.dma_semaphore, #tpu.memory_space<semaphore_mem>>)
      %dma_wait3A_47 = arith.constant 0 : i32
      %dma_wait3A_48 = tpu.memref_slice %arg4[%mul3A_31, %dma_wait3A_47] : memref<425984x64xf32, #tpu.memory_space<hbm>> -> memref<512x64xf32, #tpu.memory_space<hbm>>
      %dma_wait3A_49 = arith.constant 0 : i32
      %dma_wait3A_50 = tpu.memref_slice %arg4[%mul3A_31, %dma_wait3A_49] : memref<425984x64xf32, #tpu.memory_space<hbm>> -> memref<512x64xf32, #tpu.memory_space<hbm>>
      tpu.wait_dma2 semaphore(%run_scoped3A : memref<!tpu.dma_semaphore, #tpu.memory_space<semaphore_mem>>) src(%arg6 : memref<512x64xf32, #tpu.memory_space<vmem>>) dst(%dma_wait3A_50 : memref<512x64xf32, #tpu.memory_space<hbm>>)
      tpu.yield
    }) : () -> ()
    %dma_wait3A_32 = arith.constant 25 : i32
    %dma_wait3A_33 = arith.constant 0 : i32
    %dma_wait3A_34 = tpu.memref_slice %arg5[%dma_wait3A_32, %dma_wait3A_33] : memref<26x512xi32, #tpu.memory_space<vmem>> -> memref<1x512xi32, #tpu.memory_space<vmem>>
    %dma_wait3A_35 = tpu.memref_squeeze %dma_wait3A_34 : memref<1x512xi32, #tpu.memory_space<vmem>> -> memref<512xi32, #tpu.memory_space<vmem>>
    %dma_wait3A_36 = arith.constant 0 : i32
    %dma_wait3A_37 = arith.constant 0 : i32
    %dma_wait3A_38 = tpu.memref_slice %arg2[%dma_wait3A_36, %dma_wait3A_37] : memref<1000000x64xf32, #tpu.memory_space<hbm>> -> memref<1000000x64xf32, #tpu.memory_space<hbm>>
    tpu.wait_indirect_dma semaphore(%arg9 : memref<!tpu.dma_semaphore, #tpu.memory_space<semaphore_mem>>) src(%dma_wait3A_38 : memref<1000000x64xf32, #tpu.memory_space<hbm>>) dst(%arg7 : memref<512x64xf32, #tpu.memory_space<vmem>>)
    %add3A_39 = arith.constant 25 : i32
    %add3A_40 = arith.addi %mul3A_2, %add3A_39 : i32
    %mul3A_41 = arith.constant 512 : i32
    %mul3A_42 = arith.muli %add3A_40, %mul3A_41 : i32
    "tpu.region"() ({
      %run_scoped3A = tpu.sem_alloc : memref<!tpu.dma_semaphore, #tpu.memory_space<semaphore_mem>>
      %dma_start3A_43 = arith.constant 0 : i32
      %dma_start3A_44 = tpu.memref_slice %arg4[%mul3A_42, %dma_start3A_43] : memref<425984x64xf32, #tpu.memory_space<hbm>> -> memref<512x64xf32, #tpu.memory_space<hbm>>
      %dma_start3A_45 = arith.constant 0 : i32
      %dma_start3A_46 = tpu.memref_slice %arg4[%mul3A_42, %dma_start3A_45] : memref<425984x64xf32, #tpu.memory_space<hbm>> -> memref<512x64xf32, #tpu.memory_space<hbm>>
      tpu.enqueue_dma source(%arg7 : memref<512x64xf32, #tpu.memory_space<vmem>>) target(%dma_start3A_46 : memref<512x64xf32, #tpu.memory_space<hbm>>) target_semaphore(%run_scoped3A : memref<!tpu.dma_semaphore, #tpu.memory_space<semaphore_mem>>)
      %dma_wait3A_47 = arith.constant 0 : i32
      %dma_wait3A_48 = tpu.memref_slice %arg4[%mul3A_42, %dma_wait3A_47] : memref<425984x64xf32, #tpu.memory_space<hbm>> -> memref<512x64xf32, #tpu.memory_space<hbm>>
      %dma_wait3A_49 = arith.constant 0 : i32
      %dma_wait3A_50 = tpu.memref_slice %arg4[%mul3A_42, %dma_wait3A_49] : memref<425984x64xf32, #tpu.memory_space<hbm>> -> memref<512x64xf32, #tpu.memory_space<hbm>>
      tpu.wait_dma2 semaphore(%run_scoped3A : memref<!tpu.dma_semaphore, #tpu.memory_space<semaphore_mem>>) src(%arg7 : memref<512x64xf32, #tpu.memory_space<vmem>>) dst(%dma_wait3A_50 : memref<512x64xf32, #tpu.memory_space<hbm>>)
      tpu.yield
    }) : () -> ()
    return
  }
}

</mosaic_0001>

<sc_bundles>
// kernel: _embed_lookup.4.cloned.1.call-start
scs
__scs_entry_jumppad:
0x0: {  	(pc) =	sbr.rel $0x88, $3  }
0x1: {  	(tag) =	ssettag $0x0;
	lr =	simm.s32 $0x1  }
0x2: {  	[smem:$0x3F9E] =	sst lr;
	_ =	strace $0xD0000000  }
0x3: {  	_ = 	snop  }
0x4: {  	_ = 	snop  }
0x5: {  	_ = 	snop  }
0x6: {  	_ = 	snop  }
0x7: {  	_ = 	snop  }
__scs_overlays_trampoline_lowered:
0x8: {  	[smem:$0x3FAD] =	sst s0  }
0x9: {  	[smem:$0x3FAE] =	sst s1  }
0xa: {  	[smem:$0x3FAF] =	sst s2  }
0xb: {  	[smem:$0x3FB0] =	sst s3  }
0xc: {  	[smem:$0x3FB1] =	sst s4  }
0xd: {  	[smem:$0x3FB2] =	sst s5  }
0xe: {  	[smem:$0x3FB3] =	sst s6  }
0xf: {  	[smem:$0x3FB4] =	sst s7  }
0x10: {  	[smem:$0x3FB5] =	sst s8  }
0x11: {  	[smem:$0x3FB6] =	sst s9;
	s0 =	simm.s32 @!p0 $0x0  }
0x12: {  	s1 =	sld [smem:$0x3F9C];
	s0 =	simm.s32 @p0 $0x1  }
0x13: {  	[smem:$0x3FB7] =	sst s0;
	s0 =	simm.s32 @!p1 $0x0  }
0x14: {  	s2 =	sld [smem:$0x3F9B];
	s0 =	simm.s32 @p1 $0x1  }
0x15: {  	[smem:$0x3FB8] =	sst s0;
	s0 =	simm.s32 @!p2 $0x0  }
0x16: {  	s3 =	sld [smem:$0x3FDB];
	s0 =	simm.s32 @p2 $0x1  }
0x17: {  	s4 =	simm.s32 $0x1BF5;
	[smem:$0x3FBA] =	sst s0  }
0x18: {  	s0 =	sld [smem:$0x3F9D];
	_ =	swait.ge [sflag:s4], $0x0  }
0x19: {  	s7 =	sld [smem:$0x3F9E]  }
0x1a: {  	s8 =	sadd.s32 $0xFFFFE003, lr  }
0x1b: {  	s9 =	sadd.s32 $0xFFFFFEF7, lr;
	s5 =	simm.s32 $0xFFFFFFFF;
	p2 =	slt.u32 s8, $0xFFFFF086  }
0x1c: {  	p1 =	slt.u32 s9, $0xF7A;
	s5 =	simm.s32 @!p2 $0x0  }
0x1d: {  	s5 =	simm.s32 @p1 $0x1;
	p0 =	seq.s32 s7, s2  }
0x1e: {  	s7 =	smul.u32 @!p0 $0xF7A, s2;
	p2 =	seq.s32 @!p0 s5, $0x0  }
0x1f: {  	s9 =	smul.u32 $0xF7A, s1;
	s8 =	simm.s32 @!p0 $0x1BF5;
	p2 =	por !p2, p0  }
0x20: {  	[sflag:s8] =	ssyncset.s32 @!p0 $0xFFFFF086;
	s6 =	sadd.s32 @!p0 s3, s7;
	s7 =	simm.s32 @!p0 $0x108  }
0x21: {  	s3 =	sadd.s32 s3, s9;
	s6 =	sadd.s32 @!p0 $0x88, s6;
	s7 =	simm.s32 @p2 $0x1082  }
0x22: {  	[simem:s7], [sflag:s8] =	dma.local @!p0 [hbm:s6], $0xF7A  }
0x23: {  	s9 =	sor.u32 $0xD0000000, s2;
	s6 =	simm.s32 $0x108;
	_ =	swait.ge @!p0 [sflag:s8], $0x0  }
0x24: {  	s3 =	sadd.s32 $0x88, s3;
	s6 =	simm.s32 @!p1 $0x1082;
	[sflag:s4] =	ssyncset.s32 $0xFFFFF086  }
0x25: {  	[simem:s6], [sflag:s4] =	dma.local [hbm:s3], $0xF7A  }
0x26: {  	[smem:$0x3F9E] =	sst s1;
	(tag) =	ssettag s2;
	_ =	strace s9  }
0x27: {  	s1 =	sld [smem:$0x3FAE]  }
0x28: {  	s2 =	sld [smem:$0x3FAF]  }
0x29: {  	s4 =	sld [smem:$0x3FB1]  }
0x2a: {  	p0 =	seq.s32 s5, $0x0;
	s5 =	sld [smem:$0x3FB2]  }
0x2b: {  	s6 =	sld [smem:$0x3FB3]  }
0x2c: {  	s7 =	sld [smem:$0x3FB4]  }
0x2d: {  	s3 =	simm.s32 $0x108;
	s8 =	sld [smem:$0x3FB5]  }
0x2e: {  	s3 =	simm.s32 @!p0 $0x1082;
	s9 =	sld [smem:$0x3FB6]  }
0x2f: {  	lr =	sadd.s32 s0, s3;
	s0 =	sld [smem:$0x3FAD]  }
0x30: {  	s3 =	sld [smem:$0x3FB0]  }
0x31: {  	[smem:$0x3FB9] =	sst s10  }
0x32: {  	s10 =	sld [smem:$0x3FB7];
	_ =	sdelay $0x3  }
0x33: {  	p0 =	seq.s32 s10, $0x1;
	s10 =	sld [smem:$0x3FB9];
	_ =	sdelay $0x3  }
0x34: {  	[smem:$0x3FB9] =	sst s10  }
0x35: {  	s10 =	sld [smem:$0x3FB8];
	_ =	sdelay $0x3  }
0x36: {  	p1 =	seq.s32 s10, $0x1;
	s10 =	sld [smem:$0x3FB9];
	_ =	sdelay $0x3  }
0x37: {  	[smem:$0x3FB9] =	sst s10  }
0x38: {  	s10 =	sld [smem:$0x3FBA]  }
0x39: {  	_ = 	snop;
	(pc) =	sbr.ind lr, $3  }
0x3a: {  	_ = 	snop  }
0x3b: {  	_ = 	snop  }
0x3c: {  	p2 =	seq.s32 s10, $0x1;
	s10 =	sld [smem:$0x3FB9]  }
0x3d: {  	_ =	shalt  }
0x3e: {  	_ =	shalt  }
0x3f: {  	_ =	shalt  }
0x40: {  	_ =	shalt  }
0x41: {  	_ =	shalt  }
0x42: {  	_ =	shalt  }
0x43: {  	_ =	shalt  }
0x44: {  	_ =	shalt  }
0x45: {  	_ =	shalt  }
0x46: {  	_ =	shalt  }
0x47: {  	_ =	shalt  }
0x48: {  	_ =	shalt  }
0x49: {  	_ =	shalt  }
0x4a: {  	_ =	shalt  }
0x4b: {  	_ =	shalt  }
0x4c: {  	_ =	shalt  }
0x4d: {  	_ =	shalt  }
0x4e: {  	_ =	shalt  }
0x4f: {  	_ =	shalt  }
0x50: {  	_ =	shalt  }
0x51: {  	_ =	shalt  }
0x52: {  	_ =	shalt  }
0x53: {  	_ =	shalt  }
0x54: {  	_ =	shalt  }
0x55: {  	_ =	shalt  }
0x56: {  	_ =	shalt  }
0x57: {  	_ =	shalt  }
0x58: {  	_ =	shalt  }
0x59: {  	_ =	shalt  }
0x5a: {  	_ =	shalt  }
0x5b: {  	_ =	shalt  }
0x5c: {  	_ =	shalt  }
0x5d: {  	_ =	shalt  }
0x5e: {  	_ =	shalt  }
0x5f: {  	_ =	shalt  }
0x60: {  	_ =	shalt  }
0x61: {  	_ =	shalt  }
0x62: {  	_ =	shalt  }
0x63: {  	_ =	shalt  }
0x64: {  	_ =	shalt  }
0x65: {  	_ =	shalt  }
0x66: {  	_ =	shalt  }
0x67: {  	_ =	shalt  }
0x68: {  	_ =	shalt  }
0x69: {  	_ =	shalt  }
0x6a: {  	_ =	shalt  }
0x6b: {  	_ =	shalt  }
0x6c: {  	_ =	shalt  }
0x6d: {  	_ =	shalt  }
0x6e: {  	_ =	shalt  }
0x6f: {  	_ =	shalt  }
0x70: {  	_ =	shalt  }
0x71: {  	_ =	shalt  }
0x72: {  	_ =	shalt  }
0x73: {  	_ =	shalt  }
0x74: {  	_ =	shalt  }
0x75: {  	_ =	shalt  }
0x76: {  	_ =	shalt  }
0x77: {  	_ =	shalt  }
0x78: {  	_ =	shalt  }
0x79: {  	_ =	shalt  }
0x7a: {  	_ =	shalt  }
0x7b: {  	_ =	shalt  }
0x7c: {  	_ =	shalt  }
0x7d: {  	_ =	shalt  }
0x7e: {  	_ =	shalt  }
0x7f: {  	_ =	shalt  }
0x80: {  	_ =	shalt  }
0x81: {  	_ =	shalt  }
0x82: {  	_ =	shalt  }
0x83: {  	_ =	shalt  }
0x84: {  	_ =	shalt  }
0x85: {  	_ =	shalt  }
0x86: {  	_ =	shalt  }
0x87: {  	_ =	shalt  }
.Lfunc_end0:
.L_simem_size_0:
called_computation.1_lowered:
.L_overlay_start_0:
0x88: {  	s2 =	sld [smem:$0x3FD9]  }
0x89: {  	s3 =	sld [smem:$0x3FFE];
	_ =	sdelay $0x1  }
0x8a: {  	s1 =	srdreg.scid  }
0x8b: {  	s0 =	sand.u32 $0x1, s1  }
0x8c: {  	s17 =	sshll.u32 s0, $0xA;
	s2 =	sadd.s32 s3, s2  }
0x8d: {  	s2 =	sadd.s32 s2, s17  }
0x8e: {  	[smem:$0x3FC5] =	sst s2  }
0x8f: {  	_ = 	snop  }
0x90: {  	s2 =	sld [smem:$0x3FC8]  }
0x91: {  	s18 =	sld [smem:$0x3FC7];
	(tm) =	ssettm $0x1  }
0x92: {  	s4 =	sld [smem:$0x3FFB];
	_ =	sdelay $0x3  }
0x93: {  	_ =	strace s4  }
0x94: {  	s4 =	sld [smem:$0x3FFC];
	_ =	sdelay $0x3  }
0x95: {  	_ =	strace s4  }
0x96: {  	s4 =	sld [smem:$0x3FFD];
	_ =	sdelay $0x3  }
0x97: {  	_ =	strace s4  }
0x98: {  	_ =	strace $0x8FFFFFFF  }
0x99: {  	s19 =	sld [smem:$0x3FDB];
	_ =	sdelay $0x1  }
0x9a: {  	s5 =	simm.s32 $_scs_section_size  }
0x9b: {  	s6 =	simm.s32 $_size__tile_overlayer_lowered;
	s7 =	simm.s32 $_tile_overlayer_lowered  }
0x9c: {  	s22 =	simm.s32 $0x1BFF;
	s21 =	sshll.u32 s7, $0x1;
	s4 =	sadd.s32 s5, s19  }
0x9d: {  	s8 =	simm.s32 $0x0;
	s20 =	sshll.u32 s6, $0x1;
	s6 =	sadd.s32 s21, s4  }
0x9e: {  	[timem:s8], [sflag:s22] =	dma.local [hbm:s6], s20  }
0x9f: {  	_ =	swait.ge [sflag:s22], s20  }
0xa0: {  	s5 =	ssub.s32 $0x0, s20;
	[sflag:s22] =	ssyncset.done $0x0  }
0xa1: {  	[sflag:s22] =	ssyncadd.s32 s5;
	_ =	sdelay $0x1  }
0xa2: {  	s23 =	simm.s32 $0x1B8B  }
0xa3: {  	_ =	swait.ge [sflag:s23], $0x1  }
0xa4: {  	[sflag:s23] =	ssyncset.done $0x0  }
0xa5: {  	s25 =	simm.s32 $0x1B8E;
	s24 =	sld [smem:$0x3FFE];
	[sflag:s23] =	ssyncadd.s32 $0xFFFFFFFF  }
0xa6: {  	s26 =	simm.s32 $execute0_lowered;
	[smem:$0x3FD2] =	sst s25  }
0xa7: {  	s6 =	sshll.u32 s26, $0x1;
	_ =	strace $0x80000046;
	[dreg:$0x1] =	wrdreg $0xFFFFFFFF  }
0xa8: {  	s28 =	simm.s32 $_size_execute0_lowered;
	s4 =	sadd.s32 s4, s6;
	[dreg:$0x0] =	wrdreg $0x0  }
0xa9: {  	s6 =	sshll.u32 s28, $0x1;
	[dreg:$0x2] =	wrdreg s4  }
0xaa: {  	[dreg:$0x3] =	wrdreg s6  }
0xab: {  	[dreg:$0x4] =	wrdreg $0xC0  }
0xac: {  	_ =	task [dreg:s8], $0x5FFFF  }
0xad: {  	[dreg:$0x1] =	wrdreg $0xFFFFFFFF  }
0xae: {  	[dreg:$0x0] =	wrdreg $0x60  }
0xaf: {  	[dreg:$0x2] =	wrdreg s2  }
0xb0: {  	[dreg:$0x3] =	wrdreg s18  }
0xb1: {  	[dreg:$0x4] =	wrdreg s24  }
0xb2: {  	[dreg:$0x5] =	wrdreg $0x9  }
0xb3: {  	_ =	task.clear_ibuf [dreg:s8], $0x6FFFF;
	_ =	strace $0x90000046  }
0xb4: {  	s29 =	simm.s32 $0x9;
	_ =	strace $0x80000048  }
0xb5: {  	_ =	swait.ge [sflag:s29], $0x1  }
0xb6: {  	[sflag:s29] =	ssyncadd.s32 $0xFFFFFFFF  }
0xb7: {  	_ =	strace $0x90000048  }
0xb8: {  	_ =	sfence  }
0xb9: {  	s30 =	sld [smem:$0x0];
	_ =	sdelay $0x2  }
0xba: {  	s31 =	sshll.u32 s1, $0xD;
	s1 =	sshrl.u32 s1, $0x2  }
0xbb: {  	s3 =	sand.u32 $0x4000, s31;
	s1 =	sadd.s32 s1, s30  }
0xbc: {  	s0 =	sor.u32 s3, s0;
	s1 =	sshll.u32 s1, $0x11  }
0xbd: {  	s0 =	sor.u32 s1, s0  }
0xbe: {  	s0 =	sadd.s32 $0x8F2B, s0  }
0xbf: {  	[sflag:s0] =	ssyncadd.remote.s32 $0x1  }
0xc0: {  	_ =	sfence.sel $0xFFFF  }
0xc1: {  	[dreg:$0x0] =	wrdreg $0xFFFFFFFF;
	(pc) =	sbr.abs _section_cstart, $3  }
0xc2: {  	[dreg:$0x1] =	wrdreg $0xFFFFFFFF  }
0xc3: {  	_ =	task.clear_ibuf [dreg:s8], $0x2FFFF;
	_ =	strace $0x9FFFFFFF  }
0xc4: {  	(tm) =	ssettm $0x7FFFFFFF  }
0xc5: {  	_ =	shalt  }
tec
execute0_lowered:
.L_overlay_start_1:
0x0: {  	(tag) =	ssettag $0x1  }
0x1: {  	v0 =	vimm.s32 $0x780;
	vm5 =	vcmask $0x300;
	vm7 =	vcmask $0x704  }
0x2: {  	vm6 =	vcmask $0xB08;
	vm4 =	vcmask $0xF0C;
	vm3 =	vcmask $0x1310  }
0x3: {  	v1 =	vimm.s32 $0x300;
	vm0 =	vcmask $0x700;
	vm1 =	vcmask $0x1714  }
0x4: {  	vm2 =	vcmask $0xF08;
	vm8 =	vcmask $0x1710;
	v3 =	vimm.s32 $0x280  }
0x5: {  	v4 =	vimm.s32 $0x200;
	v5 =	vimm.s32 $0x180;
	v9 =	vimm.s32 $0x100  }
0x6: {  	v10 =	vimm.s32 $0x80;
	v11 =	vimm.s32 $0x0;
	vm12 =	vcmask $0x1F18  }
0x7: {  	vm13 =	vcmask $0x2720;
	v15 =	vimm.s32 $0x380;
	vm14 =	vcmask $0x2F28  }
0x8: {  	vm15 =	vcmask $0xB04;
	vm11 =	vcmask $0x3730;
	v16 =	vimm.s32 $0x23622160  }
0x9: {  	v17 =	vimm.s32 $0x27662564;
	v18 =	vimm.s32 $0x3B7A3978;
	v19 =	vimm.s32 $0x3F7E3D7C  }
0xa: {  	v20 =	vimm.s32 $0x33723170;
	v21 =	vimm.s32 $0x37763574;
	v0 =	vsel vm5, $0x1, v0  }
0xb: {  	v2 =	vsel vm0, $0x380, v1;
	v6 =	vsel vm0, $0x300, v3;
	v7 =	vsel vm0, $0x280, v4  }
0xc: {  	v8 =	vsel vm0, $0x200, v5;
	v12 =	vsel vm0, $0x180, v9;
	v13 =	vsel vm0, $0x100, v10  }
0xd: {  	v14 =	vsel vm0, $0x80, v11;
	vm0 =	vcmask $0x1B18;
	v15 =	vsel vm15, $0x0, v15  }
0xe: {  	v1 =	vsel vm15, $0x380, v1;
	v3 =	vsel vm15, $0x300, v3;
	v4 =	vsel vm15, $0x280, v4  }
0xf: {  	v5 =	vsel vm15, $0x200, v5;
	v16 =	vunpack.c.0.s8.s32 v16;
	v17 =	vunpack.c.0.s8.s32 v17  }
0x10: {  	v18 =	vunpack.c.0.s8.s32 v18;
	v19 =	vunpack.c.0.s8.s32 v19;
	v0 =	vsel vm7, $0x82, v0  }
0x11: {  	v2 =	vsel vm2, $0x0, v2;
	v6 =	vsel vm2, $0x380, v6;
	v7 =	vsel vm2, $0x300, v7  }
0x12: {  	v8 =	vsel vm2, $0x280, v8;
	v12 =	vsel vm2, $0x200, v12;
	v13 =	vsel vm2, $0x180, v13  }
0x13: {  	v14 =	vsel vm2, $0x100, v14;
	v0 =	vsel vm6, $0x103, v0;
	v2 =	vsel vm8, $0x80, v2  }
0x14: {  	v6 =	vsel vm8, $0x0, v6;
	v7 =	vsel vm8, $0x380, v7;
	v8 =	vsel vm8, $0x300, v8  }
0x15: {  	v12 =	vsel vm8, $0x280, v12;
	v13 =	vsel vm8, $0x200, v13;
	v14 =	vsel vm8, $0x180, v14  }
0x16: {  	v0 =	vsel vm4, $0x184, v0;
	v2 =	vsel vm12, $0x100, v2;
	v6 =	vsel vm12, $0x80, v6  }
0x17: {  	v7 =	vsel vm12, $0x0, v7;
	v8 =	vsel vm12, $0x380, v8;
	v12 =	vsel vm12, $0x300, v12  }
0x18: {  	v13 =	vsel vm12, $0x280, v13;
	v14 =	vsel vm12, $0x200, v14;
	vm12 =	vcmask $0x130C  }
0x19: {  	v0 =	vsel vm3, $0x205, v0;
	v2 =	vsel vm13, $0x180, v2;
	v6 =	vsel vm13, $0x100, v6  }
0x1a: {  	v7 =	vsel vm13, $0x80, v7;
	v8 =	vsel vm13, $0x0, v8;
	v12 =	vsel vm13, $0x380, v12  }
0x1b: {  	v13 =	vsel vm13, $0x300, v13;
	v14 =	vsel vm13, $0x280, v14;
	vm13 =	vcmask $0x1B14  }
0x1c: {  	v1 =	vsel vm12, $0x0, v1;
	v3 =	vsel vm12, $0x380, v3;
	v4 =	vsel vm12, $0x300, v4  }
0x1d: {  	v5 =	vsel vm12, $0x280, v5;
	v0 =	vsel vm1, $0x286, v0;
	v2 =	vsel vm14, $0x200, v2  }
0x1e: {  	v6 =	vsel vm14, $0x180, v6;
	v7 =	vsel vm14, $0x100, v7;
	v8 =	vsel vm14, $0x80, v8  }
0x1f: {  	v12 =	vsel vm14, $0x0, v12;
	v13 =	vsel vm14, $0x380, v13;
	v14 =	vsel vm14, $0x300, v14  }
0x20: {  	vm14 =	vcmask $0x231C;
	v1 =	vsel vm13, $0x80, v1;
	v3 =	vsel vm13, $0x0, v3  }
0x21: {  	v4 =	vsel vm13, $0x380, v4;
	v5 =	vsel vm13, $0x300, v5;
	v2 =	vsel vm11, $0x280, v2  }
0x22: {  	v1 =	vsel vm14, $0x100, v1;
	v3 =	vsel vm14, $0x80, v3;
	v4 =	vsel vm14, $0x0, v4  }
0x23: {  	v5 =	vsel vm14, $0x380, v5;
	[tilespmem:$0x1F380] =	vst v2;
	v2 =	vsel vm11, $0x200, v6;
	v6 =	vsel vm15, $0x180, v9  }
0x24: {  	v9 =	vimm.s32 $0x63226120;
	[tilespmem:$0x1F390] =	vst v2;
	v2 =	vsel vm11, $0x180, v7;
	v7 =	vsel vm15, $0x100, v10  }
0x25: {  	v6 =	vsel vm12, $0x200, v6;
	v9 =	vunpack.c.0.s8.s32 v9;
	v10 =	vimm.s32 $0x67266524  }
0x26: {  	[tilespmem:$0x1F3A0] =	vst v2;
	v2 =	vsel vm11, $0x100, v8;
	v8 =	vsel vm15, $0x80, v11;
	v7 =	vsel vm12, $0x180, v7  }
0x27: {  	v6 =	vsel vm13, $0x280, v6;
	vm15 =	vcmask $0x2B24;
	[tilespmem:$0x1F3B0] =	vst v2;
	v2 =	vsel vm11, $0x80, v12  }
0x28: {  	v10 =	vunpack.c.0.s8.s32 v10;
	v11 =	vimm.s32 $0x7B3A7938;
	[tilespmem:$0x1F3C0] =	vst v2;
	v2 =	vsel vm11, $0x0, v13  }
0x29: {  	v8 =	vsel vm12, $0x100, v8;
	v7 =	vsel vm13, $0x200, v7;
	[tilespmem:$0x1F3D0] =	vst v2;
	v2 =	vsel vm11, $0x380, v14  }
0x2a: {  	v6 =	vsel vm14, $0x300, v6;
	v1 =	vsel vm15, $0x180, v1;
	[tilespmem:$0x1F3E0] =	vst v2;
	v2 =	vsel vm12, $0x80, v15  }
0x2b: {  	v3 =	vsel vm15, $0x100, v3;
	v4 =	vsel vm15, $0x80, v4;
	v2 =	vsel vm13, $0x100, v2  }
0x2c: {  	v5 =	vsel vm15, $0x0, v5;
	v12 =	vimm.s32 $0x7F3E7D3C;
	v2 =	vsel vm14, $0x180, v2  }
0x2d: {  	v8 =	vsel vm13, $0x180, v8;
	vm12 =	vcmask $0x332C;
	v2 =	vsel vm15, $0x200, v2  }
0x2e: {  	v7 =	vsel vm14, $0x280, v7;
	vm13 =	vcmask $0x3B34;
	v2 =	vsel vm12, $0x280, v2  }
0x2f: {  	v6 =	vsel vm15, $0x380, v6;
	v1 =	vsel vm12, $0x200, v1;
	v2 =	vsel vm13, $0x300, v2  }
0x30: {  	v13 =	vimm.s32 $0x7460544;
	v1 =	vsel vm13, $0x280, v1;
	[tilespmem:$0x1F3F0] =	vst v2;
	v2 =	vsel vm12, $0x180, v3  }
0x31: {  	v8 =	vsel vm14, $0x200, v8;
	v7 =	vsel vm15, $0x300, v7;
	[tilespmem:$0x1F400] =	vst v1;
	v1 =	vsel vm13, $0x200, v2  }
0x32: {  	v14 =	vimm.s32 $0x1B5A1958;
	v8 =	vsel vm15, $0x280, v8;
	[tilespmem:$0x1F410] =	vst v1;
	v1 =	vsel vm12, $0x100, v4  }
0x33: {  	v15 =	vimm.s32 $0x1F5E1D5C;
	vm14 =	vcmask $0x1F10;
	v1 =	vsel vm13, $0x180, v1  }
0x34: {  	v3 =	vimm.s32 $0x43024100;
	v2 =	vsel vm12, $0x0, v6;
	[tilespmem:$0x1F420] =	vst v1;
	v1 =	vsel vm12, $0x80, v5  }
0x35: {  	v3 =	vunpack.c.0.s8.s32 v3;
	v6 =	vimm.s32 $0x57165514;
	v1 =	vsel vm13, $0x100, v1  }
0x36: {  	v4 =	vimm.s32 $0x47064504;
	v6 =	vunpack.c.0.s8.s32 v6;
	[tilespmem:$0x1F430] =	vst v1;
	v1 =	vsel vm13, $0x80, v2  }
0x37: {  	v4 =	vunpack.c.0.s8.s32 v4;
	v5 =	vimm.s32 $0x53125110;
	[tilespmem:$0x1F440] =	vst v1;
	v1 =	vsel vm12, $0x380, v7  }
0x38: {  	v5 =	vunpack.c.0.s8.s32 v5;
	v2 =	vimm.s32 $0x4B0A4908;
	v1 =	vsel vm13, $0x0, v1  }
0x39: {  	v7 =	vimm.s32 $0x6B2A6928;
	[tilespmem:$0x1F450] =	vst v1;
	v1 =	vsel vm12, $0x300, v8;
	v8 =	vimm.s32 $0x6F2E6D2C  }
0x3a: {  	v7 =	vunpack.c.0.s8.s32 v7;
	v1 =	vsel vm13, $0x380, v1;
	v8 =	vunpack.c.0.s8.s32 v8  }
0x3b: {  	v3 =	vsel vm14, v4, v3;
	[tilespmem:$0x1F460] =	vst v1;
	v1 =	vunpack.c.0.s8.s32 v2;
	v2 =	vimm.s32 $0x4F0E4D0C  }
0x3c: {  	v5 =	vsel vm14, v6, v5;
	v2 =	vunpack.c.0.s8.s32 v2;
	v6 =	vsel vm14, v8, v7  }
0x3d: {  	v7 =	vsel vm14, v10, v9;
	v8 =	vimm.s32 $0x73327130;
	v9 =	vimm.s32 $0x77367534  }
0x3e: {  	v4 =	vimm.s32 $0x5F1E5D1C;
	v8 =	vunpack.c.0.s8.s32 v8;
	v9 =	vunpack.c.0.s8.s32 v9  }
0x3f: {  	v4 =	vunpack.c.0.s8.s32 v4;
	v1 =	vsel vm14, v2, v1;
	v2 =	vimm.s32 $0x5B1A5918  }
0x40: {  	v10 =	vimm.s32 $0xB4A0948;
	v2 =	vunpack.c.0.s8.s32 v2;
	v8 =	vsel vm14, v9, v8  }
0x41: {  	v9 =	vunpack.c.0.s8.s32 v14;
	v14 =	vunpack.c.0.s8.s32 v15;
	v15 =	vimm.s32 $0x2F6E2D6C  }
0x42: {  	v2 =	vsel vm14, v4, v2;
	v4 =	vunpack.c.0.s8.s32 v11;
	v11 =	vunpack.c.0.s8.s32 v12  }
0x43: {  	v10 =	vunpack.c.0.s8.s32 v10;
	v15 =	vunpack.c.0.s8.s32 v15;
	v9 =	vsel vm14, v14, v9  }
0x44: {  	v14 =	vimm.s32 $0x2B6A2968;
	v4 =	vsel vm14, v11, v4;
	v11 =	vimm.s32 $0xF4E0D4C  }
0x45: {  	v12 =	vimm.s32 $0x3420140;
	v14 =	vunpack.c.0.s8.s32 v14;
	v11 =	vunpack.c.0.s8.s32 v11  }
0x46: {  	v0 =	vsel vm0, $0x307, v0;
	v13 =	vunpack.c.0.s8.s32 v13;
	v12 =	vunpack.c.0.s8.s32 v12  }
0x47: {  	vm15 =	vcmask $0x1F1C;
	v14 =	vsel vm14, v15, v14;
	v10 =	vsel vm14, v11, v10  }
0x48: {  	v11 =	vsel vm14, v13, v12;
	v12 =	vimm.s32 $0x13521150;
	v13 =	vimm.s32 $0x17561554  }
0x49: {  	v15 =	vimm.s32 $0xF80;
	v12 =	vunpack.c.0.s8.s32 v12;
	v13 =	vunpack.c.0.s8.s32 v13  }
0x4a: {  	v0 =	vsel vm15, $0x388, v0;
	v24 =	vsel vm5, $0x801, v15;
	v15 =	vimm.s32 $0x1780  }
0x4b: {  	v25 =	vsel vm5, $0x1001, v15;
	v12 =	vsel vm14, v13, v12;
	v13 =	vunpack.c.0.s8.s32 v20  }
0x4c: {  	v20 =	vunpack.c.0.s8.s32 v21;
	v21 =	vsel vm14, v17, v16;
	v16 =	vimm.s32 $0x1F80  }
0x4d: {  	[tilespmem:$0x1F7F0] =	vst v0;
	v15 =	vcombine.low v3, v1;
	v1 =	vimm.s32 $0x781;
	v0 =	vsel vm5, $0x1801, v16  }
0x4e: {  	v16 =	vcombine.low v5, v2;
	v2 =	vimm.s32 $0xF81;
	[tilespmem:$0x1F470] =	vst v0;
	v0 =	vsel vm5, $0x2, v1  }
0x4f: {  	v22 =	vsel vm14, v19, v18;
	v3 =	vimm.s32 $0x1781;
	[tilespmem:$0x1F480] =	vst v0;
	v0 =	vsel vm5, $0x802, v2  }
0x50: {  	v18 =	vcombine.low v8, v4;
	v4 =	vimm.s32 $0x1F81;
	[tilespmem:$0x1F490] =	vst v0;
	v0 =	vsel vm5, $0x1002, v3  }
0x51: {  	v5 =	vimm.s32 $0x782;
	[tilespmem:$0x1F4A0] =	vst v0;
	v0 =	vsel vm5, $0x1802, v4  }
0x52: {  	v17 =	vcombine.low v7, v6;
	v6 =	vimm.s32 $0xF82;
	[tilespmem:$0x1F4B0] =	vst v0;
	v0 =	vsel vm5, $0x3, v5  }
0x53: {  	v7 =	vimm.s32 $0x1782;
	[tilespmem:$0x1F4C0] =	vst v0;
	v0 =	vsel vm5, $0x803, v6  }
0x54: {  	v8 =	vimm.s32 $0x1F82;
	v13 =	vsel vm14, v20, v13;
	[tilespmem:$0x1F4D0] =	vst v0;
	v0 =	vsel vm5, $0x1003, v7  }
0x55: {  	v20 =	vcombine.low v12, v9;
	v9 =	vimm.s32 $0x783;
	[tilespmem:$0x1F4E0] =	vst v0;
	v0 =	vsel vm5, $0x1803, v8  }
0x56: {  	v19 =	vcombine.low v11, v10;
	v10 =	vimm.s32 $0xF83;
	[tilespmem:$0x1F4F0] =	vst v0;
	v0 =	vsel vm5, $0x4, v9  }
0x57: {  	v11 =	vimm.s32 $0x1783;
	[tilespmem:$0x1F500] =	vst v0;
	v0 =	vsel vm5, $0x804, v10  }
0x58: {  	v12 =	vimm.s32 $0x1F83;
	[tilespmem:$0x1F510] =	vst v0;
	v0 =	vsel vm5, $0x1004, v11  }
0x59: {  	v22 =	vcombine.low v13, v22;
	v13 =	vimm.s32 $0x784;
	[tilespmem:$0x1F520] =	vst v0;
	v0 =	vsel vm5, $0x1804, v12  }
0x5a: {  	v21 =	vcombine.low v21, v14;
	v14 =	vimm.s32 $0xF84;
	[tilespmem:$0x1F530] =	vst v0;
	v0 =	vsel vm5, $0x5, v13  }
0x5b: {  	v26 =	vimm.s32 $0x1784;
	[tilespmem:$0x1F540] =	vst v0;
	v0 =	vsel vm5, $0x805, v14  }
0x5c: {  	v27 =	vimm.s32 $0x1F84;
	[tilespmem:$0x1F550] =	vst v0;
	v0 =	vsel vm5, $0x1005, v26  }
0x5d: {  	v28 =	vimm.s32 $0x785;
	[tilespmem:$0x1F560] =	vst v0;
	v0 =	vsel vm5, $0x1805, v27  }
0x5e: {  	v29 =	vimm.s32 $0xF85;
	[tilespmem:$0x1F570] =	vst v0;
	v0 =	vsel vm5, $0x6, v28  }
0x5f: {  	v30 =	vimm.s32 $0x1785;
	[tilespmem:$0x1F580] =	vst v0;
	v0 =	vsel vm5, $0x806, v29  }
0x60: {  	v31 =	vimm.s32 $0x1F85;
	[tilespmem:$0x1F590] =	vst v0;
	v0 =	vsel vm5, $0x1006, v30  }
0x61: {  	v32 =	vimm.s32 $0x786;
	[tilespmem:$0x1F5A0] =	vst v0;
	v0 =	vsel vm5, $0x1806, v31  }
0x62: {  	v33 =	vimm.s32 $0xF86;
	[tilespmem:$0x1F5B0] =	vst v0;
	v0 =	vsel vm5, $0x7, v32  }
0x63: {  	v34 =	vimm.s32 $0x1786;
	[tilespmem:$0x1F5C0] =	vst v0;
	v0 =	vsel vm5, $0x807, v33  }
0x64: {  	v35 =	vimm.s32 $0x1F86;
	[tilespmem:$0x1F5D0] =	vst v0;
	v0 =	vsel vm5, $0x1007, v34  }
0x65: {  	v36 =	vimm.s32 $0x787;
	[tilespmem:$0x1F5E0] =	vst v0;
	v0 =	vsel vm5, $0x1807, v35  }
0x66: {  	v37 =	vimm.s32 $0xF87;
	[tilespmem:$0x1F5F0] =	vst v0;
	v0 =	vsel vm5, $0x8, v36  }
0x67: {  	v38 =	vimm.s32 $0x1787;
	[tilespmem:$0x1F600] =	vst v0;
	v0 =	vsel vm5, $0x808, v37  }
0x68: {  	v39 =	vimm.s32 $0x1F87;
	[tilespmem:$0x1F610] =	vst v0;
	v0 =	vsel vm5, $0x1008, v38  }
0x69: {  	v40 =	vimm.s32 $0x788;
	[tilespmem:$0x1F620] =	vst v0;
	v0 =	vsel vm5, $0x1808, v39  }
0x6a: {  	v41 =	vimm.s32 $0xF88;
	[tilespmem:$0x1F630] =	vst v0;
	v0 =	vsel vm5, $0x9, v40  }
0x6b: {  	v42 =	vimm.s32 $0x1788;
	[tilespmem:$0x1F640] =	vst v0;
	v0 =	vsel vm5, $0x809, v41  }
0x6c: {  	v43 =	vimm.s32 $0x1F88;
	[tilespmem:$0x1F650] =	vst v0;
	v0 =	vsel vm5, $0x1009, v42  }
0x6d: {  	v44 =	vimm.s32 $0x789;
	[tilespmem:$0x1F660] =	vst v0;
	v0 =	vsel vm5, $0x1809, v43  }
0x6e: {  	v45 =	vimm.s32 $0xF89;
	[tilespmem:$0x1F670] =	vst v0;
	v0 =	vsel vm5, $0xA, v44  }
0x6f: {  	v46 =	vimm.s32 $0x1789;
	[tilespmem:$0x1F680] =	vst v0;
	v0 =	vsel vm5, $0x80A, v45  }
0x70: {  	v47 =	vimm.s32 $0x1F89;
	[tilespmem:$0x1F690] =	vst v0;
	v0 =	vsel vm5, $0x100A, v46  }
0x71: {  	v48 =	vimm.s32 $0x78A;
	[tilespmem:$0x1F6A0] =	vst v0;
	v0 =	vsel vm5, $0x180A, v47  }
0x72: {  	v49 =	vimm.s32 $0xF8A;
	[tilespmem:$0x1F6B0] =	vst v0;
	v0 =	vsel vm5, $0xB, v48  }
0x73: {  	v50 =	vimm.s32 $0x178A;
	[tilespmem:$0x1F6C0] =	vst v0;
	v0 =	vsel vm5, $0x80B, v49  }
0x74: {  	v51 =	vimm.s32 $0x1F8A;
	[tilespmem:$0x1F6D0] =	vst v0;
	v0 =	vsel vm5, $0x100B, v50  }
0x75: {  	v52 =	vimm.s32 $0x78B;
	[tilespmem:$0x1F6E0] =	vst v0;
	v0 =	vsel vm5, $0x180B, v51  }
0x76: {  	v53 =	vimm.s32 $0xF8B;
	[tilespmem:$0x1F6F0] =	vst v0;
	v0 =	vsel vm5, $0xC, v52  }
0x77: {  	v54 =	vimm.s32 $0x178B;
	[tilespmem:$0x1F700] =	vst v0;
	v0 =	vsel vm5, $0x80C, v53  }
0x78: {  	v55 =	vimm.s32 $0x1F8B;
	[tilespmem:$0x1F710] =	vst v0;
	v0 =	vsel vm5, $0x100C, v54  }
0x79: {  	v56 =	vimm.s32 $0x78C;
	[tilespmem:$0x1F720] =	vst v0;
	v0 =	vsel vm5, $0x180C, v55  }
0x7a: {  	v57 =	vimm.s32 $0xF8C;
	[tilespmem:$0x1F730] =	vst v0;
	v0 =	vsel vm5, $0xD, v56  }
0x7b: {  	v58 =	vimm.s32 $0x178C;
	[tilespmem:$0x1F740] =	vst v0;
	v0 =	vsel vm5, $0x80D, v57  }
0x7c: {  	v59 =	vimm.s32 $0x1F8C;
	[tilespmem:$0x1F750] =	vst v0;
	v0 =	vsel vm5, $0x100D, v58  }
0x7d: {  	v60 =	vimm.s32 $0x78D;
	[tilespmem:$0x1F760] =	vst v0;
	v0 =	vsel vm5, $0x180D, v59  }
0x7e: {  	v61 =	vimm.s32 $0xF8D;
	[tilespmem:$0x1F770] =	vst v0;
	v0 =	vsel vm5, $0xE, v60  }
0x7f: {  	v62 =	vimm.s32 $0x178D;
	[tilespmem:$0x1F780] =	vst v0;
	v0 =	vsel vm5, $0x80E, v61  }
0x80: {  	[tilespmem:$0x1F790] =	vst v0;
	v0 =	vsel vm5, $0x100E, v62  }
0x81: {  	[tilespmem:$0x1F7A0] =	vst v0;
	v0 =	vimm.s32 $0x78E  }
0x82: {  	v23 =	vimm.s32 $0xF8E;
	v0 =	vsel vm5, $0xF, v0  }
0x83: {  	v63 =	vimm.s32 $0x1F8D;
	[tilespmem:$0x1F7C0] =	vst v0;
	v0 =	vsel vm5, $0x80F, v23  }
0x84: {  	v1 =	vsel vm5, $0x180E, v63;
	[tilespmem:$0x1F7D0] =	vst v0;
	v0 =	vimm.s32 $0x178E  }
0x85: {  	[tilespmem:$0x1F7B0] =	vst v1;
	v0 =	vsel vm5, $0x100F, v0  }
0x86: {  	[tilespmem:$0x1F7E0] =	vst v0;
	v0 =	vld [tilespmem:$0x1F7B0];
	_ =	sdelay $0x4  }
0x87: {  	v0 =	vsel vm7, $0x188F, v0  }
0x88: {  	[tilespmem:$0x1F800] =	vst v0;
	v0 =	vld [tilespmem:$0x1F7C0];
	_ =	sdelay $0x4  }
0x89: {  	v0 =	vsel vm7, $0x80, v0  }
0x8a: {  	[tilespmem:$0x1F810] =	vst v0;
	v0 =	vld [tilespmem:$0x1F7D0];
	_ =	sdelay $0x4  }
0x8b: {  	v0 =	vsel vm7, $0x880, v0  }
0x8c: {  	[tilespmem:$0x1F820] =	vst v0;
	v0 =	vld [tilespmem:$0x1F7E0];
	_ =	sdelay $0x4  }
0x8d: {  	v0 =	vsel vm7, $0x1080, v0  }
0x8e: {  	[tilespmem:$0x1F830] =	vst v0;
	v0 =	vld [tilespmem:$0x1F7F0];
	_ =	sdelay $0x3  }
0x8f: {  	vm9 =	vcmask $0x2320  }
0x90: {  	v0 =	vsel vm9, $0x409, v0  }
0x91: {  	[tilespmem:$0x1F880] =	vst v0;
	v0 =	vld [tilespmem:$0x1F800];
	_ =	sdelay $0x4  }
0x92: {  	v0 =	vsel vm6, $0x1900, v0  }
0x93: {  	[tilespmem:$0x1F840] =	vst v0;
	v0 =	vld [tilespmem:$0x1F810];
	_ =	sdelay $0x4  }
0x94: {  	v0 =	vsel vm6, $0x101, v0  }
0x95: {  	[tilespmem:$0x1F850] =	vst v0;
	v0 =	vld [tilespmem:$0x1F820];
	_ =	sdelay $0x4  }
0x96: {  	v0 =	vsel vm6, $0x901, v0  }
0x97: {  	[tilespmem:$0x1F860] =	vst v0;
	v0 =	vld [tilespmem:$0x1F830];
	_ =	sdelay $0x4  }
0x98: {  	v0 =	vsel vm6, $0x1101, v0  }
0x99: {  	[tilespmem:$0x1F870] =	vst v0;
	v0 =	vld [tilespmem:$0x1F840];
	_ =	sdelay $0x4  }
0x9a: {  	v0 =	vsel vm4, $0x1981, v0  }
0x9b: {  	[tilespmem:$0x1F890] =	vst v0;
	v0 =	vld [tilespmem:$0x1F850];
	_ =	sdelay $0x4  }
0x9c: {  	v0 =	vsel vm4, $0x182, v0  }
0x9d: {  	[tilespmem:$0x1F8A0] =	vst v0;
	v0 =	vld [tilespmem:$0x1F860];
	_ =	sdelay $0x4  }
0x9e: {  	v0 =	vsel vm4, $0x982, v0  }
0x9f: {  	[tilespmem:$0x1F8B0] =	vst v0;
	v0 =	vld [tilespmem:$0x1F870];
	_ =	sdelay $0x4  }
0xa0: {  	v0 =	vsel vm4, $0x1182, v0  }
0xa1: {  	[tilespmem:$0x1F8C0] =	vst v0;
	v0 =	vld [tilespmem:$0x1F880];
	_ =	sdelay $0x3  }
0xa2: {  	vm10 =	vcmask $0x2724  }
0xa3: {  	v0 =	vsel vm10, $0x48A, v0  }
0xa4: {  	[tilespmem:$0x1F910] =	vst v0;
	v0 =	vld [tilespmem:$0x1F890];
	_ =	sdelay $0x4  }
0xa5: {  	v0 =	vsel vm3, $0x1A02, v0  }
0xa6: {  	[tilespmem:$0x1F8D0] =	vst v0;
	v0 =	vld [tilespmem:$0x1F8A0];
	_ =	sdelay $0x4  }
0xa7: {  	v0 =	vsel vm3, $0x203, v0  }
0xa8: {  	[tilespmem:$0x1F8E0] =	vst v0;
	v0 =	vld [tilespmem:$0x1F8B0];
	_ =	sdelay $0x4  }
0xa9: {  	v0 =	vsel vm3, $0xA03, v0  }
0xaa: {  	[tilespmem:$0x1F8F0] =	vst v0;
	v0 =	vld [tilespmem:$0x1F8C0];
	_ =	sdelay $0x4  }
0xab: {  	v0 =	vsel vm3, $0x1203, v0  }
0xac: {  	[tilespmem:$0x1F900] =	vst v0;
	v0 =	vld [tilespmem:$0x1F8D0];
	_ =	sdelay $0x4  }
0xad: {  	v0 =	vsel vm1, $0x1A83, v0  }
0xae: {  	[tilespmem:$0x1F920] =	vst v0;
	v0 =	vld [tilespmem:$0x1F8E0];
	_ =	sdelay $0x4  }
0xaf: {  	v0 =	vsel vm1, $0x284, v0  }
0xb0: {  	[tilespmem:$0x1F930] =	vst v0;
	v0 =	vld [tilespmem:$0x1F8F0]  }
0xb1: {  	vm11 =	vcmask $0x2B28;
	vm12 =	vcmask $0x2F2C  }
0xb2: {  	vm13 =	vcmask $0x3330;
	vm14 =	vcmask $0x3734;
	v1 =	vimm.s32 $0x1F8E  }
0xb3: {  	v2 =	vsel vm7, $0x882, v24;
	v1 =	vsel vm5, $0x180F, v1;
	v3 =	vsel vm7, $0x1082, v25  }
0xb4: {  	v2 =	vsel vm6, $0x903, v2;
	v4 =	vld [tilespmem:$0x1F470];
	v1 =	vsel vm7, $0x1880, v1;
	v3 =	vsel vm6, $0x1103, v3  }
0xb5: {  	v2 =	vsel vm4, $0x984, v2;
	v5 =	vld [tilespmem:$0x1F480];
	v1 =	vsel vm6, $0x1901, v1;
	v0 =	vsel vm1, $0xA84, v0  }
0xb6: {  	v3 =	vsel vm4, $0x1184, v3;
	v2 =	vsel vm3, $0xA05, v2;
	v1 =	vsel vm4, $0x1982, v1;
	[tilespmem:$0x1F940] =	vst v0;
	v0 =	vld [tilespmem:$0x1F900]  }
0xb7: {  	v3 =	vsel vm3, $0x1205, v3;
	v2 =	vsel vm1, $0xA86, v2;
	v1 =	vsel vm3, $0x1A03, v1  }
0xb8: {  	v6 =	vld [tilespmem:$0x1F490];
	v3 =	vsel vm1, $0x1286, v3;
	v2 =	vsel vm0, $0xB07, v2;
	v1 =	vsel vm1, $0x1A84, v1  }
0xb9: {  	v3 =	vsel vm0, $0x1307, v3;
	v2 =	vsel vm15, $0xB88, v2;
	v4 =	vsel vm7, $0x1882, v4  }
0xba: {  	v7 =	vld [tilespmem:$0x1F4A0];
	v1 =	vsel vm0, $0x1B05, v1;
	v3 =	vsel vm15, $0x1388, v3;
	v2 =	vsel vm9, $0xC09, v2  }
0xbb: {  	v8 =	vld [tilespmem:$0x1F4B0];
	v5 =	vsel vm7, $0x83, v5;
	v4 =	vsel vm6, $0x1903, v4;
	v0 =	vsel vm1, $0x1284, v0  }
0xbc: {  	v1 =	vsel vm15, $0x1B86, v1;
	v3 =	vsel vm9, $0x1409, v3;
	v2 =	vsel vm10, $0xC8A, v2;
	[tilespmem:$0x1F950] =	vst v0;
	v0 =	vld [tilespmem:$0x1F910]  }
0xbd: {  	v6 =	vsel vm7, $0x883, v6;
	v5 =	vsel vm6, $0x104, v5;
	v4 =	vsel vm4, $0x1984, v4  }
0xbe: {  	v1 =	vsel vm9, $0x1C07, v1;
	v3 =	vsel vm10, $0x148A, v3;
	v2 =	vsel vm11, $0xD0B, v2  }
0xbf: {  	v9 =	vld [tilespmem:$0x1F4C0];
	v7 =	vsel vm7, $0x1083, v7;
	v6 =	vsel vm6, $0x904, v6;
	v5 =	vsel vm4, $0x185, v5  }
0xc0: {  	v4 =	vsel vm3, $0x1A05, v4;
	v1 =	vsel vm10, $0x1C88, v1;
	v3 =	vsel vm11, $0x150B, v3  }
0xc1: {  	v10 =	vld [tilespmem:$0x1F4D0];
	v2 =	vsel vm12, $0xD8C, v2;
	v8 =	vsel vm7, $0x1883, v8;
	v0 =	vsel vm11, $0x50B, v0  }
0xc2: {  	v7 =	vsel vm6, $0x1104, v7;
	v6 =	vsel vm4, $0x985, v6;
	v5 =	vsel vm3, $0x206, v5;
	[tilespmem:$0x1F9A0] =	vst v0;
	v0 =	vld [tilespmem:$0x1F920]  }
0xc3: {  	v4 =	vsel vm1, $0x1A86, v4;
	v1 =	vsel vm11, $0x1D09, v1;
	v3 =	vsel vm12, $0x158C, v3  }
0xc4: {  	v2 =	vsel vm13, $0xE0D, v2;
	v9 =	vsel vm7, $0x84, v9;
	v8 =	vsel vm6, $0x1904, v8  }
0xc5: {  	v11 =	vld [tilespmem:$0x1F4E0];
	v7 =	vsel vm4, $0x1185, v7;
	v6 =	vsel vm3, $0xA06, v6;
	v5 =	vsel vm1, $0x287, v5  }
0xc6: {  	v4 =	vsel vm0, $0x1B07, v4;
	v1 =	vsel vm12, $0x1D8A, v1;
	v3 =	vsel vm13, $0x160D, v3  }
0xc7: {  	v12 =	vld [tilespmem:$0x1F4F0];
	v2 =	vsel vm14, $0xE8E, v2;
	v10 =	vsel vm7, $0x884, v10;
	v0 =	vsel vm0, $0x1B04, v0  }
0xc8: {  	v9 =	vsel vm6, $0x105, v9;
	v8 =	vsel vm4, $0x1985, v8;
	v7 =	vsel vm3, $0x1206, v7;
	[tilespmem:$0x1F960] =	vst v0;
	v0 =	vld [tilespmem:$0x1F930]  }
0xc9: {  	v6 =	vsel vm1, $0xA87, v6;
	v5 =	vsel vm0, $0x308, v5;
	v4 =	vsel vm15, $0x1B88, v4  }
0xca: {  	v1 =	vsel vm13, $0x1E0B, v1;
	v3 =	vsel vm14, $0x168E, v3;
	v11 =	vsel vm7, $0x1084, v11  }
0xcb: {  	v13 =	vld [tilespmem:$0x1F500];
	v10 =	vsel vm6, $0x905, v10;
	v9 =	vsel vm4, $0x186, v9;
	v8 =	vsel vm3, $0x1A06, v8  }
0xcc: {  	v7 =	vsel vm1, $0x1287, v7;
	v6 =	vsel vm0, $0xB08, v6;
	v5 =	vsel vm15, $0x389, v5  }
0xcd: {  	v14 =	vld [tilespmem:$0x1F510];
	v4 =	vsel vm9, $0x1C09, v4;
	v12 =	vsel vm7, $0x1884, v12;
	v0 =	vsel vm0, $0x305, v0  }
0xce: {  	v11 =	vsel vm6, $0x1105, v11;
	v10 =	vsel vm4, $0x986, v10;
	v9 =	vsel vm3, $0x207, v9;
	[tilespmem:$0x1F970] =	vst v0;
	v0 =	vld [tilespmem:$0x1F940]  }
0xcf: {  	v24 =	vld [tilespmem:$0x1F530];
	v8 =	vsel vm1, $0x1A87, v8;
	v7 =	vsel vm0, $0x1308, v7;
	v6 =	vsel vm15, $0xB89, v6  }
0xd0: {  	v5 =	vsel vm9, $0x40A, v5;
	v4 =	vsel vm10, $0x1C8A, v4;
	v13 =	vsel vm7, $0x85, v13  }
0xd1: {  	v12 =	vsel vm6, $0x1905, v12;
	v11 =	vsel vm4, $0x1186, v11;
	v10 =	vsel vm3, $0xA07, v10  }
0xd2: {  	v9 =	vsel vm1, $0x288, v9;
	v8 =	vsel vm0, $0x1B08, v8;
	v7 =	vsel vm15, $0x1389, v7  }
0xd3: {  	v25 =	vld [tilespmem:$0x1F540];
	v6 =	vsel vm9, $0xC0A, v6;
	v5 =	vsel vm10, $0x48B, v5;
	v0 =	vsel vm0, $0xB05, v0  }
0xd4: {  	v4 =	vsel vm11, $0x1D0B, v4;
	v14 =	vsel vm7, $0x885, v14;
	v24 =	vsel vm7, $0x1885, v24;
	[tilespmem:$0x1F980] =	vst v0;
	v0 =	vld [tilespmem:$0x1F950]  }
0xd5: {  	v13 =	vsel vm6, $0x106, v13;
	v12 =	vsel vm4, $0x1986, v12;
	v11 =	vsel vm3, $0x1207, v11  }
0xd6: {  	v10 =	vsel vm1, $0xA88, v10;
	v9 =	vsel vm0, $0x309, v9;
	v8 =	vsel vm15, $0x1B89, v8  }
0xd7: {  	v7 =	vsel vm9, $0x140A, v7;
	v6 =	vsel vm10, $0xC8B, v6;
	v5 =	vsel vm11, $0x50C, v5  }
0xd8: {  	v26 =	vld [tilespmem:$0x1F550];
	v4 =	vsel vm12, $0x1D8C, v4;
	v25 =	vsel vm7, $0x86, v25;
	v14 =	vsel vm6, $0x906, v14  }
0xd9: {  	v24 =	vsel vm6, $0x1906, v24;
	v13 =	vsel vm4, $0x187, v13;
	v0 =	vsel vm0, $0x1305, v0  }
0xda: {  	v12 =	vsel vm3, $0x1A07, v12;
	v11 =	vsel vm1, $0x1288, v11;
	v10 =	vsel vm0, $0xB09, v10;
	[tilespmem:$0x1F990] =	vst v0;
	v0 =	vld [tilespmem:$0x1F960]  }
0xdb: {  	v9 =	vsel vm15, $0x38A, v9;
	v8 =	vsel vm9, $0x1C0A, v8;
	v7 =	vsel vm10, $0x148B, v7  }
0xdc: {  	v6 =	vsel vm11, $0xD0C, v6;
	v5 =	vsel vm12, $0x58D, v5;
	v4 =	vsel vm13, $0x1E0D, v4  }
0xdd: {  	v27 =	vld [tilespmem:$0x1F560];
	v26 =	vsel vm7, $0x886, v26;
	v25 =	vsel vm6, $0x107, v25;
	v14 =	vsel vm4, $0x987, v14  }
0xde: {  	v24 =	vsel vm4, $0x1987, v24;
	v13 =	vsel vm3, $0x208, v13;
	v12 =	vsel vm1, $0x1A88, v12  }
0xdf: {  	v11 =	vsel vm0, $0x1309, v11;
	v10 =	vsel vm15, $0xB8A, v10;
	v0 =	vsel vm15, $0x1B85, v0  }
0xe0: {  	v9 =	vsel vm9, $0x40B, v9;
	v8 =	vsel vm10, $0x1C8B, v8;
	v7 =	vsel vm11, $0x150C, v7;
	[tilespmem:$0x1F9B0] =	vst v0;
	v0 =	vld [tilespmem:$0x1F970]  }
0xe1: {  	v28 =	vld [tilespmem:$0x1F570];
	v6 =	vsel vm12, $0xD8D, v6;
	v5 =	vsel vm13, $0x60E, v5;
	v4 =	vsel vm14, $0x1E8E, v4  }
0xe2: {  	v27 =	vsel vm7, $0x1086, v27;
	v26 =	vsel vm6, $0x907, v26;
	v25 =	vsel vm4, $0x188, v25  }
0xe3: {  	v14 =	vsel vm3, $0xA08, v14;
	v24 =	vsel vm3, $0x1A08, v24;
	v13 =	vsel vm1, $0x289, v13  }
0xe4: {  	v12 =	vsel vm0, $0x1B09, v12;
	v11 =	vsel vm15, $0x138A, v11;
	v9 =	vsel vm10, $0x48C, v9  }
0xe5: {  	v29 =	vld [tilespmem:$0x1F580];
	v8 =	vsel vm11, $0x1D0C, v8;
	v7 =	vsel vm12, $0x158D, v7;
	v0 =	vsel vm15, $0x386, v0  }
0xe6: {  	v6 =	vsel vm13, $0xE0E, v6;
	v5 =	vsel vm14, $0x68F, v5;
	v28 =	vsel vm7, $0x1886, v28;
	[tilespmem:$0x1F9C0] =	vst v0;
	v0 =	vld [tilespmem:$0x1F980]  }
0xe7: {  	v27 =	vsel vm6, $0x1107, v27;
	v26 =	vsel vm4, $0x988, v26;
	v25 =	vsel vm3, $0x209, v25  }
0xe8: {  	v14 =	vsel vm1, $0xA89, v14;
	v24 =	vsel vm1, $0x1A89, v24;
	v13 =	vsel vm0, $0x30A, v13  }
0xe9: {  	v30 =	vld [tilespmem:$0x1F590];
	v12 =	vsel vm15, $0x1B8A, v12;
	v9 =	vsel vm11, $0x50D, v9;
	v8 =	vsel vm12, $0x1D8D, v8  }
0xea: {  	v7 =	vsel vm13, $0x160E, v7;
	v6 =	vsel vm14, $0xE8F, v6;
	v29 =	vsel vm7, $0x87, v29  }
0xeb: {  	v28 =	vsel vm6, $0x1907, v28;
	v27 =	vsel vm4, $0x1188, v27;
	v0 =	vsel vm15, $0xB86, v0  }
0xec: {  	v26 =	vsel vm3, $0xA09, v26;
	v25 =	vsel vm1, $0x28A, v25;
	v14 =	vsel vm0, $0xB0A, v14;
	[tilespmem:$0x1F9D0] =	vst v0;
	v0 =	vld [tilespmem:$0x1F990]  }
0xed: {  	v31 =	vld [tilespmem:$0x1F5A0];
	v24 =	vsel vm0, $0x1B0A, v24;
	v13 =	vsel vm15, $0x38B, v13;
	v9 =	vsel vm12, $0x58E, v9  }
0xee: {  	v8 =	vsel vm13, $0x1E0E, v8;
	v7 =	vsel vm14, $0x168F, v7;
	v30 =	vsel vm7, $0x887, v30  }
0xef: {  	v29 =	vsel vm6, $0x108, v29;
	v28 =	vsel vm4, $0x1988, v28;
	v27 =	vsel vm3, $0x1209, v27  }
0xf0: {  	v26 =	vsel vm1, $0xA8A, v26;
	v25 =	vsel vm0, $0x30B, v25;
	v14 =	vsel vm15, $0xB8B, v14  }
0xf1: {  	v24 =	vsel vm15, $0x1B8B, v24;
	v13 =	vsel vm9, $0x40C, v13;
	v0 =	vsel vm15, $0x1386, v0  }
0xf2: {  	v9 =	vsel vm13, $0x60F, v9;
	v8 =	vsel vm14, $0x1E8F, v8;
	v31 =	vsel vm7, $0x1087, v31;
	[tilespmem:$0x1F9E0] =	vst v0;
	v0 =	vld [tilespmem:$0x1F9A0]  }
0xf3: {  	v30 =	vsel vm6, $0x908, v30;
	v29 =	vsel vm4, $0x189, v29;
	v28 =	vsel vm3, $0x1A09, v28  }
0xf4: {  	v27 =	vsel vm1, $0x128A, v27;
	v26 =	vsel vm0, $0xB0B, v26;
	v25 =	vsel vm15, $0x38C, v25  }
0xf5: {  	v13 =	vsel vm10, $0x48D, v13;
	v9 =	vsel vm14, $0x680, v9;
	v31 =	vsel vm6, $0x1108, v31  }
0xf6: {  	v30 =	vsel vm4, $0x989, v30;
	v29 =	vsel vm3, $0x20A, v29;
	v28 =	vsel vm1, $0x1A8A, v28  }
0xf7: {  	v36 =	vld [tilespmem:$0x1F5B0];
	v27 =	vsel vm0, $0x130B, v27;
	v26 =	vsel vm15, $0xB8C, v26;
	v0 =	vsel vm12, $0x58C, v0  }
0xf8: {  	v13 =	vsel vm11, $0x50E, v13;
	v31 =	vsel vm4, $0x1189, v31;
	v30 =	vsel vm3, $0xA0A, v30;
	[tilespmem:$0x1FA30] =	vst v0;
	v0 =	vld [tilespmem:$0x1F9B0]  }
0xf9: {  	v29 =	vsel vm1, $0x28B, v29;
	v28 =	vsel vm0, $0x1B0B, v28;
	v27 =	vsel vm15, $0x138C, v27  }
0xfa: {  	v37 =	vld [tilespmem:$0x1F5C0];
	v26 =	vsel vm9, $0xC0D, v26;
	v13 =	vsel vm12, $0x58F, v13;
	v31 =	vsel vm3, $0x120A, v31  }
0xfb: {  	v30 =	vsel vm1, $0xA8B, v30;
	v29 =	vsel vm0, $0x30C, v29;
	v28 =	vsel vm15, $0x1B8C, v28  }
0xfc: {  	v38 =	vld [tilespmem:$0x1F5D0];
	v27 =	vsel vm9, $0x140D, v27;
	v26 =	vsel vm10, $0xC8E, v26;
	v13 =	vsel vm13, $0x600, v13  }
0xfd: {  	v32 =	vsel vm7, $0x1887, v36;
	v31 =	vsel vm1, $0x128B, v31;
	v0 =	vsel vm9, $0x1C06, v0  }
0xfe: {  	v30 =	vsel vm0, $0xB0C, v30;
	v29 =	vsel vm15, $0x38D, v29;
	v27 =	vsel vm10, $0x148E, v27;
	[tilespmem:$0x1F9F0] =	vst v0;
	v0 =	vld [tilespmem:$0x1F9C0]  }
0xff: {  	v39 =	vld [tilespmem:$0x1F5E0];
	v26 =	vsel vm11, $0xD0F, v26;
	v13 =	vsel vm14, $0x681, v13;
	v33 =	vsel vm7, $0x88, v37  }
0x100: {  	v32 =	vsel vm6, $0x1908, v32;
	v31 =	vsel vm0, $0x130C, v31;
	v30 =	vsel vm15, $0xB8D, v30  }
0x101: {  	v40 =	vld [tilespmem:$0x1F5F0];
	v27 =	vsel vm11, $0x150F, v27;
	v26 =	vsel vm12, $0xD80, v26;
	v34 =	vsel vm7, $0x888, v38  }
0x102: {  	v33 =	vsel vm6, $0x109, v33;
	v32 =	vsel vm4, $0x1989, v32;
	v31 =	vsel vm15, $0x138D, v31  }
0x103: {  	v41 =	vld [tilespmem:$0x1F600];
	v30 =	vsel vm9, $0xC0E, v30;
	v27 =	vsel vm12, $0x1580, v27;
	v0 =	vsel vm9, $0x407, v0  }
0x104: {  	v26 =	vsel vm13, $0xE01, v26;
	v35 =	vsel vm7, $0x1088, v39;
	v34 =	vsel vm6, $0x909, v34;
	[tilespmem:$0x1FA00] =	vst v0;
	v0 =	vld [tilespmem:$0x1F9D0]  }
0x105: {  	v33 =	vsel vm4, $0x18A, v33;
	v32 =	vsel vm3, $0x1A0A, v32;
	v30 =	vsel vm10, $0xC8F, v30  }
0x106: {  	v42 =	vld [tilespmem:$0x1F610];
	v27 =	vsel vm13, $0x1601, v27;
	v26 =	vsel vm14, $0xE82, v26;
	v36 =	vsel vm7, $0x1888, v40  }
0x107: {  	v35 =	vsel vm6, $0x1109, v35;
	v34 =	vsel vm4, $0x98A, v34;
	v33 =	vsel vm3, $0x20B, v33  }
0x108: {  	v43 =	vld [tilespmem:$0x1F620];
	v32 =	vsel vm1, $0x1A8B, v32;
	v30 =	vsel vm11, $0xD00, v30;
	v27 =	vsel vm14, $0x1682, v27  }
0x109: {  	v37 =	vsel vm7, $0x89, v41;
	v36 =	vsel vm6, $0x1909, v36;
	v0 =	vsel vm9, $0xC07, v0  }
0x10a: {  	v35 =	vsel vm4, $0x118A, v35;
	v34 =	vsel vm3, $0xA0B, v34;
	v33 =	vsel vm1, $0x28C, v33;
	[tilespmem:$0x1FA10] =	vst v0;
	v0 =	vld [tilespmem:$0x1F9E0]  }
0x10b: {  	v44 =	vld [tilespmem:$0x1F630];
	v32 =	vsel vm0, $0x1B0C, v32;
	v38 =	vsel vm7, $0x889, v42;
	v37 =	vsel vm6, $0x10A, v37  }
0x10c: {  	v36 =	vsel vm4, $0x198A, v36;
	v35 =	vsel vm3, $0x120B, v35;
	v34 =	vsel vm1, $0xA8C, v34  }
0x10d: {  	v33 =	vsel vm0, $0x30D, v33;
	v32 =	vsel vm15, $0x1B8D, v32;
	v39 =	vsel vm7, $0x1089, v43  }
0x10e: {  	v45 =	vld [tilespmem:$0x1F640];
	v38 =	vsel vm6, $0x90A, v38;
	v37 =	vsel vm4, $0x18B, v37;
	v36 =	vsel vm3, $0x1A0B, v36  }
0x10f: {  	v35 =	vsel vm1, $0x128C, v35;
	v34 =	vsel vm0, $0xB0D, v34;
	v0 =	vsel vm9, $0x1407, v0  }
0x110: {  	v33 =	vsel vm15, $0x38E, v33;
	v40 =	vsel vm7, $0x1889, v44;
	v39 =	vsel vm6, $0x110A, v39;
	[tilespmem:$0x1FA20] =	vst v0;
	v0 =	vld [tilespmem:$0x1F9F0]  }
0x111: {  	v46 =	vld [tilespmem:$0x1F650];
	v38 =	vsel vm4, $0x98B, v38;
	v37 =	vsel vm3, $0x20C, v37;
	v36 =	vsel vm1, $0x1A8C, v36  }
0x112: {  	v35 =	vsel vm0, $0x130D, v35;
	v34 =	vsel vm15, $0xB8E, v34;
	v33 =	vsel vm9, $0x40F, v33  }
0x113: {  	v41 =	vsel vm7, $0x8A, v45;
	v40 =	vsel vm6, $0x190A, v40;
	v39 =	vsel vm4, $0x118B, v39  }
0x114: {  	v47 =	vld [tilespmem:$0x1F660];
	v38 =	vsel vm3, $0xA0C, v38;
	v37 =	vsel vm1, $0x28D, v37;
	v36 =	vsel vm0, $0x1B0D, v36  }
0x115: {  	v35 =	vsel vm15, $0x138E, v35;
	v34 =	vsel vm9, $0xC0F, v34;
	v0 =	vsel vm10, $0x1C87, v0  }
0x116: {  	v33 =	vsel vm10, $0x480, v33;
	v42 =	vsel vm7, $0x88A, v46;
	v41 =	vsel vm6, $0x10B, v41;
	[tilespmem:$0x1FA40] =	vst v0;
	v0 =	vld [tilespmem:$0x1FA00]  }
0x117: {  	v40 =	vsel vm4, $0x198B, v40;
	v39 =	vsel vm3, $0x120C, v39;
	v38 =	vsel vm1, $0xA8D, v38  }
0x118: {  	v48 =	vld [tilespmem:$0x1F670];
	v37 =	vsel vm0, $0x30E, v37;
	v36 =	vsel vm15, $0x1B8E, v36;
	v35 =	vsel vm9, $0x140F, v35  }
0x119: {  	v34 =	vsel vm10, $0xC80, v34;
	v33 =	vsel vm11, $0x501, v33;
	v43 =	vsel vm7, $0x108A, v47  }
0x11a: {  	v42 =	vsel vm6, $0x90B, v42;
	v41 =	vsel vm4, $0x18C, v41;
	v40 =	vsel vm3, $0x1A0C, v40  }
0x11b: {  	v39 =	vsel vm1, $0x128D, v39;
	v38 =	vsel vm0, $0xB0E, v38;
	v0 =	vsel vm10, $0x488, v0  }
0x11c: {  	v37 =	vsel vm15, $0x38F, v37;
	v36 =	vsel vm9, $0x1C0F, v36;
	v35 =	vsel vm10, $0x1480, v35;
	[tilespmem:$0x1FA50] =	vst v0;
	v0 =	vld [tilespmem:$0x1FA10]  }
0x11d: {  	v49 =	vld [tilespmem:$0x1F680];
	v34 =	vsel vm11, $0xD01, v34;
	v33 =	vsel vm12, $0x582, v33;
	v44 =	vsel vm7, $0x188A, v48  }
0x11e: {  	v43 =	vsel vm6, $0x110B, v43;
	v42 =	vsel vm4, $0x98C, v42;
	v41 =	vsel vm3, $0x20D, v41  }
0x11f: {  	v40 =	vsel vm1, $0x1A8D, v40;
	v39 =	vsel vm0, $0x130E, v39;
	v38 =	vsel vm15, $0xB8F, v38  }
0x120: {  	v37 =	vsel vm9, $0x400, v37;
	v36 =	vsel vm10, $0x1C80, v36;
	v35 =	vsel vm11, $0x1501, v35  }
0x121: {  	v50 =	vld [tilespmem:$0x1F690];
	v34 =	vsel vm12, $0xD82, v34;
	v33 =	vsel vm13, $0x603, v33;
	v0 =	vsel vm10, $0xC88, v0  }
0x122: {  	v45 =	vsel vm7, $0x8B, v49;
	v44 =	vsel vm6, $0x190B, v44;
	v43 =	vsel vm4, $0x118C, v43;
	[tilespmem:$0x1FA60] =	vst v0;
	v0 =	vld [tilespmem:$0x1FA20]  }
0x123: {  	v42 =	vsel vm3, $0xA0D, v42;
	v41 =	vsel vm1, $0x28E, v41;
	v40 =	vsel vm0, $0x1B0E, v40  }
0x124: {  	v39 =	vsel vm15, $0x138F, v39;
	v38 =	vsel vm9, $0xC00, v38;
	v37 =	vsel vm10, $0x481, v37  }
0x125: {  	v51 =	vld [tilespmem:$0x1F6A0];
	v36 =	vsel vm11, $0x1D01, v36;
	v35 =	vsel vm12, $0x1582, v35;
	v34 =	vsel vm13, $0xE03, v34  }
0x126: {  	v33 =	vsel vm14, $0x684, v33;
	v46 =	vsel vm7, $0x88B, v50;
	v45 =	vsel vm6, $0x10C, v45  }
0x127: {  	v44 =	vsel vm4, $0x198C, v44;
	v43 =	vsel vm3, $0x120D, v43;
	v0 =	vsel vm10, $0x1488, v0  }
0x128: {  	v42 =	vsel vm1, $0xA8E, v42;
	v41 =	vsel vm0, $0x30F, v41;
	v40 =	vsel vm15, $0x1B8F, v40;
	[tilespmem:$0x1FA70] =	vst v0;
	v0 =	vld [tilespmem:$0x1FA30]  }
0x129: {  	v38 =	vsel vm10, $0xC81, v38;
	v37 =	vsel vm11, $0x502, v37;
	v36 =	vsel vm12, $0x1D82, v36  }
0x12a: {  	v52 =	vld [tilespmem:$0x1F6B0];
	v35 =	vsel vm13, $0x1603, v35;
	[tilespmem:$0x1FC10] =	vst v33;
	v33 =	vsel vm14, $0xE84, v34;
	v47 =	vsel vm7, $0x108B, v51  }
0x12b: {  	v46 =	vsel vm6, $0x90C, v46;
	v45 =	vsel vm4, $0x18D, v45;
	v44 =	vsel vm3, $0x1A0D, v44  }
0x12c: {  	v43 =	vsel vm1, $0x128E, v43;
	v42 =	vsel vm0, $0xB0F, v42;
	v41 =	vsel vm15, $0x380, v41  }
0x12d: {  	v53 =	vld [tilespmem:$0x1F6C0];
	v40 =	vsel vm9, $0x1C00, v40;
	v38 =	vsel vm11, $0xD02, v38;
	[tilespmem:$0x1FC20] =	vst v33;
	v0 =	vsel vm13, $0x60D, v0  }
0x12e: {  	v37 =	vsel vm12, $0x583, v37;
	v36 =	vsel vm13, $0x1E03, v36;
	v33 =	vsel vm14, $0x1684, v35;
	[tilespmem:$0x1FAC0] =	vst v0;
	v0 =	vld [tilespmem:$0x1FA40]  }
0x12f: {  	v48 =	vsel vm7, $0x188B, v52;
	v47 =	vsel vm6, $0x110C, v47;
	v46 =	vsel vm4, $0x98D, v46  }
0x130: {  	v45 =	vsel vm3, $0x20E, v45;
	v44 =	vsel vm1, $0x1A8E, v44;
	v43 =	vsel vm0, $0x130F, v43  }
0x131: {  	v42 =	vsel vm15, $0xB80, v42;
	v41 =	vsel vm9, $0x401, v41;
	v40 =	vsel vm10, $0x1C81, v40  }
0x132: {  	v54 =	vld [tilespmem:$0x1F6D0];
	v38 =	vsel vm12, $0xD83, v38;
	v37 =	vsel vm13, $0x604, v37;
	v36 =	vsel vm14, $0x1E84, v36  }
0x133: {  	v49 =	vsel vm7, $0x8C, v53;
	v48 =	vsel vm6, $0x190C, v48;
	v0 =	vsel vm11, $0x1D08, v0  }
0x134: {  	v47 =	vsel vm4, $0x118D, v47;
	v46 =	vsel vm3, $0xA0E, v46;
	v45 =	vsel vm1, $0x28F, v45;
	[tilespmem:$0x1FA80] =	vst v0;
	v0 =	vld [tilespmem:$0x1FA50]  }
0x135: {  	v44 =	vsel vm0, $0x1B0F, v44;
	v43 =	vsel vm15, $0x1380, v43;
	v42 =	vsel vm9, $0xC01, v42  }
0x136: {  	v55 =	vld [tilespmem:$0x1F6E0];
	v41 =	vsel vm10, $0x482, v41;
	v40 =	vsel vm11, $0x1D02, v40;
	v38 =	vsel vm13, $0xE04, v38  }
0x137: {  	v37 =	vsel vm14, $0x685, v37;
	v50 =	vsel vm7, $0x88C, v54;
	v49 =	vsel vm6, $0x10D, v49  }
0x138: {  	v48 =	vsel vm4, $0x198D, v48;
	v47 =	vsel vm3, $0x120E, v47;
	v46 =	vsel vm1, $0xA8F, v46  }
0x139: {  	v45 =	vsel vm0, $0x300, v45;
	v44 =	vsel vm15, $0x1B80, v44;
	v0 =	vsel vm11, $0x509, v0  }
0x13a: {  	v43 =	vsel vm9, $0x1401, v43;
	v42 =	vsel vm10, $0xC82, v42;
	v41 =	vsel vm11, $0x503, v41;
	[tilespmem:$0x1FA90] =	vst v0;
	v0 =	vld [tilespmem:$0x1FA60]  }
0x13b: {  	v56 =	vld [tilespmem:$0x1F6F0];
	v40 =	vsel vm12, $0x1D83, v40;
	v38 =	vsel vm14, $0xE85, v38;
	v51 =	vsel vm7, $0x108C, v55  }
0x13c: {  	v50 =	vsel vm6, $0x90D, v50;
	v49 =	vsel vm4, $0x18E, v49;
	v48 =	vsel vm3, $0x1A0E, v48  }
0x13d: {  	v47 =	vsel vm1, $0x128F, v47;
	v46 =	vsel vm0, $0xB00, v46;
	v45 =	vsel vm15, $0x381, v45  }
0x13e: {  	v44 =	vsel vm9, $0x1C01, v44;
	v43 =	vsel vm10, $0x1482, v43;
	v42 =	vsel vm11, $0xD03, v42  }
0x13f: {  	v57 =	vld [tilespmem:$0x1F700];
	v41 =	vsel vm12, $0x584, v41;
	v40 =	vsel vm13, $0x1E04, v40;
	v0 =	vsel vm11, $0xD09, v0  }
0x140: {  	v52 =	vsel vm7, $0x188C, v56;
	v51 =	vsel vm6, $0x110D, v51;
	v50 =	vsel vm4, $0x98E, v50;
	[tilespmem:$0x1FAA0] =	vst v0;
	v0 =	vld [tilespmem:$0x1FA70]  }
0x141: {  	v49 =	vsel vm3, $0x20F, v49;
	v48 =	vsel vm1, $0x1A8F, v48;
	v47 =	vsel vm0, $0x1300, v47  }
0x142: {  	v46 =	vsel vm15, $0xB81, v46;
	v45 =	vsel vm9, $0x402, v45;
	v44 =	vsel vm10, $0x1C82, v44  }
0x143: {  	v43 =	vsel vm11, $0x1503, v43;
	v42 =	vsel vm12, $0xD84, v42;
	v41 =	vsel vm13, $0x605, v41  }
0x144: {  	v58 =	vld [tilespmem:$0x1F710];
	v40 =	vsel vm14, $0x1E85, v40;
	v53 =	vsel vm7, $0x8D, v57;
	v52 =	vsel vm6, $0x190D, v52  }
0x145: {  	v51 =	vsel vm4, $0x118E, v51;
	v50 =	vsel vm3, $0xA0F, v50;
	v0 =	vsel vm11, $0x1509, v0  }
0x146: {  	v49 =	vsel vm1, $0x280, v49;
	v48 =	vsel vm0, $0x1B00, v48;
	v47 =	vsel vm15, $0x1381, v47;
	[tilespmem:$0x1FAB0] =	vst v0;
	v0 =	vld [tilespmem:$0x1FA80]  }
0x147: {  	v46 =	vsel vm9, $0xC02, v46;
	v45 =	vsel vm10, $0x483, v45;
	v44 =	vsel vm11, $0x1D03, v44  }
0x148: {  	v59 =	vld [tilespmem:$0x1F720];
	v43 =	vsel vm12, $0x1584, v43;
	v42 =	vsel vm13, $0xE05, v42;
	v41 =	vsel vm14, $0x686, v41  }
0x149: {  	v54 =	vsel vm7, $0x88D, v58;
	v53 =	vsel vm6, $0x10E, v53;
	v52 =	vsel vm4, $0x198E, v52  }
0x14a: {  	v51 =	vsel vm3, $0x120F, v51;
	v50 =	vsel vm1, $0xA80, v50;
	v49 =	vsel vm0, $0x301, v49  }
0x14b: {  	v60 =	vld [tilespmem:$0x1F730];
	v48 =	vsel vm15, $0x1B81, v48;
	v47 =	vsel vm9, $0x1402, v47;
	v0 =	vsel vm12, $0x1D89, v0  }
0x14c: {  	v46 =	vsel vm10, $0xC83, v46;
	v45 =	vsel vm11, $0x504, v45;
	v44 =	vsel vm12, $0x1D84, v44;
	[tilespmem:$0x1FAD0] =	vst v0;
	v0 =	vld [tilespmem:$0x1FA90]  }
0x14d: {  	v63 =	vld [tilespmem:$0x1F760];
	v43 =	vsel vm13, $0x1605, v43;
	v42 =	vsel vm14, $0xE86, v42;
	v55 =	vsel vm7, $0x108D, v59  }
0x14e: {  	v54 =	vsel vm6, $0x90E, v54;
	v53 =	vsel vm4, $0x18F, v53;
	v52 =	vsel vm3, $0x1A0F, v52  }
0x14f: {  	v51 =	vsel vm1, $0x1280, v51;
	v50 =	vsel vm0, $0xB01, v50;
	v49 =	vsel vm15, $0x382, v49  }
0x150: {  	v48 =	vsel vm9, $0x1C02, v48;
	v47 =	vsel vm10, $0x1483, v47;
	v46 =	vsel vm11, $0xD04, v46  }
0x151: {  	v61 =	vld [tilespmem:$0x1F740];
	v45 =	vsel vm12, $0x585, v45;
	v44 =	vsel vm13, $0x1E05, v44;
	v0 =	vsel vm12, $0x58A, v0  }
0x152: {  	v43 =	vsel vm14, $0x1686, v43;
	v56 =	vsel vm7, $0x188D, v60;
	v59 =	vsel vm7, $0x108E, v63;
	[tilespmem:$0x1FAE0] =	vst v0;
	v0 =	vld [tilespmem:$0x1FAA0]  }
0x153: {  	v55 =	vsel vm6, $0x110E, v55;
	v54 =	vsel vm4, $0x98F, v54;
	v53 =	vsel vm3, $0x200, v53  }
0x154: {  	v52 =	vsel vm1, $0x1A80, v52;
	v51 =	vsel vm0, $0x1301, v51;
	v50 =	vsel vm15, $0xB82, v50  }
0x155: {  	v49 =	vsel vm9, $0x403, v49;
	v48 =	vsel vm10, $0x1C83, v48;
	v47 =	vsel vm11, $0x1504, v47  }
0x156: {  	v46 =	vsel vm12, $0xD85, v46;
	v45 =	vsel vm13, $0x606, v45;
	v44 =	vsel vm14, $0x1E86, v44  }
0x157: {  	v62 =	vld [tilespmem:$0x1F750];
	v57 =	vsel vm7, $0x8E, v61;
	v56 =	vsel vm6, $0x190E, v56;
	v0 =	vsel vm12, $0xD8A, v0  }
0x158: {  	v59 =	vsel vm6, $0x110F, v59;
	v55 =	vsel vm4, $0x118F, v55;
	v54 =	vsel vm3, $0xA00, v54;
	[tilespmem:$0x1FAF0] =	vst v0;
	v0 =	vld [tilespmem:$0x1FAB0]  }
0x159: {  	v53 =	vsel vm1, $0x281, v53;
	v52 =	vsel vm0, $0x1B01, v52;
	v51 =	vsel vm15, $0x1382, v51  }
0x15a: {  	v50 =	vsel vm9, $0xC03, v50;
	v49 =	vsel vm10, $0x484, v49;
	v48 =	vsel vm11, $0x1D04, v48  }
0x15b: {  	v47 =	vsel vm12, $0x1585, v47;
	v46 =	vsel vm13, $0xE06, v46;
	v45 =	vsel vm14, $0x687, v45  }
0x15c: {  	v58 =	vsel vm7, $0x88E, v62;
	v57 =	vsel vm6, $0x10F, v57;
	v56 =	vsel vm4, $0x198F, v56  }
0x15d: {  	v59 =	vsel vm4, $0x1180, v59;
	v55 =	vsel vm3, $0x1200, v55;
	v0 =	vsel vm12, $0x158A, v0  }
0x15e: {  	v54 =	vsel vm1, $0xA81, v54;
	v53 =	vsel vm0, $0x302, v53;
	v52 =	vsel vm15, $0x1B82, v52;
	[tilespmem:$0x1FB00] =	vst v0;
	v0 =	vld [tilespmem:$0x1FAC0]  }
0x15f: {  	v51 =	vsel vm9, $0x1403, v51;
	v50 =	vsel vm10, $0xC84, v50;
	v49 =	vsel vm11, $0x505, v49  }
0x160: {  	v48 =	vsel vm12, $0x1D85, v48;
	v47 =	vsel vm13, $0x1606, v47;
	v46 =	vsel vm14, $0xE87, v46  }
0x161: {  	v23 =	vld [tilespmem:$0x1F520];
	v58 =	vsel vm6, $0x90F, v58;
	v57 =	vsel vm4, $0x180, v57;
	v56 =	vsel vm3, $0x1A00, v56  }
0x162: {  	v60 =	vld [tilespmem:$0x1F770];
	v59 =	vsel vm3, $0x1201, v59;
	v55 =	vsel vm1, $0x1281, v55;
	v54 =	vsel vm0, $0xB02, v54  }
0x163: {  	v63 =	vld [tilespmem:$0x1F7A0];
	v53 =	vsel vm15, $0x383, v53;
	v51 =	vsel vm10, $0x1484, v51;
	v0 =	vsel vm14, $0x68E, v0  }
0x164: {  	v50 =	vsel vm11, $0xD05, v50;
	v49 =	vsel vm12, $0x586, v49;
	v48 =	vsel vm13, $0x1E06, v48;
	[tilespmem:$0x1FB40] =	vst v0;
	v0 =	vld [tilespmem:$0x1FAD0]  }
0x165: {  	v47 =	vsel vm14, $0x1687, v47;
	v58 =	vsel vm4, $0x980, v58;
	v57 =	vsel vm3, $0x201, v57  }
0x166: {  	v56 =	vsel vm1, $0x1A81, v56;
	v59 =	vsel vm1, $0x1282, v59;
	v55 =	vsel vm0, $0x1302, v55  }
0x167: {  	v54 =	vsel vm15, $0xB83, v54;
	v51 =	vsel vm11, $0x1505, v51;
	v50 =	vsel vm12, $0xD86, v50  }
0x168: {  	v61 =	vld [tilespmem:$0x1F780];
	v49 =	vsel vm13, $0x607, v49;
	v48 =	vsel vm14, $0x1E87, v48;
	v23 =	vsel vm7, $0x1085, v23  }
0x169: {  	v60 =	vsel vm7, $0x188E, v60;
	v63 =	vsel vm7, $0x108F, v63;
	v0 =	vsel vm13, $0x1E0A, v0  }
0x16a: {  	v58 =	vsel vm3, $0xA01, v58;
	v57 =	vsel vm1, $0x282, v57;
	v56 =	vsel vm0, $0x1B02, v56;
	[tilespmem:$0x1FB10] =	vst v0;
	v0 =	vld [tilespmem:$0x1FAE0]  }
0x16b: {  	v59 =	vsel vm0, $0x1303, v59;
	v55 =	vsel vm15, $0x1383, v55;
	v54 =	vsel vm9, $0xC04, v54  }
0x16c: {  	v62 =	vld [tilespmem:$0x1F790];
	v51 =	vsel vm12, $0x1586, v51;
	v50 =	vsel vm13, $0xE07, v50;
	v49 =	vsel vm14, $0x688, v49  }
0x16d: {  	v61 =	vsel vm7, $0x8F, v61;
	v23 =	vsel vm6, $0x1106, v23;
	v60 =	vsel vm6, $0x190F, v60  }
0x16e: {  	[tilespmem:$0x1FC30] =	vst v33;
	v63 =	vsel vm6, $0x1100, v63;
	v58 =	vsel vm1, $0xA82, v58;
	v57 =	vsel vm0, $0x303, v57  }
0x16f: {  	[tilespmem:$0x1FC40] =	vst v36;
	v56 =	vsel vm15, $0x1B83, v56;
	v59 =	vsel vm15, $0x1384, v59;
	v0 =	vsel vm13, $0x60B, v0  }
0x170: {  	v54 =	vsel vm10, $0xC85, v54;
	v51 =	vsel vm13, $0x1607, v51;
	v50 =	vsel vm14, $0xE88, v50;
	[tilespmem:$0x1FB20] =	vst v0;
	v0 =	vld [tilespmem:$0x1FAF0]  }
0x171: {  	[tilespmem:$0x1FC50] =	vst v37;
	v62 =	vsel vm7, $0x88F, v62;
	v61 =	vsel vm6, $0x100, v61;
	v23 =	vsel vm4, $0x1187, v23  }
0x172: {  	[tilespmem:$0x1FC60] =	vst v38;
	v60 =	vsel vm4, $0x1980, v60;
	v63 =	vsel vm4, $0x1181, v63;
	v58 =	vsel vm0, $0xB03, v58  }
0x173: {  	[tilespmem:$0x1FC70] =	vst v40;
	v57 =	vsel vm15, $0x384, v57;
	v56 =	vsel vm9, $0x1C04, v56;
	v59 =	vsel vm9, $0x1405, v59  }
0x174: {  	[tilespmem:$0x1FC80] =	vst v41;
	v54 =	vsel vm11, $0xD06, v54;
	v51 =	vsel vm14, $0x1688, v51;
	v62 =	vsel vm6, $0x900, v62  }
0x175: {  	[tilespmem:$0x1FC90] =	vst v42;
	v61 =	vsel vm4, $0x181, v61;
	v23 =	vsel vm3, $0x1208, v23;
	v0 =	vsel vm13, $0xE0B, v0  }
0x176: {  	v60 =	vsel vm3, $0x1A01, v60;
	v63 =	vsel vm3, $0x1202, v63;
	v58 =	vsel vm15, $0xB84, v58;
	[tilespmem:$0x1FB30] =	vst v0;
	v0 =	vld [tilespmem:$0x1FB00]  }
0x177: {  	[tilespmem:$0x1FCA0] =	vst v43;
	v56 =	vsel vm10, $0x1C85, v56;
	v59 =	vsel vm10, $0x1486, v59;
	v54 =	vsel vm12, $0xD87, v54  }
0x178: {  	[tilespmem:$0x1FCB0] =	vst v44;
	v62 =	vsel vm4, $0x981, v62;
	v61 =	vsel vm3, $0x202, v61;
	v23 =	vsel vm1, $0x1289, v23  }
0x179: {  	[tilespmem:$0x1FCC0] =	vst v45;
	v60 =	vsel vm1, $0x1A82, v60;
	v63 =	vsel vm1, $0x1283, v63;
	v56 =	vsel vm11, $0x1D06, v56  }
0x17a: {  	[tilespmem:$0x1FCD0] =	vst v46;
	v54 =	vsel vm13, $0xE08, v54;
	v62 =	vsel vm3, $0xA02, v62;
	v61 =	vsel vm1, $0x283, v61  }
0x17b: {  	[tilespmem:$0x1FCE0] =	vst v47;
	v23 =	vsel vm0, $0x130A, v23;
	v60 =	vsel vm0, $0x1B03, v60;
	v0 =	vsel vm13, $0x160B, v0  }
0x17c: {  	[tilespmem:$0x1FCF0] =	vst v48;
	v63 =	vsel vm0, $0x1304, v63;
	v56 =	vsel vm12, $0x1D87, v56;
	v41 =	vsel vm14, $0x168C, v0;
	v0 =	vld [tilespmem:$0x1FB40]  }
0x17d: {  	[tilespmem:$0x1FD00] =	vst v49;
	v54 =	vsel vm14, $0xE89, v54;
	v62 =	vsel vm1, $0xA83, v62;
	v61 =	vsel vm0, $0x304, v61  }
0x17e: {  	[tilespmem:$0x1FD10] =	vst v50;
	v23 =	vsel vm15, $0x138B, v23;
	v60 =	vsel vm15, $0x1B84, v60;
	v63 =	vsel vm15, $0x1385, v63  }
0x17f: {  	[tilespmem:$0x1FD20] =	vst v51;
	v56 =	vsel vm13, $0x1E08, v56;
	v62 =	vsel vm0, $0xB04, v62;
	v61 =	vsel vm15, $0x385, v61  }
0x180: {  	[tilespmem:$0x1FD50] =	vst v54;
	v56 =	vsel vm14, $0x1E89, v56;
	v62 =	vsel vm15, $0xB85, v62;
	vm15 =	vcmask $0x3B38  }
0x181: {  	v30 =	vsel vm12, $0xD81, v30;
	v59 =	vsel vm11, $0x1507, v59;
	[tilespmem:$0x1FD60] =	vst v56;
	v0 =	vsel vm15, $0x70F, v0  }
0x182: {  	v43 =	vsel vm14, $0x1E8C, v1;
	v59 =	vsel vm12, $0x1588, v59;
	[tilespmem:$0x1FB50] =	vst v0;
	v0 =	vsel vm15, $0xF0F, v2  }
0x183: {  	v57 =	vsel vm9, $0x405, v57;
	v59 =	vsel vm13, $0x1609, v59;
	[tilespmem:$0x1FB60] =	vst v0;
	v0 =	vsel vm15, $0x170F, v3  }
0x184: {  	v57 =	vsel vm10, $0x486, v57;
	v59 =	vsel vm14, $0x168A, v59;
	[tilespmem:$0x1FB70] =	vst v0;
	v0 =	vlaneseq.u32  }
0x185: {  	v57 =	vsel vm11, $0x507, v57;
	[tilespmem:$0x1FD80] =	vst v59;
	v34 =	vmul.u32 $0x81, v0;
	v0 =	vshrl.u32 v0, $0x1  }
0x186: {  	v57 =	vsel vm12, $0x588, v57;
	v60 =	vsel vm9, $0x1C05, v60;
	[tilespmem:$0x1FDA0] =	vst v0;
	v0 =	vsel vm15, $0x700, v5  }
0x187: {  	v63 =	vsel vm9, $0x1406, v63;
	v57 =	vsel vm13, $0x609, v57;
	[tilespmem:$0x1FB90] =	vst v0;
	v0 =	vsel vm15, $0xF00, v6  }
0x188: {  	v61 =	vsel vm9, $0x406, v61;
	v60 =	vsel vm10, $0x1C86, v60;
	[tilespmem:$0x1FBA0] =	vst v0;
	v0 =	vsel vm15, $0x1700, v7  }
0x189: {  	v63 =	vsel vm10, $0x1487, v63;
	v57 =	vsel vm14, $0x68A, v57;
	[tilespmem:$0x1FBB0] =	vst v0;
	v0 =	vsel vm15, $0x1F00, v8  }
0x18a: {  	v62 =	vsel vm9, $0xC06, v62;
	v61 =	vsel vm10, $0x487, v61;
	[tilespmem:$0x1FBC0] =	vst v0;
	v0 =	vsel vm15, $0x701, v9  }
0x18b: {  	v60 =	vsel vm11, $0x1D07, v60;
	v63 =	vsel vm11, $0x1508, v63;
	[tilespmem:$0x1FBD0] =	vst v0;
	v0 =	vsel vm15, $0x702, v13  }
0x18c: {  	v62 =	vsel vm10, $0xC87, v62;
	v61 =	vsel vm11, $0x508, v61;
	[tilespmem:$0x1FBE0] =	vst v0;
	v0 =	vsel vm15, $0xF03, v26  }
0x18d: {  	v60 =	vsel vm12, $0x1D88, v60;
	v63 =	vsel vm12, $0x1589, v63;
	[tilespmem:$0x1FBF0] =	vst v0;
	v0 =	vsel vm15, $0x1703, v27  }
0x18e: {  	v62 =	vsel vm11, $0xD08, v62;
	v61 =	vsel vm12, $0x589, v61;
	v60 =	vsel vm13, $0x1E09, v60;
	[tilespmem:$0x1FC00] =	vst v0;
	v0 =	vld [tilespmem:$0x1FC10]  }
0x18f: {  	[tilespmem:$0x1FD70] =	vst v57;
	v62 =	vsel vm12, $0xD89, v62;
	v61 =	vsel vm13, $0x60A, v61;
	v60 =	vsel vm14, $0x1E8A, v60  }
0x190: {  	s0 =	rddreg [dreg:$0x0];
	s4 =	simm.s32 $0x0;
	v62 =	vsel vm13, $0xE0A, v62;
	[tilespmem:$0x1FD90] =	vst v60;
	v33 =	vsel vm14, $0x68B, v61;
	v1 =	vsel vm15, $0x1F0F, v4;
	v61 =	vld [tilespmem:$0x1FB10]  }
0x191: {  	[smem:$0x7FF] =	sst s4;
	v30 =	vsel vm13, $0xE02, v30;
	v63 =	vsel vm13, $0x160A, v63;
	v37 =	vsel vm14, $0xE8B, v62;
	[tilespmem:$0x1FB80] =	vst v1;
	v62 =	vld [tilespmem:$0x1FB20]  }
0x192: {  	s1 =	rddreg [dreg:$0x2];
	v31 =	vsel vm9, $0x140E, v31;
	v30 =	vsel vm14, $0xE83, v30;
	v60 =	vsel vm14, $0x168B, v63;
	v63 =	vld [tilespmem:$0x1FB30];
	_ =	strace $0x80000047  }
0x193: {  	v31 =	vsel vm10, $0x148F, v31;
	v26 =	vsel vm15, $0xF04, v30;
	v30 =	vsel vm15, $0x705, v0;
	v0 =	vld [tilespmem:$0x1FC20]  }
0x194: {  	v31 =	vsel vm11, $0x1500, v31  }
0x195: {  	v31 =	vsel vm12, $0x1581, v31  }
0x196: {  	v31 =	vsel vm13, $0x1602, v31  }
0x197: {  	v31 =	vsel vm14, $0x1683, v31  }
0x198: {  	v27 =	vsel vm15, $0x1704, v31;
	v31 =	vsel vm15, $0xF05, v0;
	v0 =	vld [tilespmem:$0x1FC30];
	_ =	sdelay $0x4  }
0x199: {  	v7 =	vsel vm15, $0x1705, v0;
	v0 =	vld [tilespmem:$0x1FC40];
	_ =	sdelay $0x4  }
0x19a: {  	v44 =	vsel vm14, $0x1E8B, v61;
	v61 =	vsel vm15, $0x1F05, v0;
	v0 =	vld [tilespmem:$0x1FC50];
	_ =	sdelay $0x4  }
0x19b: {  	v45 =	vsel vm14, $0x68C, v62;
	v62 =	vsel vm15, $0x706, v0;
	v0 =	vld [tilespmem:$0x1FC60];
	_ =	sdelay $0x2  }
0x19c: {  	v25 =	vsel vm9, $0x40D, v25  }
0x19d: {  	v25 =	vsel vm10, $0x48E, v25  }
0x19e: {  	v25 =	vsel vm11, $0x50F, v25;
	v57 =	vsel vm14, $0xE8C, v63;
	v63 =	vsel vm15, $0xF06, v0;
	v0 =	vld [tilespmem:$0x1FC70]  }
0x19f: {  	v25 =	vsel vm12, $0x580, v25  }
0x1a0: {  	v29 =	vsel vm9, $0x40E, v29;
	v25 =	vsel vm13, $0x601, v25  }
0x1a1: {  	v29 =	vsel vm10, $0x48F, v29;
	v25 =	vsel vm14, $0x682, v25  }
0x1a2: {  	v29 =	vsel vm11, $0x500, v29;
	v32 =	vsel vm9, $0x1C0E, v32;
	v55 =	vsel vm9, $0x1404, v55  }
0x1a3: {  	v32 =	vsel vm10, $0x1C8F, v32;
	v55 =	vsel vm10, $0x1485, v55;
	v46 =	vsel vm15, $0x1F06, v0;
	v0 =	vld [tilespmem:$0x1FC80]  }
0x1a4: {  	v29 =	vsel vm12, $0x581, v29;
	v32 =	vsel vm11, $0x1D00, v32;
	v55 =	vsel vm11, $0x1506, v55  }
0x1a5: {  	v29 =	vsel vm13, $0x602, v29;
	v32 =	vsel vm12, $0x1D81, v32;
	v55 =	vsel vm12, $0x1587, v55  }
0x1a6: {  	v29 =	vsel vm14, $0x683, v29;
	v32 =	vsel vm13, $0x1E02, v32;
	v55 =	vsel vm13, $0x1608, v55  }
0x1a7: {  	v32 =	vsel vm14, $0x1E83, v32;
	v38 =	vsel vm14, $0x1689, v55;
	v55 =	vsel vm15, $0x703, v25  }
0x1a8: {  	v25 =	vsel vm15, $0x704, v29;
	v29 =	vsel vm15, $0x1F04, v32;
	v32 =	vsel vm15, $0x707, v0;
	v0 =	vld [tilespmem:$0x1FC90];
	_ =	sdelay $0x4  }
0x1a9: {  	v2 =	vsel vm15, $0xF07, v0;
	v0 =	vld [tilespmem:$0x1FCA0];
	_ =	sdelay $0x4  }
0x1aa: {  	v47 =	vsel vm15, $0x1707, v0;
	v0 =	vld [tilespmem:$0x1FCB0];
	_ =	sdelay $0x4  }
0x1ab: {  	v48 =	vsel vm15, $0x1F07, v0;
	v0 =	vld [tilespmem:$0x1FCC0];
	_ =	sdelay $0x4  }
0x1ac: {  	v59 =	vsel vm15, $0x708, v0;
	v0 =	vld [tilespmem:$0x1FCD0];
	_ =	sdelay $0x4  }
0x1ad: {  	v50 =	vsel vm15, $0xF08, v0;
	v0 =	vld [tilespmem:$0x1FCE0];
	_ =	sdelay $0x4  }
0x1ae: {  	v52 =	vsel vm9, $0x1C03, v52;
	v51 =	vsel vm15, $0x1708, v0;
	v0 =	vld [tilespmem:$0x1FCF0]  }
0x1af: {  	v52 =	vsel vm10, $0x1C84, v52  }
0x1b0: {  	v52 =	vsel vm11, $0x1D05, v52  }
0x1b1: {  	v52 =	vsel vm12, $0x1D86, v52  }
0x1b2: {  	v52 =	vsel vm13, $0x1E07, v52  }
0x1b3: {  	v53 =	vsel vm9, $0x404, v53;
	v40 =	vsel vm14, $0x1E88, v52;
	v52 =	vsel vm15, $0x1F08, v0;
	v0 =	vld [tilespmem:$0x1FD00]  }
0x1b4: {  	v53 =	vsel vm10, $0x485, v53  }
0x1b5: {  	v53 =	vsel vm11, $0x506, v53  }
0x1b6: {  	v53 =	vsel vm12, $0x587, v53  }
0x1b7: {  	v53 =	vsel vm13, $0x608, v53  }
0x1b8: {  	v58 =	vsel vm9, $0xC05, v58;
	v42 =	vsel vm14, $0x689, v53;
	v53 =	vsel vm15, $0x709, v0;
	v0 =	vld [tilespmem:$0x1FD10]  }
0x1b9: {  	v58 =	vsel vm10, $0xC86, v58  }
0x1ba: {  	v10 =	vsel vm9, $0xC0B, v10;
	v11 =	vsel vm9, $0x140B, v11;
	v58 =	vsel vm11, $0xD07, v58  }
0x1bb: {  	v10 =	vsel vm10, $0xC8C, v10;
	v11 =	vsel vm10, $0x148C, v11;
	v58 =	vsel vm12, $0xD88, v58  }
0x1bc: {  	v10 =	vsel vm11, $0xD0D, v10;
	v11 =	vsel vm11, $0x150D, v11;
	v58 =	vsel vm13, $0xE09, v58  }
0x1bd: {  	v10 =	vsel vm12, $0xD8E, v10;
	v36 =	vsel vm14, $0xE8A, v58;
	v54 =	vsel vm15, $0xF09, v0;
	v0 =	vld [tilespmem:$0x1FD20]  }
0x1be: {  	v14 =	vsel vm9, $0xC0C, v14;
	v11 =	vsel vm12, $0x158E, v11;
	v5 =	vsel vm15, $0xF0B, v36;
	[tilespmem:$0x1FDB0] =	vst v34  }
0x1bf: {  	v10 =	vsel vm13, $0xE0F, v10;
	v14 =	vsel vm10, $0xC8D, v14;
	v8 =	vsel vm15, $0x70C, v33;
	[tilespmem:$0x1FDE0] =	vst v5  }
0x1c0: {  	v11 =	vsel vm13, $0x160F, v11;
	v10 =	vsel vm14, $0xE80, v10;
	v37 =	vsel vm15, $0xF0C, v37;
	[tilespmem:$0x1FE10] =	vst v8  }
0x1c1: {  	v14 =	vsel vm11, $0xD0E, v14;
	v23 =	vsel vm9, $0x140C, v23;
	v33 =	vsel vm15, $0x170C, v60;
	[tilespmem:$0x1FE20] =	vst v37  }
0x1c2: {  	v11 =	vsel vm14, $0x1680, v11;
	v23 =	vsel vm10, $0x148D, v23;
	[tilespmem:$0x1FE30] =	vst v33;
	v0 =	vsel vm15, $0x1709, v0  }
0x1c3: {  	v14 =	vsel vm12, $0xD8F, v14;
	v23 =	vsel vm11, $0x150E, v23;
	[tilespmem:$0x1FD30] =	vst v0;
	v0 =	vsel vm15, $0x1F09, v40  }
0x1c4: {  	v14 =	vsel vm13, $0xE00, v14;
	v23 =	vsel vm12, $0x158F, v23;
	v3 =	vsel vm15, $0x1F0C, v44;
	[tilespmem:$0x1FD40] =	vst v0;
	v0 =	vld [tilespmem:$0x1FD50]  }
0x1c5: {  	v14 =	vsel vm14, $0xE81, v14;
	v23 =	vsel vm13, $0x1600, v23;
	v44 =	vsel vm15, $0x70D, v45;
	[tilespmem:$0x1FE40] =	vst v3  }
0x1c6: {  	v39 =	vsel vm9, $0x1400, v39;
	v23 =	vsel vm14, $0x1681, v23;
	v13 =	vsel vm15, $0xF0D, v57;
	[tilespmem:$0x1FE50] =	vst v44  }
0x1c7: {  	v35 =	vsel vm15, $0xF01, v10;
	v56 =	vsel vm15, $0xF02, v14;
	v14 =	vsel vm15, $0x170D, v41;
	[tilespmem:$0x1FE60] =	vst v13  }
0x1c8: {  	v10 =	vsel vm15, $0x1701, v11;
	v11 =	vsel vm15, $0x1702, v23;
	v23 =	vsel vm15, $0x1F0D, v43;
	[tilespmem:$0x1FE70] =	vst v14  }
0x1c9: {  	v39 =	vsel vm10, $0x1481, v39;
	v45 =	vor.u32 $0x800, v34;
	[tilespmem:$0x1FE80] =	vst v23;
	v40 =	vsel vm15, $0xF0A, v0;
	v0 =	vld [tilespmem:$0x1FD60]  }
0x1ca: {  	v12 =	vsel vm9, $0x1C0B, v12;
	v39 =	vsel vm11, $0x1502, v39;
	v41 =	vor.u32 $0x1000, v34;
	[tilespmem:$0x1FEA0] =	vst v45  }
0x1cb: {  	v12 =	vsel vm10, $0x1C8C, v12;
	v39 =	vsel vm12, $0x1583, v39;
	v43 =	vor.u32 $0x1800, v34;
	[tilespmem:$0x1FEB0] =	vst v41  }
0x1cc: {  	v24 =	vsel vm9, $0x1C0C, v24;
	v39 =	vsel vm13, $0x1604, v39;
	v42 =	vsel vm15, $0x70A, v42;
	[tilespmem:$0x1FEC0] =	vst v43  }
0x1cd: {  	v12 =	vsel vm11, $0x1D0D, v12;
	v39 =	vsel vm14, $0x1685, v39;
	v1 =	vsel vm15, $0x170A, v38;
	[tilespmem:$0x1FED0] =	vst v42  }
0x1ce: {  	v12 =	vsel vm12, $0x1D8E, v12;
	v39 =	vsel vm15, $0x1706, v39;
	[tilespmem:$0x1FEE0] =	vst v1;
	v38 =	vsel vm15, $0x1F0A, v0;
	v0 =	vld [tilespmem:$0x1FD70]  }
0x1cf: {  	v24 =	vsel vm10, $0x1C8D, v24;
	v12 =	vsel vm13, $0x1E0F, v12;
	[tilespmem:$0x1FF40] =	vst v39  }
0x1d0: {  	v24 =	vsel vm11, $0x1D0E, v24;
	v12 =	vsel vm14, $0x1E80, v12;
	v28 =	vsel vm9, $0x1C0D, v28;
	[tilespmem:$0x1FF50] =	vst v35  }
0x1d1: {  	v24 =	vsel vm12, $0x1D8F, v24;
	v28 =	vsel vm10, $0x1C8E, v28;
	v58 =	vsel vm15, $0x1F01, v12;
	[tilespmem:$0x1FF60] =	vst v10  }
0x1d2: {  	v24 =	vsel vm13, $0x1E00, v24;
	v28 =	vsel vm11, $0x1D0F, v28;
	[tilespmem:$0x1FF70] =	vst v58  }
0x1d3: {  	v24 =	vsel vm14, $0x1E81, v24;
	v28 =	vsel vm12, $0x1D80, v28;
	[tilespmem:$0x1FF80] =	vst v56;
	v4 =	vsel vm15, $0x70B, v0;
	v0 =	vld [tilespmem:$0x1FD80]  }
0x1d4: {  	v28 =	vsel vm13, $0x1E01, v28;
	v49 =	vsel vm15, $0x1F02, v24;
	[tilespmem:$0x1FF90] =	vst v11  }
0x1d5: {  	s2 =	srdreg.scid;
	s8 =	stileid.u32;
	v28 =	vsel vm14, $0x1E82, v28;
	[tilespmem:$0x1FFA0] =	vst v49  }
0x1d6: {  	s18 =	simm.s32 $0x7A1400;
	s19 =	simm.s32 $0x400;
	s20 =	simm.s32 $0x2000;
	v12 =	vsel vm15, $0x1F03, v28;
	[tilespmem:$0x1FFB0] =	vst v55  }
0x1d7: {  	s21 =	simm.s32 $0x4000;
	s22 =	simm.s32 $0x6000;
	s23 =	simm.s32 $0x1;
	[tilespmem:$0x1FFC0] =	vst v12  }
0x1d8: {  	s28 =	simm.s32 $0xA000;
	s29 =	simm.s32 $0x3;
	s30 =	simm.s32 $0xC000;
	[tilespmem:$0x1FFD0] =	vst v25;
	v6 =	vsel vm15, $0x170B, v0;
	v0 =	vld [tilespmem:$0x1FD90]  }
0x1d9: {  	s31 =	simm.s32 $0x4;
	s9 =	simm.s32 $0x8;
	s10 =	simm.s32 $0x0;
	[tilespmem:$0x1FFE0] =	vst v26  }
0x1da: {  	s2 =	sand.u32 $0x1, s2;
	s3 =	sshll.u32 s8, $0x1;
	s6 =	sadd.s32 $0xE00, s1;
	[tilespmem:$0x1FFF0] =	vst v27  }
0x1db: {  	s1 =	sadd.s32 $0x7A1E00, s1;
	s7 =	ssub.s32 $0x2, s2;
	s5 =	sor.u32 s2, s3;
	[tilespmem:$0x1FF30] =	vst v7  }
0x1dc: {  	s24 =	sshrl.u32 s7, $0x1;
	s3 =	sshll.u32 s5, $0x7;
	s12 =	sor.u32 $0x80, s5;
	[tilespmem:$0x1FDC0] =	vst v32  }
0x1dd: {  	s13 =	sor.u32 $0xA0, s5;
	p0 =	sne.s32 s5, $0x0;
	s25 =	sadd.s32 s0, s3;
	[tilespmem:$0x1FF10] =	vst v47;
	v36 =	vsel vm15, $0x1F0B, v0;
	v0 =	vld [tilespmem:$0x1FDA0]  }
0x1de: {  	s14 =	sor.u32 $0xC0, s5;
	s3 =	sadd.s32 $0x1000, s25;
	[dreg:$0x4] =	wrdreg s1;
	[tilespmem:$0x1FF20] =	vst v59  }
0x1df: {  	s15 =	sor.u32 $0xE0, s5;
	s26 =	sadd.s32 $0x2000, s25;
	[dreg:$0x6] =	wrdreg s3;
	[tilespmem:$0x1FF00] =	vst v40  }
.Ltmp0:
0x1e0: {  	s2 =	ssub.s32 s7, s24;
	[dreg:$0x7] =	wrdreg s26;
	[tilespmem:$0x1FEF0] =	vst v38;
	(pc) =	sbr.rel .LBB2_1-.Ltmp0, $4  }
0x1e1: {  	s24 =	simm.s32 $0x9;
	[dreg:$0x5] =	wrdreg s25;
	s1 =	sadd.s32 $0x3000, s25;
	[tilespmem:$0x1FDD0] =	vst v4  }
0x1e2: {  	s2 =	smax.u32 s2, $0x1;
	[dreg:$0x8] =	wrdreg s1;
	s1 =	sshll.u32 @!p0 s8, $0x6;
	[tilespmem:$0x1FDF0] =	vst v6;
	v24 =	vmul.u32 $0x80, v0  }
0x1e3: {  	[dreg:$0x9] =	wrdreg s2;
	s25 =	simm.s32 $0x8000;
	s1 =	sor.u32 @!p0 $0x1C0A, s1;
	[tilespmem:$0x1FE00] =	vst v36  }
0x1e4: {  	s26 =	simm.s32 $0x2;
	s2 =	simm.s32 $0xE000;
	[dreg:$0xa] =	wrdreg s1;
	[tilespmem:$0x1FE90] =	vst v24  }
.LBB2_19:
0x1e5: {  	s1 =	simm.s32 $0x5  }
0x1e6: {  	_ =	swait.ge [sflag:s1], $0x2000  }
0x1e7: {  	[sflag:s1] =	ssyncset.done $0x0  }
0x1e8: {  	s11 =	simm.s32 $0x6;
	[sflag:s1] =	ssyncadd.s32 $0xFFFFE000  }
0x1e9: {  	_ =	swait.ge [sflag:s11], $0x2000  }
0x1ea: {  	[sflag:s11] =	ssyncset.done $0x0  }
0x1eb: {  	s16 =	simm.s32 $0x7;
	[sflag:s11] =	ssyncadd.s32 $0xFFFFE000  }
0x1ec: {  	_ =	swait.ge [sflag:s16], $0x2000  }
0x1ed: {  	[sflag:s16] =	ssyncset.done $0x0  }
0x1ee: {  	[sflag:s16] =	ssyncadd.s32 $0xFFFFE000  }
0x1ef: {  	_ =	swait.ge [sflag:s9], $0x2000  }
0x1f0: {  	s10 =	sadd.s32 $0x1, s10;
	s17 =	rddreg [dreg:$0x9]  }
0x1f1: {  	p1 =	sne.s32 s10, s17  }
.Ltmp1:
0x1f2: {  	_ = 	snop;
	(pc) =	sbr.rel @!p1 .LBB2_20-.Ltmp1, $3  }
0x1f3: {  	_ =	sdelay $0x1  }
0x1f4: {  	[sflag:s9] =	ssyncset.done $0x0  }
0x1f5: {  	[sflag:s9] =	ssyncadd.s32 $0xFFFFE000  }
.LBB2_1:
0x1f6: {  	s1 =	rddreg [dreg:$0x1]  }
0x1f7: {  	s3 =	rddreg [dreg:$0x4]  }
0x1f8: {  	s7 =	rddreg [dreg:$0xa]  }
0x1f9: {  	[hbm:s3], [sflag:s7] =	dma.local @!p0 [hbm:s1], $0x200  }
0x1fa: {  	s1 =	simm.s32 @!p0 $0xA  }
0x1fb: {  	_ =	swait.ge @!p0 [sflag:s1], $0x200  }
0x1fc: {  	[sflag:s1] =	ssyncset.done @!p0 $0x0  }
0x1fd: {  	s8 =	rddreg [dreg:$0x5];
	[sflag:s1] =	ssyncadd.s32 @!p0 $0xFFFFFE00  }
0x1fe: {  	[tilespmem:s4], [sflag:$0x1] =	stream.strided.gather [hbm4b:s8+s19], $0x2000, s18, s19, $0x38;
	[tilespmem:$0x10000] =	vst v63  }
0x1ff: {  	s11 =	rddreg [dreg:$0x6]  }
0x200: {  	[tilespmem:s20], [sflag:$0x2] =	stream.strided.gather [hbm4b:s11+s19], $0x2000, s18, s19, $0x38;
	[tilespmem:$0x10000] =	vst v63  }
.Ltmp2:
0x201: {  	_ = 	snop;
	(pc) =	sbr.rel .LBB2_2-.Ltmp2, $4  }
0x202: {  	s16 =	rddreg [dreg:$0x7]  }
0x203: {  	[tilespmem:s21], [sflag:$0x3] =	stream.strided.gather [hbm4b:s16+s19], $0x2000, s18, s19, $0x38;
	[tilespmem:$0x10000] =	vst v63  }
0x204: {  	s17 =	rddreg [dreg:$0x8];
	s11 =	simm.s32 $0x0  }
0x205: {  	[tilespmem:s22], [sflag:$0x4] =	stream.strided.gather [hbm4b:s17+s19], $0x2000, s18, s19, $0x38;
	[tilespmem:$0x10000] =	vst v63  }
.LBB2_18:
0x206: {  	s1 =	sadd.s32 s15, s16  }
0x207: {  	p1 =	sgt.u32 s1, $0x1E83  }
0x208: {  	s11 =	sadd.s32 $0x1, s11;
	s1 =	sshll.u32 @!p1 s1, $0x7;
	s3 =	simm.s32 @!p1 $0x400  }
0x209: {  	s7 =	simm.s32 @!p1 $0x7A1400;
	s8 =	simm.s32 @!p1 $0x6000;
	s1 =	sadd.s32 @!p1 s0, s1  }
0x20a: {  	[tilespmem:s8], [sflag:$0x4] =	stream.strided.gather @!p1 [hbm4b:s1+s3], $0x2000, s7, s3, $0x38;
	[tilespmem:$0x10000] =	vst v63  }
0x20b: {  	p1 =	sne.s32 s11, $0x3E  }
.Ltmp3:
0x20c: {  	_ = 	snop;
	(pc) =	sbr.rel @!p1 .LBB2_19-.Ltmp3, $1  }
0x20d: {  	_ =	sdelay $0x3  }
.LBB2_2:
0x20e: {  	s16 =	sshll.u32 s11, $0x7  }
0x20f: {  	s17 =	sor.u32 s5, s16  }
0x210: {  	p2 =	sgt.u32 s17, $0x1E83  }
.Ltmp4:
0x211: {  	_ = 	snop;
	(pc) =	sbr.rel @p2 .LBB2_6-.Ltmp4, $2  }
0x212: {  	_ =	sdelay $0x2  }
0x213: {  	p1 =	seq.s32 s11, $0x0  }
0x214: {  	_ =	swait.ge [sflag:s23], $0x2000  }
0x215: {  	[sflag:s23] =	ssyncset.done $0x0  }
0x216: {  	s1 =	simm.s32 @!p1 $0x5;
	[sflag:s23] =	ssyncadd.s32 $0xFFFFE000  }
0x217: {  	_ =	swait.ge @!p1 [sflag:s1], $0x2000  }
0x218: {  	[sflag:s1] =	ssyncset.done @!p1 $0x0  }
0x219: {  	[sflag:s1] =	ssyncadd.s32 @!p1 $0xFFFFE000  }
0x21a: {  	[sflag:s24] =	ssyncadd.s32 $0x1  }
0x21b: {  	_ =	swait.ge [sflag:s24], $0x1  }
0x21c: {  	v28 =	vmov v49;
	v49 =	vld [tilespmem:$0x1F400]  }
0x21d: {  	v32 =	vmov v55;
	v47 =	vmov v27;
	v55 =	vld [tilespmem:$0x1F410]  }
0x21e: {  	v27 =	vmovc v26;
	v26 =	vmovc v25;
	v25 =	vmov v12;
	v12 =	vmov v11;
	v11 =	vmov v56;
	v56 =	vld [tilespmem:$0x1F420]  }
0x21f: {  	v57 =	vld [tilespmem:$0x1F430]  }
0x220: {  	v9 =	vmov v58;
	v58 =	vld [tilespmem:$0x1F440]  }
0x221: {  	v59 =	vld [tilespmem:$0x1F450]  }
0x222: {  	v60 =	vld [tilespmem:$0x1F460]  }
0x223: {  	v3 =	vld [tilespmem:$0x1FBA0]  }
0x224: {  	v4 =	vld [tilespmem:$0x1FBB0]  }
0x225: {  	v5 =	vld [tilespmem:$0x1FBC0]  }
0x226: {  	v6 =	vld [tilespmem:$0x1FBD0]  }
0x227: {  	v8 =	vmov v10;
	v10 =	vld [tilespmem:$0x1FBE0]  }
0x228: {  	v23 =	vld [tilespmem:$0x1FBF0]  }
0x229: {  	v0 =	vmov v7;
	[sflag:s24] =	ssyncset.done $0x0;
	v24 =	vld [tilespmem:$0x1FC00]  }
0x22a: {  	s8 =	simm.s32 $0x0;
	s3 =	simm.s32 $0x0;
	v7 =	vmovc v35;
	v1 =	vmovc v39;
	v13 =	vmov v28;
	v14 =	vmov v32;
	v28 =	vmov v47;
	v47 =	vld [tilespmem:$0x1FD40];
	[sflag:s24] =	ssyncadd.s32 $0xFFFFFFFF  }
.LBB2_4:
0x22b: {  	v33 =	vld [tilespmem:$0x1FEA0]  }
0x22c: {  	v41 =	vld [tilespmem:$0x1FB60]  }
0x22d: {  	v40 =	vld [tilespmem:$0x1FEB0]  }
0x22e: {  	v35 =	vld [tilespmem:$0x1FEC0]  }
0x22f: {  	v36 =	vld [tilespmem:$0x1FB50]  }
0x230: {  	v39 =	vld [tilespmem:$0x1FB70];
	v32 =	vor.u32 s3, v34  }
0x231: {  	v33 =	vor.u32 s3, v33;
	v38 =	vor.u32 s3, v41;
	v41 =	vld [tilespmem:$0x1FE90]  }
0x232: {  	v34 =	vor.u32 s3, v40;
	v40 =	vld [tilespmem:$0x1FB80]  }
0x233: {  	v35 =	vor.u32 s3, v35  }
0x234: {  	v42 =	vmov s8;
	v45 =	vld [tilespmem:$0x1FB90];
	v36 =	vor.u32 s3, v36  }
0x235: {  	v37 =	vld.idx.msk [tilespmem:v32+s4+$0x0], $0xffff;
	v32 =	vshll.u32 v42, $0x7  }
0x236: {  	v39 =	vor.u32 s3, v39;
	v33 =	vld.idx.msk [tilespmem:v33+s4+$0x0], $0xffff;
	v41 =	vor.u32 v41, v32  }
0x237: {  	v34 =	vld.idx.msk [tilespmem:v34+s4+$0x0], $0xffff;
	v40 =	vor.u32 s3, v40;
	v42 =	vor.u32 v15, v41  }
0x238: {  	v35 =	vld.idx.msk [tilespmem:v35+s4+$0x0], $0xffff;
	v43 =	vor.u32 v16, v41  }
0x239: {  	v36 =	vld.idx.msk [tilespmem:v36+s4+$0x0], $0xffff;
	v44 =	vor.u32 v17, v41  }
0x23a: {  	v38 =	vld.idx.msk [tilespmem:v38+s4+$0x0], $0xffff;
	v41 =	vor.u32 v18, v41  }
0x23b: {  	v39 =	vld.idx.msk [tilespmem:v39+s4+$0x0], $0xffff  }
0x23c: {  	v45 =	vor.u32 s3, v45;
	v40 =	vld.idx.msk [tilespmem:v40+s4+$0x0], $0xffff;
	[tilespmem:v42+s25+$0x0] =	vst.idx.msk $0xffff, v37  }
0x23d: {  	v37 =	vor.u32 s3, v3;
	[tilespmem:v43+s25+$0x0] =	vst.idx.msk $0xffff, v33  }
0x23e: {  	v42 =	vor.u32 v60, v32;
	v33 =	vor.u32 s3, v4;
	[tilespmem:v44+s25+$0x0] =	vst.idx.msk $0xffff, v34  }
0x23f: {  	v34 =	vor.u32 s3, v5;
	[tilespmem:v41+s25+$0x0] =	vst.idx.msk $0xffff, v35;
	v35 =	vor.u32 v19, v42  }
0x240: {  	v43 =	vor.u32 v20, v42  }
0x241: {  	v41 =	vld.idx.msk [tilespmem:v45+s4+$0x0], $0xffff  }
0x242: {  	v37 =	vld.idx.msk [tilespmem:v37+s4+$0x0], $0xffff  }
0x243: {  	v33 =	vld.idx.msk [tilespmem:v33+s4+$0x0], $0xffff  }
0x244: {  	v34 =	vld.idx.msk [tilespmem:v34+s4+$0x0], $0xffff;
	[tilespmem:v35+s25+$0x0] =	vst.idx.msk $0xffff, v36  }
0x245: {  	v44 =	vor.u32 v21, v42;
	[tilespmem:v43+s25+$0x0] =	vst.idx.msk $0xffff, v38;
	v43 =	vld [tilespmem:$0x1F3E0]  }
0x246: {  	v42 =	vor.u32 v22, v42;
	_ =	sdelay $0x1  }
0x247: {  	v45 =	vor.u32 s3, v6  }
0x248: {  	v35 =	vor.u32 s3, v7  }
0x249: {  	v36 =	vor.u32 s3, v8;
	[tilespmem:v44+s25+$0x0] =	vst.idx.msk $0xffff, v39;
	v39 =	vor.u32 v43, v32  }
0x24a: {  	v38 =	vor.u32 s3, v9;
	[tilespmem:v42+s25+$0x0] =	vst.idx.msk $0xffff, v40;
	v40 =	vor.u32 v15, v39  }
0x24b: {  	v43 =	vor.u32 v16, v39  }
0x24c: {  	v42 =	vld.idx.msk [tilespmem:v45+s4+$0x0], $0xffff;
	v44 =	vor.u32 v17, v39  }
0x24d: {  	v35 =	vld.idx.msk [tilespmem:v35+s4+$0x0], $0xffff;
	v39 =	vor.u32 v18, v39  }
0x24e: {  	v45 =	vor.u32 s3, v10;
	v36 =	vld.idx.msk [tilespmem:v36+s4+$0x0], $0xffff  }
0x24f: {  	v38 =	vld.idx.msk [tilespmem:v38+s4+$0x0], $0xffff;
	[tilespmem:v40+s25+$0x0] =	vst.idx.msk $0xffff, v41;
	v40 =	vor.u32 s3, v11  }
0x250: {  	[tilespmem:v43+s25+$0x0] =	vst.idx.msk $0xffff, v37;
	v37 =	vor.u32 s3, v12  }
0x251: {  	v41 =	vor.u32 v59, v32;
	[tilespmem:v44+s25+$0x0] =	vst.idx.msk $0xffff, v33;
	v33 =	vor.u32 s3, v13  }
0x252: {  	[tilespmem:v39+s25+$0x0] =	vst.idx.msk $0xffff, v34;
	v34 =	vor.u32 v19, v41  }
0x253: {  	v39 =	vld.idx.msk [tilespmem:v45+s4+$0x0], $0xffff  }
0x254: {  	v40 =	vld.idx.msk [tilespmem:v40+s4+$0x0], $0xffff  }
0x255: {  	v37 =	vld.idx.msk [tilespmem:v37+s4+$0x0], $0xffff  }
0x256: {  	v43 =	vor.u32 v20, v41;
	v33 =	vld.idx.msk [tilespmem:v33+s4+$0x0], $0xffff  }
0x257: {  	v44 =	vor.u32 v21, v41;
	[tilespmem:v34+s25+$0x0] =	vst.idx.msk $0xffff, v42;
	v42 =	vld [tilespmem:$0x1F3D0]  }
0x258: {  	v41 =	vor.u32 v22, v41;
	_ =	sdelay $0x1  }
0x259: {  	v45 =	vor.u32 s3, v14  }
0x25a: {  	v34 =	vor.u32 s3, v23;
	[tilespmem:v43+s25+$0x0] =	vst.idx.msk $0xffff, v35  }
0x25b: {  	v35 =	vor.u32 s3, v24;
	[tilespmem:v44+s25+$0x0] =	vst.idx.msk $0xffff, v36;
	v42 =	vor.u32 v42, v32  }
0x25c: {  	v36 =	vor.u32 s3, v25;
	[tilespmem:v41+s25+$0x0] =	vst.idx.msk $0xffff, v38;
	v38 =	vor.u32 v15, v42  }
0x25d: {  	v43 =	vor.u32 v16, v42  }
0x25e: {  	v41 =	vld.idx.msk [tilespmem:v45+s4+$0x0], $0xffff;
	v44 =	vor.u32 v17, v42  }
0x25f: {  	v34 =	vld.idx.msk [tilespmem:v34+s4+$0x0], $0xffff;
	v42 =	vor.u32 v18, v42  }
0x260: {  	v35 =	vld.idx.msk [tilespmem:v35+s4+$0x0], $0xffff  }
0x261: {  	v45 =	vor.u32 s3, v26;
	v36 =	vld.idx.msk [tilespmem:v36+s4+$0x0], $0xffff;
	[tilespmem:v38+s25+$0x0] =	vst.idx.msk $0xffff, v39  }
0x262: {  	v38 =	vor.u32 s3, v27;
	[tilespmem:v43+s25+$0x0] =	vst.idx.msk $0xffff, v40  }
0x263: {  	v39 =	vor.u32 s3, v28;
	v40 =	vor.u32 v58, v32;
	[tilespmem:v44+s25+$0x0] =	vst.idx.msk $0xffff, v37  }
0x264: {  	v37 =	vor.u32 s3, v29;
	[tilespmem:v42+s25+$0x0] =	vst.idx.msk $0xffff, v33;
	v33 =	vor.u32 v19, v40  }
0x265: {  	v43 =	vor.u32 v20, v40  }
0x266: {  	v44 =	vor.u32 v21, v40;
	v42 =	vld.idx.msk [tilespmem:v45+s4+$0x0], $0xffff  }
0x267: {  	v38 =	vld.idx.msk [tilespmem:v38+s4+$0x0], $0xffff  }
0x268: {  	v39 =	vld.idx.msk [tilespmem:v39+s4+$0x0], $0xffff  }
0x269: {  	v37 =	vld.idx.msk [tilespmem:v37+s4+$0x0], $0xffff;
	[tilespmem:v33+s25+$0x0] =	vst.idx.msk $0xffff, v41  }
0x26a: {  	[tilespmem:v43+s25+$0x0] =	vst.idx.msk $0xffff, v34  }
0x26b: {  	[tilespmem:v44+s25+$0x0] =	vst.idx.msk $0xffff, v35;
	v44 =	vld [tilespmem:$0x1F3C0]  }
0x26c: {  	v40 =	vor.u32 v22, v40;
	_ =	sdelay $0x1  }
0x26d: {  	v45 =	vor.u32 s3, v30  }
0x26e: {  	v33 =	vor.u32 s3, v31  }
0x26f: {  	v34 =	vor.u32 s3, v0;
	v41 =	vor.u32 v44, v32  }
0x270: {  	v35 =	vor.u32 s3, v61;
	[tilespmem:v40+s25+$0x0] =	vst.idx.msk $0xffff, v36;
	v36 =	vor.u32 v15, v41  }
0x271: {  	v43 =	vor.u32 v16, v41  }
0x272: {  	v40 =	vld.idx.msk [tilespmem:v45+s4+$0x0], $0xffff;
	v44 =	vor.u32 v17, v41  }
0x273: {  	v33 =	vld.idx.msk [tilespmem:v33+s4+$0x0], $0xffff;
	v41 =	vor.u32 v18, v41  }
0x274: {  	v45 =	vor.u32 s3, v62;
	v34 =	vld.idx.msk [tilespmem:v34+s4+$0x0], $0xffff  }
0x275: {  	v35 =	vld.idx.msk [tilespmem:v35+s4+$0x0], $0xffff;
	[tilespmem:v36+s25+$0x0] =	vst.idx.msk $0xffff, v42  }
0x276: {  	[tilespmem:v43+s25+$0x0] =	vst.idx.msk $0xffff, v38  }
0x277: {  	v36 =	vor.u32 s3, v63;
	[tilespmem:v44+s25+$0x0] =	vst.idx.msk $0xffff, v39  }
0x278: {  	v42 =	vor.u32 v57, v32;
	v38 =	vor.u32 s3, v1;
	[tilespmem:v41+s25+$0x0] =	vst.idx.msk $0xffff, v37  }
0x279: {  	v39 =	vor.u32 s3, v46;
	v37 =	vor.u32 v19, v42;
	v41 =	vld.idx.msk [tilespmem:v45+s4+$0x0], $0xffff  }
0x27a: {  	v43 =	vor.u32 v20, v42;
	v45 =	vld [tilespmem:$0x1FDC0]  }
0x27b: {  	v44 =	vor.u32 v21, v42  }
0x27c: {  	v36 =	vld.idx.msk [tilespmem:v36+s4+$0x0], $0xffff  }
0x27d: {  	v38 =	vld.idx.msk [tilespmem:v38+s4+$0x0], $0xffff  }
0x27e: {  	v42 =	vor.u32 v22, v42;
	v39 =	vld.idx.msk [tilespmem:v39+s4+$0x0], $0xffff;
	[tilespmem:v37+s25+$0x0] =	vst.idx.msk $0xffff, v40  }
0x27f: {  	v45 =	vor.u32 s3, v45;
	[tilespmem:v43+s25+$0x0] =	vst.idx.msk $0xffff, v33  }
0x280: {  	[tilespmem:v44+s25+$0x0] =	vst.idx.msk $0xffff, v34;
	v44 =	vld [tilespmem:$0x1F3B0]  }
0x281: {  	v43 =	vld [tilespmem:$0x1FF10];
	_ =	sdelay $0x1  }
0x282: {  	[tilespmem:v42+s25+$0x0] =	vst.idx.msk $0xffff, v35  }
0x283: {  	v37 =	vor.u32 s3, v2;
	v42 =	vld.idx.msk [tilespmem:v45+s4+$0x0], $0xffff  }
0x284: {  	v34 =	vor.u32 s3, v48;
	v45 =	vld [tilespmem:$0x1FF20];
	v40 =	vor.u32 v44, v32  }
0x285: {  	v33 =	vor.u32 s3, v43;
	v35 =	vor.u32 v15, v40  }
0x286: {  	v43 =	vor.u32 v16, v40  }
0x287: {  	v44 =	vor.u32 v17, v40  }
0x288: {  	v37 =	vld.idx.msk [tilespmem:v37+s4+$0x0], $0xffff;
	v40 =	vor.u32 v18, v40  }
0x289: {  	v34 =	vld.idx.msk [tilespmem:v34+s4+$0x0], $0xffff;
	v45 =	vor.u32 s3, v45  }
0x28a: {  	v33 =	vld.idx.msk [tilespmem:v33+s4+$0x0], $0xffff;
	[tilespmem:v35+s25+$0x0] =	vst.idx.msk $0xffff, v41;
	v35 =	vor.u32 s3, v50  }
0x28b: {  	[tilespmem:v43+s25+$0x0] =	vst.idx.msk $0xffff, v36;
	v36 =	vor.u32 s3, v51  }
0x28c: {  	v41 =	vor.u32 v56, v32;
	[tilespmem:v44+s25+$0x0] =	vst.idx.msk $0xffff, v38;
	v38 =	vor.u32 s3, v52  }
0x28d: {  	[tilespmem:v40+s25+$0x0] =	vst.idx.msk $0xffff, v39;
	v39 =	vor.u32 v19, v41  }
0x28e: {  	v43 =	vor.u32 v20, v41;
	v40 =	vld.idx.msk [tilespmem:v45+s4+$0x0], $0xffff  }
0x28f: {  	v35 =	vld.idx.msk [tilespmem:v35+s4+$0x0], $0xffff  }
0x290: {  	v36 =	vld.idx.msk [tilespmem:v36+s4+$0x0], $0xffff  }
0x291: {  	v38 =	vld.idx.msk [tilespmem:v38+s4+$0x0], $0xffff  }
0x292: {  	v44 =	vor.u32 v21, v41;
	[tilespmem:v39+s25+$0x0] =	vst.idx.msk $0xffff, v42;
	v42 =	vld [tilespmem:$0x1F3A0]  }
0x293: {  	[tilespmem:v43+s25+$0x0] =	vst.idx.msk $0xffff, v37;
	v43 =	vld [tilespmem:$0x1FD30]  }
0x294: {  	v41 =	vor.u32 v22, v41  }
0x295: {  	v45 =	vor.u32 s3, v53  }
0x296: {  	v39 =	vor.u32 s3, v54  }
0x297: {  	[tilespmem:v44+s25+$0x0] =	vst.idx.msk $0xffff, v33;
	v33 =	vor.u32 s3, v47  }
0x298: {  	v42 =	vor.u32 v42, v32;
	v37 =	vor.u32 s3, v43  }
0x299: {  	[tilespmem:v41+s25+$0x0] =	vst.idx.msk $0xffff, v34;
	v34 =	vor.u32 v15, v42  }
0x29a: {  	v41 =	vld.idx.msk [tilespmem:v45+s4+$0x0], $0xffff  }
0x29b: {  	v39 =	vld.idx.msk [tilespmem:v39+s4+$0x0], $0xffff  }
0x29c: {  	v33 =	vld.idx.msk [tilespmem:v33+s4+$0x0], $0xffff  }
0x29d: {  	v43 =	vor.u32 v16, v42;
	v37 =	vld.idx.msk [tilespmem:v37+s4+$0x0], $0xffff  }
0x29e: {  	[tilespmem:v34+s25+$0x0] =	vst.idx.msk $0xffff, v40;
	v40 =	vld [tilespmem:$0x1FF00];
	_ =	sdelay $0x2  }
0x29f: {  	v45 =	vld [tilespmem:$0x1FED0]  }
0x2a0: {  	[tilespmem:v43+s25+$0x0] =	vst.idx.msk $0xffff, v35;
	v43 =	vld [tilespmem:$0x1FEE0]  }
0x2a1: {  	v44 =	vor.u32 v17, v42;
	v34 =	vor.u32 s3, v40;
	v40 =	vld [tilespmem:$0x1FEF0]  }
0x2a2: {  	v42 =	vor.u32 v18, v42;
	_ =	sdelay $0x1  }
0x2a3: {  	v45 =	vor.u32 s3, v45;
	_ =	sdelay $0x1  }
0x2a4: {  	[tilespmem:v44+s25+$0x0] =	vst.idx.msk $0xffff, v36;
	v35 =	vor.u32 s3, v43;
	v36 =	vor.u32 s3, v40;
	v40 =	vor.u32 v55, v32  }
0x2a5: {  	[tilespmem:v42+s25+$0x0] =	vst.idx.msk $0xffff, v38;
	v38 =	vor.u32 v19, v40  }
0x2a6: {  	v43 =	vor.u32 v20, v40  }
0x2a7: {  	v42 =	vld.idx.msk [tilespmem:v45+s4+$0x0], $0xffff  }
0x2a8: {  	v34 =	vld.idx.msk [tilespmem:v34+s4+$0x0], $0xffff  }
0x2a9: {  	v35 =	vld.idx.msk [tilespmem:v35+s4+$0x0], $0xffff  }
0x2aa: {  	v44 =	vor.u32 v21, v40;
	v36 =	vld.idx.msk [tilespmem:v36+s4+$0x0], $0xffff;
	[tilespmem:v38+s25+$0x0] =	vst.idx.msk $0xffff, v41  }
0x2ab: {  	[tilespmem:v43+s25+$0x0] =	vst.idx.msk $0xffff, v39;
	v43 =	vld [tilespmem:$0x1FDF0]  }
0x2ac: {  	v45 =	vld [tilespmem:$0x1FDD0];
	_ =	sdelay $0x1  }
0x2ad: {  	v41 =	vld [tilespmem:$0x1FDE0]  }
0x2ae: {  	[tilespmem:v44+s25+$0x0] =	vst.idx.msk $0xffff, v37;
	v44 =	vld [tilespmem:$0x1F390]  }
0x2af: {  	v40 =	vor.u32 v22, v40;
	v39 =	vor.u32 s3, v43;
	v43 =	vld [tilespmem:$0x1FE00]  }
0x2b0: {  	v45 =	vor.u32 s3, v45;
	_ =	sdelay $0x1  }
0x2b1: {  	v38 =	vor.u32 s3, v41;
	_ =	sdelay $0x1  }
0x2b2: {  	[tilespmem:v40+s25+$0x0] =	vst.idx.msk $0xffff, v33;
	v41 =	vor.u32 v44, v32;
	v37 =	vor.u32 s3, v43  }
0x2b3: {  	v40 =	vld.idx.msk [tilespmem:v45+s4+$0x0], $0xffff;
	v33 =	vor.u32 v15, v41  }
0x2b4: {  	v45 =	vld [tilespmem:$0x1FE10];
	v43 =	vor.u32 v16, v41  }
0x2b5: {  	v44 =	vor.u32 v17, v41;
	v38 =	vld.idx.msk [tilespmem:v38+s4+$0x0], $0xffff  }
0x2b6: {  	v39 =	vld.idx.msk [tilespmem:v39+s4+$0x0], $0xffff  }
0x2b7: {  	v37 =	vld.idx.msk [tilespmem:v37+s4+$0x0], $0xffff  }
0x2b8: {  	[tilespmem:v33+s25+$0x0] =	vst.idx.msk $0xffff, v42;
	v42 =	vld [tilespmem:$0x1FE20]  }
0x2b9: {  	[tilespmem:v43+s25+$0x0] =	vst.idx.msk $0xffff, v34;
	v43 =	vld [tilespmem:$0x1FE30]  }
0x2ba: {  	v41 =	vor.u32 v18, v41;
	[tilespmem:v44+s25+$0x0] =	vst.idx.msk $0xffff, v35;
	v44 =	vld [tilespmem:$0x1FE40]  }
0x2bb: {  	v45 =	vor.u32 s3, v45;
	_ =	sdelay $0x1  }
0x2bc: {  	v33 =	vor.u32 s3, v42  }
0x2bd: {  	v34 =	vor.u32 s3, v43  }
0x2be: {  	[tilespmem:v41+s25+$0x0] =	vst.idx.msk $0xffff, v36;
	v42 =	vor.u32 v49, v32;
	v35 =	vor.u32 s3, v44  }
0x2bf: {  	v41 =	vld.idx.msk [tilespmem:v45+s4+$0x0], $0xffff;
	v36 =	vor.u32 v19, v42  }
0x2c0: {  	v45 =	vld [tilespmem:$0x1FE50]  }
0x2c1: {  	v33 =	vld.idx.msk [tilespmem:v33+s4+$0x0], $0xffff  }
0x2c2: {  	v43 =	vor.u32 v20, v42;
	v34 =	vld.idx.msk [tilespmem:v34+s4+$0x0], $0xffff  }
0x2c3: {  	v44 =	vor.u32 v21, v42;
	v35 =	vld.idx.msk [tilespmem:v35+s4+$0x0], $0xffff  }
0x2c4: {  	[tilespmem:v36+s25+$0x0] =	vst.idx.msk $0xffff, v40;
	v40 =	vld [tilespmem:$0x1FE60];
	_ =	sdelay $0x1  }
0x2c5: {  	v42 =	vor.u32 v22, v42  }
0x2c6: {  	v45 =	vor.u32 s3, v45;
	[tilespmem:v43+s25+$0x0] =	vst.idx.msk $0xffff, v38;
	v43 =	vld [tilespmem:$0x1FE80]  }
0x2c7: {  	[tilespmem:v44+s25+$0x0] =	vst.idx.msk $0xffff, v39;
	v44 =	vld [tilespmem:$0x1F380]  }
0x2c8: {  	v36 =	vor.u32 s3, v40;
	v40 =	vld [tilespmem:$0x1FE70];
	_ =	sdelay $0x1  }
0x2c9: {  	[tilespmem:v42+s25+$0x0] =	vst.idx.msk $0xffff, v37  }
0x2ca: {  	v42 =	vld.idx.msk [tilespmem:v45+s4+$0x0], $0xffff  }
0x2cb: {  	v45 =	vld [tilespmem:$0x1F3F0]  }
0x2cc: {  	v39 =	vor.u32 s3, v43;
	v38 =	vor.u32 s3, v40;
	v40 =	vor.u32 v44, v32  }
0x2cd: {  	v37 =	vor.u32 v15, v40  }
0x2ce: {  	v43 =	vor.u32 v16, v40  }
0x2cf: {  	v44 =	vor.u32 v17, v40  }
0x2d0: {  	v36 =	vld.idx.msk [tilespmem:v36+s4+$0x0], $0xffff;
	v32 =	vor.u32 v45, v32;
	v40 =	vor.u32 v18, v40  }
0x2d1: {  	v39 =	vld.idx.msk [tilespmem:v39+s4+$0x0], $0xffff;
	v45 =	vor.u32 v19, v32  }
0x2d2: {  	v38 =	vld.idx.msk [tilespmem:v38+s4+$0x0], $0xffff;
	[tilespmem:v37+s25+$0x0] =	vst.idx.msk $0xffff, v41;
	v41 =	vor.u32 v20, v32  }
0x2d3: {  	[tilespmem:v43+s25+$0x0] =	vst.idx.msk $0xffff, v33;
	v43 =	vor.u32 v21, v32  }
0x2d4: {  	p2 =	sne.s32 s3, $0x70;
	v32 =	vor.u32 v22, v32;
	[tilespmem:v44+s25+$0x0] =	vst.idx.msk $0xffff, v34  }
.Ltmp5:
0x2d5: {  	[tilespmem:v40+s25+$0x0] =	vst.idx.msk $0xffff, v35;
	(pc) =	sbr.rel @p2 .LBB2_4-.Ltmp5, $4  }
0x2d6: {  	[tilespmem:v45+s25+$0x0] =	vst.idx.msk $0xffff, v42  }
0x2d7: {  	[tilespmem:v41+s25+$0x0] =	vst.idx.msk $0xffff, v36  }
0x2d8: {  	[tilespmem:v43+s25+$0x0] =	vst.idx.msk $0xffff, v38  }
0x2d9: {  	s8 =	sadd.s32 $0x8, s8;
	s3 =	sadd.s32 $0x10, s3;
	v34 =	vld [tilespmem:$0x1FDB0];
	[tilespmem:v32+s25+$0x0] =	vst.idx.msk $0xffff, v39  }
0x2da: {  	[sflag:s24] =	ssyncadd.s32 $0x1  }
0x2db: {  	_ =	swait.ge [sflag:s24], $0x1  }
0x2dc: {  	v59 =	vld [tilespmem:$0x1FF20]  }
0x2dd: {  	v47 =	vld [tilespmem:$0x1FF10]  }
0x2de: {  	v40 =	vld [tilespmem:$0x1FF00]  }
0x2df: {  	v39 =	vmov v1;
	v1 =	vld [tilespmem:$0x1FEE0]  }
0x2e0: {  	v38 =	vld [tilespmem:$0x1FEF0]  }
0x2e1: {  	v4 =	vld [tilespmem:$0x1FDD0]  }
0x2e2: {  	v5 =	vld [tilespmem:$0x1FDE0]  }
0x2e3: {  	v6 =	vld [tilespmem:$0x1FDF0]  }
0x2e4: {  	v36 =	vld [tilespmem:$0x1FE00]  }
0x2e5: {  	v10 =	vmov v8;
	v8 =	vld [tilespmem:$0x1FE10]  }
0x2e6: {  	v37 =	vld [tilespmem:$0x1FE20]  }
0x2e7: {  	v33 =	vld [tilespmem:$0x1FE30]  }
0x2e8: {  	v3 =	vld [tilespmem:$0x1FE40]  }
0x2e9: {  	v44 =	vld [tilespmem:$0x1FE50]  }
0x2ea: {  	v49 =	vmov v13;
	v13 =	vld [tilespmem:$0x1FE60]  }
0x2eb: {  	v55 =	vmov v14;
	v14 =	vld [tilespmem:$0x1FE70]  }
0x2ec: {  	v23 =	vld [tilespmem:$0x1FE80]  }
0x2ed: {  	v24 =	vld [tilespmem:$0x1FE90]  }
0x2ee: {  	s1 =	sshll.u32 s17, $0xA;
	[sflag:s24] =	ssyncset.done $0x0;
	v45 =	vld [tilespmem:$0x1FEA0]  }
0x2ef: {  	v35 =	vmovc v7;
	v58 =	vmov v9;
	v56 =	vmov v11;
	v11 =	vmov v12;
	s1 =	sadd.s32 s6, s1;
	v41 =	vld [tilespmem:$0x1FEB0];
	[sflag:s24] =	ssyncadd.s32 $0xFFFFFFFF  }
0x2f0: {  	v12 =	vmovc v25;
	v25 =	vmovc v26;
	v26 =	vmov v27;
	v27 =	vmov v28;
	v7 =	vmov v0;
	v43 =	vld [tilespmem:$0x1FEC0];
	[hbm4b:s1+s4] =	stream.linear.scatter [tilespmem:s25], [sflag:$0x5], $0x2000, $0x38  }
.LBB2_6:
0x2f1: {  	s1 =	sadd.s32 s12, s16  }
0x2f2: {  	p2 =	sgt.u32 s1, $0x1E83  }
0x2f3: {  	s1 =	sshll.u32 @!p2 s1, $0x7;
	s3 =	simm.s32 @!p2 $0x400  }
0x2f4: {  	s8 =	simm.s32 @!p2 $0x7A1400;
	s7 =	simm.s32 @!p2 $0x0;
	s1 =	sadd.s32 @!p2 s0, s1  }
0x2f5: {  	[tilespmem:s7], [sflag:$0x1] =	stream.strided.gather @!p2 [hbm4b:s1+s3], $0x2000, s8, s3, $0x38;
	[tilespmem:$0x10000] =	vst v63  }
0x2f6: {  	s8 =	sor.u32 $0x20, s17  }
0x2f7: {  	p2 =	sgt.u32 s8, $0x1E83  }
.Ltmp6:
0x2f8: {  	_ = 	snop;
	(pc) =	sbr.rel @p2 .LBB2_10-.Ltmp6, $1  }
0x2f9: {  	_ =	sdelay $0x3  }
0x2fa: {  	_ =	swait.ge [sflag:s26], $0x2000  }
0x2fb: {  	[sflag:s26] =	ssyncset.done $0x0  }
0x2fc: {  	s1 =	simm.s32 @!p1 $0x6;
	[sflag:s26] =	ssyncadd.s32 $0xFFFFE000  }
0x2fd: {  	_ =	swait.ge @!p1 [sflag:s1], $0x2000  }
0x2fe: {  	[sflag:s1] =	ssyncset.done @!p1 $0x0  }
0x2ff: {  	[sflag:s1] =	ssyncadd.s32 @!p1 $0xFFFFE000  }
0x300: {  	[sflag:s24] =	ssyncadd.s32 $0x1  }
0x301: {  	_ =	swait.ge [sflag:s24], $0x1  }
0x302: {  	v28 =	vld [tilespmem:$0x1F420]  }
0x303: {  	v57 =	vld [tilespmem:$0x1F430]  }
0x304: {  	v58 =	vld [tilespmem:$0x1F440]  }
0x305: {  	v32 =	vmov v59;
	v59 =	vld [tilespmem:$0x1F450]  }
0x306: {  	v7 =	vmov v36;
	v60 =	vld [tilespmem:$0x1F460]  }
0x307: {  	v9 =	vmovc v37;
	v10 =	vmovc v33;
	v11 =	vmov v3;
	v12 =	vmov v44;
	v25 =	vmov v45;
	[sflag:s24] =	ssyncset.done $0x0;
	v55 =	vld [tilespmem:$0x1FD30]  }
0x308: {  	s3 =	simm.s32 $0x0;
	v26 =	vmovc v41;
	v27 =	vmovc v43;
	v3 =	vmov v38;
	v0 =	vmov v40;
	v49 =	vmov v32;
	s1 =	simm.s32 $0x0;
	v56 =	vld [tilespmem:$0x1FD40];
	[sflag:s24] =	ssyncadd.s32 $0xFFFFFFFF  }
.LBB2_8:
0x309: {  	_ =	sdelay $0x1  }
0x30a: {  	v33 =	vor.u32 s1, v25;
	v36 =	vld [tilespmem:$0x1FB50]  }
0x30b: {  	v43 =	vor.u32 s1, v26;
	v44 =	vld [tilespmem:$0x1FB60]  }
0x30c: {  	v39 =	vld [tilespmem:$0x1FB70];
	v32 =	vor.u32 s1, v34  }
0x30d: {  	v35 =	vor.u32 s1, v27;
	v40 =	vld [tilespmem:$0x1FB80];
	_ =	sdelay $0x1  }
0x30e: {  	v36 =	vor.u32 s1, v36;
	v33 =	vld.idx.msk [tilespmem:v33+s20+$0x0], $0xffff  }
0x30f: {  	v45 =	vmov s3;
	v38 =	vor.u32 s1, v44;
	v34 =	vld.idx.msk [tilespmem:v43+s20+$0x0], $0xffff  }
0x310: {  	v39 =	vor.u32 s1, v39;
	v37 =	vld.idx.msk [tilespmem:v32+s20+$0x0], $0xffff;
	v32 =	vshll.u32 v45, $0x7  }
0x311: {  	v40 =	vor.u32 s1, v40;
	v35 =	vld.idx.msk [tilespmem:v35+s20+$0x0], $0xffff;
	v41 =	vor.u32 v24, v32  }
0x312: {  	v45 =	vld [tilespmem:$0x1FB90];
	v42 =	vor.u32 v15, v41  }
0x313: {  	v36 =	vld.idx.msk [tilespmem:v36+s20+$0x0], $0xffff;
	v43 =	vor.u32 v16, v41  }
0x314: {  	v38 =	vld.idx.msk [tilespmem:v38+s20+$0x0], $0xffff;
	v44 =	vor.u32 v17, v41  }
0x315: {  	v39 =	vld.idx.msk [tilespmem:v39+s20+$0x0], $0xffff  }
0x316: {  	v40 =	vld.idx.msk [tilespmem:v40+s20+$0x0], $0xffff  }
0x317: {  	[tilespmem:v42+s28+$0x0] =	vst.idx.msk $0xffff, v37;
	v42 =	vld [tilespmem:$0x1FBA0]  }
0x318: {  	[tilespmem:v43+s28+$0x0] =	vst.idx.msk $0xffff, v33;
	v43 =	vld [tilespmem:$0x1FBB0]  }
0x319: {  	[tilespmem:v44+s28+$0x0] =	vst.idx.msk $0xffff, v34;
	v44 =	vld [tilespmem:$0x1FBC0]  }
0x31a: {  	v41 =	vor.u32 v18, v41  }
0x31b: {  	v45 =	vor.u32 s1, v45  }
0x31c: {  	v37 =	vor.u32 s1, v42  }
0x31d: {  	v33 =	vor.u32 s1, v43  }
0x31e: {  	v42 =	vor.u32 v60, v32;
	v34 =	vor.u32 s1, v44  }
0x31f: {  	[tilespmem:v41+s28+$0x0] =	vst.idx.msk $0xffff, v35;
	v35 =	vor.u32 v19, v42  }
0x320: {  	v41 =	vld.idx.msk [tilespmem:v45+s20+$0x0], $0xffff;
	v43 =	vor.u32 v20, v42  }
0x321: {  	v37 =	vld.idx.msk [tilespmem:v37+s20+$0x0], $0xffff  }
0x322: {  	v33 =	vld.idx.msk [tilespmem:v33+s20+$0x0], $0xffff  }
0x323: {  	v34 =	vld.idx.msk [tilespmem:v34+s20+$0x0], $0xffff  }
0x324: {  	v44 =	vor.u32 v21, v42;
	[tilespmem:v35+s28+$0x0] =	vst.idx.msk $0xffff, v36;
	v36 =	vld [tilespmem:$0x1FF50]  }
0x325: {  	[tilespmem:v43+s28+$0x0] =	vst.idx.msk $0xffff, v38;
	v43 =	vld [tilespmem:$0x1FF60]  }
0x326: {  	v45 =	vld [tilespmem:$0x1FBD0];
	_ =	sdelay $0x2  }
0x327: {  	[tilespmem:v44+s28+$0x0] =	vst.idx.msk $0xffff, v39;
	v44 =	vld [tilespmem:$0x1F3E0]  }
0x328: {  	v42 =	vor.u32 v22, v42;
	v35 =	vor.u32 s1, v36;
	v36 =	vor.u32 s1, v43;
	v43 =	vld [tilespmem:$0x1FF70]  }
0x329: {  	v45 =	vor.u32 s1, v45;
	_ =	sdelay $0x3  }
0x32a: {  	[tilespmem:v42+s28+$0x0] =	vst.idx.msk $0xffff, v40;
	v39 =	vor.u32 v44, v32;
	v38 =	vor.u32 s1, v43  }
0x32b: {  	v42 =	vld.idx.msk [tilespmem:v45+s20+$0x0], $0xffff;
	v40 =	vor.u32 v15, v39  }
0x32c: {  	v45 =	vld [tilespmem:$0x1FBE0]  }
0x32d: {  	v35 =	vld.idx.msk [tilespmem:v35+s20+$0x0], $0xffff;
	v43 =	vor.u32 v16, v39  }
0x32e: {  	v36 =	vld.idx.msk [tilespmem:v36+s20+$0x0], $0xffff  }
0x32f: {  	v38 =	vld.idx.msk [tilespmem:v38+s20+$0x0], $0xffff  }
0x330: {  	[tilespmem:v40+s28+$0x0] =	vst.idx.msk $0xffff, v41;
	v40 =	vld [tilespmem:$0x1FF80]  }
0x331: {  	v44 =	vor.u32 v17, v39;
	v41 =	vld [tilespmem:$0x1FFA0]  }
0x332: {  	[tilespmem:v43+s28+$0x0] =	vst.idx.msk $0xffff, v37;
	v43 =	vld [tilespmem:$0x1FF90]  }
0x333: {  	v39 =	vor.u32 v18, v39  }
0x334: {  	v45 =	vor.u32 s1, v45  }
0x335: {  	v40 =	vor.u32 s1, v40  }
0x336: {  	[tilespmem:v44+s28+$0x0] =	vst.idx.msk $0xffff, v33;
	v33 =	vor.u32 s1, v41  }
0x337: {  	v41 =	vor.u32 v59, v32;
	v37 =	vor.u32 s1, v43  }
0x338: {  	[tilespmem:v39+s28+$0x0] =	vst.idx.msk $0xffff, v34;
	v34 =	vor.u32 v19, v41  }
0x339: {  	v39 =	vld.idx.msk [tilespmem:v45+s20+$0x0], $0xffff  }
0x33a: {  	v40 =	vld.idx.msk [tilespmem:v40+s20+$0x0], $0xffff  }
0x33b: {  	v33 =	vld.idx.msk [tilespmem:v33+s20+$0x0], $0xffff  }
0x33c: {  	v37 =	vld.idx.msk [tilespmem:v37+s20+$0x0], $0xffff  }
0x33d: {  	[tilespmem:v34+s28+$0x0] =	vst.idx.msk $0xffff, v42;
	v42 =	vld [tilespmem:$0x1FBF0];
	_ =	sdelay $0x3  }
0x33e: {  	v43 =	vor.u32 v20, v41  }
0x33f: {  	v44 =	vor.u32 v21, v41;
	v34 =	vor.u32 s1, v42;
	v42 =	vld [tilespmem:$0x1FFC0]  }
0x340: {  	v45 =	vld [tilespmem:$0x1FFB0];
	_ =	sdelay $0x2  }
0x341: {  	[tilespmem:v43+s28+$0x0] =	vst.idx.msk $0xffff, v35;
	v43 =	vld [tilespmem:$0x1FC00]  }
0x342: {  	v41 =	vor.u32 v22, v41;
	[tilespmem:v44+s28+$0x0] =	vst.idx.msk $0xffff, v36;
	v36 =	vor.u32 s1, v42;
	v42 =	vld [tilespmem:$0x1F3D0]  }
0x343: {  	v45 =	vor.u32 s1, v45;
	_ =	sdelay $0x2  }
0x344: {  	v35 =	vor.u32 s1, v43  }
0x345: {  	[tilespmem:v41+s28+$0x0] =	vst.idx.msk $0xffff, v38;
	v42 =	vor.u32 v42, v32  }
0x346: {  	v41 =	vld.idx.msk [tilespmem:v45+s20+$0x0], $0xffff;
	v38 =	vor.u32 v15, v42  }
0x347: {  	v45 =	vld [tilespmem:$0x1FFD0];
	v43 =	vor.u32 v16, v42  }
0x348: {  	v34 =	vld.idx.msk [tilespmem:v34+s20+$0x0], $0xffff  }
0x349: {  	v35 =	vld.idx.msk [tilespmem:v35+s20+$0x0], $0xffff  }
0x34a: {  	v36 =	vld.idx.msk [tilespmem:v36+s20+$0x0], $0xffff;
	v44 =	vor.u32 v17, v42  }
0x34b: {  	[tilespmem:v38+s28+$0x0] =	vst.idx.msk $0xffff, v39;
	v38 =	vld [tilespmem:$0x1FFE0]  }
0x34c: {  	v42 =	vor.u32 v18, v42;
	[tilespmem:v43+s28+$0x0] =	vst.idx.msk $0xffff, v40;
	v43 =	vld [tilespmem:$0x1FFF0];
	_ =	sdelay $0x1  }
0x34d: {  	v45 =	vor.u32 s1, v45  }
0x34e: {  	[tilespmem:v44+s28+$0x0] =	vst.idx.msk $0xffff, v37;
	v37 =	vor.u32 s1, v29  }
0x34f: {  	v40 =	vor.u32 v58, v32;
	v38 =	vor.u32 s1, v38  }
0x350: {  	[tilespmem:v42+s28+$0x0] =	vst.idx.msk $0xffff, v33;
	v33 =	vor.u32 v19, v40;
	v39 =	vor.u32 s1, v43  }
0x351: {  	v43 =	vor.u32 v20, v40  }
0x352: {  	v44 =	vor.u32 v21, v40;
	v42 =	vld.idx.msk [tilespmem:v45+s20+$0x0], $0xffff  }
0x353: {  	v37 =	vld.idx.msk [tilespmem:v37+s20+$0x0], $0xffff  }
0x354: {  	v38 =	vld.idx.msk [tilespmem:v38+s20+$0x0], $0xffff  }
0x355: {  	v39 =	vld.idx.msk [tilespmem:v39+s20+$0x0], $0xffff;
	[tilespmem:v33+s28+$0x0] =	vst.idx.msk $0xffff, v41  }
0x356: {  	[tilespmem:v43+s28+$0x0] =	vst.idx.msk $0xffff, v34  }
0x357: {  	[tilespmem:v44+s28+$0x0] =	vst.idx.msk $0xffff, v35;
	v44 =	vld [tilespmem:$0x1F3C0]  }
0x358: {  	v40 =	vor.u32 v22, v40;
	v43 =	vld [tilespmem:$0x1FF30];
	_ =	sdelay $0x1  }
0x359: {  	v45 =	vor.u32 s1, v30  }
0x35a: {  	v33 =	vor.u32 s1, v31  }
0x35b: {  	v35 =	vor.u32 s1, v61;
	v41 =	vor.u32 v44, v32  }
0x35c: {  	[tilespmem:v40+s28+$0x0] =	vst.idx.msk $0xffff, v36;
	v34 =	vor.u32 s1, v43;
	v36 =	vor.u32 v15, v41  }
0x35d: {  	v43 =	vor.u32 v16, v41  }
0x35e: {  	v40 =	vld.idx.msk [tilespmem:v45+s20+$0x0], $0xffff  }
0x35f: {  	v33 =	vld.idx.msk [tilespmem:v33+s20+$0x0], $0xffff  }
0x360: {  	v35 =	vld.idx.msk [tilespmem:v35+s20+$0x0], $0xffff  }
0x361: {  	v44 =	vor.u32 v17, v41;
	v34 =	vld.idx.msk [tilespmem:v34+s20+$0x0], $0xffff;
	[tilespmem:v36+s28+$0x0] =	vst.idx.msk $0xffff, v42  }
0x362: {  	v41 =	vor.u32 v18, v41;
	[tilespmem:v43+s28+$0x0] =	vst.idx.msk $0xffff, v38;
	v43 =	vld [tilespmem:$0x1FF40]  }
0x363: {  	v45 =	vor.u32 s1, v62;
	_ =	sdelay $0x1  }
0x364: {  	v36 =	vor.u32 s1, v63  }
0x365: {  	v42 =	vor.u32 v57, v32;
	[tilespmem:v44+s28+$0x0] =	vst.idx.msk $0xffff, v39;
	v39 =	vor.u32 s1, v46  }
0x366: {  	[tilespmem:v41+s28+$0x0] =	vst.idx.msk $0xffff, v37;
	v37 =	vor.u32 v19, v42;
	v38 =	vor.u32 s1, v43  }
0x367: {  	v41 =	vld.idx.msk [tilespmem:v45+s20+$0x0], $0xffff;
	v43 =	vor.u32 v20, v42  }
0x368: {  	v44 =	vor.u32 v21, v42;
	v45 =	vld [tilespmem:$0x1FDC0]  }
0x369: {  	v36 =	vld.idx.msk [tilespmem:v36+s20+$0x0], $0xffff  }
0x36a: {  	v39 =	vld.idx.msk [tilespmem:v39+s20+$0x0], $0xffff  }
0x36b: {  	v38 =	vld.idx.msk [tilespmem:v38+s20+$0x0], $0xffff;
	[tilespmem:v37+s28+$0x0] =	vst.idx.msk $0xffff, v40  }
0x36c: {  	[tilespmem:v43+s28+$0x0] =	vst.idx.msk $0xffff, v33  }
0x36d: {  	[tilespmem:v44+s28+$0x0] =	vst.idx.msk $0xffff, v34;
	v44 =	vld [tilespmem:$0x1F3B0]  }
0x36e: {  	v42 =	vor.u32 v22, v42;
	_ =	sdelay $0x1  }
0x36f: {  	v45 =	vor.u32 s1, v45  }
0x370: {  	v37 =	vor.u32 s1, v2  }
0x371: {  	v33 =	vor.u32 s1, v47;
	v40 =	vor.u32 v44, v32  }
0x372: {  	v34 =	vor.u32 s1, v48;
	[tilespmem:v42+s28+$0x0] =	vst.idx.msk $0xffff, v35;
	v35 =	vor.u32 v15, v40  }
0x373: {  	v43 =	vor.u32 v16, v40  }
0x374: {  	v42 =	vld.idx.msk [tilespmem:v45+s20+$0x0], $0xffff;
	v44 =	vor.u32 v17, v40  }
0x375: {  	v37 =	vld.idx.msk [tilespmem:v37+s20+$0x0], $0xffff;
	v40 =	vor.u32 v18, v40  }
0x376: {  	v45 =	vor.u32 s1, v49;
	v33 =	vld.idx.msk [tilespmem:v33+s20+$0x0], $0xffff  }
0x377: {  	v34 =	vld.idx.msk [tilespmem:v34+s20+$0x0], $0xffff;
	[tilespmem:v35+s28+$0x0] =	vst.idx.msk $0xffff, v41;
	v35 =	vor.u32 s1, v50  }
0x378: {  	[tilespmem:v43+s28+$0x0] =	vst.idx.msk $0xffff, v36;
	v36 =	vor.u32 s1, v51  }
0x379: {  	v41 =	vor.u32 v28, v32;
	[tilespmem:v44+s28+$0x0] =	vst.idx.msk $0xffff, v38;
	v38 =	vor.u32 s1, v52  }
0x37a: {  	[tilespmem:v40+s28+$0x0] =	vst.idx.msk $0xffff, v39;
	v39 =	vor.u32 v19, v41  }
0x37b: {  	v40 =	vld.idx.msk [tilespmem:v45+s20+$0x0], $0xffff  }
0x37c: {  	v35 =	vld.idx.msk [tilespmem:v35+s20+$0x0], $0xffff  }
0x37d: {  	v36 =	vld.idx.msk [tilespmem:v36+s20+$0x0], $0xffff  }
0x37e: {  	v43 =	vor.u32 v20, v41;
	v38 =	vld.idx.msk [tilespmem:v38+s20+$0x0], $0xffff  }
0x37f: {  	v44 =	vor.u32 v21, v41;
	[tilespmem:v39+s28+$0x0] =	vst.idx.msk $0xffff, v42;
	v42 =	vld [tilespmem:$0x1F3A0]  }
0x380: {  	v41 =	vor.u32 v22, v41  }
0x381: {  	v45 =	vor.u32 s1, v53;
	_ =	sdelay $0x1  }
0x382: {  	v39 =	vor.u32 s1, v54;
	[tilespmem:v43+s28+$0x0] =	vst.idx.msk $0xffff, v37  }
0x383: {  	v37 =	vor.u32 s1, v55;
	[tilespmem:v44+s28+$0x0] =	vst.idx.msk $0xffff, v33;
	v42 =	vor.u32 v42, v32  }
0x384: {  	v33 =	vor.u32 s1, v56;
	[tilespmem:v41+s28+$0x0] =	vst.idx.msk $0xffff, v34;
	v34 =	vor.u32 v15, v42  }
0x385: {  	v41 =	vld.idx.msk [tilespmem:v45+s20+$0x0], $0xffff;
	v43 =	vor.u32 v16, v42  }
0x386: {  	v45 =	vld [tilespmem:$0x1FED0];
	v44 =	vor.u32 v17, v42  }
0x387: {  	v39 =	vld.idx.msk [tilespmem:v39+s20+$0x0], $0xffff  }
0x388: {  	v37 =	vld.idx.msk [tilespmem:v37+s20+$0x0], $0xffff  }
0x389: {  	v33 =	vld.idx.msk [tilespmem:v33+s20+$0x0], $0xffff;
	[tilespmem:v34+s28+$0x0] =	vst.idx.msk $0xffff, v40  }
0x38a: {  	[tilespmem:v43+s28+$0x0] =	vst.idx.msk $0xffff, v35  }
0x38b: {  	[tilespmem:v44+s28+$0x0] =	vst.idx.msk $0xffff, v36;
	v44 =	vld [tilespmem:$0x1F410]  }
0x38c: {  	v42 =	vor.u32 v18, v42;
	_ =	sdelay $0x1  }
0x38d: {  	v45 =	vor.u32 s1, v45  }
0x38e: {  	v34 =	vor.u32 s1, v0  }
0x38f: {  	v35 =	vor.u32 s1, v1;
	v40 =	vor.u32 v44, v32  }
0x390: {  	v36 =	vor.u32 s1, v3;
	[tilespmem:v42+s28+$0x0] =	vst.idx.msk $0xffff, v38;
	v38 =	vor.u32 v19, v40  }
0x391: {  	v43 =	vor.u32 v20, v40  }
0x392: {  	v42 =	vld.idx.msk [tilespmem:v45+s20+$0x0], $0xffff;
	v44 =	vor.u32 v21, v40  }
0x393: {  	v34 =	vld.idx.msk [tilespmem:v34+s20+$0x0], $0xffff  }
0x394: {  	v35 =	vld.idx.msk [tilespmem:v35+s20+$0x0], $0xffff  }
0x395: {  	v36 =	vld.idx.msk [tilespmem:v36+s20+$0x0], $0xffff;
	[tilespmem:v38+s28+$0x0] =	vst.idx.msk $0xffff, v41  }
0x396: {  	[tilespmem:v43+s28+$0x0] =	vst.idx.msk $0xffff, v39  }
0x397: {  	[tilespmem:v44+s28+$0x0] =	vst.idx.msk $0xffff, v37;
	v44 =	vld [tilespmem:$0x1F390]  }
0x398: {  	v40 =	vor.u32 v22, v40  }
0x399: {  	v45 =	vor.u32 s1, v4  }
0x39a: {  	v38 =	vor.u32 s1, v5  }
0x39b: {  	v39 =	vor.u32 s1, v6  }
0x39c: {  	v37 =	vor.u32 s1, v7;
	v41 =	vor.u32 v44, v32  }
0x39d: {  	[tilespmem:v40+s28+$0x0] =	vst.idx.msk $0xffff, v33;
	v33 =	vor.u32 v15, v41  }
0x39e: {  	v40 =	vld.idx.msk [tilespmem:v45+s20+$0x0], $0xffff  }
0x39f: {  	v38 =	vld.idx.msk [tilespmem:v38+s20+$0x0], $0xffff  }
0x3a0: {  	v39 =	vld.idx.msk [tilespmem:v39+s20+$0x0], $0xffff  }
0x3a1: {  	v37 =	vld.idx.msk [tilespmem:v37+s20+$0x0], $0xffff;
	v43 =	vor.u32 v16, v41  }
0x3a2: {  	v44 =	vor.u32 v17, v41;
	[tilespmem:v33+s28+$0x0] =	vst.idx.msk $0xffff, v42;
	v42 =	vld [tilespmem:$0x1F400]  }
0x3a3: {  	v41 =	vor.u32 v18, v41;
	_ =	sdelay $0x1  }
0x3a4: {  	v45 =	vor.u32 s1, v8  }
0x3a5: {  	v33 =	vor.u32 s1, v9;
	[tilespmem:v43+s28+$0x0] =	vst.idx.msk $0xffff, v34  }
0x3a6: {  	v34 =	vor.u32 s1, v10;
	[tilespmem:v44+s28+$0x0] =	vst.idx.msk $0xffff, v35;
	v42 =	vor.u32 v42, v32  }
0x3a7: {  	v35 =	vor.u32 s1, v11;
	[tilespmem:v41+s28+$0x0] =	vst.idx.msk $0xffff, v36;
	v36 =	vor.u32 v19, v42  }
0x3a8: {  	v43 =	vor.u32 v20, v42  }
0x3a9: {  	v41 =	vld.idx.msk [tilespmem:v45+s20+$0x0], $0xffff;
	v44 =	vor.u32 v21, v42  }
0x3aa: {  	v33 =	vld.idx.msk [tilespmem:v33+s20+$0x0], $0xffff  }
0x3ab: {  	v34 =	vld.idx.msk [tilespmem:v34+s20+$0x0], $0xffff;
	v42 =	vor.u32 v22, v42  }
0x3ac: {  	v45 =	vor.u32 s1, v12;
	v35 =	vld.idx.msk [tilespmem:v35+s20+$0x0], $0xffff;
	[tilespmem:v36+s28+$0x0] =	vst.idx.msk $0xffff, v40  }
0x3ad: {  	[tilespmem:v43+s28+$0x0] =	vst.idx.msk $0xffff, v38  }
0x3ae: {  	[tilespmem:v44+s28+$0x0] =	vst.idx.msk $0xffff, v39;
	v44 =	vld [tilespmem:$0x1F380];
	_ =	sdelay $0x1  }
0x3af: {  	[tilespmem:v42+s28+$0x0] =	vst.idx.msk $0xffff, v37  }
0x3b0: {  	v42 =	vld.idx.msk [tilespmem:v45+s20+$0x0], $0xffff  }
0x3b1: {  	v36 =	vor.u32 s1, v13;
	v45 =	vld [tilespmem:$0x1F3F0]  }
0x3b2: {  	v38 =	vor.u32 s1, v14;
	v40 =	vor.u32 v44, v32  }
0x3b3: {  	v39 =	vor.u32 s1, v23;
	v37 =	vor.u32 v15, v40  }
0x3b4: {  	v43 =	vor.u32 v16, v40  }
0x3b5: {  	v44 =	vor.u32 v17, v40  }
0x3b6: {  	v36 =	vld.idx.msk [tilespmem:v36+s20+$0x0], $0xffff;
	v40 =	vor.u32 v18, v40;
	v32 =	vor.u32 v45, v32  }
0x3b7: {  	v38 =	vld.idx.msk [tilespmem:v38+s20+$0x0], $0xffff;
	v45 =	vor.u32 v19, v32  }
0x3b8: {  	v39 =	vld.idx.msk [tilespmem:v39+s20+$0x0], $0xffff;
	[tilespmem:v37+s28+$0x0] =	vst.idx.msk $0xffff, v41;
	v41 =	vor.u32 v20, v32  }
0x3b9: {  	[tilespmem:v43+s28+$0x0] =	vst.idx.msk $0xffff, v33;
	v43 =	vor.u32 v21, v32  }
0x3ba: {  	p2 =	sne.s32 s1, $0x70;
	v32 =	vor.u32 v22, v32;
	[tilespmem:v44+s28+$0x0] =	vst.idx.msk $0xffff, v34  }
.Ltmp7:
0x3bb: {  	[tilespmem:v40+s28+$0x0] =	vst.idx.msk $0xffff, v35;
	(pc) =	sbr.rel @p2 .LBB2_8-.Ltmp7, $4  }
0x3bc: {  	[tilespmem:v45+s28+$0x0] =	vst.idx.msk $0xffff, v42  }
0x3bd: {  	[tilespmem:v41+s28+$0x0] =	vst.idx.msk $0xffff, v36  }
0x3be: {  	[tilespmem:v43+s28+$0x0] =	vst.idx.msk $0xffff, v38  }
0x3bf: {  	s3 =	sadd.s32 $0x8, s3;
	s1 =	sadd.s32 $0x10, s1;
	v34 =	vld [tilespmem:$0x1FDB0];
	[tilespmem:v32+s28+$0x0] =	vst.idx.msk $0xffff, v39  }
0x3c0: {  	[sflag:s24] =	ssyncadd.s32 $0x1  }
0x3c1: {  	_ =	swait.ge [sflag:s24], $0x1  }
0x3c2: {  	v58 =	vld [tilespmem:$0x1FF70]  }
0x3c3: {  	v39 =	vld [tilespmem:$0x1FF40]  }
0x3c4: {  	v59 =	vmov v49;
	v49 =	vld [tilespmem:$0x1FFA0]  }
0x3c5: {  	v35 =	vld [tilespmem:$0x1FF50]  }
0x3c6: {  	v55 =	vld [tilespmem:$0x1FFB0]  }
0x3c7: {  	v56 =	vld [tilespmem:$0x1FF80]  }
0x3c8: {  	v36 =	vmov v7;
	v7 =	vld [tilespmem:$0x1FF30]  }
0x3c9: {  	v33 =	vmov v10;
	v10 =	vld [tilespmem:$0x1FF60]  }
0x3ca: {  	v38 =	vmov v3;
	v3 =	vmov v11;
	v11 =	vld [tilespmem:$0x1FF90]  }
0x3cb: {  	v44 =	vmov v12;
	v12 =	vld [tilespmem:$0x1FFC0]  }
0x3cc: {  	s1 =	sshll.u32 s8, $0xA;
	v45 =	vmov v25;
	[sflag:s24] =	ssyncset.done $0x0;
	v25 =	vld [tilespmem:$0x1FFD0]  }
0x3cd: {  	v41 =	vmov v26;
	s1 =	sadd.s32 s6, s1;
	v26 =	vld [tilespmem:$0x1FFE0];
	[sflag:s24] =	ssyncadd.s32 $0xFFFFFFFF  }
0x3ce: {  	v40 =	vmov v0;
	v37 =	vmov v9;
	v43 =	vmov v27;
	v27 =	vld [tilespmem:$0x1FFF0];
	[hbm4b:s1+s4] =	stream.linear.scatter [tilespmem:s28], [sflag:$0x6], $0x2000, $0x38  }
.LBB2_10:
0x3cf: {  	s1 =	sadd.s32 s13, s16  }
0x3d0: {  	p2 =	sgt.u32 s1, $0x1E83  }
0x3d1: {  	s1 =	sshll.u32 @!p2 s1, $0x7;
	s3 =	simm.s32 @!p2 $0x400  }
0x3d2: {  	s7 =	simm.s32 @!p2 $0x7A1400;
	s8 =	simm.s32 @!p2 $0x2000;
	s1 =	sadd.s32 @!p2 s0, s1  }
0x3d3: {  	[tilespmem:s8], [sflag:$0x2] =	stream.strided.gather @!p2 [hbm4b:s1+s3], $0x2000, s7, s3, $0x38;
	[tilespmem:$0x10000] =	vst v63  }
0x3d4: {  	s8 =	sor.u32 $0x40, s17  }
0x3d5: {  	p2 =	sgt.u32 s8, $0x1E83  }
.Ltmp8:
0x3d6: {  	_ = 	snop;
	(pc) =	sbr.rel @p2 .LBB2_14-.Ltmp8, $1  }
0x3d7: {  	_ =	sdelay $0x3  }
0x3d8: {  	_ =	swait.ge [sflag:s29], $0x2000  }
0x3d9: {  	[sflag:s29] =	ssyncset.done $0x0  }
0x3da: {  	s1 =	simm.s32 @!p1 $0x7;
	[sflag:s29] =	ssyncadd.s32 $0xFFFFE000  }
0x3db: {  	_ =	swait.ge @!p1 [sflag:s1], $0x2000  }
0x3dc: {  	[sflag:s1] =	ssyncset.done @!p1 $0x0  }
0x3dd: {  	[sflag:s1] =	ssyncadd.s32 @!p1 $0xFFFFE000  }
0x3de: {  	[sflag:s24] =	ssyncadd.s32 $0x1  }
0x3df: {  	_ =	swait.ge [sflag:s24], $0x1  }
0x3e0: {  	v28 =	vld [tilespmem:$0x1F420]  }
0x3e1: {  	v57 =	vld [tilespmem:$0x1F430]  }
0x3e2: {  	v58 =	vld [tilespmem:$0x1F440]  }
0x3e3: {  	v32 =	vmov v59;
	v59 =	vld [tilespmem:$0x1F450]  }
0x3e4: {  	v7 =	vmov v36;
	v60 =	vld [tilespmem:$0x1F460]  }
0x3e5: {  	v9 =	vmovc v37;
	v10 =	vmovc v33;
	v11 =	vmov v3;
	v12 =	vmov v44;
	v25 =	vmov v45;
	[sflag:s24] =	ssyncset.done $0x0;
	v55 =	vld [tilespmem:$0x1FD30]  }
0x3e6: {  	s3 =	simm.s32 $0x0;
	v26 =	vmovc v41;
	v27 =	vmovc v43;
	v3 =	vmov v38;
	v0 =	vmov v40;
	v49 =	vmov v32;
	s1 =	simm.s32 $0x0;
	v56 =	vld [tilespmem:$0x1FD40];
	[sflag:s24] =	ssyncadd.s32 $0xFFFFFFFF  }
.LBB2_12:
0x3e7: {  	_ =	sdelay $0x1  }
0x3e8: {  	v33 =	vor.u32 s1, v25;
	v36 =	vld [tilespmem:$0x1FB50]  }
0x3e9: {  	v43 =	vor.u32 s1, v26;
	v44 =	vld [tilespmem:$0x1FB60]  }
0x3ea: {  	v39 =	vld [tilespmem:$0x1FB70];
	v32 =	vor.u32 s1, v34  }
0x3eb: {  	v35 =	vor.u32 s1, v27;
	v40 =	vld [tilespmem:$0x1FB80];
	_ =	sdelay $0x1  }
0x3ec: {  	v36 =	vor.u32 s1, v36;
	v33 =	vld.idx.msk [tilespmem:v33+s21+$0x0], $0xffff  }
0x3ed: {  	v45 =	vmov s3;
	v38 =	vor.u32 s1, v44;
	v34 =	vld.idx.msk [tilespmem:v43+s21+$0x0], $0xffff  }
0x3ee: {  	v39 =	vor.u32 s1, v39;
	v37 =	vld.idx.msk [tilespmem:v32+s21+$0x0], $0xffff;
	v32 =	vshll.u32 v45, $0x7  }
0x3ef: {  	v40 =	vor.u32 s1, v40;
	v35 =	vld.idx.msk [tilespmem:v35+s21+$0x0], $0xffff;
	v41 =	vor.u32 v24, v32  }
0x3f0: {  	v45 =	vld [tilespmem:$0x1FB90];
	v42 =	vor.u32 v15, v41  }
0x3f1: {  	v36 =	vld.idx.msk [tilespmem:v36+s21+$0x0], $0xffff;
	v43 =	vor.u32 v16, v41  }
0x3f2: {  	v38 =	vld.idx.msk [tilespmem:v38+s21+$0x0], $0xffff;
	v44 =	vor.u32 v17, v41  }
0x3f3: {  	v39 =	vld.idx.msk [tilespmem:v39+s21+$0x0], $0xffff  }
0x3f4: {  	v40 =	vld.idx.msk [tilespmem:v40+s21+$0x0], $0xffff  }
0x3f5: {  	[tilespmem:v42+s30+$0x0] =	vst.idx.msk $0xffff, v37;
	v42 =	vld [tilespmem:$0x1FBA0]  }
0x3f6: {  	[tilespmem:v43+s30+$0x0] =	vst.idx.msk $0xffff, v33;
	v43 =	vld [tilespmem:$0x1FBB0]  }
0x3f7: {  	[tilespmem:v44+s30+$0x0] =	vst.idx.msk $0xffff, v34;
	v44 =	vld [tilespmem:$0x1FBC0]  }
0x3f8: {  	v41 =	vor.u32 v18, v41  }
0x3f9: {  	v45 =	vor.u32 s1, v45  }
0x3fa: {  	v37 =	vor.u32 s1, v42  }
0x3fb: {  	v33 =	vor.u32 s1, v43  }
0x3fc: {  	v42 =	vor.u32 v60, v32;
	v34 =	vor.u32 s1, v44  }
0x3fd: {  	[tilespmem:v41+s30+$0x0] =	vst.idx.msk $0xffff, v35;
	v35 =	vor.u32 v19, v42  }
0x3fe: {  	v41 =	vld.idx.msk [tilespmem:v45+s21+$0x0], $0xffff;
	v43 =	vor.u32 v20, v42  }
0x3ff: {  	v37 =	vld.idx.msk [tilespmem:v37+s21+$0x0], $0xffff  }
0x400: {  	v33 =	vld.idx.msk [tilespmem:v33+s21+$0x0], $0xffff  }
0x401: {  	v34 =	vld.idx.msk [tilespmem:v34+s21+$0x0], $0xffff  }
0x402: {  	v44 =	vor.u32 v21, v42;
	[tilespmem:v35+s30+$0x0] =	vst.idx.msk $0xffff, v36;
	v36 =	vld [tilespmem:$0x1FF50]  }
0x403: {  	[tilespmem:v43+s30+$0x0] =	vst.idx.msk $0xffff, v38;
	v43 =	vld [tilespmem:$0x1FF60]  }
0x404: {  	v45 =	vld [tilespmem:$0x1FBD0];
	_ =	sdelay $0x2  }
0x405: {  	[tilespmem:v44+s30+$0x0] =	vst.idx.msk $0xffff, v39;
	v44 =	vld [tilespmem:$0x1F3E0]  }
0x406: {  	v42 =	vor.u32 v22, v42;
	v35 =	vor.u32 s1, v36;
	v36 =	vor.u32 s1, v43;
	v43 =	vld [tilespmem:$0x1FF70]  }
0x407: {  	v45 =	vor.u32 s1, v45;
	_ =	sdelay $0x3  }
0x408: {  	[tilespmem:v42+s30+$0x0] =	vst.idx.msk $0xffff, v40;
	v39 =	vor.u32 v44, v32;
	v38 =	vor.u32 s1, v43  }
0x409: {  	v42 =	vld.idx.msk [tilespmem:v45+s21+$0x0], $0xffff;
	v40 =	vor.u32 v15, v39  }
0x40a: {  	v45 =	vld [tilespmem:$0x1FBE0]  }
0x40b: {  	v35 =	vld.idx.msk [tilespmem:v35+s21+$0x0], $0xffff;
	v43 =	vor.u32 v16, v39  }
0x40c: {  	v36 =	vld.idx.msk [tilespmem:v36+s21+$0x0], $0xffff  }
0x40d: {  	v38 =	vld.idx.msk [tilespmem:v38+s21+$0x0], $0xffff  }
0x40e: {  	[tilespmem:v40+s30+$0x0] =	vst.idx.msk $0xffff, v41;
	v40 =	vld [tilespmem:$0x1FF80]  }
0x40f: {  	v44 =	vor.u32 v17, v39;
	v41 =	vld [tilespmem:$0x1FFA0]  }
0x410: {  	[tilespmem:v43+s30+$0x0] =	vst.idx.msk $0xffff, v37;
	v43 =	vld [tilespmem:$0x1FF90]  }
0x411: {  	v39 =	vor.u32 v18, v39  }
0x412: {  	v45 =	vor.u32 s1, v45  }
0x413: {  	v40 =	vor.u32 s1, v40  }
0x414: {  	[tilespmem:v44+s30+$0x0] =	vst.idx.msk $0xffff, v33;
	v33 =	vor.u32 s1, v41  }
0x415: {  	v41 =	vor.u32 v59, v32;
	v37 =	vor.u32 s1, v43  }
0x416: {  	[tilespmem:v39+s30+$0x0] =	vst.idx.msk $0xffff, v34;
	v34 =	vor.u32 v19, v41  }
0x417: {  	v39 =	vld.idx.msk [tilespmem:v45+s21+$0x0], $0xffff  }
0x418: {  	v40 =	vld.idx.msk [tilespmem:v40+s21+$0x0], $0xffff  }
0x419: {  	v33 =	vld.idx.msk [tilespmem:v33+s21+$0x0], $0xffff  }
0x41a: {  	v37 =	vld.idx.msk [tilespmem:v37+s21+$0x0], $0xffff  }
0x41b: {  	[tilespmem:v34+s30+$0x0] =	vst.idx.msk $0xffff, v42;
	v42 =	vld [tilespmem:$0x1FBF0];
	_ =	sdelay $0x3  }
0x41c: {  	v43 =	vor.u32 v20, v41  }
0x41d: {  	v44 =	vor.u32 v21, v41;
	v34 =	vor.u32 s1, v42;
	v42 =	vld [tilespmem:$0x1FFC0]  }
0x41e: {  	v45 =	vld [tilespmem:$0x1FFB0];
	_ =	sdelay $0x2  }
0x41f: {  	[tilespmem:v43+s30+$0x0] =	vst.idx.msk $0xffff, v35;
	v43 =	vld [tilespmem:$0x1FC00]  }
0x420: {  	v41 =	vor.u32 v22, v41;
	[tilespmem:v44+s30+$0x0] =	vst.idx.msk $0xffff, v36;
	v36 =	vor.u32 s1, v42;
	v42 =	vld [tilespmem:$0x1F3D0]  }
0x421: {  	v45 =	vor.u32 s1, v45;
	_ =	sdelay $0x2  }
0x422: {  	v35 =	vor.u32 s1, v43  }
0x423: {  	[tilespmem:v41+s30+$0x0] =	vst.idx.msk $0xffff, v38;
	v42 =	vor.u32 v42, v32  }
0x424: {  	v41 =	vld.idx.msk [tilespmem:v45+s21+$0x0], $0xffff;
	v38 =	vor.u32 v15, v42  }
0x425: {  	v45 =	vld [tilespmem:$0x1FFD0];
	v43 =	vor.u32 v16, v42  }
0x426: {  	v34 =	vld.idx.msk [tilespmem:v34+s21+$0x0], $0xffff  }
0x427: {  	v35 =	vld.idx.msk [tilespmem:v35+s21+$0x0], $0xffff  }
0x428: {  	v36 =	vld.idx.msk [tilespmem:v36+s21+$0x0], $0xffff;
	v44 =	vor.u32 v17, v42  }
0x429: {  	[tilespmem:v38+s30+$0x0] =	vst.idx.msk $0xffff, v39;
	v38 =	vld [tilespmem:$0x1FFE0]  }
0x42a: {  	v42 =	vor.u32 v18, v42;
	[tilespmem:v43+s30+$0x0] =	vst.idx.msk $0xffff, v40;
	v43 =	vld [tilespmem:$0x1FFF0];
	_ =	sdelay $0x1  }
0x42b: {  	v45 =	vor.u32 s1, v45  }
0x42c: {  	[tilespmem:v44+s30+$0x0] =	vst.idx.msk $0xffff, v37;
	v37 =	vor.u32 s1, v29  }
0x42d: {  	v40 =	vor.u32 v58, v32;
	v38 =	vor.u32 s1, v38  }
0x42e: {  	[tilespmem:v42+s30+$0x0] =	vst.idx.msk $0xffff, v33;
	v33 =	vor.u32 v19, v40;
	v39 =	vor.u32 s1, v43  }
0x42f: {  	v43 =	vor.u32 v20, v40  }
0x430: {  	v44 =	vor.u32 v21, v40;
	v42 =	vld.idx.msk [tilespmem:v45+s21+$0x0], $0xffff  }
0x431: {  	v37 =	vld.idx.msk [tilespmem:v37+s21+$0x0], $0xffff  }
0x432: {  	v38 =	vld.idx.msk [tilespmem:v38+s21+$0x0], $0xffff  }
0x433: {  	v39 =	vld.idx.msk [tilespmem:v39+s21+$0x0], $0xffff;
	[tilespmem:v33+s30+$0x0] =	vst.idx.msk $0xffff, v41  }
0x434: {  	[tilespmem:v43+s30+$0x0] =	vst.idx.msk $0xffff, v34  }
0x435: {  	[tilespmem:v44+s30+$0x0] =	vst.idx.msk $0xffff, v35;
	v44 =	vld [tilespmem:$0x1F3C0]  }
0x436: {  	v40 =	vor.u32 v22, v40;
	v43 =	vld [tilespmem:$0x1FF30];
	_ =	sdelay $0x1  }
0x437: {  	v45 =	vor.u32 s1, v30  }
0x438: {  	v33 =	vor.u32 s1, v31  }
0x439: {  	v35 =	vor.u32 s1, v61;
	v41 =	vor.u32 v44, v32  }
0x43a: {  	[tilespmem:v40+s30+$0x0] =	vst.idx.msk $0xffff, v36;
	v34 =	vor.u32 s1, v43;
	v36 =	vor.u32 v15, v41  }
0x43b: {  	v43 =	vor.u32 v16, v41  }
0x43c: {  	v40 =	vld.idx.msk [tilespmem:v45+s21+$0x0], $0xffff  }
0x43d: {  	v33 =	vld.idx.msk [tilespmem:v33+s21+$0x0], $0xffff  }
0x43e: {  	v35 =	vld.idx.msk [tilespmem:v35+s21+$0x0], $0xffff  }
0x43f: {  	v44 =	vor.u32 v17, v41;
	v34 =	vld.idx.msk [tilespmem:v34+s21+$0x0], $0xffff;
	[tilespmem:v36+s30+$0x0] =	vst.idx.msk $0xffff, v42  }
0x440: {  	v41 =	vor.u32 v18, v41;
	[tilespmem:v43+s30+$0x0] =	vst.idx.msk $0xffff, v38;
	v43 =	vld [tilespmem:$0x1FF40]  }
0x441: {  	v45 =	vor.u32 s1, v62;
	_ =	sdelay $0x1  }
0x442: {  	v36 =	vor.u32 s1, v63  }
0x443: {  	v42 =	vor.u32 v57, v32;
	[tilespmem:v44+s30+$0x0] =	vst.idx.msk $0xffff, v39;
	v39 =	vor.u32 s1, v46  }
0x444: {  	[tilespmem:v41+s30+$0x0] =	vst.idx.msk $0xffff, v37;
	v37 =	vor.u32 v19, v42;
	v38 =	vor.u32 s1, v43  }
0x445: {  	v41 =	vld.idx.msk [tilespmem:v45+s21+$0x0], $0xffff;
	v43 =	vor.u32 v20, v42  }
0x446: {  	v44 =	vor.u32 v21, v42;
	v45 =	vld [tilespmem:$0x1FDC0]  }
0x447: {  	v36 =	vld.idx.msk [tilespmem:v36+s21+$0x0], $0xffff  }
0x448: {  	v39 =	vld.idx.msk [tilespmem:v39+s21+$0x0], $0xffff  }
0x449: {  	v38 =	vld.idx.msk [tilespmem:v38+s21+$0x0], $0xffff;
	[tilespmem:v37+s30+$0x0] =	vst.idx.msk $0xffff, v40  }
0x44a: {  	[tilespmem:v43+s30+$0x0] =	vst.idx.msk $0xffff, v33  }
0x44b: {  	[tilespmem:v44+s30+$0x0] =	vst.idx.msk $0xffff, v34;
	v44 =	vld [tilespmem:$0x1F3B0]  }
0x44c: {  	v42 =	vor.u32 v22, v42;
	_ =	sdelay $0x1  }
0x44d: {  	v45 =	vor.u32 s1, v45  }
0x44e: {  	v37 =	vor.u32 s1, v2  }
0x44f: {  	v33 =	vor.u32 s1, v47;
	v40 =	vor.u32 v44, v32  }
0x450: {  	v34 =	vor.u32 s1, v48;
	[tilespmem:v42+s30+$0x0] =	vst.idx.msk $0xffff, v35;
	v35 =	vor.u32 v15, v40  }
0x451: {  	v43 =	vor.u32 v16, v40  }
0x452: {  	v42 =	vld.idx.msk [tilespmem:v45+s21+$0x0], $0xffff;
	v44 =	vor.u32 v17, v40  }
0x453: {  	v37 =	vld.idx.msk [tilespmem:v37+s21+$0x0], $0xffff;
	v40 =	vor.u32 v18, v40  }
0x454: {  	v45 =	vor.u32 s1, v49;
	v33 =	vld.idx.msk [tilespmem:v33+s21+$0x0], $0xffff  }
0x455: {  	v34 =	vld.idx.msk [tilespmem:v34+s21+$0x0], $0xffff;
	[tilespmem:v35+s30+$0x0] =	vst.idx.msk $0xffff, v41;
	v35 =	vor.u32 s1, v50  }
0x456: {  	[tilespmem:v43+s30+$0x0] =	vst.idx.msk $0xffff, v36;
	v36 =	vor.u32 s1, v51  }
0x457: {  	v41 =	vor.u32 v28, v32;
	[tilespmem:v44+s30+$0x0] =	vst.idx.msk $0xffff, v38;
	v38 =	vor.u32 s1, v52  }
0x458: {  	[tilespmem:v40+s30+$0x0] =	vst.idx.msk $0xffff, v39;
	v39 =	vor.u32 v19, v41  }
0x459: {  	v40 =	vld.idx.msk [tilespmem:v45+s21+$0x0], $0xffff  }
0x45a: {  	v35 =	vld.idx.msk [tilespmem:v35+s21+$0x0], $0xffff  }
0x45b: {  	v36 =	vld.idx.msk [tilespmem:v36+s21+$0x0], $0xffff  }
0x45c: {  	v43 =	vor.u32 v20, v41;
	v38 =	vld.idx.msk [tilespmem:v38+s21+$0x0], $0xffff  }
0x45d: {  	v44 =	vor.u32 v21, v41;
	[tilespmem:v39+s30+$0x0] =	vst.idx.msk $0xffff, v42;
	v42 =	vld [tilespmem:$0x1F3A0]  }
0x45e: {  	v41 =	vor.u32 v22, v41  }
0x45f: {  	v45 =	vor.u32 s1, v53;
	_ =	sdelay $0x1  }
0x460: {  	v39 =	vor.u32 s1, v54;
	[tilespmem:v43+s30+$0x0] =	vst.idx.msk $0xffff, v37  }
0x461: {  	v37 =	vor.u32 s1, v55;
	[tilespmem:v44+s30+$0x0] =	vst.idx.msk $0xffff, v33;
	v42 =	vor.u32 v42, v32  }
0x462: {  	v33 =	vor.u32 s1, v56;
	[tilespmem:v41+s30+$0x0] =	vst.idx.msk $0xffff, v34;
	v34 =	vor.u32 v15, v42  }
0x463: {  	v41 =	vld.idx.msk [tilespmem:v45+s21+$0x0], $0xffff;
	v43 =	vor.u32 v16, v42  }
0x464: {  	v45 =	vld [tilespmem:$0x1FED0];
	v44 =	vor.u32 v17, v42  }
0x465: {  	v39 =	vld.idx.msk [tilespmem:v39+s21+$0x0], $0xffff  }
0x466: {  	v37 =	vld.idx.msk [tilespmem:v37+s21+$0x0], $0xffff  }
0x467: {  	v33 =	vld.idx.msk [tilespmem:v33+s21+$0x0], $0xffff;
	[tilespmem:v34+s30+$0x0] =	vst.idx.msk $0xffff, v40  }
0x468: {  	[tilespmem:v43+s30+$0x0] =	vst.idx.msk $0xffff, v35  }
0x469: {  	[tilespmem:v44+s30+$0x0] =	vst.idx.msk $0xffff, v36;
	v44 =	vld [tilespmem:$0x1F410]  }
0x46a: {  	v42 =	vor.u32 v18, v42;
	_ =	sdelay $0x1  }
0x46b: {  	v45 =	vor.u32 s1, v45  }
0x46c: {  	v34 =	vor.u32 s1, v0  }
0x46d: {  	v35 =	vor.u32 s1, v1;
	v40 =	vor.u32 v44, v32  }
0x46e: {  	v36 =	vor.u32 s1, v3;
	[tilespmem:v42+s30+$0x0] =	vst.idx.msk $0xffff, v38;
	v38 =	vor.u32 v19, v40  }
0x46f: {  	v43 =	vor.u32 v20, v40  }
0x470: {  	v42 =	vld.idx.msk [tilespmem:v45+s21+$0x0], $0xffff;
	v44 =	vor.u32 v21, v40  }
0x471: {  	v34 =	vld.idx.msk [tilespmem:v34+s21+$0x0], $0xffff  }
0x472: {  	v35 =	vld.idx.msk [tilespmem:v35+s21+$0x0], $0xffff  }
0x473: {  	v36 =	vld.idx.msk [tilespmem:v36+s21+$0x0], $0xffff;
	[tilespmem:v38+s30+$0x0] =	vst.idx.msk $0xffff, v41  }
0x474: {  	[tilespmem:v43+s30+$0x0] =	vst.idx.msk $0xffff, v39  }
0x475: {  	[tilespmem:v44+s30+$0x0] =	vst.idx.msk $0xffff, v37;
	v44 =	vld [tilespmem:$0x1F390]  }
0x476: {  	v40 =	vor.u32 v22, v40  }
0x477: {  	v45 =	vor.u32 s1, v4  }
0x478: {  	v38 =	vor.u32 s1, v5  }
0x479: {  	v39 =	vor.u32 s1, v6  }
0x47a: {  	v37 =	vor.u32 s1, v7;
	v41 =	vor.u32 v44, v32  }
0x47b: {  	[tilespmem:v40+s30+$0x0] =	vst.idx.msk $0xffff, v33;
	v33 =	vor.u32 v15, v41  }
0x47c: {  	v40 =	vld.idx.msk [tilespmem:v45+s21+$0x0], $0xffff  }
0x47d: {  	v38 =	vld.idx.msk [tilespmem:v38+s21+$0x0], $0xffff  }
0x47e: {  	v39 =	vld.idx.msk [tilespmem:v39+s21+$0x0], $0xffff  }
0x47f: {  	v37 =	vld.idx.msk [tilespmem:v37+s21+$0x0], $0xffff;
	v43 =	vor.u32 v16, v41  }
0x480: {  	v44 =	vor.u32 v17, v41;
	[tilespmem:v33+s30+$0x0] =	vst.idx.msk $0xffff, v42;
	v42 =	vld [tilespmem:$0x1F400]  }
0x481: {  	v41 =	vor.u32 v18, v41;
	_ =	sdelay $0x1  }
0x482: {  	v45 =	vor.u32 s1, v8  }
0x483: {  	v33 =	vor.u32 s1, v9;
	[tilespmem:v43+s30+$0x0] =	vst.idx.msk $0xffff, v34  }
0x484: {  	v34 =	vor.u32 s1, v10;
	[tilespmem:v44+s30+$0x0] =	vst.idx.msk $0xffff, v35;
	v42 =	vor.u32 v42, v32  }
0x485: {  	v35 =	vor.u32 s1, v11;
	[tilespmem:v41+s30+$0x0] =	vst.idx.msk $0xffff, v36;
	v36 =	vor.u32 v19, v42  }
0x486: {  	v43 =	vor.u32 v20, v42  }
0x487: {  	v41 =	vld.idx.msk [tilespmem:v45+s21+$0x0], $0xffff;
	v44 =	vor.u32 v21, v42  }
0x488: {  	v33 =	vld.idx.msk [tilespmem:v33+s21+$0x0], $0xffff  }
0x489: {  	v34 =	vld.idx.msk [tilespmem:v34+s21+$0x0], $0xffff;
	v42 =	vor.u32 v22, v42  }
0x48a: {  	v45 =	vor.u32 s1, v12;
	v35 =	vld.idx.msk [tilespmem:v35+s21+$0x0], $0xffff;
	[tilespmem:v36+s30+$0x0] =	vst.idx.msk $0xffff, v40  }
0x48b: {  	[tilespmem:v43+s30+$0x0] =	vst.idx.msk $0xffff, v38  }
0x48c: {  	[tilespmem:v44+s30+$0x0] =	vst.idx.msk $0xffff, v39;
	v44 =	vld [tilespmem:$0x1F380];
	_ =	sdelay $0x1  }
0x48d: {  	[tilespmem:v42+s30+$0x0] =	vst.idx.msk $0xffff, v37  }
0x48e: {  	v42 =	vld.idx.msk [tilespmem:v45+s21+$0x0], $0xffff  }
0x48f: {  	v36 =	vor.u32 s1, v13;
	v45 =	vld [tilespmem:$0x1F3F0]  }
0x490: {  	v38 =	vor.u32 s1, v14;
	v40 =	vor.u32 v44, v32  }
0x491: {  	v39 =	vor.u32 s1, v23;
	v37 =	vor.u32 v15, v40  }
0x492: {  	v43 =	vor.u32 v16, v40  }
0x493: {  	v44 =	vor.u32 v17, v40  }
0x494: {  	v36 =	vld.idx.msk [tilespmem:v36+s21+$0x0], $0xffff;
	v40 =	vor.u32 v18, v40;
	v32 =	vor.u32 v45, v32  }
0x495: {  	v38 =	vld.idx.msk [tilespmem:v38+s21+$0x0], $0xffff;
	v45 =	vor.u32 v19, v32  }
0x496: {  	v39 =	vld.idx.msk [tilespmem:v39+s21+$0x0], $0xffff;
	[tilespmem:v37+s30+$0x0] =	vst.idx.msk $0xffff, v41;
	v41 =	vor.u32 v20, v32  }
0x497: {  	[tilespmem:v43+s30+$0x0] =	vst.idx.msk $0xffff, v33;
	v43 =	vor.u32 v21, v32  }
0x498: {  	p2 =	sne.s32 s1, $0x70;
	v32 =	vor.u32 v22, v32;
	[tilespmem:v44+s30+$0x0] =	vst.idx.msk $0xffff, v34  }
.Ltmp9:
0x499: {  	[tilespmem:v40+s30+$0x0] =	vst.idx.msk $0xffff, v35;
	(pc) =	sbr.rel @p2 .LBB2_12-.Ltmp9, $4  }
0x49a: {  	[tilespmem:v45+s30+$0x0] =	vst.idx.msk $0xffff, v42  }
0x49b: {  	[tilespmem:v41+s30+$0x0] =	vst.idx.msk $0xffff, v36  }
0x49c: {  	[tilespmem:v43+s30+$0x0] =	vst.idx.msk $0xffff, v38  }
0x49d: {  	s3 =	sadd.s32 $0x8, s3;
	s1 =	sadd.s32 $0x10, s1;
	v34 =	vld [tilespmem:$0x1FDB0];
	[tilespmem:v32+s30+$0x0] =	vst.idx.msk $0xffff, v39  }
0x49e: {  	[sflag:s24] =	ssyncadd.s32 $0x1  }
0x49f: {  	_ =	swait.ge [sflag:s24], $0x1  }
0x4a0: {  	v58 =	vld [tilespmem:$0x1FF70]  }
0x4a1: {  	v39 =	vld [tilespmem:$0x1FF40]  }
0x4a2: {  	v59 =	vmov v49;
	v49 =	vld [tilespmem:$0x1FFA0]  }
0x4a3: {  	v35 =	vld [tilespmem:$0x1FF50]  }
0x4a4: {  	v55 =	vld [tilespmem:$0x1FFB0]  }
0x4a5: {  	v56 =	vld [tilespmem:$0x1FF80]  }
0x4a6: {  	v36 =	vmov v7;
	v7 =	vld [tilespmem:$0x1FF30]  }
0x4a7: {  	v33 =	vmov v10;
	v10 =	vld [tilespmem:$0x1FF60]  }
0x4a8: {  	v38 =	vmov v3;
	v3 =	vmov v11;
	v11 =	vld [tilespmem:$0x1FF90]  }
0x4a9: {  	v44 =	vmov v12;
	v12 =	vld [tilespmem:$0x1FFC0]  }
0x4aa: {  	s1 =	sshll.u32 s8, $0xA;
	v45 =	vmov v25;
	[sflag:s24] =	ssyncset.done $0x0;
	v25 =	vld [tilespmem:$0x1FFD0]  }
0x4ab: {  	v41 =	vmov v26;
	s1 =	sadd.s32 s6, s1;
	v26 =	vld [tilespmem:$0x1FFE0];
	[sflag:s24] =	ssyncadd.s32 $0xFFFFFFFF  }
0x4ac: {  	v40 =	vmov v0;
	v37 =	vmov v9;
	v43 =	vmov v27;
	v27 =	vld [tilespmem:$0x1FFF0];
	[hbm4b:s1+s4] =	stream.linear.scatter [tilespmem:s30], [sflag:$0x7], $0x2000, $0x38  }
.LBB2_14:
0x4ad: {  	s1 =	sadd.s32 s14, s16  }
0x4ae: {  	p2 =	sgt.u32 s1, $0x1E83  }
0x4af: {  	s1 =	sshll.u32 @!p2 s1, $0x7;
	s3 =	simm.s32 @!p2 $0x400  }
0x4b0: {  	s7 =	simm.s32 @!p2 $0x7A1400;
	s8 =	simm.s32 @!p2 $0x4000;
	s1 =	sadd.s32 @!p2 s0, s1  }
0x4b1: {  	[tilespmem:s8], [sflag:$0x3] =	stream.strided.gather @!p2 [hbm4b:s1+s3], $0x2000, s7, s3, $0x38;
	[tilespmem:$0x10000] =	vst v63  }
0x4b2: {  	s8 =	sor.u32 $0x60, s17  }
0x4b3: {  	p2 =	sgt.u32 s8, $0x1E83  }
.Ltmp10:
0x4b4: {  	_ = 	snop;
	(pc) =	sbr.rel @p2 .LBB2_18-.Ltmp10, $1  }
0x4b5: {  	_ =	sdelay $0x3  }
0x4b6: {  	_ =	swait.ge [sflag:s31], $0x2000  }
0x4b7: {  	[sflag:s31] =	ssyncset.done $0x0  }
0x4b8: {  	s1 =	simm.s32 @!p1 $0x8;
	[sflag:s31] =	ssyncadd.s32 $0xFFFFE000  }
0x4b9: {  	_ =	swait.ge @!p1 [sflag:s1], $0x2000  }
0x4ba: {  	[sflag:s1] =	ssyncset.done @!p1 $0x0  }
0x4bb: {  	[sflag:s1] =	ssyncadd.s32 @!p1 $0xFFFFE000  }
0x4bc: {  	[sflag:s24] =	ssyncadd.s32 $0x1  }
0x4bd: {  	_ =	swait.ge [sflag:s24], $0x1  }
0x4be: {  	v28 =	vld [tilespmem:$0x1F420]  }
0x4bf: {  	v57 =	vld [tilespmem:$0x1F430]  }
0x4c0: {  	v58 =	vld [tilespmem:$0x1F440]  }
0x4c1: {  	v32 =	vmov v59;
	v59 =	vld [tilespmem:$0x1F450]  }
0x4c2: {  	v7 =	vmov v36;
	v60 =	vld [tilespmem:$0x1F460]  }
0x4c3: {  	v9 =	vmovc v37;
	v10 =	vmovc v33;
	v11 =	vmov v3;
	v12 =	vmov v44;
	v25 =	vmov v45;
	[sflag:s24] =	ssyncset.done $0x0;
	v55 =	vld [tilespmem:$0x1FD30]  }
0x4c4: {  	s3 =	simm.s32 $0x0;
	v26 =	vmovc v41;
	v27 =	vmovc v43;
	v3 =	vmov v38;
	v0 =	vmov v40;
	v49 =	vmov v32;
	s1 =	simm.s32 $0x0;
	v56 =	vld [tilespmem:$0x1FD40];
	[sflag:s24] =	ssyncadd.s32 $0xFFFFFFFF  }
.LBB2_16:
0x4c5: {  	_ =	sdelay $0x1  }
0x4c6: {  	v33 =	vor.u32 s1, v25;
	v36 =	vld [tilespmem:$0x1FB50]  }
0x4c7: {  	v43 =	vor.u32 s1, v26;
	v44 =	vld [tilespmem:$0x1FB60]  }
0x4c8: {  	v39 =	vld [tilespmem:$0x1FB70];
	v32 =	vor.u32 s1, v34  }
0x4c9: {  	v35 =	vor.u32 s1, v27;
	v40 =	vld [tilespmem:$0x1FB80];
	_ =	sdelay $0x1  }
0x4ca: {  	v36 =	vor.u32 s1, v36;
	v33 =	vld.idx.msk [tilespmem:v33+s22+$0x0], $0xffff  }
0x4cb: {  	v45 =	vmov s3;
	v38 =	vor.u32 s1, v44;
	v34 =	vld.idx.msk [tilespmem:v43+s22+$0x0], $0xffff  }
0x4cc: {  	v39 =	vor.u32 s1, v39;
	v37 =	vld.idx.msk [tilespmem:v32+s22+$0x0], $0xffff;
	v32 =	vshll.u32 v45, $0x7  }
0x4cd: {  	v40 =	vor.u32 s1, v40;
	v35 =	vld.idx.msk [tilespmem:v35+s22+$0x0], $0xffff;
	v41 =	vor.u32 v24, v32  }
0x4ce: {  	v45 =	vld [tilespmem:$0x1FB90];
	v42 =	vor.u32 v15, v41  }
0x4cf: {  	v36 =	vld.idx.msk [tilespmem:v36+s22+$0x0], $0xffff;
	v43 =	vor.u32 v16, v41  }
0x4d0: {  	v38 =	vld.idx.msk [tilespmem:v38+s22+$0x0], $0xffff;
	v44 =	vor.u32 v17, v41  }
0x4d1: {  	v39 =	vld.idx.msk [tilespmem:v39+s22+$0x0], $0xffff  }
0x4d2: {  	v40 =	vld.idx.msk [tilespmem:v40+s22+$0x0], $0xffff  }
0x4d3: {  	[tilespmem:v42+s2+$0x0] =	vst.idx.msk $0xffff, v37;
	v42 =	vld [tilespmem:$0x1FBA0]  }
0x4d4: {  	[tilespmem:v43+s2+$0x0] =	vst.idx.msk $0xffff, v33;
	v43 =	vld [tilespmem:$0x1FBB0]  }
0x4d5: {  	[tilespmem:v44+s2+$0x0] =	vst.idx.msk $0xffff, v34;
	v44 =	vld [tilespmem:$0x1FBC0]  }
0x4d6: {  	v41 =	vor.u32 v18, v41  }
0x4d7: {  	v45 =	vor.u32 s1, v45  }
0x4d8: {  	v37 =	vor.u32 s1, v42  }
0x4d9: {  	v33 =	vor.u32 s1, v43  }
0x4da: {  	v42 =	vor.u32 v60, v32;
	v34 =	vor.u32 s1, v44  }
0x4db: {  	[tilespmem:v41+s2+$0x0] =	vst.idx.msk $0xffff, v35;
	v35 =	vor.u32 v19, v42  }
0x4dc: {  	v41 =	vld.idx.msk [tilespmem:v45+s22+$0x0], $0xffff;
	v43 =	vor.u32 v20, v42  }
0x4dd: {  	v37 =	vld.idx.msk [tilespmem:v37+s22+$0x0], $0xffff  }
0x4de: {  	v33 =	vld.idx.msk [tilespmem:v33+s22+$0x0], $0xffff  }
0x4df: {  	v34 =	vld.idx.msk [tilespmem:v34+s22+$0x0], $0xffff  }
0x4e0: {  	v44 =	vor.u32 v21, v42;
	[tilespmem:v35+s2+$0x0] =	vst.idx.msk $0xffff, v36;
	v36 =	vld [tilespmem:$0x1FF50]  }
0x4e1: {  	[tilespmem:v43+s2+$0x0] =	vst.idx.msk $0xffff, v38;
	v43 =	vld [tilespmem:$0x1FF60]  }
0x4e2: {  	v45 =	vld [tilespmem:$0x1FBD0];
	_ =	sdelay $0x2  }
0x4e3: {  	[tilespmem:v44+s2+$0x0] =	vst.idx.msk $0xffff, v39;
	v44 =	vld [tilespmem:$0x1F3E0]  }
0x4e4: {  	v42 =	vor.u32 v22, v42;
	v35 =	vor.u32 s1, v36;
	v36 =	vor.u32 s1, v43;
	v43 =	vld [tilespmem:$0x1FF70]  }
0x4e5: {  	v45 =	vor.u32 s1, v45;
	_ =	sdelay $0x3  }
0x4e6: {  	[tilespmem:v42+s2+$0x0] =	vst.idx.msk $0xffff, v40;
	v39 =	vor.u32 v44, v32;
	v38 =	vor.u32 s1, v43  }
0x4e7: {  	v42 =	vld.idx.msk [tilespmem:v45+s22+$0x0], $0xffff;
	v40 =	vor.u32 v15, v39  }
0x4e8: {  	v45 =	vld [tilespmem:$0x1FBE0]  }
0x4e9: {  	v35 =	vld.idx.msk [tilespmem:v35+s22+$0x0], $0xffff;
	v43 =	vor.u32 v16, v39  }
0x4ea: {  	v36 =	vld.idx.msk [tilespmem:v36+s22+$0x0], $0xffff  }
0x4eb: {  	v38 =	vld.idx.msk [tilespmem:v38+s22+$0x0], $0xffff  }
0x4ec: {  	[tilespmem:v40+s2+$0x0] =	vst.idx.msk $0xffff, v41;
	v40 =	vld [tilespmem:$0x1FF80]  }
0x4ed: {  	v44 =	vor.u32 v17, v39;
	v41 =	vld [tilespmem:$0x1FFA0]  }
0x4ee: {  	[tilespmem:v43+s2+$0x0] =	vst.idx.msk $0xffff, v37;
	v43 =	vld [tilespmem:$0x1FF90]  }
0x4ef: {  	v39 =	vor.u32 v18, v39  }
0x4f0: {  	v45 =	vor.u32 s1, v45  }
0x4f1: {  	v40 =	vor.u32 s1, v40  }
0x4f2: {  	[tilespmem:v44+s2+$0x0] =	vst.idx.msk $0xffff, v33;
	v33 =	vor.u32 s1, v41  }
0x4f3: {  	v41 =	vor.u32 v59, v32;
	v37 =	vor.u32 s1, v43  }
0x4f4: {  	[tilespmem:v39+s2+$0x0] =	vst.idx.msk $0xffff, v34;
	v34 =	vor.u32 v19, v41  }
0x4f5: {  	v39 =	vld.idx.msk [tilespmem:v45+s22+$0x0], $0xffff  }
0x4f6: {  	v40 =	vld.idx.msk [tilespmem:v40+s22+$0x0], $0xffff  }
0x4f7: {  	v33 =	vld.idx.msk [tilespmem:v33+s22+$0x0], $0xffff  }
0x4f8: {  	v37 =	vld.idx.msk [tilespmem:v37+s22+$0x0], $0xffff  }
0x4f9: {  	[tilespmem:v34+s2+$0x0] =	vst.idx.msk $0xffff, v42;
	v42 =	vld [tilespmem:$0x1FBF0];
	_ =	sdelay $0x3  }
0x4fa: {  	v43 =	vor.u32 v20, v41  }
0x4fb: {  	v44 =	vor.u32 v21, v41;
	v34 =	vor.u32 s1, v42;
	v42 =	vld [tilespmem:$0x1FFC0]  }
0x4fc: {  	v45 =	vld [tilespmem:$0x1FFB0];
	_ =	sdelay $0x2  }
0x4fd: {  	[tilespmem:v43+s2+$0x0] =	vst.idx.msk $0xffff, v35;
	v43 =	vld [tilespmem:$0x1FC00]  }
0x4fe: {  	v41 =	vor.u32 v22, v41;
	[tilespmem:v44+s2+$0x0] =	vst.idx.msk $0xffff, v36;
	v36 =	vor.u32 s1, v42;
	v42 =	vld [tilespmem:$0x1F3D0]  }
0x4ff: {  	v45 =	vor.u32 s1, v45;
	_ =	sdelay $0x2  }
0x500: {  	v35 =	vor.u32 s1, v43  }
0x501: {  	[tilespmem:v41+s2+$0x0] =	vst.idx.msk $0xffff, v38;
	v42 =	vor.u32 v42, v32  }
0x502: {  	v41 =	vld.idx.msk [tilespmem:v45+s22+$0x0], $0xffff;
	v38 =	vor.u32 v15, v42  }
0x503: {  	v45 =	vld [tilespmem:$0x1FFD0];
	v43 =	vor.u32 v16, v42  }
0x504: {  	v34 =	vld.idx.msk [tilespmem:v34+s22+$0x0], $0xffff  }
0x505: {  	v35 =	vld.idx.msk [tilespmem:v35+s22+$0x0], $0xffff  }
0x506: {  	v36 =	vld.idx.msk [tilespmem:v36+s22+$0x0], $0xffff;
	v44 =	vor.u32 v17, v42  }
0x507: {  	[tilespmem:v38+s2+$0x0] =	vst.idx.msk $0xffff, v39;
	v38 =	vld [tilespmem:$0x1FFE0]  }
0x508: {  	v42 =	vor.u32 v18, v42;
	[tilespmem:v43+s2+$0x0] =	vst.idx.msk $0xffff, v40;
	v43 =	vld [tilespmem:$0x1FFF0];
	_ =	sdelay $0x1  }
0x509: {  	v45 =	vor.u32 s1, v45  }
0x50a: {  	[tilespmem:v44+s2+$0x0] =	vst.idx.msk $0xffff, v37;
	v37 =	vor.u32 s1, v29  }
0x50b: {  	v40 =	vor.u32 v58, v32;
	v38 =	vor.u32 s1, v38  }
0x50c: {  	[tilespmem:v42+s2+$0x0] =	vst.idx.msk $0xffff, v33;
	v33 =	vor.u32 v19, v40;
	v39 =	vor.u32 s1, v43  }
0x50d: {  	v43 =	vor.u32 v20, v40  }
0x50e: {  	v44 =	vor.u32 v21, v40;
	v42 =	vld.idx.msk [tilespmem:v45+s22+$0x0], $0xffff  }
0x50f: {  	v37 =	vld.idx.msk [tilespmem:v37+s22+$0x0], $0xffff  }
0x510: {  	v38 =	vld.idx.msk [tilespmem:v38+s22+$0x0], $0xffff  }
0x511: {  	v39 =	vld.idx.msk [tilespmem:v39+s22+$0x0], $0xffff;
	[tilespmem:v33+s2+$0x0] =	vst.idx.msk $0xffff, v41  }
0x512: {  	[tilespmem:v43+s2+$0x0] =	vst.idx.msk $0xffff, v34  }
0x513: {  	[tilespmem:v44+s2+$0x0] =	vst.idx.msk $0xffff, v35;
	v44 =	vld [tilespmem:$0x1F3C0]  }
0x514: {  	v40 =	vor.u32 v22, v40;
	v43 =	vld [tilespmem:$0x1FF30];
	_ =	sdelay $0x1  }
0x515: {  	v45 =	vor.u32 s1, v30  }
0x516: {  	v33 =	vor.u32 s1, v31  }
0x517: {  	v35 =	vor.u32 s1, v61;
	v41 =	vor.u32 v44, v32  }
0x518: {  	[tilespmem:v40+s2+$0x0] =	vst.idx.msk $0xffff, v36;
	v34 =	vor.u32 s1, v43;
	v36 =	vor.u32 v15, v41  }
0x519: {  	v43 =	vor.u32 v16, v41  }
0x51a: {  	v40 =	vld.idx.msk [tilespmem:v45+s22+$0x0], $0xffff  }
0x51b: {  	v33 =	vld.idx.msk [tilespmem:v33+s22+$0x0], $0xffff  }
0x51c: {  	v35 =	vld.idx.msk [tilespmem:v35+s22+$0x0], $0xffff  }
0x51d: {  	v44 =	vor.u32 v17, v41;
	v34 =	vld.idx.msk [tilespmem:v34+s22+$0x0], $0xffff;
	[tilespmem:v36+s2+$0x0] =	vst.idx.msk $0xffff, v42  }
0x51e: {  	v41 =	vor.u32 v18, v41;
	[tilespmem:v43+s2+$0x0] =	vst.idx.msk $0xffff, v38;
	v43 =	vld [tilespmem:$0x1FF40]  }
0x51f: {  	v45 =	vor.u32 s1, v62;
	_ =	sdelay $0x1  }
0x520: {  	v36 =	vor.u32 s1, v63  }
0x521: {  	v42 =	vor.u32 v57, v32;
	[tilespmem:v44+s2+$0x0] =	vst.idx.msk $0xffff, v39;
	v39 =	vor.u32 s1, v46  }
0x522: {  	[tilespmem:v41+s2+$0x0] =	vst.idx.msk $0xffff, v37;
	v37 =	vor.u32 v19, v42;
	v38 =	vor.u32 s1, v43  }
0x523: {  	v41 =	vld.idx.msk [tilespmem:v45+s22+$0x0], $0xffff;
	v43 =	vor.u32 v20, v42  }
0x524: {  	v44 =	vor.u32 v21, v42;
	v45 =	vld [tilespmem:$0x1FDC0]  }
0x525: {  	v36 =	vld.idx.msk [tilespmem:v36+s22+$0x0], $0xffff  }
0x526: {  	v39 =	vld.idx.msk [tilespmem:v39+s22+$0x0], $0xffff  }
0x527: {  	v38 =	vld.idx.msk [tilespmem:v38+s22+$0x0], $0xffff;
	[tilespmem:v37+s2+$0x0] =	vst.idx.msk $0xffff, v40  }
0x528: {  	[tilespmem:v43+s2+$0x0] =	vst.idx.msk $0xffff, v33  }
0x529: {  	[tilespmem:v44+s2+$0x0] =	vst.idx.msk $0xffff, v34;
	v44 =	vld [tilespmem:$0x1F3B0]  }
0x52a: {  	v42 =	vor.u32 v22, v42;
	_ =	sdelay $0x1  }
0x52b: {  	v45 =	vor.u32 s1, v45  }
0x52c: {  	v37 =	vor.u32 s1, v2  }
0x52d: {  	v33 =	vor.u32 s1, v47;
	v40 =	vor.u32 v44, v32  }
0x52e: {  	v34 =	vor.u32 s1, v48;
	[tilespmem:v42+s2+$0x0] =	vst.idx.msk $0xffff, v35;
	v35 =	vor.u32 v15, v40  }
0x52f: {  	v43 =	vor.u32 v16, v40  }
0x530: {  	v42 =	vld.idx.msk [tilespmem:v45+s22+$0x0], $0xffff;
	v44 =	vor.u32 v17, v40  }
0x531: {  	v37 =	vld.idx.msk [tilespmem:v37+s22+$0x0], $0xffff;
	v40 =	vor.u32 v18, v40  }
0x532: {  	v45 =	vor.u32 s1, v49;
	v33 =	vld.idx.msk [tilespmem:v33+s22+$0x0], $0xffff  }
0x533: {  	v34 =	vld.idx.msk [tilespmem:v34+s22+$0x0], $0xffff;
	[tilespmem:v35+s2+$0x0] =	vst.idx.msk $0xffff, v41;
	v35 =	vor.u32 s1, v50  }
0x534: {  	[tilespmem:v43+s2+$0x0] =	vst.idx.msk $0xffff, v36;
	v36 =	vor.u32 s1, v51  }
0x535: {  	v41 =	vor.u32 v28, v32;
	[tilespmem:v44+s2+$0x0] =	vst.idx.msk $0xffff, v38;
	v38 =	vor.u32 s1, v52  }
0x536: {  	[tilespmem:v40+s2+$0x0] =	vst.idx.msk $0xffff, v39;
	v39 =	vor.u32 v19, v41  }
0x537: {  	v40 =	vld.idx.msk [tilespmem:v45+s22+$0x0], $0xffff  }
0x538: {  	v35 =	vld.idx.msk [tilespmem:v35+s22+$0x0], $0xffff  }
0x539: {  	v36 =	vld.idx.msk [tilespmem:v36+s22+$0x0], $0xffff  }
0x53a: {  	v43 =	vor.u32 v20, v41;
	v38 =	vld.idx.msk [tilespmem:v38+s22+$0x0], $0xffff  }
0x53b: {  	v44 =	vor.u32 v21, v41;
	[tilespmem:v39+s2+$0x0] =	vst.idx.msk $0xffff, v42;
	v42 =	vld [tilespmem:$0x1F3A0]  }
0x53c: {  	v41 =	vor.u32 v22, v41  }
0x53d: {  	v45 =	vor.u32 s1, v53;
	_ =	sdelay $0x1  }
0x53e: {  	v39 =	vor.u32 s1, v54;
	[tilespmem:v43+s2+$0x0] =	vst.idx.msk $0xffff, v37  }
0x53f: {  	v37 =	vor.u32 s1, v55;
	[tilespmem:v44+s2+$0x0] =	vst.idx.msk $0xffff, v33;
	v42 =	vor.u32 v42, v32  }
0x540: {  	v33 =	vor.u32 s1, v56;
	[tilespmem:v41+s2+$0x0] =	vst.idx.msk $0xffff, v34;
	v34 =	vor.u32 v15, v42  }
0x541: {  	v41 =	vld.idx.msk [tilespmem:v45+s22+$0x0], $0xffff;
	v43 =	vor.u32 v16, v42  }
0x542: {  	v45 =	vld [tilespmem:$0x1FED0];
	v44 =	vor.u32 v17, v42  }
0x543: {  	v39 =	vld.idx.msk [tilespmem:v39+s22+$0x0], $0xffff  }
0x544: {  	v37 =	vld.idx.msk [tilespmem:v37+s22+$0x0], $0xffff  }
0x545: {  	v33 =	vld.idx.msk [tilespmem:v33+s22+$0x0], $0xffff;
	[tilespmem:v34+s2+$0x0] =	vst.idx.msk $0xffff, v40  }
0x546: {  	[tilespmem:v43+s2+$0x0] =	vst.idx.msk $0xffff, v35  }
0x547: {  	[tilespmem:v44+s2+$0x0] =	vst.idx.msk $0xffff, v36;
	v44 =	vld [tilespmem:$0x1F410]  }
0x548: {  	v42 =	vor.u32 v18, v42;
	_ =	sdelay $0x1  }
0x549: {  	v45 =	vor.u32 s1, v45  }
0x54a: {  	v34 =	vor.u32 s1, v0  }
0x54b: {  	v35 =	vor.u32 s1, v1;
	v40 =	vor.u32 v44, v32  }
0x54c: {  	v36 =	vor.u32 s1, v3;
	[tilespmem:v42+s2+$0x0] =	vst.idx.msk $0xffff, v38;
	v38 =	vor.u32 v19, v40  }
0x54d: {  	v43 =	vor.u32 v20, v40  }
0x54e: {  	v42 =	vld.idx.msk [tilespmem:v45+s22+$0x0], $0xffff;
	v44 =	vor.u32 v21, v40  }
0x54f: {  	v34 =	vld.idx.msk [tilespmem:v34+s22+$0x0], $0xffff  }
0x550: {  	v35 =	vld.idx.msk [tilespmem:v35+s22+$0x0], $0xffff  }
0x551: {  	v36 =	vld.idx.msk [tilespmem:v36+s22+$0x0], $0xffff;
	[tilespmem:v38+s2+$0x0] =	vst.idx.msk $0xffff, v41  }
0x552: {  	[tilespmem:v43+s2+$0x0] =	vst.idx.msk $0xffff, v39  }
0x553: {  	[tilespmem:v44+s2+$0x0] =	vst.idx.msk $0xffff, v37;
	v44 =	vld [tilespmem:$0x1F390]  }
0x554: {  	v40 =	vor.u32 v22, v40  }
0x555: {  	v45 =	vor.u32 s1, v4  }
0x556: {  	v38 =	vor.u32 s1, v5  }
0x557: {  	v39 =	vor.u32 s1, v6  }
0x558: {  	v37 =	vor.u32 s1, v7;
	v41 =	vor.u32 v44, v32  }
0x559: {  	[tilespmem:v40+s2+$0x0] =	vst.idx.msk $0xffff, v33;
	v33 =	vor.u32 v15, v41  }
0x55a: {  	v40 =	vld.idx.msk [tilespmem:v45+s22+$0x0], $0xffff  }
0x55b: {  	v38 =	vld.idx.msk [tilespmem:v38+s22+$0x0], $0xffff  }
0x55c: {  	v39 =	vld.idx.msk [tilespmem:v39+s22+$0x0], $0xffff  }
0x55d: {  	v37 =	vld.idx.msk [tilespmem:v37+s22+$0x0], $0xffff;
	v43 =	vor.u32 v16, v41  }
0x55e: {  	v44 =	vor.u32 v17, v41;
	[tilespmem:v33+s2+$0x0] =	vst.idx.msk $0xffff, v42;
	v42 =	vld [tilespmem:$0x1F400]  }
0x55f: {  	v41 =	vor.u32 v18, v41;
	_ =	sdelay $0x1  }
0x560: {  	v45 =	vor.u32 s1, v8  }
0x561: {  	v33 =	vor.u32 s1, v9;
	[tilespmem:v43+s2+$0x0] =	vst.idx.msk $0xffff, v34  }
0x562: {  	v34 =	vor.u32 s1, v10;
	[tilespmem:v44+s2+$0x0] =	vst.idx.msk $0xffff, v35;
	v42 =	vor.u32 v42, v32  }
0x563: {  	v35 =	vor.u32 s1, v11;
	[tilespmem:v41+s2+$0x0] =	vst.idx.msk $0xffff, v36;
	v36 =	vor.u32 v19, v42  }
0x564: {  	v43 =	vor.u32 v20, v42  }
0x565: {  	v41 =	vld.idx.msk [tilespmem:v45+s22+$0x0], $0xffff;
	v44 =	vor.u32 v21, v42  }
0x566: {  	v33 =	vld.idx.msk [tilespmem:v33+s22+$0x0], $0xffff  }
0x567: {  	v34 =	vld.idx.msk [tilespmem:v34+s22+$0x0], $0xffff;
	v42 =	vor.u32 v22, v42  }
0x568: {  	v45 =	vor.u32 s1, v12;
	v35 =	vld.idx.msk [tilespmem:v35+s22+$0x0], $0xffff;
	[tilespmem:v36+s2+$0x0] =	vst.idx.msk $0xffff, v40  }
0x569: {  	[tilespmem:v43+s2+$0x0] =	vst.idx.msk $0xffff, v38  }
0x56a: {  	[tilespmem:v44+s2+$0x0] =	vst.idx.msk $0xffff, v39;
	v44 =	vld [tilespmem:$0x1F380];
	_ =	sdelay $0x1  }
0x56b: {  	[tilespmem:v42+s2+$0x0] =	vst.idx.msk $0xffff, v37  }
0x56c: {  	v42 =	vld.idx.msk [tilespmem:v45+s22+$0x0], $0xffff  }
0x56d: {  	v36 =	vor.u32 s1, v13;
	v45 =	vld [tilespmem:$0x1F3F0]  }
0x56e: {  	v38 =	vor.u32 s1, v14;
	v40 =	vor.u32 v44, v32  }
0x56f: {  	v39 =	vor.u32 s1, v23;
	v37 =	vor.u32 v15, v40  }
0x570: {  	v43 =	vor.u32 v16, v40  }
0x571: {  	v44 =	vor.u32 v17, v40  }
0x572: {  	v36 =	vld.idx.msk [tilespmem:v36+s22+$0x0], $0xffff;
	v40 =	vor.u32 v18, v40;
	v32 =	vor.u32 v45, v32  }
0x573: {  	v38 =	vld.idx.msk [tilespmem:v38+s22+$0x0], $0xffff;
	v45 =	vor.u32 v19, v32  }
0x574: {  	v39 =	vld.idx.msk [tilespmem:v39+s22+$0x0], $0xffff;
	[tilespmem:v37+s2+$0x0] =	vst.idx.msk $0xffff, v41;
	v41 =	vor.u32 v20, v32  }
0x575: {  	[tilespmem:v43+s2+$0x0] =	vst.idx.msk $0xffff, v33;
	v43 =	vor.u32 v21, v32  }
0x576: {  	p1 =	sne.s32 s1, $0x70;
	v32 =	vor.u32 v22, v32;
	[tilespmem:v44+s2+$0x0] =	vst.idx.msk $0xffff, v34  }
.Ltmp11:
0x577: {  	[tilespmem:v40+s2+$0x0] =	vst.idx.msk $0xffff, v35;
	(pc) =	sbr.rel @p1 .LBB2_16-.Ltmp11, $4  }
0x578: {  	[tilespmem:v45+s2+$0x0] =	vst.idx.msk $0xffff, v42  }
0x579: {  	[tilespmem:v41+s2+$0x0] =	vst.idx.msk $0xffff, v36  }
0x57a: {  	[tilespmem:v43+s2+$0x0] =	vst.idx.msk $0xffff, v38  }
0x57b: {  	s3 =	sadd.s32 $0x8, s3;
	s1 =	sadd.s32 $0x10, s1;
	v34 =	vld [tilespmem:$0x1FDB0];
	[tilespmem:v32+s2+$0x0] =	vst.idx.msk $0xffff, v39  }
0x57c: {  	[sflag:s24] =	ssyncadd.s32 $0x1  }
0x57d: {  	_ =	swait.ge [sflag:s24], $0x1  }
0x57e: {  	v58 =	vld [tilespmem:$0x1FF70]  }
0x57f: {  	v39 =	vld [tilespmem:$0x1FF40]  }
0x580: {  	v59 =	vmov v49;
	v49 =	vld [tilespmem:$0x1FFA0]  }
0x581: {  	v35 =	vld [tilespmem:$0x1FF50]  }
0x582: {  	v55 =	vld [tilespmem:$0x1FFB0]  }
0x583: {  	v56 =	vld [tilespmem:$0x1FF80]  }
0x584: {  	v36 =	vmov v7;
	v7 =	vld [tilespmem:$0x1FF30]  }
0x585: {  	v33 =	vmov v10;
	v10 =	vld [tilespmem:$0x1FF60]  }
.Ltmp12:
0x586: {  	v38 =	vmov v3;
	v3 =	vmov v11;
	v11 =	vld [tilespmem:$0x1FF90];
	(pc) =	sbr.rel .LBB2_18-.Ltmp12, $4  }
0x587: {  	v44 =	vmov v12;
	v12 =	vld [tilespmem:$0x1FFC0]  }
0x588: {  	s1 =	sshll.u32 s8, $0xA;
	v45 =	vmov v25;
	[sflag:s24] =	ssyncset.done $0x0;
	v25 =	vld [tilespmem:$0x1FFD0]  }
0x589: {  	v41 =	vmov v26;
	s1 =	sadd.s32 s6, s1;
	v26 =	vld [tilespmem:$0x1FFE0];
	[sflag:s24] =	ssyncadd.s32 $0xFFFFFFFF  }
0x58a: {  	v40 =	vmov v0;
	v37 =	vmov v9;
	v43 =	vmov v27;
	v27 =	vld [tilespmem:$0x1FFF0];
	[hbm4b:s1+s4] =	stream.linear.scatter [tilespmem:s2], [sflag:$0x8], $0x2000, $0x38  }
.LBB2_20:
0x58b: {  	_ =	sfence.sel $0x180000  }
0x58c: {  	[bflag:$0x0] =	sbarrier.arrive $0xFFFF  }
0x58d: {  	_ =	strace $0x90000047  }
0x58e: {  	s0 =	stileid.u32;
	[bflag:$0x2] =	sbarrier.arrive $0xFFFF  }
0x58f: {  	p0 =	sne.s32 s0, $0x0;
	s0 =	rddreg [dreg:$0x3]  }
0x590: {  	s0 =	sadd.s32 @!p0 $0x100000, s0  }
0x591: {  	[sflag:s0] =	ssyncadd.tile.s32 @!p0 $0x1;
	_ =	shalt  }
.Lfunc_end2:
_tile_overlayer_lowered:
.L_overlay_start_2:
0x592: {  	(tag) =	ssettag $0x2  }
0x593: {  	s0 =	rddreg [dreg:$0x0];
	s2 =	stileid.u32  }
0x594: {  	s1 =	rddreg [dreg:$0x1];
	p0 =	sne.s32 s2, $0x0  }
0x595: {  	s3 =	rddreg [dreg:$0x2];
	[bflag:$0x3] =	sbarrier.arrive $0xFFFF;
	s2 =	simm.s32 @!p0 $0x1C0A  }
0x596: {  	[timem:s3], [sflag:s2] =	dma.local @!p0 [hbm:s0], s1  }
0x597: {  	s0 =	simm.s32 @!p0 $0xA  }
0x598: {  	_ =	swait.ge @!p0 [sflag:s0], s1  }
0x599: {  	s1 =	ssub.s32 @!p0 $0x0, s1;
	[sflag:s0] =	ssyncset.done @!p0 $0x0  }
0x59a: {  	[sflag:s0] =	ssyncadd.s32 @!p0 s1  }
0x59b: {  	[bflag:$0x3] =	sbarrier.arrive $0xFFFF  }
0x59c: {  	_ =	shalt  }

// kernel: _embed_lookup.7.cloned.1.call-start
scs
__scs_entry_jumppad:
0x0: {  	(pc) =	sbr.rel $0x88, $3  }
0x1: {  	(tag) =	ssettag $0x0;
	lr =	simm.s32 $0x1  }
0x2: {  	[smem:$0x3F9E] =	sst lr;
	_ =	strace $0xD0000000  }
0x3: {  	_ = 	snop  }
0x4: {  	_ = 	snop  }
0x5: {  	_ = 	snop  }
0x6: {  	_ = 	snop  }
0x7: {  	_ = 	snop  }
__scs_overlays_trampoline_lowered:
0x8: {  	[smem:$0x3FAD] =	sst s0  }
0x9: {  	[smem:$0x3FAE] =	sst s1  }
0xa: {  	[smem:$0x3FAF] =	sst s2  }
0xb: {  	[smem:$0x3FB0] =	sst s3  }
0xc: {  	[smem:$0x3FB1] =	sst s4  }
0xd: {  	[smem:$0x3FB2] =	sst s5  }
0xe: {  	[smem:$0x3FB3] =	sst s6  }
0xf: {  	[smem:$0x3FB4] =	sst s7  }
0x10: {  	[smem:$0x3FB5] =	sst s8  }
0x11: {  	[smem:$0x3FB6] =	sst s9;
	s0 =	simm.s32 @!p0 $0x0  }
0x12: {  	s1 =	sld [smem:$0x3F9C];
	s0 =	simm.s32 @p0 $0x1  }
0x13: {  	[smem:$0x3FB7] =	sst s0;
	s0 =	simm.s32 @!p1 $0x0  }
0x14: {  	s2 =	sld [smem:$0x3F9B];
	s0 =	simm.s32 @p1 $0x1  }
0x15: {  	[smem:$0x3FB8] =	sst s0;
	s0 =	simm.s32 @!p2 $0x0  }
0x16: {  	s3 =	sld [smem:$0x3FDB];
	s0 =	simm.s32 @p2 $0x1  }
0x17: {  	s4 =	simm.s32 $0x1BF5;
	[smem:$0x3FBA] =	sst s0  }
0x18: {  	s0 =	sld [smem:$0x3F9D];
	_ =	swait.ge [sflag:s4], $0x0  }
0x19: {  	s7 =	sld [smem:$0x3F9E]  }
0x1a: {  	s8 =	sadd.s32 $0xFFFFE003, lr  }
0x1b: {  	s9 =	sadd.s32 $0xFFFFFEF7, lr;
	s5 =	simm.s32 $0xFFFFFFFF;
	p2 =	slt.u32 s8, $0xFFFFF086  }
0x1c: {  	p1 =	slt.u32 s9, $0xF7A;
	s5 =	simm.s32 @!p2 $0x0  }
0x1d: {  	s5 =	simm.s32 @p1 $0x1;
	p0 =	seq.s32 s7, s2  }
0x1e: {  	s7 =	smul.u32 @!p0 $0xF7A, s2;
	p2 =	seq.s32 @!p0 s5, $0x0  }
0x1f: {  	s9 =	smul.u32 $0xF7A, s1;
	s8 =	simm.s32 @!p0 $0x1BF5;
	p2 =	por !p2, p0  }
0x20: {  	[sflag:s8] =	ssyncset.s32 @!p0 $0xFFFFF086;
	s6 =	sadd.s32 @!p0 s3, s7;
	s7 =	simm.s32 @!p0 $0x108  }
0x21: {  	s3 =	sadd.s32 s3, s9;
	s6 =	sadd.s32 @!p0 $0x88, s6;
	s7 =	simm.s32 @p2 $0x1082  }
0x22: {  	[simem:s7], [sflag:s8] =	dma.local @!p0 [hbm:s6], $0xF7A  }
0x23: {  	s9 =	sor.u32 $0xD0000000, s2;
	s6 =	simm.s32 $0x108;
	_ =	swait.ge @!p0 [sflag:s8], $0x0  }
0x24: {  	s3 =	sadd.s32 $0x88, s3;
	s6 =	simm.s32 @!p1 $0x1082;
	[sflag:s4] =	ssyncset.s32 $0xFFFFF086  }
0x25: {  	[simem:s6], [sflag:s4] =	dma.local [hbm:s3], $0xF7A  }
0x26: {  	[smem:$0x3F9E] =	sst s1;
	(tag) =	ssettag s2;
	_ =	strace s9  }
0x27: {  	s1 =	sld [smem:$0x3FAE]  }
0x28: {  	s2 =	sld [smem:$0x3FAF]  }
0x29: {  	s4 =	sld [smem:$0x3FB1]  }
0x2a: {  	p0 =	seq.s32 s5, $0x0;
	s5 =	sld [smem:$0x3FB2]  }
0x2b: {  	s6 =	sld [smem:$0x3FB3]  }
0x2c: {  	s7 =	sld [smem:$0x3FB4]  }
0x2d: {  	s3 =	simm.s32 $0x108;
	s8 =	sld [smem:$0x3FB5]  }
0x2e: {  	s3 =	simm.s32 @!p0 $0x1082;
	s9 =	sld [smem:$0x3FB6]  }
0x2f: {  	lr =	sadd.s32 s0, s3;
	s0 =	sld [smem:$0x3FAD]  }
0x30: {  	s3 =	sld [smem:$0x3FB0]  }
0x31: {  	[smem:$0x3FB9] =	sst s10  }
0x32: {  	s10 =	sld [smem:$0x3FB7];
	_ =	sdelay $0x3  }
0x33: {  	p0 =	seq.s32 s10, $0x1;
	s10 =	sld [smem:$0x3FB9];
	_ =	sdelay $0x3  }
0x34: {  	[smem:$0x3FB9] =	sst s10  }
0x35: {  	s10 =	sld [smem:$0x3FB8];
	_ =	sdelay $0x3  }
0x36: {  	p1 =	seq.s32 s10, $0x1;
	s10 =	sld [smem:$0x3FB9];
	_ =	sdelay $0x3  }
0x37: {  	[smem:$0x3FB9] =	sst s10  }
0x38: {  	s10 =	sld [smem:$0x3FBA]  }
0x39: {  	_ = 	snop;
	(pc) =	sbr.ind lr, $3  }
0x3a: {  	_ = 	snop  }
0x3b: {  	_ = 	snop  }
0x3c: {  	p2 =	seq.s32 s10, $0x1;
	s10 =	sld [smem:$0x3FB9]  }
0x3d: {  	_ =	shalt  }
0x3e: {  	_ =	shalt  }
0x3f: {  	_ =	shalt  }
0x40: {  	_ =	shalt  }
0x41: {  	_ =	shalt  }
0x42: {  	_ =	shalt  }
0x43: {  	_ =	shalt  }
0x44: {  	_ =	shalt  }
0x45: {  	_ =	shalt  }
0x46: {  	_ =	shalt  }
0x47: {  	_ =	shalt  }
0x48: {  	_ =	shalt  }
0x49: {  	_ =	shalt  }
0x4a: {  	_ =	shalt  }
0x4b: {  	_ =	shalt  }
0x4c: {  	_ =	shalt  }
0x4d: {  	_ =	shalt  }
0x4e: {  	_ =	shalt  }
0x4f: {  	_ =	shalt  }
0x50: {  	_ =	shalt  }
0x51: {  	_ =	shalt  }
0x52: {  	_ =	shalt  }
0x53: {  	_ =	shalt  }
0x54: {  	_ =	shalt  }
0x55: {  	_ =	shalt  }
0x56: {  	_ =	shalt  }
0x57: {  	_ =	shalt  }
0x58: {  	_ =	shalt  }
0x59: {  	_ =	shalt  }
0x5a: {  	_ =	shalt  }
0x5b: {  	_ =	shalt  }
0x5c: {  	_ =	shalt  }
0x5d: {  	_ =	shalt  }
0x5e: {  	_ =	shalt  }
0x5f: {  	_ =	shalt  }
0x60: {  	_ =	shalt  }
0x61: {  	_ =	shalt  }
0x62: {  	_ =	shalt  }
0x63: {  	_ =	shalt  }
0x64: {  	_ =	shalt  }
0x65: {  	_ =	shalt  }
0x66: {  	_ =	shalt  }
0x67: {  	_ =	shalt  }
0x68: {  	_ =	shalt  }
0x69: {  	_ =	shalt  }
0x6a: {  	_ =	shalt  }
0x6b: {  	_ =	shalt  }
0x6c: {  	_ =	shalt  }
0x6d: {  	_ =	shalt  }
0x6e: {  	_ =	shalt  }
0x6f: {  	_ =	shalt  }
0x70: {  	_ =	shalt  }
0x71: {  	_ =	shalt  }
0x72: {  	_ =	shalt  }
0x73: {  	_ =	shalt  }
0x74: {  	_ =	shalt  }
0x75: {  	_ =	shalt  }
0x76: {  	_ =	shalt  }
0x77: {  	_ =	shalt  }
0x78: {  	_ =	shalt  }
0x79: {  	_ =	shalt  }
0x7a: {  	_ =	shalt  }
0x7b: {  	_ =	shalt  }
0x7c: {  	_ =	shalt  }
0x7d: {  	_ =	shalt  }
0x7e: {  	_ =	shalt  }
0x7f: {  	_ =	shalt  }
0x80: {  	_ =	shalt  }
0x81: {  	_ =	shalt  }
0x82: {  	_ =	shalt  }
0x83: {  	_ =	shalt  }
0x84: {  	_ =	shalt  }
0x85: {  	_ =	shalt  }
0x86: {  	_ =	shalt  }
0x87: {  	_ =	shalt  }
.Lfunc_end0:
.L_simem_size_0:
called_computation.2_lowered:
.L_overlay_start_0:
0x88: {  	s2 =	sld [smem:$0x3FD9]  }
0x89: {  	s3 =	sld [smem:$0x3FFE];
	_ =	sdelay $0x1  }
0x8a: {  	s1 =	srdreg.scid  }
0x8b: {  	s0 =	sand.u32 $0x1, s1  }
0x8c: {  	s17 =	sshll.u32 s0, $0xA;
	s2 =	sadd.s32 s3, s2  }
0x8d: {  	s2 =	sadd.s32 s2, s17  }
0x8e: {  	[smem:$0x3FC5] =	sst s2  }
0x8f: {  	_ = 	snop  }
0x90: {  	s2 =	sld [smem:$0x3FD0];
	(tm) =	ssettm $0x1  }
0x91: {  	s18 =	sld [smem:$0x3FFB];
	_ =	sdelay $0x3  }
0x92: {  	_ =	strace s18  }
0x93: {  	s3 =	sld [smem:$0x3FFC];
	_ =	sdelay $0x3  }
0x94: {  	_ =	strace s3  }
0x95: {  	s3 =	sld [smem:$0x3FFD];
	_ =	sdelay $0x3  }
0x96: {  	_ =	strace s3  }
0x97: {  	_ =	strace $0x8FFFFFFF  }
0x98: {  	s19 =	sld [smem:$0x3FDB];
	_ =	sdelay $0x1  }
0x99: {  	s4 =	simm.s32 $_scs_section_size  }
0x9a: {  	s5 =	simm.s32 $_size__tile_overlayer_lowered;
	s6 =	simm.s32 $_tile_overlayer_lowered  }
0x9b: {  	s22 =	simm.s32 $0x1BFF;
	s21 =	sshll.u32 s6, $0x1;
	s3 =	sadd.s32 s4, s19  }
0x9c: {  	s7 =	simm.s32 $0x0;
	s20 =	sshll.u32 s5, $0x1;
	s5 =	sadd.s32 s21, s3  }
0x9d: {  	[timem:s7], [sflag:s22] =	dma.local [hbm:s5], s20  }
0x9e: {  	_ =	swait.ge [sflag:s22], s20  }
0x9f: {  	s4 =	ssub.s32 $0x0, s20;
	[sflag:s22] =	ssyncset.done $0x0  }
0xa0: {  	[sflag:s22] =	ssyncadd.s32 s4;
	_ =	sdelay $0x1  }
0xa1: {  	s23 =	simm.s32 $0x1B8B  }
0xa2: {  	_ =	swait.ge [sflag:s23], $0x1  }
0xa3: {  	[sflag:s23] =	ssyncset.done $0x0  }
0xa4: {  	s25 =	simm.s32 $0x1B8E;
	s24 =	sld [smem:$0x3FFE];
	[sflag:s23] =	ssyncadd.s32 $0xFFFFFFFF  }
0xa5: {  	s26 =	simm.s32 $execute0_lowered;
	[smem:$0x3FD2] =	sst s25  }
0xa6: {  	s5 =	sshll.u32 s26, $0x1;
	_ =	strace $0x80000049;
	[dreg:$0x1] =	wrdreg $0xFFFFFFFF  }
0xa7: {  	s28 =	simm.s32 $_size_execute0_lowered;
	s3 =	sadd.s32 s3, s5;
	[dreg:$0x0] =	wrdreg $0x0  }
0xa8: {  	s5 =	sshll.u32 s28, $0x1;
	[dreg:$0x2] =	wrdreg s3  }
0xa9: {  	[dreg:$0x3] =	wrdreg s5  }
0xaa: {  	[dreg:$0x4] =	wrdreg $0xC0  }
0xab: {  	_ =	task [dreg:s7], $0x5FFFF  }
0xac: {  	[dreg:$0x1] =	wrdreg $0xFFFFFFFF  }
0xad: {  	[dreg:$0x0] =	wrdreg $0x60  }
0xae: {  	[dreg:$0x2] =	wrdreg s24  }
0xaf: {  	[dreg:$0x3] =	wrdreg s2  }
0xb0: {  	[dreg:$0x4] =	wrdreg $0x9  }
0xb1: {  	_ =	task.clear_ibuf [dreg:s7], $0x5FFFF;
	_ =	strace $0x90000049  }
0xb2: {  	s29 =	simm.s32 $0x9;
	_ =	strace $0x8000004B  }
0xb3: {  	_ =	swait.ge [sflag:s29], $0x1  }
0xb4: {  	[sflag:s29] =	ssyncadd.s32 $0xFFFFFFFF  }
0xb5: {  	_ =	strace $0x9000004B  }
0xb6: {  	_ =	sfence  }
0xb7: {  	s30 =	sld [smem:$0x0];
	_ =	sdelay $0x2  }
0xb8: {  	s31 =	sshll.u32 s1, $0xD;
	s1 =	sshrl.u32 s1, $0x2  }
0xb9: {  	s3 =	sand.u32 $0x4000, s31;
	s1 =	sadd.s32 s1, s30  }
0xba: {  	s0 =	sor.u32 s3, s0;
	s1 =	sshll.u32 s1, $0x11  }
0xbb: {  	s0 =	sor.u32 s1, s0  }
0xbc: {  	s0 =	sadd.s32 $0x8F2B, s0  }
0xbd: {  	[sflag:s0] =	ssyncadd.remote.s32 $0x1  }
0xbe: {  	_ =	sfence.sel $0xFFFF  }
0xbf: {  	[dreg:$0x0] =	wrdreg $0xFFFFFFFF;
	(pc) =	sbr.abs _section_cstart, $3  }
0xc0: {  	[dreg:$0x1] =	wrdreg $0xFFFFFFFF  }
0xc1: {  	_ =	task.clear_ibuf [dreg:s7], $0x2FFFF;
	_ =	strace $0x9FFFFFFF  }
0xc2: {  	(tm) =	ssettm $0x7FFFFFFF  }
0xc3: {  	_ =	shalt  }
tec
execute0_lowered:
.L_overlay_start_1:
0x0: {  	(tag) =	ssettag $0x1  }
0x1: {  	s1 =	srdreg.scid  }
0x2: {  	s0 =	stileid.u32;
	s4 =	rddreg [dreg:$0x0]  }
0x3: {  	s9 =	rddreg [dreg:$0x1];
	s2 =	simm.s32 $0x0;
	s13 =	simm.s32 $0xB400  }
0x4: {  	s14 =	simm.s32 $0x1;
	s15 =	simm.s32 $0x2;
	s10 =	smul.u32 $0x34, s0  }
0x5: {  	s16 =	simm.s32 $0x3200;
	s7 =	sand.u32 $0x1, s1;
	s30 =	smul.u32 $0x34000, s0  }
0x6: {  	s17 =	simm.s32 $0x0;
	s28 =	sshll.u32 s0, $0x1;
	s12 =	smul.u32 $0x1A, s7  }
0x7: {  	s1 =	rddreg [dreg:$0x2];
	s3 =	sor.u32 s7, s28;
	s31 =	smul.u32 $0x1A000, s7  }
0x8: {  	[smem:$0x7FF] =	sst s2;
	s8 =	ssub.s32 $0x2, s7;
	s5 =	smul.u32 $0x680, s3  }
0x9: {  	_ =	strace $0x8000004A;
	s6 =	smul.u32 $0xD0000, s3;
	s11 =	sshrl.u32 s8, $0x1  }
0xa: {  	s3 =	sadd.s32 $0xE00, s4;
	s8 =	ssub.s32 s8, s11;
	s10 =	sadd.s32 s12, s10  }
0xb: {  	s11 =	simm.s32 $0x200;
	s12 =	simm.s32 $0x3400;
	s4 =	sadd.s32 s5, s4  }
0xc: {  	s29 =	sshrl.u32 s6, $0x3;
	s10 =	sshll.u32 s10, $0xC;
	s7 =	smax.u32 s8, $0x1  }
0xd: {  	s4 =	sadd.s32 $0x7A2000, s4;
	s6 =	sadd.s32 s9, s29;
	s10 =	sadd.s32 s10, s9  }
0xe: {  	s9 =	sadd.s32 s30, s9;
	s5 =	sadd.s32 $0x18000, s6;
	s6 =	sadd.s32 $0x19000, s6  }
0xf: {  	s8 =	sadd.s32 $0x1000, s10;
	s9 =	sadd.s32 s31, s9;
	s10 =	simm.s32 $0x3  }
.LBB2_1:
0x10: {  	[tilespmem:s2], [sflag:$0x3] =	stream.linear.gather [hbm4b:s4+s2], $0x3400, $0x38;
	[tilespmem:$0x13400] =	vst v63  }
0x11: {  	_ =	swait.ge [sflag:s10], $0x3400  }
0x12: {  	[sflag:s10] =	ssyncset.done $0x0  }
0x13: {  	[sflag:s10] =	ssyncadd.s32 $0xFFFFCC00  }
0x14: {  	[tilespmem:s12], [sflag:$0x1] =	stream.indirect.gather [hbm4b:s3+s11], $0x40, s2, s11, $0xb8;
	[tilespmem:$0x13400] =	vst v63  }
0x15: {  	s18 =	simm.s32 $0x200  }
0x16: {  	[tilespmem:s13], [sflag:$0x2] =	stream.indirect.gather [hbm4b:s3+s11], $0x40, s18, s11, $0xb8;
	[tilespmem:$0x13400] =	vst v63  }
0x17: {  	_ =	swait.ge [sflag:s14], $0x8000  }
0x18: {  	[sflag:s14] =	ssyncset.done $0x0  }
0x19: {  	s29 =	sadd.s32 $0x0, s9;
	[sflag:s14] =	ssyncadd.s32 $0xFFFF8000  }
0x1a: {  	[hbm4b:s29+s2] =	stream.linear.scatter [tilespmem:s12], [sflag:$0x3], $0x8000, $0x38;
	[tilespmem:$0x13400] =	vst v63  }
0x1b: {  	_ =	swait.ge [sflag:s10], $0x8000  }
0x1c: {  	[sflag:s10] =	ssyncset.done $0x0  }
0x1d: {  	s30 =	simm.s32 $0x400;
	[sflag:s10] =	ssyncadd.s32 $0xFFFF8000  }
0x1e: {  	[tilespmem:s12], [sflag:$0x1] =	stream.indirect.gather [hbm4b:s3+s11], $0x40, s30, s11, $0xb8;
	[tilespmem:$0x13400] =	vst v63  }
0x1f: {  	_ =	swait.ge [sflag:s15], $0x8000  }
0x20: {  	[sflag:s15] =	ssyncset.done $0x0  }
0x21: {  	s31 =	sadd.s32 $0x0, s8;
	[sflag:s15] =	ssyncadd.s32 $0xFFFF8000  }
0x22: {  	[hbm4b:s31+s2] =	stream.linear.scatter [tilespmem:s13], [sflag:$0x3], $0x8000, $0x38;
	[tilespmem:$0x13400] =	vst v63  }
0x23: {  	s20 =	simm.s32 $0x4000;
	_ =	swait.ge [sflag:s10], $0x8000  }
0x24: {  	s19 =	simm.s32 $0x800;
	s18 =	simm.s32 $0x2000;
	[sflag:s10] =	ssyncset.done $0x0  }
.LBB2_2:
0x25: {  	p0 =	sne.s32 s20, $0x16000;
	s21 =	sadd.s32 $0xFFFFFE00, s19;
	[sflag:s10] =	ssyncadd.s32 $0xFFFF8000  }
0x26: {  	[tilespmem:s13], [sflag:$0x2] =	stream.indirect.gather [hbm4b:s3+s11], $0x40, s21, s11, $0xb8;
	[tilespmem:$0x13400] =	vst v63  }
0x27: {  	s21 =	smov.u32 s20;
	s20 =	sadd.s32 $0x2000, s20;
	_ =	swait.ge [sflag:s14], $0x8000  }
0x28: {  	[sflag:s14] =	ssyncset.done $0x0  }
0x29: {  	s22 =	sadd.s32 s18, s9;
	[sflag:s14] =	ssyncadd.s32 $0xFFFF8000  }
0x2a: {  	[hbm4b:s22+s2] =	stream.linear.scatter [tilespmem:s12], [sflag:$0x3], $0x8000, $0x38;
	[tilespmem:$0x13400] =	vst v63  }
0x2b: {  	_ =	swait.ge [sflag:s10], $0x8000  }
0x2c: {  	[sflag:s10] =	ssyncset.done $0x0  }
0x2d: {  	[sflag:s10] =	ssyncadd.s32 $0xFFFF8000  }
0x2e: {  	[tilespmem:s12], [sflag:$0x1] =	stream.indirect.gather [hbm4b:s3+s11], $0x40, s19, s11, $0xb8;
	[tilespmem:$0x13400] =	vst v63  }
0x2f: {  	_ =	swait.ge [sflag:s15], $0x8000  }
.Ltmp0:
0x30: {  	[sflag:s15] =	ssyncset.done $0x0;
	(pc) =	sbr.rel @p0 .LBB2_2-.Ltmp0, $4  }
0x31: {  	s22 =	sadd.s32 s18, s8;
	s18 =	smov.u32 s21;
	[sflag:s15] =	ssyncadd.s32 $0xFFFF8000  }
0x32: {  	[hbm4b:s22+s2] =	stream.linear.scatter [tilespmem:s13], [sflag:$0x3], $0x8000, $0x38;
	[tilespmem:$0x13400] =	vst v63  }
0x33: {  	_ =	swait.ge [sflag:s10], $0x8000  }
0x34: {  	s19 =	sadd.s32 $0x400, s19;
	[sflag:s10] =	ssyncset.done $0x0  }
0x35: {  	s20 =	sadd.s32 $0xFFFFFE00, s19;
	[sflag:s10] =	ssyncadd.s32 $0xFFFF8000  }
0x36: {  	[tilespmem:s13], [sflag:$0x2] =	stream.indirect.gather [hbm4b:s3+s11], $0x40, s20, s11, $0xb8;
	[tilespmem:$0x13400] =	vst v63  }
0x37: {  	_ =	swait.ge [sflag:s14], $0x8000  }
0x38: {  	[sflag:s14] =	ssyncset.done $0x0  }
0x39: {  	s30 =	sadd.s32 s18, s9;
	[sflag:s14] =	ssyncadd.s32 $0xFFFF8000  }
0x3a: {  	[hbm4b:s30+s2] =	stream.linear.scatter [tilespmem:s12], [sflag:$0x3], $0x8000, $0x38;
	[tilespmem:$0x13400] =	vst v63  }
0x3b: {  	_ =	swait.ge [sflag:s10], $0x8000  }
0x3c: {  	[sflag:s10] =	ssyncset.done $0x0  }
0x3d: {  	[sflag:s10] =	ssyncadd.s32 $0xFFFF8000  }
0x3e: {  	[tilespmem:s12], [sflag:$0x1] =	stream.indirect.gather [hbm4b:s3+s11], $0x40, s19, s11, $0xb8;
	[tilespmem:$0x13400] =	vst v63  }
0x3f: {  	_ =	swait.ge [sflag:s15], $0x8000  }
0x40: {  	[sflag:s15] =	ssyncset.done $0x0  }
0x41: {  	s31 =	sadd.s32 s18, s8;
	[sflag:s15] =	ssyncadd.s32 $0xFFFF8000  }
0x42: {  	[hbm4b:s31+s2] =	stream.linear.scatter [tilespmem:s13], [sflag:$0x3], $0x8000, $0x38;
	[tilespmem:$0x13400] =	vst v63  }
0x43: {  	_ =	swait.ge [sflag:s10], $0x8000  }
0x44: {  	[sflag:s10] =	ssyncset.done $0x0  }
0x45: {  	[sflag:s10] =	ssyncadd.s32 $0xFFFF8000  }
0x46: {  	[tilespmem:s13], [sflag:$0x2] =	stream.indirect.gather [hbm4b:s3+s11], $0x40, s16, s11, $0xb8;
	[tilespmem:$0x13400] =	vst v63  }
0x47: {  	_ =	swait.ge [sflag:s14], $0x8000  }
0x48: {  	[sflag:s14] =	ssyncset.done $0x0  }
0x49: {  	[sflag:s14] =	ssyncadd.s32 $0xFFFF8000  }
0x4a: {  	[hbm4b:s5+s2] =	stream.linear.scatter [tilespmem:s12], [sflag:$0x3], $0x8000, $0x38;
	[tilespmem:$0x13400] =	vst v63  }
0x4b: {  	_ =	swait.ge [sflag:s10], $0x8000  }
0x4c: {  	[sflag:s10] =	ssyncset.done $0x0  }
0x4d: {  	[sflag:s10] =	ssyncadd.s32 $0xFFFF8000  }
0x4e: {  	s17 =	sadd.s32 $0x1, s17;
	_ =	swait.ge [sflag:s15], $0x8000  }
0x4f: {  	p0 =	sne.s32 s17, s7;
	[sflag:s15] =	ssyncset.done $0x0  }
.Ltmp1:
0x50: {  	[sflag:s15] =	ssyncadd.s32 $0xFFFF8000;
	(pc) =	sbr.rel @p0 .LBB2_1-.Ltmp1, $4  }
0x51: {  	[hbm4b:s6+s2] =	stream.linear.scatter [tilespmem:s13], [sflag:$0x3], $0x8000, $0x38;
	[tilespmem:$0x13400] =	vst v63  }
0x52: {  	_ =	swait.ge [sflag:s10], $0x8000  }
0x53: {  	[sflag:s10] =	ssyncset.done $0x0  }
0x54: {  	[sflag:s10] =	ssyncadd.s32 $0xFFFF8000  }
0x55: {  	_ =	sfence.sel $0x180000  }
0x56: {  	[bflag:$0x0] =	sbarrier.arrive $0xFFFF  }
0x57: {  	p0 =	sne.s32 s0, $0x0;
	_ =	strace $0x9000004A  }
0x58: {  	s0 =	sadd.s32 @!p0 $0x100000, s1;
	[bflag:$0x2] =	sbarrier.arrive $0xFFFF  }
0x59: {  	[sflag:s0] =	ssyncadd.tile.s32 @!p0 $0x1;
	_ =	shalt  }
.Lfunc_end2:
_tile_overlayer_lowered:
.L_overlay_start_2:
0x5a: {  	(tag) =	ssettag $0x2  }
0x5b: {  	s0 =	rddreg [dreg:$0x0];
	s2 =	stileid.u32  }
0x5c: {  	s1 =	rddreg [dreg:$0x1];
	p0 =	sne.s32 s2, $0x0  }
0x5d: {  	s3 =	rddreg [dreg:$0x2];
	[bflag:$0x3] =	sbarrier.arrive $0xFFFF;
	s2 =	simm.s32 @!p0 $0x1C03  }
0x5e: {  	[timem:s3], [sflag:s2] =	dma.local @!p0 [hbm:s0], s1  }
0x5f: {  	s0 =	simm.s32 @!p0 $0x3  }
0x60: {  	_ =	swait.ge @!p0 [sflag:s0], s1  }
0x61: {  	s1 =	ssub.s32 @!p0 $0x0, s1;
	[sflag:s0] =	ssyncset.done @!p0 $0x0  }
0x62: {  	[sflag:s0] =	ssyncadd.s32 @!p0 s1  }
0x63: {  	[bflag:$0x3] =	sbarrier.arrive $0xFFFF  }
0x64: {  	_ =	shalt  }

// kernel: sparse-core-data-format-call.cloned.1.call-start
scs
called_computation_lowered:
.L_overlay_start_0:
0x0: {  	s2 =	sld [smem:$0x3FD9]  }
0x1: {  	s3 =	sld [smem:$0x3FFE];
	_ =	sdelay $0x1  }
0x2: {  	s1 =	srdreg.scid  }
0x3: {  	s0 =	sand.u32 $0x1, s1  }
0x4: {  	s18 =	sshll.u32 s0, $0xA;
	s2 =	sadd.s32 s3, s2  }
0x5: {  	s2 =	sadd.s32 s2, s18  }
0x6: {  	[smem:$0x3FC5] =	sst s2  }
0x7: {  	_ = 	snop  }
0x8: {  	s2 =	sld [smem:$0x3FD0];
	(tm) =	ssettm $0x1  }
0x9: {  	s19 =	sld [smem:$0x3FFB];
	_ =	sdelay $0x3  }
0xa: {  	_ =	strace s19  }
0xb: {  	s3 =	sld [smem:$0x3FFC];
	_ =	sdelay $0x3  }
0xc: {  	_ =	strace s3  }
0xd: {  	s3 =	sld [smem:$0x3FFD];
	_ =	sdelay $0x3  }
0xe: {  	_ =	strace s3  }
0xf: {  	_ =	strace $0x8FFFFFFF  }
0x10: {  	s20 =	sld [smem:$0x3FDB];
	_ =	sdelay $0x1  }
0x11: {  	s4 =	simm.s32 $_scs_section_size  }
0x12: {  	s5 =	simm.s32 $_size__tile_overlayer_lowered;
	s6 =	simm.s32 $_tile_overlayer_lowered  }
0x13: {  	s23 =	simm.s32 $0x1BFF;
	s22 =	sshll.u32 s6, $0x1;
	s3 =	sadd.s32 s4, s20  }
0x14: {  	s7 =	simm.s32 $0x0;
	s21 =	sshll.u32 s5, $0x1;
	s5 =	sadd.s32 s22, s3  }
0x15: {  	[timem:s7], [sflag:s23] =	dma.local [hbm:s5], s21  }
0x16: {  	_ =	swait.ge [sflag:s23], s21  }
0x17: {  	s4 =	ssub.s32 $0x0, s21;
	[sflag:s23] =	ssyncset.done $0x0  }
0x18: {  	[sflag:s23] =	ssyncadd.s32 s4;
	_ =	sdelay $0x1  }
0x19: {  	s24 =	simm.s32 $0x1B8B  }
0x1a: {  	_ =	swait.ge [sflag:s24], $0x1  }
0x1b: {  	[sflag:s24] =	ssyncset.done $0x0  }
0x1c: {  	s26 =	simm.s32 $0x1B8E;
	s25 =	sld [smem:$0x3FFE];
	[sflag:s24] =	ssyncadd.s32 $0xFFFFFFFF  }
0x1d: {  	s27 =	simm.s32 $execute0_lowered;
	[smem:$0x3FD2] =	sst s26  }
0x1e: {  	s5 =	sshll.u32 s27, $0x1;
	_ =	strace $0x8000004C;
	[dreg:$0x1] =	wrdreg $0xFFFFFFFF  }
0x1f: {  	s28 =	simm.s32 $_size_execute0_lowered;
	s3 =	sadd.s32 s3, s5;
	[dreg:$0x0] =	wrdreg $0x0  }
0x20: {  	s5 =	sshll.u32 s28, $0x1;
	[dreg:$0x2] =	wrdreg s3  }
0x21: {  	[dreg:$0x3] =	wrdreg s5  }
0x22: {  	[dreg:$0x4] =	wrdreg $0xC0  }
0x23: {  	_ =	task [dreg:s7], $0x5FFFF  }
0x24: {  	[dreg:$0x1] =	wrdreg $0xFFFFFFFF  }
0x25: {  	[dreg:$0x0] =	wrdreg $0x60  }
0x26: {  	[dreg:$0x2] =	wrdreg s25  }
0x27: {  	[dreg:$0x3] =	wrdreg s2  }
0x28: {  	[dreg:$0x4] =	wrdreg $0x9  }
0x29: {  	_ =	task.clear_ibuf [dreg:s7], $0x5FFFF;
	_ =	strace $0x9000004C  }
0x2a: {  	s29 =	simm.s32 $0x9;
	_ =	strace $0x8000004E  }
0x2b: {  	_ =	swait.ge [sflag:s29], $0x1  }
0x2c: {  	[sflag:s29] =	ssyncadd.s32 $0xFFFFFFFF  }
0x2d: {  	_ =	strace $0x9000004E  }
0x2e: {  	_ =	sfence  }
0x2f: {  	s30 =	sld [smem:$0x0];
	_ =	sdelay $0x2  }
0x30: {  	s31 =	sshll.u32 s1, $0xD;
	s1 =	sshrl.u32 s1, $0x2  }
0x31: {  	s3 =	sand.u32 $0x4000, s31;
	s1 =	sadd.s32 s1, s30  }
0x32: {  	s0 =	sor.u32 s3, s0;
	s1 =	sshll.u32 s1, $0x11  }
0x33: {  	s0 =	sor.u32 s1, s0  }
0x34: {  	s0 =	sadd.s32 $0x8F2B, s0  }
0x35: {  	[sflag:s0] =	ssyncadd.remote.s32 $0x1  }
0x36: {  	_ =	sfence.sel $0xFFFF  }
0x37: {  	[dreg:$0x0] =	wrdreg $0xFFFFFFFF;
	(pc) =	sbr.abs _section_cstart, $3  }
0x38: {  	[dreg:$0x1] =	wrdreg $0xFFFFFFFF  }
0x39: {  	_ =	task.clear_ibuf [dreg:s7], $0x2FFFF;
	_ =	strace $0x9FFFFFFF  }
0x3a: {  	(tm) =	ssettm $0x7FFFFFFF  }
0x3b: {  	_ =	shalt  }
tec
execute0_lowered:
.L_overlay_start_1:
0x0: {  	(tag) =	ssettag $0x1  }
0x1: {  	s0 =	srdreg.scid  }
0x2: {  	s1 =	sshll.u32 s0, $0x4  }
0x3: {  	s4 =	rddreg [dreg:$0x0];
	s0 =	stileid.u32;
	s1 =	sand.u32 $0x10, s1  }
0x4: {  	s2 =	rddreg [dreg:$0x1];
	s7 =	simm.s32 $0x1;
	s1 =	sor.u32 s0, s1  }
0x5: {  	s8 =	simm.s32 $0x2;
	s11 =	simm.s32 $0x0;
	s3 =	sshll.u32 s1, $0x7  }
0x6: {  	s10 =	simm.s32 $0x0;
	s4 =	sadd.s32 $0xE00, s4;
	s6 =	ssub.s32 $0x68000, s3  }
.Ltmp0:
0x7: {  	s1 =	rddreg [dreg:$0x2];
	s5 =	sand.u32 $0xF80, s6;
	(pc) =	sbr.rel .LBB1_1-.Ltmp0, $4  }
0x8: {  	_ =	strace $0x8000004D;
	s9 =	smov.u32 s3;
	p0 =	sne.s32 s5, $0x0  }
0x9: {  	s6 =	sshrl.u32 s6, $0xC;
	s5 =	simm.s32 $0x1;
	s7 =	simm.s32 @!p0 $0x0  }
0xa: {  	[sflag:s5] =	ssyncpa.u1 $0x0;
	p0 =	por $0x0, $0x0;
	s6 =	sadd.s32 s7, s6  }
0xb: {  	[sflag:s8] =	ssyncpa.u1 $0x0;
	s8 =	simm.s32 $0x340000;
	s7 =	sadd.s32 $0x1, s6  }
.LBB1_4:
0xc: {  	s14 =	sshll.u32 s11, $0x3  }
0xd: {  	s30 =	sand.u32 $0x7F, s11;
	s15 =	sand.u32 $0xFFFFFC00, s14  }
0xe: {  	s11 =	sor.u32 s30, s15  }
0xf: {  	s15 =	smulhi.u32 $0x4EC4EC4F, s11  }
0x10: {  	s14 =	smulhi.u32 $0x4EC4EC4F, s14  }
0x11: {  	s15 =	sshrl.u32 s15, $0x11  }
0x12: {  	s14 =	sshrl.u32 s14, $0x11;
	s15 =	smul.u32 $0x68000, s15  }
0x13: {  	s14 =	sand.u32 $0x3F, s14  }
0x14: {  	s14 =	smul.u32 $0xD000, s14;
	s11 =	ssub.s32 s11, s15  }
0x15: {  	[tilespmem:s13+$0x810 ss:$0x81] =	vst.msk $0xffff, v2;
	s15 =	sand.u32 $0x7, s11  }
0x16: {  	[tilespmem:s13+$0x1020 ss:$0x81] =	vst.msk $0xffff, v0;
	s14 =	sadd.s32 s2, s14;
	s11 =	sshrl.u32 s11, $0x3;
	s15 =	sshll.u32 s15, $0x12  }
0x17: {  	[tilespmem:s13+$0x0 ss:$0x81] =	vst.msk $0xffff, v1;
	s11 =	sadd.s32 s11, s14;
	s31 =	sor.u32 $0x400, s15  }
0x18: {  	[hbm4b:s11+s31] =	stream.strided.scatter [tilespmem:s12], [sflag:$0x2], $0x2000, s8, s31, $0x20;
	[tilespmem:$0x8080] =	vst v63  }
.LBB1_5:
0x19: {  	s13 =	sadd.s32 $0x1000, s9  }
0x1a: {  	p2 =	sgt.s32 s13, $0x67FFF  }
0x1b: {  	s13 =	smov.u32 @p2 s3;
	p2 =	sne.s32 s10, s7  }
.Ltmp1:
0x1c: {  	p1 =	slt.u32 s10, $0x2;
	(pc) =	sbr.rel @!p2 .LBB1_6-.Ltmp1, $4  }
0x1d: {  	s12 =	simm.s32 @!p1 $0x2  }
0x1e: {  	s14 =	sadd.s32 $0x1, s10;
	_ =	swait.ge @!p1 [sflag:s12], $0x2000  }
0x1f: {  	s11 =	smov.u32 s9;
	p0 =	por !p0, !p0;
	[sflag:s12] =	ssyncset.done @!p1 $0x0  }
0x20: {  	s10 =	smov.u32 s14;
	s9 =	smov.u32 s13;
	[sflag:s12] =	ssyncadd.s32 @!p1 $0xFFFFE000  }
.LBB1_1:
0x21: {  	p1 =	sge.u32 s10, s6  }
0x22: {  	s12 =	sand.u32 @!p1 $0x1FFFFFF, s9  }
0x23: {  	s13 =	smulhi.u32 @!p1 $0x2762763, s12;
	_ =	sdelay $0x1  }
0x24: {  	s13 =	sshrl.u32 @!p1 s13, $0xC  }
0x25: {  	s13 =	smul.u32 @!p1 $0x68000, s13;
	_ =	sdelay $0x1  }
0x26: {  	s31 =	sadd.s32 $0xFFFFFFFF, s10;
	s14 =	sxor.u32 @!p1 $0xFFFFFFFF, s10;
	s12 =	ssub.s32 @!p1 s12, s13  }
0x27: {  	s15 =	simm.s32 @!p1 $0x80;
	s14 =	sshll.u32 @!p1 s14, $0xD;
	s12 =	sshll.u32 @!p1 s12, $0x4  }
0x28: {  	s13 =	sand.u32 @!p1 $0x2000, s14;
	s14 =	simm.s32 @!p1 $0x40;
	s12 =	sadd.s32 @!p1 s4, s12  }
0x29: {  	[tilespmem:s13], [sflag:$0x1] =	stream.strided.gather @!p1 [hbm4b:s12+s14], $0x2000, s15, s14, $0x38;
	[tilespmem:$0x8080] =	vst v63  }
0x2a: {  	p1 =	sge.u32 s31, s6  }
.Ltmp2:
0x2b: {  	_ = 	snop;
	(pc) =	sbr.rel @p1 .LBB1_5-.Ltmp2, $1  }
0x2c: {  	_ =	sdelay $0x3  }
0x2d: {  	s12 =	simm.s32 $0x1  }
0x2e: {  	_ =	swait.ge [sflag:s5], $0x2000;
	s12 =	simm.s32 @!p0 $0x0  }
0x2f: {  	[sflag:s5] =	ssyncset.done $0x0;
	s13 =	sshll.u32 s12, $0xD  }
0x30: {  	[sflag:s5] =	ssyncadd.s32 $0xFFFFE000;
	s16 =	sor.u32 $0x20, s13  }
0x31: {  	s12 =	smul.u32 $0x8100, s12;
	v3 =	vld [tilespmem:s16+$0x10]  }
0x32: {  	s30 =	sand.u32 $0x1, s10;
	v2 =	vld [tilespmem:s16+$0xFFFFFFF0]  }
0x33: {  	s13 =	smul.u32 $0x8100, s30;
	s12 =	sshrl.u32 s12, $0x2;
	v0 =	vld [tilespmem:s16+$0x0]  }
0x34: {  	v1 =	vld [tilespmem:s16+$0xFFFFFFE0];
	s14 =	sor.u32 $0x4000, s12  }
0x35: {  	s31 =	sshrl.u32 s13, $0x2;
	s13 =	sadd.s32 $0x0, s14  }
0x36: {  	s15 =	simm.s32 $0x4;
	s16 =	sadd.s32 $0x40, s16;
	s12 =	sor.u32 $0x4000, s31;
	[tilespmem:s13+$0x1830 ss:$0x81] =	vst.msk $0xffff, v3  }
.LBB1_3:
0x37: {  	v3 =	vld [tilespmem:s16+$0x10];
	p1 =	sne.s32 s15, $0x1FC;
	[tilespmem:s13+$0x810 ss:$0x81] =	vst.msk $0xffff, v2;
	s17 =	smov.u32 s15;
	s15 =	sadd.s32 $0x4, s15  }
.Ltmp3:
0x38: {  	v2 =	vld [tilespmem:s16+$0xFFFFFFF0];
	[tilespmem:s13+$0x1020 ss:$0x81] =	vst.msk $0xffff, v0;
	(pc) =	sbr.rel @p1 .LBB1_3-.Ltmp3, $4  }
0x39: {  	v0 =	vld [tilespmem:s16+$0x0];
	[tilespmem:s13+$0x0 ss:$0x81] =	vst.msk $0xffff, v1  }
0x3a: {  	s13 =	sshra.s32 s17, $0x2;
	v1 =	vld [tilespmem:s16+$0xFFFFFFE0]  }
0x3b: {  	s13 =	sadd.s32 s13, s14  }
0x3c: {  	s16 =	sadd.s32 $0x40, s16;
	[tilespmem:s13+$0x1830 ss:$0x81] =	vst.msk $0xffff, v3  }
.Ltmp4:
0x3d: {  	_ = 	snop;
	(pc) =	sbr.rel .LBB1_4-.Ltmp4, $1  }
0x3e: {  	_ =	sdelay $0x3  }
.LBB1_6:
0x3f: {  	_ =	sfence.sel $0x180000  }
0x40: {  	s2 =	simm.s32 $0x1;
	[bflag:$0x0] =	sbarrier.arrive $0xFFFF  }
0x41: {  	s31 =	simm.s32 $0x2;
	[sflag:s2] =	ssyncpa.u1 $0x1  }
0x42: {  	[sflag:s31] =	ssyncpa.u1 $0x1  }
0x43: {  	p0 =	sne.s32 s0, $0x0;
	_ =	strace $0x9000004D  }
0x44: {  	s0 =	sadd.s32 @!p0 $0x100000, s1;
	[bflag:$0x2] =	sbarrier.arrive $0xFFFF  }
0x45: {  	[sflag:s0] =	ssyncadd.tile.s32 @!p0 $0x1;
	_ =	shalt  }
.Lfunc_end1:
_tile_overlayer_lowered:
.L_overlay_start_2:
0x46: {  	(tag) =	ssettag $0x2  }
0x47: {  	s0 =	rddreg [dreg:$0x0];
	s2 =	stileid.u32  }
0x48: {  	s1 =	rddreg [dreg:$0x1];
	p0 =	sne.s32 s2, $0x0  }
0x49: {  	s3 =	rddreg [dreg:$0x2];
	[bflag:$0x3] =	sbarrier.arrive $0xFFFF;
	s2 =	simm.s32 @!p0 $0x1C01  }
0x4a: {  	[timem:s3], [sflag:s2] =	dma.local @!p0 [hbm:s0], s1  }
0x4b: {  	s0 =	simm.s32 @!p0 $0x1  }
0x4c: {  	_ =	swait.ge @!p0 [sflag:s0], s1  }
0x4d: {  	s1 =	ssub.s32 @!p0 $0x0, s1;
	[sflag:s0] =	ssyncset.done @!p0 $0x0  }
0x4e: {  	[sflag:s0] =	ssyncadd.s32 @!p0 s1  }
0x4f: {  	[bflag:$0x3] =	sbarrier.arrive $0xFFFF  }
0x50: {  	_ =	shalt  }

</sc_bundles>
